<compile_context>
chip_gen: v7x
topology: tpu7x:2x2x1
jax: 0.10.2.dev20260603
libtpu: 0.0.44.dev20260713+nightly
codegen_flags: <defaults>
</compile_context>

<pallas_src>
import functools

import jax
import jax.numpy as jnp
from jax import lax
from jax.experimental import pallas as pl
from jax.experimental.pallas import tpu as pltpu
from jax.experimental.pallas import tpu_sc as plsc

N = 10000
NP = 10240
H = 128
HH = H // 2
L = 16
NC = 2
NS = 16
NW = NC * NS
CHUNK = 128
CHD = 80
CHA = 160
CHA2 = CHA // 2
EP = NW * CHD * CHUNK
ROWS_PER_TILE = NP // NS

_mesh = plsc.VectorSubcoreMesh(
    core_axis_name="c", subcore_axis_name="s", num_cores=NC, num_subcores=NS
)
_sc_params = pltpu.CompilerParams(
    needs_layout_passes=False, use_tc_tiling_on_sc=False
)


@functools.partial(
    pl.kernel,
    out_type=jax.ShapeDtypeStruct((NC, NP), jnp.float32),
    mesh=_mesh,
    scratch_types=[
        pltpu.VMEM((CHD, CHUNK), jnp.int32),
        pltpu.VMEM((CHD, CHUNK), jnp.float32),
        pltpu.VMEM((NP,), jnp.float32),
        pltpu.VMEM((NS, ROWS_PER_TILE), jnp.float32),
        pltpu.VMEM((ROWS_PER_TILE,), jnp.float32),
        pltpu.VMEM_SHARED((NS, NP), jnp.float32),
    ],
    compiler_params=_sc_params,
    name="sc_deg",
)
def _sc_deg(dst_hbm, ew_hbm, out_hbm, dst_v, ew_v, hist_v, red_v, sum_v, stage_sh):
    c = lax.axis_index("c")
    s = lax.axis_index("s")
    w = c * NS + s

    pltpu.sync_copy(dst_hbm.at[w], dst_v)
    pltpu.sync_copy(ew_hbm.at[w], ew_v)

    zeros = jnp.zeros((L,), jnp.float32)

    def zero_body(i, _):
        hist_v[pl.ds(i * L, L)] = zeros
        return 0

    lax.fori_loop(0, NP // L, zero_body, 0)

    def edge_body(j, _):
        for g in range(CHUNK // L):
            idx = dst_v[j, pl.ds(g * L, L)]
            val = ew_v[j, pl.ds(g * L, L)]
            plsc.addupdate_scatter(hist_v, [idx], val)
        return 0

    lax.fori_loop(0, CHD, edge_body, 0)

    pltpu.sync_copy(hist_v, stage_sh.at[s])
    plsc.subcore_barrier()
    base = s * ROWS_PER_TILE
    pltpu.sync_copy(stage_sh.at[:, pl.ds(base, ROWS_PER_TILE)], red_v)

    def red_body(b, _):
        acc = red_v[0, pl.ds(b * L, L)]
        for t in range(1, NS):
            acc = acc + red_v[t, pl.ds(b * L, L)]
        sum_v[pl.ds(b * L, L)] = acc
        return 0

    lax.fori_loop(0, ROWS_PER_TILE // L, red_body, 0)
    pltpu.sync_copy(sum_v, out_hbm.at[c, pl.ds(base, ROWS_PER_TILE)])


@functools.partial(
    pl.kernel,
    out_type=jax.ShapeDtypeStruct((NC, NP, HH), jnp.float32),
    mesh=_mesh,
    scratch_types=[
        pltpu.VMEM((CHA, CHUNK), jnp.int32),
        pltpu.VMEM((CHA, CHUNK), jnp.int32),
        pltpu.VMEM((CHA, CHUNK), jnp.float32),
        pltpu.VMEM((CHUNK, HH), jnp.float32),
        pltpu.VMEM((CHUNK, HH), jnp.float32),
        pltpu.VMEM_SHARED((NP, HH), jnp.float32),
        pltpu.SemaphoreType.DMA,
        pltpu.SemaphoreType.DMA,
    ],
    compiler_params=_sc_params,
    name="sc_acc",
)
def _sc_acc(y_hbm, src_hbm, dst_hbm, ew_hbm, out_hbm,
            src_v, dst_v, ew_v, rows0_v, rows1_v, acc_sh, sem0, sem1):
    c = lax.axis_index("c")
    s = lax.axis_index("s")
    y_c = y_hbm.at[c]

    pltpu.sync_copy(src_hbm.at[s], src_v)
    pltpu.sync_copy(dst_hbm.at[s], dst_v)
    pltpu.sync_copy(ew_hbm.at[s], ew_v)

    zeros = jnp.zeros((L,), jnp.float32)

    def zero_body(i, _):
        rows0_v[i // (HH // L), pl.ds((i % (HH // L)) * L, L)] = zeros
        return 0

    lax.fori_loop(0, CHUNK * (HH // L), zero_body, 0)
    base = s * ROWS_PER_TILE
    for i in range(ROWS_PER_TILE // CHUNK):
        pltpu.sync_copy(rows0_v, acc_sh.at[pl.ds(base + i * CHUNK, CHUNK)])
    plsc.subcore_barrier()

    def scale(rows_v, j):
        def scale_body(r):
            wv = plsc.load_gather(
                ew_v,
                [jnp.full((L,), j, jnp.int32), jnp.full((L,), r, jnp.int32)],
            )
            for cb in range(HH // L):
                rows_v[r, pl.ds(cb * L, L)] = rows_v[r, pl.ds(cb * L, L)] * wv

        plsc.parallel_loop(0, CHUNK, unroll=8)(scale_body)

    pltpu.async_copy(y_c.at[src_v.at[0]], rows0_v, sem0)

    def pair_body(jj, _):
        j0 = 2 * jj
        pltpu.async_copy(y_c.at[src_v.at[j0 + 1]], rows1_v, sem1)
        pltpu.make_async_copy(y_c.at[src_v.at[j0]], rows0_v, sem0).wait()
        scale(rows0_v, j0)
        pltpu.sync_copy(rows0_v, acc_sh.at[dst_v.at[j0]], add=True)

        jn = jnp.minimum(j0 + 2, CHA - 1)
        pltpu.async_copy(y_c.at[src_v.at[jn]], rows0_v, sem0)
        pltpu.make_async_copy(y_c.at[src_v.at[j0 + 1]], rows1_v, sem1).wait()
        scale(rows1_v, j0 + 1)
        pltpu.sync_copy(rows1_v, acc_sh.at[dst_v.at[j0 + 1]], add=True)
        return 0

    lax.fori_loop(0, CHA2, pair_body, 0)
    pltpu.make_async_copy(y_c.at[src_v.at[CHA - 1]], rows0_v, sem0).wait()

    plsc.subcore_barrier()
    pltpu.sync_copy(acc_sh.at[pl.ds(base, ROWS_PER_TILE)],
                    out_hbm.at[c, pl.ds(base, ROWS_PER_TILE)])


BR = 256
GRID = NP // BR

_half = pl.BlockSpec((NC, BR, HH), lambda i: (0, i, 0))
_row = pl.BlockSpec((BR, H), lambda i: (i, 0))
_vec = pl.BlockSpec((BR,), lambda i: (i,))
_mat = pl.BlockSpec((H, H), lambda i: (0, 0))
_bias = pl.BlockSpec((1, H), lambda i: (0, 0))


def _split(y):
    return jnp.stack([y[:, :HH], y[:, HH:]], axis=0)


def _tc_first_body(x_ref, w_ref, d0_ref, d1_ref, y_ref, dinv_ref):
    d = lax.rsqrt(d0_ref[...] + d1_ref[...] + 1.0)
    xw = jnp.dot(x_ref[...], w_ref[...], preferred_element_type=jnp.float32)
    y_ref[...] = _split(d[:, None] * xw)
    dinv_ref[...] = d


_tc_first = pl.pallas_call(
    _tc_first_body,
    grid=(GRID,),
    in_specs=[_row, _mat, _vec, _vec],
    out_specs=[_half, _vec],
    out_shape=[
        jax.ShapeDtypeStruct((NC, NP, HH), jnp.float32),
        jax.ShapeDtypeStruct((NP,), jnp.float32),
    ],
)


def _tc_layer_body(a_ref, y_ref, dinv_ref, b_ref, w_ref, out_ref):
    d = dinv_ref[...]
    s = a_ref[...] + y_ref[...]
    full = jnp.concatenate([s[0], s[1]], axis=-1)
    h = jnp.maximum(d[:, None] * full + b_ref[...], 0.0)
    hw = jnp.dot(h, w_ref[...], preferred_element_type=jnp.float32)
    out_ref[...] = _split(d[:, None] * hw)


_tc_layer = pl.pallas_call(
    _tc_layer_body,
    grid=(GRID,),
    in_specs=[_half, _half, _vec, _bias, _mat],
    out_specs=_half,
    out_shape=jax.ShapeDtypeStruct((NC, NP, HH), jnp.float32),
)


def _tc_head_body(a_ref, y_ref, dinv_ref, b3_ref, wfc_ref, bfc_ref,
                  wout_ref, bout_ref, out_ref):
    d = dinv_ref[...]
    s = a_ref[...] + y_ref[...]
    full = jnp.concatenate([s[0], s[1]], axis=-1)
    h = jnp.maximum(d[:, None] * full + b3_ref[...], 0.0)
    f = jnp.dot(h, wfc_ref[...], preferred_element_type=jnp.float32)
    f = jnp.maximum(f + bfc_ref[...], 0.0)
    o = jnp.dot(f, wout_ref[...], preferred_element_type=jnp.float32)
    out_ref[...] = o[:, 0] + bout_ref[0, 0]


_tc_head = pl.pallas_call(
    _tc_head_body,
    grid=(GRID,),
    in_specs=[_half, _half, _vec, _bias, _mat, _bias,
              pl.BlockSpec((H, 1), lambda i: (0, 0)),
              pl.BlockSpec((1, 1), lambda i: (0, 0))],
    out_specs=pl.BlockSpec((BR,), lambda i: (i,)),
    out_shape=jax.ShapeDtypeStruct((NP,), jnp.float32),
)


def kernel(x, edge_index, edge_attr, W1, b1, W2, b2, W3, b3, Wfc, bfc, Wout, bout):
    E = edge_index.shape[1]
    pad_e = EP - E
    src_f = jnp.pad(edge_index[0], (0, pad_e))
    dst_f = jnp.pad(edge_index[1], (0, pad_e))
    ew_f = jnp.pad(edge_attr, (0, pad_e))
    dst_d = dst_f.reshape(NW, CHD, CHUNK)
    ew_d = ew_f.reshape(NW, CHD, CHUNK)
    src_a = src_f.reshape(NS, CHA, CHUNK)
    dst_a = dst_f.reshape(NS, CHA, CHUNK)
    ew_a = ew_f.reshape(NS, CHA, CHUNK)
    xp = jnp.pad(x, ((0, NP - N), (0, 0)))

    deg_parts = _sc_deg(dst_d, ew_d)
    y1, dinv = _tc_first(xp, W1, deg_parts[0], deg_parts[1])

    acc1 = _sc_acc(y1, src_a, dst_a, ew_a)
    y2 = _tc_layer(acc1, y1, dinv, b1.reshape(1, H), W2)

    acc2 = _sc_acc(y2, src_a, dst_a, ew_a)
    y3 = _tc_layer(acc2, y2, dinv, b2.reshape(1, H), W3)

    acc3 = _sc_acc(y3, src_a, dst_a, ew_a)
    out = _tc_head(acc3, y3, dinv, b3.reshape(1, H),
                   Wfc, bfc.reshape(1, H), Wout, bout.reshape(1, 1))
    return out[:N]

# --- scband reference (transcript-rebuilt; emitter-appended) ---
"""Pipeline reference for scband-gcnimportance-gnn-33621003993340 (READ-ONLY COPY).

The authoritative reference and input builder live on the scoring server;
editing this copy changes nothing except your own understanding.
"""

import jax, jax.numpy as jnp
import numpy as np

N = 10000
E = 320000
D_IN = 128
H = 128


def setup_inputs(seed: int = 0) -> dict:
    key = jax.random.key(seed)
    ks = jax.random.split(key, 13)
    x = jax.random.normal(ks[0], (N, D_IN), dtype=jnp.float32)
    edge_index = jax.random.randint(ks[1], (2, E), 0, N, dtype=jnp.int32)
    edge_attr = jax.random.uniform(ks[2], (E,), dtype=jnp.float32)

    def lin_w(k, fan_in, fan_out):
        return jax.random.normal(k, (fan_in, fan_out), dtype=jnp.float32) * (1.0 / np.sqrt(fan_in))

    W1 = lin_w(ks[3], D_IN, H)
    b1 = jnp.zeros((H,), dtype=jnp.float32)
    W2 = lin_w(ks[4], H, H)
    b2 = jnp.zeros((H,), dtype=jnp.float32)
    W3 = lin_w(ks[5], H, H)
    b3 = jnp.zeros((H,), dtype=jnp.float32)
    Wfc = lin_w(ks[6], H, H)
    bfc = jnp.zeros((H,), dtype=jnp.float32)
    Wout = lin_w(ks[7], H, 1)
    bout = jnp.zeros((1,), dtype=jnp.float32)
    return {
        "x": x, "edge_index": edge_index, "edge_attr": edge_attr,
        "W1": W1, "b1": b1, "W2": W2, "b2": b2, "W3": W3, "b3": b3,
        "Wfc": Wfc, "bfc": bfc, "Wout": Wout, "bout": bout,
    }


def gcn_conv(x, src, dst, edge_weight, W, b):
    # Faithful GCNConv: linear transform, add self-loops (weight 1),
    # symmetric normalization D^{-1/2} A D^{-1/2}, scatter-add aggregation, bias.
    n = x.shape[0]
    loop = jnp.arange(n, dtype=src.dtype)
    src2 = jnp.concatenate([src, loop])
    dst2 = jnp.concatenate([dst, loop])
    ew2 = jnp.concatenate([edge_weight, jnp.ones((n,), dtype=edge_weight.dtype)])
    deg = jnp.zeros((n,), dtype=x.dtype).at[dst2].add(ew2)
    deg_safe = jnp.where(deg > 0, deg, 1.0)
    dinv = jnp.where(deg > 0, jax.lax.rsqrt(deg_safe), 0.0)
    norm = dinv[src2] * ew2 * dinv[dst2]
    xw = x @ W
    msg = xw[src2] * norm[:, None]
    out = jnp.zeros((n, W.shape[1]), dtype=x.dtype).at[dst2].add(msg)
    return out + b


def reference(x, edge_index, edge_attr, W1, b1, W2, b2, W3, b3, Wfc, bfc, Wout, bout):
    src = edge_index[0]
    dst = edge_index[1]
    h = jax.nn.relu(gcn_conv(x, src, dst, edge_attr, W1, b1))
    h = jax.nn.relu(gcn_conv(h, src, dst, edge_attr, W2, b2))
    h = jax.nn.relu(gcn_conv(h, src, dst, edge_attr, W3, b3))
    h = jax.nn.relu(h @ Wfc + bfc)
    out = h @ Wout + bout
    return jnp.squeeze(out, axis=-1)

if __name__ == "__main__":
    import jax
    _d = setup_inputs()
    print(jax.jit(kernel)(*tuple(_d.values())))

</pallas_src>

<mosaic_0001>
#map = affine_map<(d0, d1) -> (0, 0, 0)>
module attributes {stable_mosaic.version = 14 : i64} {
  func.func @sc_acc(%arg0: i32, %arg1: i32, %arg2: memref<2x10240x64xf32, #tpu.memory_space<hbm>>, %arg3: memref<16x160x128xi32, #tpu.memory_space<hbm>>, %arg4: memref<16x160x128xi32, #tpu.memory_space<hbm>>, %arg5: memref<16x160x128xf32, #tpu.memory_space<hbm>>, %arg6: memref<2x10240x64xf32, #tpu.memory_space<hbm>>, %arg7: memref<160x128xi32, #tpu.memory_space<vmem>>, %arg8: memref<160x128xi32, #tpu.memory_space<vmem>>, %arg9: memref<160x128xf32, #tpu.memory_space<vmem>>, %arg10: memref<128x64xf32, #tpu.memory_space<vmem>>, %arg11: memref<128x64xf32, #tpu.memory_space<vmem>>, %arg12: memref<10240x64xf32, #tpu.memory_space<vmem_shared>>, %arg13: memref<!tpu.dma_semaphore, #tpu.memory_space<semaphore_mem>>, %arg14: memref<!tpu.dma_semaphore, #tpu.memory_space<semaphore_mem>>) attributes {dimension_semantics = [#tpu.dimension_semantics<core_parallel>, #tpu.dimension_semantics<subcore_parallel>], iteration_bounds = array<i64: 2, 16>, scalar_prefetch = 0 : i64, scratch_operands = 8 : i64, tpu.core_type = #tpu.core_type<sc_vector_subcore>, window_params = [{transform_indices = #map}, {transform_indices = #map}, {transform_indices = #map}, {transform_indices = #map}, {transform_indices = #map}]} {
    "tpu.region"() ({
      %run_scoped3A = tpu.sem_alloc : memref<!tpu.dma_semaphore, #tpu.memory_space<semaphore_mem>>
      %dma_start3A_45 = arith.constant 0 : i32
      %dma_start3A_46 = arith.constant 0 : i32
      %dma_start3A_47 = tpu.memref_slice %arg3[%arg1, %dma_start3A_45, %dma_start3A_46] : memref<16x160x128xi32, #tpu.memory_space<hbm>> -> memref<1x160x128xi32, #tpu.memory_space<hbm>>
      %dma_start3A_48 = tpu.memref_squeeze %dma_start3A_47 : memref<1x160x128xi32, #tpu.memory_space<hbm>> -> memref<160x128xi32, #tpu.memory_space<hbm>>
      %dma_start3A_49 = arith.constant 0 : i32
      %dma_start3A_50 = arith.constant 0 : i32
      %dma_start3A_51 = tpu.memref_slice %arg3[%arg1, %dma_start3A_49, %dma_start3A_50] : memref<16x160x128xi32, #tpu.memory_space<hbm>> -> memref<1x160x128xi32, #tpu.memory_space<hbm>>
      %dma_start3A_52 = tpu.memref_squeeze %dma_start3A_51 : memref<1x160x128xi32, #tpu.memory_space<hbm>> -> memref<160x128xi32, #tpu.memory_space<hbm>>
      tpu.enqueue_dma source(%dma_start3A_52 : memref<160x128xi32, #tpu.memory_space<hbm>>) target(%arg7 : memref<160x128xi32, #tpu.memory_space<vmem>>) target_semaphore(%run_scoped3A : memref<!tpu.dma_semaphore, #tpu.memory_space<semaphore_mem>>)
      %dma_wait3A_53 = arith.constant 0 : i32
      %dma_wait3A_54 = arith.constant 0 : i32
      %dma_wait3A_55 = tpu.memref_slice %arg3[%arg1, %dma_wait3A_53, %dma_wait3A_54] : memref<16x160x128xi32, #tpu.memory_space<hbm>> -> memref<1x160x128xi32, #tpu.memory_space<hbm>>
      %dma_wait3A_56 = tpu.memref_squeeze %dma_wait3A_55 : memref<1x160x128xi32, #tpu.memory_space<hbm>> -> memref<160x128xi32, #tpu.memory_space<hbm>>
      %dma_wait3A_57 = arith.constant 0 : i32
      %dma_wait3A_58 = arith.constant 0 : i32
      %dma_wait3A_59 = tpu.memref_slice %arg3[%arg1, %dma_wait3A_57, %dma_wait3A_58] : memref<16x160x128xi32, #tpu.memory_space<hbm>> -> memref<1x160x128xi32, #tpu.memory_space<hbm>>
      %dma_wait3A_60 = tpu.memref_squeeze %dma_wait3A_59 : memref<1x160x128xi32, #tpu.memory_space<hbm>> -> memref<160x128xi32, #tpu.memory_space<hbm>>
      tpu.wait_dma2 semaphore(%run_scoped3A : memref<!tpu.dma_semaphore, #tpu.memory_space<semaphore_mem>>) src(%dma_wait3A_60 : memref<160x128xi32, #tpu.memory_space<hbm>>) dst(%arg7 : memref<160x128xi32, #tpu.memory_space<vmem>>)
      tpu.yield
    }) : () -> ()
    "tpu.region"() ({
      %run_scoped3A = tpu.sem_alloc : memref<!tpu.dma_semaphore, #tpu.memory_space<semaphore_mem>>
      %dma_start3A_45 = arith.constant 0 : i32
      %dma_start3A_46 = arith.constant 0 : i32
      %dma_start3A_47 = tpu.memref_slice %arg4[%arg1, %dma_start3A_45, %dma_start3A_46] : memref<16x160x128xi32, #tpu.memory_space<hbm>> -> memref<1x160x128xi32, #tpu.memory_space<hbm>>
      %dma_start3A_48 = tpu.memref_squeeze %dma_start3A_47 : memref<1x160x128xi32, #tpu.memory_space<hbm>> -> memref<160x128xi32, #tpu.memory_space<hbm>>
      %dma_start3A_49 = arith.constant 0 : i32
      %dma_start3A_50 = arith.constant 0 : i32
      %dma_start3A_51 = tpu.memref_slice %arg4[%arg1, %dma_start3A_49, %dma_start3A_50] : memref<16x160x128xi32, #tpu.memory_space<hbm>> -> memref<1x160x128xi32, #tpu.memory_space<hbm>>
      %dma_start3A_52 = tpu.memref_squeeze %dma_start3A_51 : memref<1x160x128xi32, #tpu.memory_space<hbm>> -> memref<160x128xi32, #tpu.memory_space<hbm>>
      tpu.enqueue_dma source(%dma_start3A_52 : memref<160x128xi32, #tpu.memory_space<hbm>>) target(%arg8 : memref<160x128xi32, #tpu.memory_space<vmem>>) target_semaphore(%run_scoped3A : memref<!tpu.dma_semaphore, #tpu.memory_space<semaphore_mem>>)
      %dma_wait3A_53 = arith.constant 0 : i32
      %dma_wait3A_54 = arith.constant 0 : i32
      %dma_wait3A_55 = tpu.memref_slice %arg4[%arg1, %dma_wait3A_53, %dma_wait3A_54] : memref<16x160x128xi32, #tpu.memory_space<hbm>> -> memref<1x160x128xi32, #tpu.memory_space<hbm>>
      %dma_wait3A_56 = tpu.memref_squeeze %dma_wait3A_55 : memref<1x160x128xi32, #tpu.memory_space<hbm>> -> memref<160x128xi32, #tpu.memory_space<hbm>>
      %dma_wait3A_57 = arith.constant 0 : i32
      %dma_wait3A_58 = arith.constant 0 : i32
      %dma_wait3A_59 = tpu.memref_slice %arg4[%arg1, %dma_wait3A_57, %dma_wait3A_58] : memref<16x160x128xi32, #tpu.memory_space<hbm>> -> memref<1x160x128xi32, #tpu.memory_space<hbm>>
      %dma_wait3A_60 = tpu.memref_squeeze %dma_wait3A_59 : memref<1x160x128xi32, #tpu.memory_space<hbm>> -> memref<160x128xi32, #tpu.memory_space<hbm>>
      tpu.wait_dma2 semaphore(%run_scoped3A : memref<!tpu.dma_semaphore, #tpu.memory_space<semaphore_mem>>) src(%dma_wait3A_60 : memref<160x128xi32, #tpu.memory_space<hbm>>) dst(%arg8 : memref<160x128xi32, #tpu.memory_space<vmem>>)
      tpu.yield
    }) : () -> ()
    "tpu.region"() ({
      %run_scoped3A = tpu.sem_alloc : memref<!tpu.dma_semaphore, #tpu.memory_space<semaphore_mem>>
      %dma_start3A_45 = arith.constant 0 : i32
      %dma_start3A_46 = arith.constant 0 : i32
      %dma_start3A_47 = tpu.memref_slice %arg5[%arg1, %dma_start3A_45, %dma_start3A_46] : memref<16x160x128xf32, #tpu.memory_space<hbm>> -> memref<1x160x128xf32, #tpu.memory_space<hbm>>
      %dma_start3A_48 = tpu.memref_squeeze %dma_start3A_47 : memref<1x160x128xf32, #tpu.memory_space<hbm>> -> memref<160x128xf32, #tpu.memory_space<hbm>>
      %dma_start3A_49 = arith.constant 0 : i32
      %dma_start3A_50 = arith.constant 0 : i32
      %dma_start3A_51 = tpu.memref_slice %arg5[%arg1, %dma_start3A_49, %dma_start3A_50] : memref<16x160x128xf32, #tpu.memory_space<hbm>> -> memref<1x160x128xf32, #tpu.memory_space<hbm>>
      %dma_start3A_52 = tpu.memref_squeeze %dma_start3A_51 : memref<1x160x128xf32, #tpu.memory_space<hbm>> -> memref<160x128xf32, #tpu.memory_space<hbm>>
      tpu.enqueue_dma source(%dma_start3A_52 : memref<160x128xf32, #tpu.memory_space<hbm>>) target(%arg9 : memref<160x128xf32, #tpu.memory_space<vmem>>) target_semaphore(%run_scoped3A : memref<!tpu.dma_semaphore, #tpu.memory_space<semaphore_mem>>)
      %dma_wait3A_53 = arith.constant 0 : i32
      %dma_wait3A_54 = arith.constant 0 : i32
      %dma_wait3A_55 = tpu.memref_slice %arg5[%arg1, %dma_wait3A_53, %dma_wait3A_54] : memref<16x160x128xf32, #tpu.memory_space<hbm>> -> memref<1x160x128xf32, #tpu.memory_space<hbm>>
      %dma_wait3A_56 = tpu.memref_squeeze %dma_wait3A_55 : memref<1x160x128xf32, #tpu.memory_space<hbm>> -> memref<160x128xf32, #tpu.memory_space<hbm>>
      %dma_wait3A_57 = arith.constant 0 : i32
      %dma_wait3A_58 = arith.constant 0 : i32
      %dma_wait3A_59 = tpu.memref_slice %arg5[%arg1, %dma_wait3A_57, %dma_wait3A_58] : memref<16x160x128xf32, #tpu.memory_space<hbm>> -> memref<1x160x128xf32, #tpu.memory_space<hbm>>
      %dma_wait3A_60 = tpu.memref_squeeze %dma_wait3A_59 : memref<1x160x128xf32, #tpu.memory_space<hbm>> -> memref<160x128xf32, #tpu.memory_space<hbm>>
      tpu.wait_dma2 semaphore(%run_scoped3A : memref<!tpu.dma_semaphore, #tpu.memory_space<semaphore_mem>>) src(%dma_wait3A_60 : memref<160x128xf32, #tpu.memory_space<hbm>>) dst(%arg9 : memref<160x128xf32, #tpu.memory_space<vmem>>)
      tpu.yield
    }) : () -> ()
    %broadcast_in_dim3A = arith.constant 0.000000e+00 : f32
    %broadcast_in_dim3A_0 = vector.broadcast %broadcast_in_dim3A : f32 to vector<16xf32>
    %scan3A = arith.constant 0 : i32
    %scan3A_1 = arith.constant 0 : i32
    %scan3A_2 = arith.constant 512 : i32
    %scan3A_3 = arith.addi %scan3A_1, %scan3A_2 : i32
    %scan3A_4 = arith.constant 1 : i32
    %scan3A_5 = scf.for %scan3A_45 = %scan3A_1 to %scan3A_3 step %scan3A_4 iter_args(%scan3A_46 = %scan3A) -> (i32)  : i32 {
      %jit3A = arith.constant 4 : i32
      %div3A = arith.divsi %scan3A_45, %jit3A : i32
      %sign3A = arith.constant 0 : i32
      %sign3A_47 = arith.cmpi sgt, %scan3A_45, %sign3A : i32
      %sign3A_48 = arith.extui %sign3A_47 : i1 to i32
      %sign3A_49 = arith.constant 0 : i32
      %sign3A_50 = arith.cmpi slt, %scan3A_45, %sign3A_49 : i32
      %sign3A_51 = arith.extui %sign3A_50 : i1 to i32
      %sign3A_52 = arith.subi %sign3A_48, %sign3A_51 : i32
      %sign3A_53 = arith.constant 0 : i32
      %sign3A_54 = arith.cmpi sgt, %jit3A, %sign3A_53 : i32
      %sign3A_55 = arith.extui %sign3A_54 : i1 to i32
      %sign3A_56 = arith.constant 0 : i32
      %sign3A_57 = arith.cmpi slt, %jit3A, %sign3A_56 : i32
      %sign3A_58 = arith.extui %sign3A_57 : i1 to i32
      %sign3A_59 = arith.subi %sign3A_55, %sign3A_58 : i32
      %ne3A = arith.cmpi ne, %sign3A_52, %sign3A_59 : i32
      %rem3A = arith.remsi %scan3A_45, %jit3A : i32
      %ne3A_60 = arith.constant 0 : i32
      %ne3A_61 = arith.cmpi ne, %rem3A, %ne3A_60 : i32
      %and3A = arith.andi %ne3A, %ne3A_61 : i1
      %sub3A = arith.constant 1 : i32
      %sub3A_62 = arith.subi %div3A, %sub3A : i32
      %select_n3A = arith.select %and3A, %sub3A_62, %div3A : i32
      %jit3A_63 = arith.constant 4 : i32
      %eq3A = arith.constant 0 : i32
      %eq3A_64 = arith.cmpi eq, %jit3A_63, %eq3A : i32
      %jit3A_65 = arith.constant 1 : i32
      %select_n3A_66 = arith.select %eq3A_64, %jit3A_65, %jit3A_63 : i32
      %rem3A_67 = arith.remsi %scan3A_45, %select_n3A_66 : i32
      %ne3A_68 = arith.constant 0 : i32
      %ne3A_69 = arith.cmpi ne, %rem3A_67, %ne3A_68 : i32
      %lt3A = arith.constant 0 : i32
      %lt3A_70 = arith.cmpi slt, %rem3A_67, %lt3A : i32
      %lt3A_71 = arith.constant 0 : i32
      %lt3A_72 = arith.cmpi slt, %select_n3A_66, %lt3A_71 : i32
      %ne3A_73 = arith.xori %lt3A_70, %lt3A_72 : i1
      %and3A_74 = arith.andi %ne3A_73, %ne3A_69 : i1
      %add3A_75 = arith.addi %rem3A_67, %select_n3A_66 : i32
      %select_n3A_76 = arith.select %and3A_74, %add3A_75, %rem3A_67 : i32
      %mul3A_77 = arith.constant 16 : i32
      %mul3A_78 = arith.muli %select_n3A_76, %mul3A_77 : i32
      %swap3A = arith.index_cast %select_n3A : i32 to index
      %swap3A_79 = arith.index_cast %mul3A_78 : i32 to index
      %swap3A_80 = tpu.vector_load %arg10[%swap3A, %swap3A_79] {strides = array<i32>} : memref<128x64xf32, #tpu.memory_space<vmem>>, vector<16xf32>,
      tpu.vector_store %arg10[%swap3A, %swap3A_79], %broadcast_in_dim3A_0 {strides = array<i32>} : memref<128x64xf32, #tpu.memory_space<vmem>>, vector<16xf32>,
      %scan3A_81 = arith.constant 0 : i32
      scf.yield %scan3A_81 : i32
    }
    %scan3A_6 = arith.constant 512 : i32
    %mul3A = arith.constant 640 : i32
    %mul3A_7 = arith.muli %arg1, %mul3A : i32
    %add3A = arith.constant 0 : i32
    %add3A_8 = arith.addi %mul3A_7, %add3A : i32
    "tpu.region"() ({
      %run_scoped3A = tpu.sem_alloc : memref<!tpu.dma_semaphore, #tpu.memory_space<semaphore_mem>>
      %dma_start3A_45 = arith.constant 0 : i32
      %dma_start3A_46 = tpu.memref_slice %arg12[%add3A_8, %dma_start3A_45] : memref<10240x64xf32, #tpu.memory_space<vmem_shared>> -> memref<128x64xf32, #tpu.memory_space<vmem_shared>>
      %dma_start3A_47 = arith.constant 0 : i32
      %dma_start3A_48 = tpu.memref_slice %arg12[%add3A_8, %dma_start3A_47] : memref<10240x64xf32, #tpu.memory_space<vmem_shared>> -> memref<128x64xf32, #tpu.memory_space<vmem_shared>>
      tpu.enqueue_dma source(%arg10 : memref<128x64xf32, #tpu.memory_space<vmem>>) target(%dma_start3A_48 : memref<128x64xf32, #tpu.memory_space<vmem_shared>>) target_semaphore(%run_scoped3A : memref<!tpu.dma_semaphore, #tpu.memory_space<semaphore_mem>>)
      %dma_wait3A_49 = arith.constant 0 : i32
      %dma_wait3A_50 = tpu.memref_slice %arg12[%add3A_8, %dma_wait3A_49] : memref<10240x64xf32, #tpu.memory_space<vmem_shared>> -> memref<128x64xf32, #tpu.memory_space<vmem_shared>>
      %dma_wait3A_51 = arith.constant 0 : i32
      %dma_wait3A_52 = tpu.memref_slice %arg12[%add3A_8, %dma_wait3A_51] : memref<10240x64xf32, #tpu.memory_space<vmem_shared>> -> memref<128x64xf32, #tpu.memory_space<vmem_shared>>
      tpu.wait_dma2 semaphore(%run_scoped3A : memref<!tpu.dma_semaphore, #tpu.memory_space<semaphore_mem>>) src(%arg10 : memref<128x64xf32, #tpu.memory_space<vmem>>) dst(%dma_wait3A_52 : memref<128x64xf32, #tpu.memory_space<vmem_shared>>)
      tpu.yield
    }) : () -> ()
    %add3A_9 = arith.constant 128 : i32
    %add3A_10 = arith.addi %mul3A_7, %add3A_9 : i32
    "tpu.region"() ({
      %run_scoped3A = tpu.sem_alloc : memref<!tpu.dma_semaphore, #tpu.memory_space<semaphore_mem>>
      %dma_start3A_45 = arith.constant 0 : i32
      %dma_start3A_46 = tpu.memref_slice %arg12[%add3A_10, %dma_start3A_45] : memref<10240x64xf32, #tpu.memory_space<vmem_shared>> -> memref<128x64xf32, #tpu.memory_space<vmem_shared>>
      %dma_start3A_47 = arith.constant 0 : i32
      %dma_start3A_48 = tpu.memref_slice %arg12[%add3A_10, %dma_start3A_47] : memref<10240x64xf32, #tpu.memory_space<vmem_shared>> -> memref<128x64xf32, #tpu.memory_space<vmem_shared>>
      tpu.enqueue_dma source(%arg10 : memref<128x64xf32, #tpu.memory_space<vmem>>) target(%dma_start3A_48 : memref<128x64xf32, #tpu.memory_space<vmem_shared>>) target_semaphore(%run_scoped3A : memref<!tpu.dma_semaphore, #tpu.memory_space<semaphore_mem>>)
      %dma_wait3A_49 = arith.constant 0 : i32
      %dma_wait3A_50 = tpu.memref_slice %arg12[%add3A_10, %dma_wait3A_49] : memref<10240x64xf32, #tpu.memory_space<vmem_shared>> -> memref<128x64xf32, #tpu.memory_space<vmem_shared>>
      %dma_wait3A_51 = arith.constant 0 : i32
      %dma_wait3A_52 = tpu.memref_slice %arg12[%add3A_10, %dma_wait3A_51] : memref<10240x64xf32, #tpu.memory_space<vmem_shared>> -> memref<128x64xf32, #tpu.memory_space<vmem_shared>>
      tpu.wait_dma2 semaphore(%run_scoped3A : memref<!tpu.dma_semaphore, #tpu.memory_space<semaphore_mem>>) src(%arg10 : memref<128x64xf32, #tpu.memory_space<vmem>>) dst(%dma_wait3A_52 : memref<128x64xf32, #tpu.memory_space<vmem_shared>>)
      tpu.yield
    }) : () -> ()
    %add3A_11 = arith.constant 256 : i32
    %add3A_12 = arith.addi %mul3A_7, %add3A_11 : i32
    "tpu.region"() ({
      %run_scoped3A = tpu.sem_alloc : memref<!tpu.dma_semaphore, #tpu.memory_space<semaphore_mem>>
      %dma_start3A_45 = arith.constant 0 : i32
      %dma_start3A_46 = tpu.memref_slice %arg12[%add3A_12, %dma_start3A_45] : memref<10240x64xf32, #tpu.memory_space<vmem_shared>> -> memref<128x64xf32, #tpu.memory_space<vmem_shared>>
      %dma_start3A_47 = arith.constant 0 : i32
      %dma_start3A_48 = tpu.memref_slice %arg12[%add3A_12, %dma_start3A_47] : memref<10240x64xf32, #tpu.memory_space<vmem_shared>> -> memref<128x64xf32, #tpu.memory_space<vmem_shared>>
      tpu.enqueue_dma source(%arg10 : memref<128x64xf32, #tpu.memory_space<vmem>>) target(%dma_start3A_48 : memref<128x64xf32, #tpu.memory_space<vmem_shared>>) target_semaphore(%run_scoped3A : memref<!tpu.dma_semaphore, #tpu.memory_space<semaphore_mem>>)
      %dma_wait3A_49 = arith.constant 0 : i32
      %dma_wait3A_50 = tpu.memref_slice %arg12[%add3A_12, %dma_wait3A_49] : memref<10240x64xf32, #tpu.memory_space<vmem_shared>> -> memref<128x64xf32, #tpu.memory_space<vmem_shared>>
      %dma_wait3A_51 = arith.constant 0 : i32
      %dma_wait3A_52 = tpu.memref_slice %arg12[%add3A_12, %dma_wait3A_51] : memref<10240x64xf32, #tpu.memory_space<vmem_shared>> -> memref<128x64xf32, #tpu.memory_space<vmem_shared>>
      tpu.wait_dma2 semaphore(%run_scoped3A : memref<!tpu.dma_semaphore, #tpu.memory_space<semaphore_mem>>) src(%arg10 : memref<128x64xf32, #tpu.memory_space<vmem>>) dst(%dma_wait3A_52 : memref<128x64xf32, #tpu.memory_space<vmem_shared>>)
      tpu.yield
    }) : () -> ()
    %add3A_13 = arith.constant 384 : i32
    %add3A_14 = arith.addi %mul3A_7, %add3A_13 : i32
    "tpu.region"() ({
      %run_scoped3A = tpu.sem_alloc : memref<!tpu.dma_semaphore, #tpu.memory_space<semaphore_mem>>
      %dma_start3A_45 = arith.constant 0 : i32
      %dma_start3A_46 = tpu.memref_slice %arg12[%add3A_14, %dma_start3A_45] : memref<10240x64xf32, #tpu.memory_space<vmem_shared>> -> memref<128x64xf32, #tpu.memory_space<vmem_shared>>
      %dma_start3A_47 = arith.constant 0 : i32
      %dma_start3A_48 = tpu.memref_slice %arg12[%add3A_14, %dma_start3A_47] : memref<10240x64xf32, #tpu.memory_space<vmem_shared>> -> memref<128x64xf32, #tpu.memory_space<vmem_shared>>
      tpu.enqueue_dma source(%arg10 : memref<128x64xf32, #tpu.memory_space<vmem>>) target(%dma_start3A_48 : memref<128x64xf32, #tpu.memory_space<vmem_shared>>) target_semaphore(%run_scoped3A : memref<!tpu.dma_semaphore, #tpu.memory_space<semaphore_mem>>)
      %dma_wait3A_49 = arith.constant 0 : i32
      %dma_wait3A_50 = tpu.memref_slice %arg12[%add3A_14, %dma_wait3A_49] : memref<10240x64xf32, #tpu.memory_space<vmem_shared>> -> memref<128x64xf32, #tpu.memory_space<vmem_shared>>
      %dma_wait3A_51 = arith.constant 0 : i32
      %dma_wait3A_52 = tpu.memref_slice %arg12[%add3A_14, %dma_wait3A_51] : memref<10240x64xf32, #tpu.memory_space<vmem_shared>> -> memref<128x64xf32, #tpu.memory_space<vmem_shared>>
      tpu.wait_dma2 semaphore(%run_scoped3A : memref<!tpu.dma_semaphore, #tpu.memory_space<semaphore_mem>>) src(%arg10 : memref<128x64xf32, #tpu.memory_space<vmem>>) dst(%dma_wait3A_52 : memref<128x64xf32, #tpu.memory_space<vmem_shared>>)
      tpu.yield
    }) : () -> ()
    %add3A_15 = arith.constant 512 : i32
    %add3A_16 = arith.addi %mul3A_7, %add3A_15 : i32
    "tpu.region"() ({
      %run_scoped3A = tpu.sem_alloc : memref<!tpu.dma_semaphore, #tpu.memory_space<semaphore_mem>>
      %dma_start3A_45 = arith.constant 0 : i32
      %dma_start3A_46 = tpu.memref_slice %arg12[%add3A_16, %dma_start3A_45] : memref<10240x64xf32, #tpu.memory_space<vmem_shared>> -> memref<128x64xf32, #tpu.memory_space<vmem_shared>>
      %dma_start3A_47 = arith.constant 0 : i32
      %dma_start3A_48 = tpu.memref_slice %arg12[%add3A_16, %dma_start3A_47] : memref<10240x64xf32, #tpu.memory_space<vmem_shared>> -> memref<128x64xf32, #tpu.memory_space<vmem_shared>>
      tpu.enqueue_dma source(%arg10 : memref<128x64xf32, #tpu.memory_space<vmem>>) target(%dma_start3A_48 : memref<128x64xf32, #tpu.memory_space<vmem_shared>>) target_semaphore(%run_scoped3A : memref<!tpu.dma_semaphore, #tpu.memory_space<semaphore_mem>>)
      %dma_wait3A_49 = arith.constant 0 : i32
      %dma_wait3A_50 = tpu.memref_slice %arg12[%add3A_16, %dma_wait3A_49] : memref<10240x64xf32, #tpu.memory_space<vmem_shared>> -> memref<128x64xf32, #tpu.memory_space<vmem_shared>>
      %dma_wait3A_51 = arith.constant 0 : i32
      %dma_wait3A_52 = tpu.memref_slice %arg12[%add3A_16, %dma_wait3A_51] : memref<10240x64xf32, #tpu.memory_space<vmem_shared>> -> memref<128x64xf32, #tpu.memory_space<vmem_shared>>
      tpu.wait_dma2 semaphore(%run_scoped3A : memref<!tpu.dma_semaphore, #tpu.memory_space<semaphore_mem>>) src(%arg10 : memref<128x64xf32, #tpu.memory_space<vmem>>) dst(%dma_wait3A_52 : memref<128x64xf32, #tpu.memory_space<vmem_shared>>)
      tpu.yield
    }) : () -> ()
    %barrier3A = arith.constant 0 : index
    tpu.barrier barrier_id(%barrier3A)
    %dma_start3A = arith.constant 0 : i32
    %dma_start3A_17 = arith.constant 0 : i32
    %dma_start3A_18 = tpu.memref_slice %arg7[%dma_start3A, %dma_start3A_17] : memref<160x128xi32, #tpu.memory_space<vmem>> -> memref<1x128xi32, #tpu.memory_space<vmem>>
    %dma_start3A_19 = tpu.memref_squeeze %dma_start3A_18 : memref<1x128xi32, #tpu.memory_space<vmem>> -> memref<128xi32, #tpu.memory_space<vmem>>
    %dma_start3A_20 = arith.constant 0 : i32
    %dma_start3A_21 = arith.constant 0 : i32
    %dma_start3A_22 = tpu.memref_slice %arg2[%arg0, %dma_start3A_20, %dma_start3A_21] : memref<2x10240x64xf32, #tpu.memory_space<hbm>> -> memref<1x10240x64xf32, #tpu.memory_space<hbm>>
    %dma_start3A_23 = tpu.memref_squeeze %dma_start3A_22 : memref<1x10240x64xf32, #tpu.memory_space<hbm>> -> memref<10240x64xf32, #tpu.memory_space<hbm>>
    %dma_start3A_24 = arith.constant 0 : i32
    %dma_start3A_25 = arith.constant 0 : i32
    %dma_start3A_26 = tpu.memref_slice %dma_start3A_23[%dma_start3A_24, %dma_start3A_25] : memref<10240x64xf32, #tpu.memory_space<hbm>> -> memref<10240x64xf32, #tpu.memory_space<hbm>>
    tpu.enqueue_indirect_dma source(%dma_start3A_26 : memref<10240x64xf32, #tpu.memory_space<hbm>>) target(%arg10 : memref<128x64xf32, #tpu.memory_space<vmem>>) offsets(%dma_start3A_19 : memref<128xi32, #tpu.memory_space<vmem>>) semaphore(%arg13 : memref<!tpu.dma_semaphore, #tpu.memory_space<semaphore_mem>>)
    %scan3A_27 = arith.constant 0 : i32
    %scan3A_28 = arith.constant 0 : i32
    %scan3A_29 = arith.constant 80 : i32
    %scan3A_30 = arith.addi %scan3A_28, %scan3A_29 : i32
    %scan3A_31 = arith.constant 1 : i32
    %scan3A_32 = scf.for %scan3A_45 = %scan3A_28 to %scan3A_30 step %scan3A_31 iter_args(%scan3A_46 = %scan3A_27) -> (i32)  : i32 {
      %mul3A_47 = arith.constant 2 : i32
      %mul3A_48 = arith.muli %mul3A_47, %scan3A_45 : i32
      %add3A_49 = arith.constant 1 : i32
      %add3A_50 = arith.addi %mul3A_48, %add3A_49 : i32
      %dma_start3A_51 = arith.constant 0 : i32
      %dma_start3A_52 = tpu.memref_slice %arg7[%add3A_50, %dma_start3A_51] : memref<160x128xi32, #tpu.memory_space<vmem>> -> memref<1x128xi32, #tpu.memory_space<vmem>>
      %dma_start3A_53 = tpu.memref_squeeze %dma_start3A_52 : memref<1x128xi32, #tpu.memory_space<vmem>> -> memref<128xi32, #tpu.memory_space<vmem>>
      %dma_start3A_54 = arith.constant 0 : i32
      %dma_start3A_55 = arith.constant 0 : i32
      %dma_start3A_56 = tpu.memref_slice %arg2[%arg0, %dma_start3A_54, %dma_start3A_55] : memref<2x10240x64xf32, #tpu.memory_space<hbm>> -> memref<1x10240x64xf32, #tpu.memory_space<hbm>>
      %dma_start3A_57 = tpu.memref_squeeze %dma_start3A_56 : memref<1x10240x64xf32, #tpu.memory_space<hbm>> -> memref<10240x64xf32, #tpu.memory_space<hbm>>
      %dma_start3A_58 = arith.constant 0 : i32
      %dma_start3A_59 = arith.constant 0 : i32
      %dma_start3A_60 = tpu.memref_slice %dma_start3A_57[%dma_start3A_58, %dma_start3A_59] : memref<10240x64xf32, #tpu.memory_space<hbm>> -> memref<10240x64xf32, #tpu.memory_space<hbm>>
      tpu.enqueue_indirect_dma source(%dma_start3A_60 : memref<10240x64xf32, #tpu.memory_space<hbm>>) target(%arg11 : memref<128x64xf32, #tpu.memory_space<vmem>>) offsets(%dma_start3A_53 : memref<128xi32, #tpu.memory_space<vmem>>) semaphore(%arg14 : memref<!tpu.dma_semaphore, #tpu.memory_space<semaphore_mem>>)
      %dma_wait3A_61 = arith.constant 0 : i32
      %dma_wait3A_62 = tpu.memref_slice %arg7[%mul3A_48, %dma_wait3A_61] : memref<160x128xi32, #tpu.memory_space<vmem>> -> memref<1x128xi32, #tpu.memory_space<vmem>>
      %dma_wait3A_63 = tpu.memref_squeeze %dma_wait3A_62 : memref<1x128xi32, #tpu.memory_space<vmem>> -> memref<128xi32, #tpu.memory_space<vmem>>
      %dma_wait3A_64 = arith.constant 0 : i32
      %dma_wait3A_65 = arith.constant 0 : i32
      %dma_wait3A_66 = tpu.memref_slice %arg2[%arg0, %dma_wait3A_64, %dma_wait3A_65] : memref<2x10240x64xf32, #tpu.memory_space<hbm>> -> memref<1x10240x64xf32, #tpu.memory_space<hbm>>
      %dma_wait3A_67 = tpu.memref_squeeze %dma_wait3A_66 : memref<1x10240x64xf32, #tpu.memory_space<hbm>> -> memref<10240x64xf32, #tpu.memory_space<hbm>>
      %dma_wait3A_68 = arith.constant 0 : i32
      %dma_wait3A_69 = arith.constant 0 : i32
      %dma_wait3A_70 = tpu.memref_slice %dma_wait3A_67[%dma_wait3A_68, %dma_wait3A_69] : memref<10240x64xf32, #tpu.memory_space<hbm>> -> memref<10240x64xf32, #tpu.memory_space<hbm>>
      tpu.wait_indirect_dma semaphore(%arg13 : memref<!tpu.dma_semaphore, #tpu.memory_space<semaphore_mem>>) src(%dma_wait3A_70 : memref<10240x64xf32, #tpu.memory_space<hbm>>) dst(%arg10 : memref<128x64xf32, #tpu.memory_space<vmem>>)
      %parallel_loop3A = arith.constant 0 : i32
      %parallel_loop3A_71 = arith.constant 128 : i32
      %parallel_loop3A_72 = arith.constant 1 : i32
      scf.for %parallel_loop3A_106 = %parallel_loop3A to %parallel_loop3A_71 step %parallel_loop3A_72  : i32 {
        %parallel_loop3A_107 = vector.broadcast %mul3A_48 : i32 to vector<16xi32>
        %parallel_loop3A_108 = vector.broadcast %parallel_loop3A_106 : i32 to vector<16xi32>
        %parallel_loop3A_109 = tpu.vector_load_idx %arg9[%parallel_loop3A_107, %parallel_loop3A_108] : memref<160x128xf32, #tpu.memory_space<vmem>>[vector<16xi32>, vector<16xi32>], vector<16xf32>,
        %parallel_loop3A_110 = arith.index_cast %parallel_loop3A_106 : i32 to index
        %parallel_loop3A_111 = arith.constant 0 : index
        %parallel_loop3A_112 = tpu.vector_load %arg10[%parallel_loop3A_110, %parallel_loop3A_111] {strides = array<i32>} : memref<128x64xf32, #tpu.memory_space<vmem>>, vector<16xf32>,
        %parallel_loop3A_113 = arith.mulf %parallel_loop3A_112, %parallel_loop3A_109 : vector<16xf32>
        %parallel_loop3A_114 = arith.index_cast %parallel_loop3A_106 : i32 to index
        %parallel_loop3A_115 = arith.constant 0 : index
        %parallel_loop3A_116 = tpu.vector_load %arg10[%parallel_loop3A_114, %parallel_loop3A_115] {strides = array<i32>} : memref<128x64xf32, #tpu.memory_space<vmem>>, vector<16xf32>,
        tpu.vector_store %arg10[%parallel_loop3A_114, %parallel_loop3A_115], %parallel_loop3A_113 {strides = array<i32>} : memref<128x64xf32, #tpu.memory_space<vmem>>, vector<16xf32>,
        %parallel_loop3A_117 = arith.index_cast %parallel_loop3A_106 : i32 to index
        %parallel_loop3A_118 = arith.constant 16 : index
        %parallel_loop3A_119 = tpu.vector_load %arg10[%parallel_loop3A_117, %parallel_loop3A_118] {strides = array<i32>} : memref<128x64xf32, #tpu.memory_space<vmem>>, vector<16xf32>,
        %parallel_loop3A_120 = arith.mulf %parallel_loop3A_119, %parallel_loop3A_109 : vector<16xf32>
        %parallel_loop3A_121 = arith.index_cast %parallel_loop3A_106 : i32 to index
        %parallel_loop3A_122 = arith.constant 16 : index
        %parallel_loop3A_123 = tpu.vector_load %arg10[%parallel_loop3A_121, %parallel_loop3A_122] {strides = array<i32>} : memref<128x64xf32, #tpu.memory_space<vmem>>, vector<16xf32>,
        tpu.vector_store %arg10[%parallel_loop3A_121, %parallel_loop3A_122], %parallel_loop3A_120 {strides = array<i32>} : memref<128x64xf32, #tpu.memory_space<vmem>>, vector<16xf32>,
        %parallel_loop3A_124 = arith.index_cast %parallel_loop3A_106 : i32 to index
        %parallel_loop3A_125 = arith.constant 32 : index
        %parallel_loop3A_126 = tpu.vector_load %arg10[%parallel_loop3A_124, %parallel_loop3A_125] {strides = array<i32>} : memref<128x64xf32, #tpu.memory_space<vmem>>, vector<16xf32>,
        %parallel_loop3A_127 = arith.mulf %parallel_loop3A_126, %parallel_loop3A_109 : vector<16xf32>
        %parallel_loop3A_128 = arith.index_cast %parallel_loop3A_106 : i32 to index
        %parallel_loop3A_129 = arith.constant 32 : index
        %parallel_loop3A_130 = tpu.vector_load %arg10[%parallel_loop3A_128, %parallel_loop3A_129] {strides = array<i32>} : memref<128x64xf32, #tpu.memory_space<vmem>>, vector<16xf32>,
        tpu.vector_store %arg10[%parallel_loop3A_128, %parallel_loop3A_129], %parallel_loop3A_127 {strides = array<i32>} : memref<128x64xf32, #tpu.memory_space<vmem>>, vector<16xf32>,
        %parallel_loop3A_131 = arith.index_cast %parallel_loop3A_106 : i32 to index
        %parallel_loop3A_132 = arith.constant 48 : index
        %parallel_loop3A_133 = tpu.vector_load %arg10[%parallel_loop3A_131, %parallel_loop3A_132] {strides = array<i32>} : memref<128x64xf32, #tpu.memory_space<vmem>>, vector<16xf32>,
        %parallel_loop3A_134 = arith.mulf %parallel_loop3A_133, %parallel_loop3A_109 : vector<16xf32>
        %parallel_loop3A_135 = arith.index_cast %parallel_loop3A_106 : i32 to index
        %parallel_loop3A_136 = arith.constant 48 : index
        %parallel_loop3A_137 = tpu.vector_load %arg10[%parallel_loop3A_135, %parallel_loop3A_136] {strides = array<i32>} : memref<128x64xf32, #tpu.memory_space<vmem>>, vector<16xf32>,
        tpu.vector_store %arg10[%parallel_loop3A_135, %parallel_loop3A_136], %parallel_loop3A_134 {strides = array<i32>} : memref<128x64xf32, #tpu.memory_space<vmem>>, vector<16xf32>,
      } {sc.loop_unroll_factor = 8 : i64, sc.parallel_access}
      "tpu.region"() ({
        %run_scoped3A = tpu.sem_alloc : memref<!tpu.dma_semaphore, #tpu.memory_space<semaphore_mem>>
        %dma_start3A_106 = arith.constant 0 : i32
        %dma_start3A_107 = tpu.memref_slice %arg8[%mul3A_48, %dma_start3A_106] : memref<160x128xi32, #tpu.memory_space<vmem>> -> memref<1x128xi32, #tpu.memory_space<vmem>>
        %dma_start3A_108 = tpu.memref_squeeze %dma_start3A_107 : memref<1x128xi32, #tpu.memory_space<vmem>> -> memref<128xi32, #tpu.memory_space<vmem>>
        %dma_start3A_109 = arith.constant 0 : i32
        %dma_start3A_110 = arith.constant 0 : i32
        %dma_start3A_111 = tpu.memref_slice %arg12[%dma_start3A_109, %dma_start3A_110] : memref<10240x64xf32, #tpu.memory_space<vmem_shared>> -> memref<10240x64xf32, #tpu.memory_space<vmem_shared>>
        tpu.enqueue_indirect_dma source(%arg10 : memref<128x64xf32, #tpu.memory_space<vmem>>) target(%dma_start3A_111 : memref<10240x64xf32, #tpu.memory_space<vmem_shared>>) offsets(%dma_start3A_108 : memref<128xi32, #tpu.memory_space<vmem>>) semaphore(%run_scoped3A : memref<!tpu.dma_semaphore, #tpu.memory_space<semaphore_mem>>) {add = true}
        %dma_wait3A_112 = arith.constant 0 : i32
        %dma_wait3A_113 = tpu.memref_slice %arg8[%mul3A_48, %dma_wait3A_112] : memref<160x128xi32, #tpu.memory_space<vmem>> -> memref<1x128xi32, #tpu.memory_space<vmem>>
        %dma_wait3A_114 = tpu.memref_squeeze %dma_wait3A_113 : memref<1x128xi32, #tpu.memory_space<vmem>> -> memref<128xi32, #tpu.memory_space<vmem>>
        %dma_wait3A_115 = arith.constant 0 : i32
        %dma_wait3A_116 = arith.constant 0 : i32
        %dma_wait3A_117 = tpu.memref_slice %arg12[%dma_wait3A_115, %dma_wait3A_116] : memref<10240x64xf32, #tpu.memory_space<vmem_shared>> -> memref<10240x64xf32, #tpu.memory_space<vmem_shared>>
        tpu.wait_indirect_dma semaphore(%run_scoped3A : memref<!tpu.dma_semaphore, #tpu.memory_space<semaphore_mem>>) src(%arg10 : memref<128x64xf32, #tpu.memory_space<vmem>>) dst(%dma_wait3A_117 : memref<10240x64xf32, #tpu.memory_space<vmem_shared>>)
        tpu.yield
      }) : () -> ()
      %add3A_73 = arith.constant 2 : i32
      %add3A_74 = arith.addi %mul3A_48, %add3A_73 : i32
      %min3A = arith.constant 159 : i32
      %min3A_75 = arith.minsi %add3A_74, %min3A : i32
      %dma_start3A_76 = arith.constant 0 : i32
      %dma_start3A_77 = tpu.memref_slice %arg7[%min3A_75, %dma_start3A_76] : memref<160x128xi32, #tpu.memory_space<vmem>> -> memref<1x128xi32, #tpu.memory_space<vmem>>
      %dma_start3A_78 = tpu.memref_squeeze %dma_start3A_77 : memref<1x128xi32, #tpu.memory_space<vmem>> -> memref<128xi32, #tpu.memory_space<vmem>>
      %dma_start3A_79 = arith.constant 0 : i32
      %dma_start3A_80 = arith.constant 0 : i32
      %dma_start3A_81 = tpu.memref_slice %arg2[%arg0, %dma_start3A_79, %dma_start3A_80] : memref<2x10240x64xf32, #tpu.memory_space<hbm>> -> memref<1x10240x64xf32, #tpu.memory_space<hbm>>
      %dma_start3A_82 = tpu.memref_squeeze %dma_start3A_81 : memref<1x10240x64xf32, #tpu.memory_space<hbm>> -> memref<10240x64xf32, #tpu.memory_space<hbm>>
      %dma_start3A_83 = arith.constant 0 : i32
      %dma_start3A_84 = arith.constant 0 : i32
      %dma_start3A_85 = tpu.memref_slice %dma_start3A_82[%dma_start3A_83, %dma_start3A_84] : memref<10240x64xf32, #tpu.memory_space<hbm>> -> memref<10240x64xf32, #tpu.memory_space<hbm>>
      tpu.enqueue_indirect_dma source(%dma_start3A_85 : memref<10240x64xf32, #tpu.memory_space<hbm>>) target(%arg10 : memref<128x64xf32, #tpu.memory_space<vmem>>) offsets(%dma_start3A_78 : memref<128xi32, #tpu.memory_space<vmem>>) semaphore(%arg13 : memref<!tpu.dma_semaphore, #tpu.memory_space<semaphore_mem>>)
      %add3A_86 = arith.constant 1 : i32
      %add3A_87 = arith.addi %mul3A_48, %add3A_86 : i32
      %dma_wait3A_88 = arith.constant 0 : i32
      %dma_wait3A_89 = tpu.memref_slice %arg7[%add3A_87, %dma_wait3A_88] : memref<160x128xi32, #tpu.memory_space<vmem>> -> memref<1x128xi32, #tpu.memory_space<vmem>>
      %dma_wait3A_90 = tpu.memref_squeeze %dma_wait3A_89 : memref<1x128xi32, #tpu.memory_space<vmem>> -> memref<128xi32, #tpu.memory_space<vmem>>
      %dma_wait3A_91 = arith.constant 0 : i32
      %dma_wait3A_92 = arith.constant 0 : i32
      %dma_wait3A_93 = tpu.memref_slice %arg2[%arg0, %dma_wait3A_91, %dma_wait3A_92] : memref<2x10240x64xf32, #tpu.memory_space<hbm>> -> memref<1x10240x64xf32, #tpu.memory_space<hbm>>
      %dma_wait3A_94 = tpu.memref_squeeze %dma_wait3A_93 : memref<1x10240x64xf32, #tpu.memory_space<hbm>> -> memref<10240x64xf32, #tpu.memory_space<hbm>>
      %dma_wait3A_95 = arith.constant 0 : i32
      %dma_wait3A_96 = arith.constant 0 : i32
      %dma_wait3A_97 = tpu.memref_slice %dma_wait3A_94[%dma_wait3A_95, %dma_wait3A_96] : memref<10240x64xf32, #tpu.memory_space<hbm>> -> memref<10240x64xf32, #tpu.memory_space<hbm>>
      tpu.wait_indirect_dma semaphore(%arg14 : memref<!tpu.dma_semaphore, #tpu.memory_space<semaphore_mem>>) src(%dma_wait3A_97 : memref<10240x64xf32, #tpu.memory_space<hbm>>) dst(%arg11 : memref<128x64xf32, #tpu.memory_space<vmem>>)
      %add3A_98 = arith.constant 1 : i32
      %add3A_99 = arith.addi %mul3A_48, %add3A_98 : i32
      %parallel_loop3A_100 = arith.constant 0 : i32
      %parallel_loop3A_101 = arith.constant 128 : i32
      %parallel_loop3A_102 = arith.constant 1 : i32
      scf.for %parallel_loop3A_106 = %parallel_loop3A_100 to %parallel_loop3A_101 step %parallel_loop3A_102  : i32 {
        %parallel_loop3A_107 = vector.broadcast %add3A_99 : i32 to vector<16xi32>
        %parallel_loop3A_108 = vector.broadcast %parallel_loop3A_106 : i32 to vector<16xi32>
        %parallel_loop3A_109 = tpu.vector_load_idx %arg9[%parallel_loop3A_107, %parallel_loop3A_108] : memref<160x128xf32, #tpu.memory_space<vmem>>[vector<16xi32>, vector<16xi32>], vector<16xf32>,
        %parallel_loop3A_110 = arith.index_cast %parallel_loop3A_106 : i32 to index
        %parallel_loop3A_111 = arith.constant 0 : index
        %parallel_loop3A_112 = tpu.vector_load %arg11[%parallel_loop3A_110, %parallel_loop3A_111] {strides = array<i32>} : memref<128x64xf32, #tpu.memory_space<vmem>>, vector<16xf32>,
        %parallel_loop3A_113 = arith.mulf %parallel_loop3A_112, %parallel_loop3A_109 : vector<16xf32>
        %parallel_loop3A_114 = arith.index_cast %parallel_loop3A_106 : i32 to index
        %parallel_loop3A_115 = arith.constant 0 : index
        %parallel_loop3A_116 = tpu.vector_load %arg11[%parallel_loop3A_114, %parallel_loop3A_115] {strides = array<i32>} : memref<128x64xf32, #tpu.memory_space<vmem>>, vector<16xf32>,
        tpu.vector_store %arg11[%parallel_loop3A_114, %parallel_loop3A_115], %parallel_loop3A_113 {strides = array<i32>} : memref<128x64xf32, #tpu.memory_space<vmem>>, vector<16xf32>,
        %parallel_loop3A_117 = arith.index_cast %parallel_loop3A_106 : i32 to index
        %parallel_loop3A_118 = arith.constant 16 : index
        %parallel_loop3A_119 = tpu.vector_load %arg11[%parallel_loop3A_117, %parallel_loop3A_118] {strides = array<i32>} : memref<128x64xf32, #tpu.memory_space<vmem>>, vector<16xf32>,
        %parallel_loop3A_120 = arith.mulf %parallel_loop3A_119, %parallel_loop3A_109 : vector<16xf32>
        %parallel_loop3A_121 = arith.index_cast %parallel_loop3A_106 : i32 to index
        %parallel_loop3A_122 = arith.constant 16 : index
        %parallel_loop3A_123 = tpu.vector_load %arg11[%parallel_loop3A_121, %parallel_loop3A_122] {strides = array<i32>} : memref<128x64xf32, #tpu.memory_space<vmem>>, vector<16xf32>,
        tpu.vector_store %arg11[%parallel_loop3A_121, %parallel_loop3A_122], %parallel_loop3A_120 {strides = array<i32>} : memref<128x64xf32, #tpu.memory_space<vmem>>, vector<16xf32>,
        %parallel_loop3A_124 = arith.index_cast %parallel_loop3A_106 : i32 to index
        %parallel_loop3A_125 = arith.constant 32 : index
        %parallel_loop3A_126 = tpu.vector_load %arg11[%parallel_loop3A_124, %parallel_loop3A_125] {strides = array<i32>} : memref<128x64xf32, #tpu.memory_space<vmem>>, vector<16xf32>,
        %parallel_loop3A_127 = arith.mulf %parallel_loop3A_126, %parallel_loop3A_109 : vector<16xf32>
        %parallel_loop3A_128 = arith.index_cast %parallel_loop3A_106 : i32 to index
        %parallel_loop3A_129 = arith.constant 32 : index
        %parallel_loop3A_130 = tpu.vector_load %arg11[%parallel_loop3A_128, %parallel_loop3A_129] {strides = array<i32>} : memref<128x64xf32, #tpu.memory_space<vmem>>, vector<16xf32>,
        tpu.vector_store %arg11[%parallel_loop3A_128, %parallel_loop3A_129], %parallel_loop3A_127 {strides = array<i32>} : memref<128x64xf32, #tpu.memory_space<vmem>>, vector<16xf32>,
        %parallel_loop3A_131 = arith.index_cast %parallel_loop3A_106 : i32 to index
        %parallel_loop3A_132 = arith.constant 48 : index
        %parallel_loop3A_133 = tpu.vector_load %arg11[%parallel_loop3A_131, %parallel_loop3A_132] {strides = array<i32>} : memref<128x64xf32, #tpu.memory_space<vmem>>, vector<16xf32>,
        %parallel_loop3A_134 = arith.mulf %parallel_loop3A_133, %parallel_loop3A_109 : vector<16xf32>
        %parallel_loop3A_135 = arith.index_cast %parallel_loop3A_106 : i32 to index
        %parallel_loop3A_136 = arith.constant 48 : index
        %parallel_loop3A_137 = tpu.vector_load %arg11[%parallel_loop3A_135, %parallel_loop3A_136] {strides = array<i32>} : memref<128x64xf32, #tpu.memory_space<vmem>>, vector<16xf32>,
        tpu.vector_store %arg11[%parallel_loop3A_135, %parallel_loop3A_136], %parallel_loop3A_134 {strides = array<i32>} : memref<128x64xf32, #tpu.memory_space<vmem>>, vector<16xf32>,
      } {sc.loop_unroll_factor = 8 : i64, sc.parallel_access}
      %add3A_103 = arith.constant 1 : i32
      %add3A_104 = arith.addi %mul3A_48, %add3A_103 : i32
      "tpu.region"() ({
        %run_scoped3A = tpu.sem_alloc : memref<!tpu.dma_semaphore, #tpu.memory_space<semaphore_mem>>
        %dma_start3A_106 = arith.constant 0 : i32
        %dma_start3A_107 = tpu.memref_slice %arg8[%add3A_104, %dma_start3A_106] : memref<160x128xi32, #tpu.memory_space<vmem>> -> memref<1x128xi32, #tpu.memory_space<vmem>>
        %dma_start3A_108 = tpu.memref_squeeze %dma_start3A_107 : memref<1x128xi32, #tpu.memory_space<vmem>> -> memref<128xi32, #tpu.memory_space<vmem>>
        %dma_start3A_109 = arith.constant 0 : i32
        %dma_start3A_110 = arith.constant 0 : i32
        %dma_start3A_111 = tpu.memref_slice %arg12[%dma_start3A_109, %dma_start3A_110] : memref<10240x64xf32, #tpu.memory_space<vmem_shared>> -> memref<10240x64xf32, #tpu.memory_space<vmem_shared>>
        tpu.enqueue_indirect_dma source(%arg11 : memref<128x64xf32, #tpu.memory_space<vmem>>) target(%dma_start3A_111 : memref<10240x64xf32, #tpu.memory_space<vmem_shared>>) offsets(%dma_start3A_108 : memref<128xi32, #tpu.memory_space<vmem>>) semaphore(%run_scoped3A : memref<!tpu.dma_semaphore, #tpu.memory_space<semaphore_mem>>) {add = true}
        %dma_wait3A_112 = arith.constant 0 : i32
        %dma_wait3A_113 = tpu.memref_slice %arg8[%add3A_104, %dma_wait3A_112] : memref<160x128xi32, #tpu.memory_space<vmem>> -> memref<1x128xi32, #tpu.memory_space<vmem>>
        %dma_wait3A_114 = tpu.memref_squeeze %dma_wait3A_113 : memref<1x128xi32, #tpu.memory_space<vmem>> -> memref<128xi32, #tpu.memory_space<vmem>>
        %dma_wait3A_115 = arith.constant 0 : i32
        %dma_wait3A_116 = arith.constant 0 : i32
        %dma_wait3A_117 = tpu.memref_slice %arg12[%dma_wait3A_115, %dma_wait3A_116] : memref<10240x64xf32, #tpu.memory_space<vmem_shared>> -> memref<10240x64xf32, #tpu.memory_space<vmem_shared>>
        tpu.wait_indirect_dma semaphore(%run_scoped3A : memref<!tpu.dma_semaphore, #tpu.memory_space<semaphore_mem>>) src(%arg11 : memref<128x64xf32, #tpu.memory_space<vmem>>) dst(%dma_wait3A_117 : memref<10240x64xf32, #tpu.memory_space<vmem_shared>>)
        tpu.yield
      }) : () -> ()
      %scan3A_105 = arith.constant 0 : i32
      scf.yield %scan3A_105 : i32
    }
    %scan3A_33 = arith.constant 80 : i32
    %dma_wait3A = arith.constant 159 : i32
    %dma_wait3A_34 = arith.constant 0 : i32
    %dma_wait3A_35 = tpu.memref_slice %arg7[%dma_wait3A, %dma_wait3A_34] : memref<160x128xi32, #tpu.memory_space<vmem>> -> memref<1x128xi32, #tpu.memory_space<vmem>>
    %dma_wait3A_36 = tpu.memref_squeeze %dma_wait3A_35 : memref<1x128xi32, #tpu.memory_space<vmem>> -> memref<128xi32, #tpu.memory_space<vmem>>
    %dma_wait3A_37 = arith.constant 0 : i32
    %dma_wait3A_38 = arith.constant 0 : i32
    %dma_wait3A_39 = tpu.memref_slice %arg2[%arg0, %dma_wait3A_37, %dma_wait3A_38] : memref<2x10240x64xf32, #tpu.memory_space<hbm>> -> memref<1x10240x64xf32, #tpu.memory_space<hbm>>
    %dma_wait3A_40 = tpu.memref_squeeze %dma_wait3A_39 : memref<1x10240x64xf32, #tpu.memory_space<hbm>> -> memref<10240x64xf32, #tpu.memory_space<hbm>>
    %dma_wait3A_41 = arith.constant 0 : i32
    %dma_wait3A_42 = arith.constant 0 : i32
    %dma_wait3A_43 = tpu.memref_slice %dma_wait3A_40[%dma_wait3A_41, %dma_wait3A_42] : memref<10240x64xf32, #tpu.memory_space<hbm>> -> memref<10240x64xf32, #tpu.memory_space<hbm>>
    tpu.wait_indirect_dma semaphore(%arg13 : memref<!tpu.dma_semaphore, #tpu.memory_space<semaphore_mem>>) src(%dma_wait3A_43 : memref<10240x64xf32, #tpu.memory_space<hbm>>) dst(%arg10 : memref<128x64xf32, #tpu.memory_space<vmem>>)
    %barrier3A_44 = arith.constant 0 : index
    tpu.barrier barrier_id(%barrier3A_44)
    "tpu.region"() ({
      %run_scoped3A = tpu.sem_alloc : memref<!tpu.dma_semaphore, #tpu.memory_space<semaphore_mem>>
      %dma_start3A_45 = arith.constant 0 : i32
      %dma_start3A_46 = tpu.memref_slice %arg6[%arg0, %mul3A_7, %dma_start3A_45] : memref<2x10240x64xf32, #tpu.memory_space<hbm>> -> memref<1x640x64xf32, #tpu.memory_space<hbm>>
      %dma_start3A_47 = tpu.memref_squeeze %dma_start3A_46 : memref<1x640x64xf32, #tpu.memory_space<hbm>> -> memref<640x64xf32, #tpu.memory_space<hbm>>
      %dma_start3A_48 = arith.constant 0 : i32
      %dma_start3A_49 = tpu.memref_slice %arg12[%mul3A_7, %dma_start3A_48] : memref<10240x64xf32, #tpu.memory_space<vmem_shared>> -> memref<640x64xf32, #tpu.memory_space<vmem_shared>>
      tpu.enqueue_dma source(%dma_start3A_49 : memref<640x64xf32, #tpu.memory_space<vmem_shared>>) target(%dma_start3A_47 : memref<640x64xf32, #tpu.memory_space<hbm>>) target_semaphore(%run_scoped3A : memref<!tpu.dma_semaphore, #tpu.memory_space<semaphore_mem>>)
      %dma_wait3A_50 = arith.constant 0 : i32
      %dma_wait3A_51 = tpu.memref_slice %arg6[%arg0, %mul3A_7, %dma_wait3A_50] : memref<2x10240x64xf32, #tpu.memory_space<hbm>> -> memref<1x640x64xf32, #tpu.memory_space<hbm>>
      %dma_wait3A_52 = tpu.memref_squeeze %dma_wait3A_51 : memref<1x640x64xf32, #tpu.memory_space<hbm>> -> memref<640x64xf32, #tpu.memory_space<hbm>>
      %dma_wait3A_53 = arith.constant 0 : i32
      %dma_wait3A_54 = tpu.memref_slice %arg12[%mul3A_7, %dma_wait3A_53] : memref<10240x64xf32, #tpu.memory_space<vmem_shared>> -> memref<640x64xf32, #tpu.memory_space<vmem_shared>>
      tpu.wait_dma2 semaphore(%run_scoped3A : memref<!tpu.dma_semaphore, #tpu.memory_space<semaphore_mem>>) src(%dma_wait3A_54 : memref<640x64xf32, #tpu.memory_space<vmem_shared>>) dst(%dma_wait3A_52 : memref<640x64xf32, #tpu.memory_space<hbm>>)
      tpu.yield
    }) : () -> ()
    return
  }
}

#map = affine_map<(d0, d1) -> (0, 0, 0)>
#map1 = affine_map<(d0, d1) -> (0, 0)>
module attributes {stable_mosaic.version = 14 : i64} {
  func.func @sc_deg(%arg0: i32, %arg1: i32, %arg2: memref<32x80x128xi32, #tpu.memory_space<hbm>>, %arg3: memref<32x80x128xf32, #tpu.memory_space<hbm>>, %arg4: memref<2x10240xf32, #tpu.memory_space<hbm>>, %arg5: memref<80x128xi32, #tpu.memory_space<vmem>>, %arg6: memref<80x128xf32, #tpu.memory_space<vmem>>, %arg7: memref<10240xf32, #tpu.memory_space<vmem>>, %arg8: memref<16x640xf32, #tpu.memory_space<vmem>>, %arg9: memref<640xf32, #tpu.memory_space<vmem>>, %arg10: memref<16x10240xf32, #tpu.memory_space<vmem_shared>>) attributes {dimension_semantics = [#tpu.dimension_semantics<core_parallel>, #tpu.dimension_semantics<subcore_parallel>], iteration_bounds = array<i64: 2, 16>, scalar_prefetch = 0 : i64, scratch_operands = 6 : i64, tpu.core_type = #tpu.core_type<sc_vector_subcore>, window_params = [{transform_indices = #map}, {transform_indices = #map}, {transform_indices = #map1}]} {
    %mul3A = arith.constant 16 : i32
    %mul3A_0 = arith.muli %arg0, %mul3A : i32
    %add3A = arith.addi %mul3A_0, %arg1 : i32
    "tpu.region"() ({
      %run_scoped3A = tpu.sem_alloc : memref<!tpu.dma_semaphore, #tpu.memory_space<semaphore_mem>>
      %dma_start3A = arith.constant 0 : i32
      %dma_start3A_24 = arith.constant 0 : i32
      %dma_start3A_25 = tpu.memref_slice %arg2[%add3A, %dma_start3A, %dma_start3A_24] : memref<32x80x128xi32, #tpu.memory_space<hbm>> -> memref<1x80x128xi32, #tpu.memory_space<hbm>>
      %dma_start3A_26 = tpu.memref_squeeze %dma_start3A_25 : memref<1x80x128xi32, #tpu.memory_space<hbm>> -> memref<80x128xi32, #tpu.memory_space<hbm>>
      %dma_start3A_27 = arith.constant 0 : i32
      %dma_start3A_28 = arith.constant 0 : i32
      %dma_start3A_29 = tpu.memref_slice %arg2[%add3A, %dma_start3A_27, %dma_start3A_28] : memref<32x80x128xi32, #tpu.memory_space<hbm>> -> memref<1x80x128xi32, #tpu.memory_space<hbm>>
      %dma_start3A_30 = tpu.memref_squeeze %dma_start3A_29 : memref<1x80x128xi32, #tpu.memory_space<hbm>> -> memref<80x128xi32, #tpu.memory_space<hbm>>
      tpu.enqueue_dma source(%dma_start3A_30 : memref<80x128xi32, #tpu.memory_space<hbm>>) target(%arg5 : memref<80x128xi32, #tpu.memory_space<vmem>>) target_semaphore(%run_scoped3A : memref<!tpu.dma_semaphore, #tpu.memory_space<semaphore_mem>>)
      %dma_wait3A = arith.constant 0 : i32
      %dma_wait3A_31 = arith.constant 0 : i32
      %dma_wait3A_32 = tpu.memref_slice %arg2[%add3A, %dma_wait3A, %dma_wait3A_31] : memref<32x80x128xi32, #tpu.memory_space<hbm>> -> memref<1x80x128xi32, #tpu.memory_space<hbm>>
      %dma_wait3A_33 = tpu.memref_squeeze %dma_wait3A_32 : memref<1x80x128xi32, #tpu.memory_space<hbm>> -> memref<80x128xi32, #tpu.memory_space<hbm>>
      %dma_wait3A_34 = arith.constant 0 : i32
      %dma_wait3A_35 = arith.constant 0 : i32
      %dma_wait3A_36 = tpu.memref_slice %arg2[%add3A, %dma_wait3A_34, %dma_wait3A_35] : memref<32x80x128xi32, #tpu.memory_space<hbm>> -> memref<1x80x128xi32, #tpu.memory_space<hbm>>
      %dma_wait3A_37 = tpu.memref_squeeze %dma_wait3A_36 : memref<1x80x128xi32, #tpu.memory_space<hbm>> -> memref<80x128xi32, #tpu.memory_space<hbm>>
      tpu.wait_dma2 semaphore(%run_scoped3A : memref<!tpu.dma_semaphore, #tpu.memory_space<semaphore_mem>>) src(%dma_wait3A_37 : memref<80x128xi32, #tpu.memory_space<hbm>>) dst(%arg5 : memref<80x128xi32, #tpu.memory_space<vmem>>)
      tpu.yield
    }) : () -> ()
    "tpu.region"() ({
      %run_scoped3A = tpu.sem_alloc : memref<!tpu.dma_semaphore, #tpu.memory_space<semaphore_mem>>
      %dma_start3A = arith.constant 0 : i32
      %dma_start3A_24 = arith.constant 0 : i32
      %dma_start3A_25 = tpu.memref_slice %arg3[%add3A, %dma_start3A, %dma_start3A_24] : memref<32x80x128xf32, #tpu.memory_space<hbm>> -> memref<1x80x128xf32, #tpu.memory_space<hbm>>
      %dma_start3A_26 = tpu.memref_squeeze %dma_start3A_25 : memref<1x80x128xf32, #tpu.memory_space<hbm>> -> memref<80x128xf32, #tpu.memory_space<hbm>>
      %dma_start3A_27 = arith.constant 0 : i32
      %dma_start3A_28 = arith.constant 0 : i32
      %dma_start3A_29 = tpu.memref_slice %arg3[%add3A, %dma_start3A_27, %dma_start3A_28] : memref<32x80x128xf32, #tpu.memory_space<hbm>> -> memref<1x80x128xf32, #tpu.memory_space<hbm>>
      %dma_start3A_30 = tpu.memref_squeeze %dma_start3A_29 : memref<1x80x128xf32, #tpu.memory_space<hbm>> -> memref<80x128xf32, #tpu.memory_space<hbm>>
      tpu.enqueue_dma source(%dma_start3A_30 : memref<80x128xf32, #tpu.memory_space<hbm>>) target(%arg6 : memref<80x128xf32, #tpu.memory_space<vmem>>) target_semaphore(%run_scoped3A : memref<!tpu.dma_semaphore, #tpu.memory_space<semaphore_mem>>)
      %dma_wait3A = arith.constant 0 : i32
      %dma_wait3A_31 = arith.constant 0 : i32
      %dma_wait3A_32 = tpu.memref_slice %arg3[%add3A, %dma_wait3A, %dma_wait3A_31] : memref<32x80x128xf32, #tpu.memory_space<hbm>> -> memref<1x80x128xf32, #tpu.memory_space<hbm>>
      %dma_wait3A_33 = tpu.memref_squeeze %dma_wait3A_32 : memref<1x80x128xf32, #tpu.memory_space<hbm>> -> memref<80x128xf32, #tpu.memory_space<hbm>>
      %dma_wait3A_34 = arith.constant 0 : i32
      %dma_wait3A_35 = arith.constant 0 : i32
      %dma_wait3A_36 = tpu.memref_slice %arg3[%add3A, %dma_wait3A_34, %dma_wait3A_35] : memref<32x80x128xf32, #tpu.memory_space<hbm>> -> memref<1x80x128xf32, #tpu.memory_space<hbm>>
      %dma_wait3A_37 = tpu.memref_squeeze %dma_wait3A_36 : memref<1x80x128xf32, #tpu.memory_space<hbm>> -> memref<80x128xf32, #tpu.memory_space<hbm>>
      tpu.wait_dma2 semaphore(%run_scoped3A : memref<!tpu.dma_semaphore, #tpu.memory_space<semaphore_mem>>) src(%dma_wait3A_37 : memref<80x128xf32, #tpu.memory_space<hbm>>) dst(%arg6 : memref<80x128xf32, #tpu.memory_space<vmem>>)
      tpu.yield
    }) : () -> ()
    %broadcast_in_dim3A = arith.constant 0.000000e+00 : f32
    %broadcast_in_dim3A_1 = vector.broadcast %broadcast_in_dim3A : f32 to vector<16xf32>
    %scan3A = arith.constant 0 : i32
    %scan3A_2 = arith.constant 0 : i32
    %scan3A_3 = arith.constant 640 : i32
    %scan3A_4 = arith.addi %scan3A_2, %scan3A_3 : i32
    %scan3A_5 = arith.constant 1 : i32
    %scan3A_6 = scf.for %scan3A_24 = %scan3A_2 to %scan3A_4 step %scan3A_5 iter_args(%scan3A_25 = %scan3A) -> (i32)  : i32 {
      %mul3A_26 = arith.constant 16 : i32
      %mul3A_27 = arith.muli %scan3A_24, %mul3A_26 : i32
      %swap3A = arith.index_cast %mul3A_27 : i32 to index
      %swap3A_28 = tpu.vector_load %arg7[%swap3A] {strides = array<i32>} : memref<10240xf32, #tpu.memory_space<vmem>>, vector<16xf32>,
      tpu.vector_store %arg7[%swap3A], %broadcast_in_dim3A_1 {strides = array<i32>} : memref<10240xf32, #tpu.memory_space<vmem>>, vector<16xf32>,
      %scan3A_29 = arith.constant 0 : i32
      scf.yield %scan3A_29 : i32
    }
    %scan3A_7 = arith.constant 640 : i32
    %scan3A_8 = arith.constant 0 : i32
    %scan3A_9 = arith.constant 0 : i32
    %scan3A_10 = arith.constant 80 : i32
    %scan3A_11 = arith.addi %scan3A_9, %scan3A_10 : i32
    %scan3A_12 = arith.constant 1 : i32
    %scan3A_13 = scf.for %scan3A_24 = %scan3A_9 to %scan3A_11 step %scan3A_12 iter_args(%scan3A_25 = %scan3A_8) -> (i32)  : i32 {
      %get3A = arith.index_cast %scan3A_24 : i32 to index
      %get3A_26 = arith.constant 0 : index
      %get3A_27 = tpu.vector_load %arg5[%get3A, %get3A_26] {strides = array<i32>} : memref<80x128xi32, #tpu.memory_space<vmem>>, vector<16xi32>,
      %get3A_28 = arith.index_cast %scan3A_24 : i32 to index
      %get3A_29 = arith.constant 0 : index
      %get3A_30 = tpu.vector_load %arg6[%get3A_28, %get3A_29] {strides = array<i32>} : memref<80x128xf32, #tpu.memory_space<vmem>>, vector<16xf32>,
      tpu.vector_store_idx %arg7[%get3A_27], %get3A_30 {add = true} : memref<10240xf32, #tpu.memory_space<vmem>>[vector<16xi32>], vector<16xf32>,
      %get3A_31 = arith.index_cast %scan3A_24 : i32 to index
      %get3A_32 = arith.constant 16 : index
      %get3A_33 = tpu.vector_load %arg5[%get3A_31, %get3A_32] {strides = array<i32>} : memref<80x128xi32, #tpu.memory_space<vmem>>, vector<16xi32>,
      %get3A_34 = arith.index_cast %scan3A_24 : i32 to index
      %get3A_35 = arith.constant 16 : index
      %get3A_36 = tpu.vector_load %arg6[%get3A_34, %get3A_35] {strides = array<i32>} : memref<80x128xf32, #tpu.memory_space<vmem>>, vector<16xf32>,
      tpu.vector_store_idx %arg7[%get3A_33], %get3A_36 {add = true} : memref<10240xf32, #tpu.memory_space<vmem>>[vector<16xi32>], vector<16xf32>,
      %get3A_37 = arith.index_cast %scan3A_24 : i32 to index
      %get3A_38 = arith.constant 32 : index
      %get3A_39 = tpu.vector_load %arg5[%get3A_37, %get3A_38] {strides = array<i32>} : memref<80x128xi32, #tpu.memory_space<vmem>>, vector<16xi32>,
      %get3A_40 = arith.index_cast %scan3A_24 : i32 to index
      %get3A_41 = arith.constant 32 : index
      %get3A_42 = tpu.vector_load %arg6[%get3A_40, %get3A_41] {strides = array<i32>} : memref<80x128xf32, #tpu.memory_space<vmem>>, vector<16xf32>,
      tpu.vector_store_idx %arg7[%get3A_39], %get3A_42 {add = true} : memref<10240xf32, #tpu.memory_space<vmem>>[vector<16xi32>], vector<16xf32>,
      %get3A_43 = arith.index_cast %scan3A_24 : i32 to index
      %get3A_44 = arith.constant 48 : index
      %get3A_45 = tpu.vector_load %arg5[%get3A_43, %get3A_44] {strides = array<i32>} : memref<80x128xi32, #tpu.memory_space<vmem>>, vector<16xi32>,
      %get3A_46 = arith.index_cast %scan3A_24 : i32 to index
      %get3A_47 = arith.constant 48 : index
      %get3A_48 = tpu.vector_load %arg6[%get3A_46, %get3A_47] {strides = array<i32>} : memref<80x128xf32, #tpu.memory_space<vmem>>, vector<16xf32>,
      tpu.vector_store_idx %arg7[%get3A_45], %get3A_48 {add = true} : memref<10240xf32, #tpu.memory_space<vmem>>[vector<16xi32>], vector<16xf32>,
      %get3A_49 = arith.index_cast %scan3A_24 : i32 to index
      %get3A_50 = arith.constant 64 : index
      %get3A_51 = tpu.vector_load %arg5[%get3A_49, %get3A_50] {strides = array<i32>} : memref<80x128xi32, #tpu.memory_space<vmem>>, vector<16xi32>,
      %get3A_52 = arith.index_cast %scan3A_24 : i32 to index
      %get3A_53 = arith.constant 64 : index
      %get3A_54 = tpu.vector_load %arg6[%get3A_52, %get3A_53] {strides = array<i32>} : memref<80x128xf32, #tpu.memory_space<vmem>>, vector<16xf32>,
      tpu.vector_store_idx %arg7[%get3A_51], %get3A_54 {add = true} : memref<10240xf32, #tpu.memory_space<vmem>>[vector<16xi32>], vector<16xf32>,
      %get3A_55 = arith.index_cast %scan3A_24 : i32 to index
      %get3A_56 = arith.constant 80 : index
      %get3A_57 = tpu.vector_load %arg5[%get3A_55, %get3A_56] {strides = array<i32>} : memref<80x128xi32, #tpu.memory_space<vmem>>, vector<16xi32>,
      %get3A_58 = arith.index_cast %scan3A_24 : i32 to index
      %get3A_59 = arith.constant 80 : index
      %get3A_60 = tpu.vector_load %arg6[%get3A_58, %get3A_59] {strides = array<i32>} : memref<80x128xf32, #tpu.memory_space<vmem>>, vector<16xf32>,
      tpu.vector_store_idx %arg7[%get3A_57], %get3A_60 {add = true} : memref<10240xf32, #tpu.memory_space<vmem>>[vector<16xi32>], vector<16xf32>,
      %get3A_61 = arith.index_cast %scan3A_24 : i32 to index
      %get3A_62 = arith.constant 96 : index
      %get3A_63 = tpu.vector_load %arg5[%get3A_61, %get3A_62] {strides = array<i32>} : memref<80x128xi32, #tpu.memory_space<vmem>>, vector<16xi32>,
      %get3A_64 = arith.index_cast %scan3A_24 : i32 to index
      %get3A_65 = arith.constant 96 : index
      %get3A_66 = tpu.vector_load %arg6[%get3A_64, %get3A_65] {strides = array<i32>} : memref<80x128xf32, #tpu.memory_space<vmem>>, vector<16xf32>,
      tpu.vector_store_idx %arg7[%get3A_63], %get3A_66 {add = true} : memref<10240xf32, #tpu.memory_space<vmem>>[vector<16xi32>], vector<16xf32>,
      %get3A_67 = arith.index_cast %scan3A_24 : i32 to index
      %get3A_68 = arith.constant 112 : index
      %get3A_69 = tpu.vector_load %arg5[%get3A_67, %get3A_68] {strides = array<i32>} : memref<80x128xi32, #tpu.memory_space<vmem>>, vector<16xi32>,
      %get3A_70 = arith.index_cast %scan3A_24 : i32 to index
      %get3A_71 = arith.constant 112 : index
      %get3A_72 = tpu.vector_load %arg6[%get3A_70, %get3A_71] {strides = array<i32>} : memref<80x128xf32, #tpu.memory_space<vmem>>, vector<16xf32>,
      tpu.vector_store_idx %arg7[%get3A_69], %get3A_72 {add = true} : memref<10240xf32, #tpu.memory_space<vmem>>[vector<16xi32>], vector<16xf32>,
      %scan3A_73 = arith.constant 0 : i32
      scf.yield %scan3A_73 : i32
    }
    %scan3A_14 = arith.constant 80 : i32
    "tpu.region"() ({
      %run_scoped3A = tpu.sem_alloc : memref<!tpu.dma_semaphore, #tpu.memory_space<semaphore_mem>>
      %dma_start3A = arith.constant 0 : i32
      %dma_start3A_24 = tpu.memref_slice %arg10[%arg1, %dma_start3A] : memref<16x10240xf32, #tpu.memory_space<vmem_shared>> -> memref<1x10240xf32, #tpu.memory_space<vmem_shared>>
      %dma_start3A_25 = tpu.memref_squeeze %dma_start3A_24 : memref<1x10240xf32, #tpu.memory_space<vmem_shared>> -> memref<10240xf32, #tpu.memory_space<vmem_shared>>
      %dma_start3A_26 = arith.constant 0 : i32
      %dma_start3A_27 = tpu.memref_slice %arg10[%arg1, %dma_start3A_26] : memref<16x10240xf32, #tpu.memory_space<vmem_shared>> -> memref<1x10240xf32, #tpu.memory_space<vmem_shared>>
      %dma_start3A_28 = tpu.memref_squeeze %dma_start3A_27 : memref<1x10240xf32, #tpu.memory_space<vmem_shared>> -> memref<10240xf32, #tpu.memory_space<vmem_shared>>
      tpu.enqueue_dma source(%arg7 : memref<10240xf32, #tpu.memory_space<vmem>>) target(%dma_start3A_28 : memref<10240xf32, #tpu.memory_space<vmem_shared>>) target_semaphore(%run_scoped3A : memref<!tpu.dma_semaphore, #tpu.memory_space<semaphore_mem>>)
      %dma_wait3A = arith.constant 0 : i32
      %dma_wait3A_29 = tpu.memref_slice %arg10[%arg1, %dma_wait3A] : memref<16x10240xf32, #tpu.memory_space<vmem_shared>> -> memref<1x10240xf32, #tpu.memory_space<vmem_shared>>
      %dma_wait3A_30 = tpu.memref_squeeze %dma_wait3A_29 : memref<1x10240xf32, #tpu.memory_space<vmem_shared>> -> memref<10240xf32, #tpu.memory_space<vmem_shared>>
      %dma_wait3A_31 = arith.constant 0 : i32
      %dma_wait3A_32 = tpu.memref_slice %arg10[%arg1, %dma_wait3A_31] : memref<16x10240xf32, #tpu.memory_space<vmem_shared>> -> memref<1x10240xf32, #tpu.memory_space<vmem_shared>>
      %dma_wait3A_33 = tpu.memref_squeeze %dma_wait3A_32 : memref<1x10240xf32, #tpu.memory_space<vmem_shared>> -> memref<10240xf32, #tpu.memory_space<vmem_shared>>
      tpu.wait_dma2 semaphore(%run_scoped3A : memref<!tpu.dma_semaphore, #tpu.memory_space<semaphore_mem>>) src(%arg7 : memref<10240xf32, #tpu.memory_space<vmem>>) dst(%dma_wait3A_33 : memref<10240xf32, #tpu.memory_space<vmem_shared>>)
      tpu.yield
    }) : () -> ()
    %barrier3A = arith.constant 0 : index
    tpu.barrier barrier_id(%barrier3A)
    %mul3A_15 = arith.constant 640 : i32
    %mul3A_16 = arith.muli %arg1, %mul3A_15 : i32
    "tpu.region"() ({
      %run_scoped3A = tpu.sem_alloc : memref<!tpu.dma_semaphore, #tpu.memory_space<semaphore_mem>>
      %dma_start3A = arith.constant 0 : i32
      %dma_start3A_24 = tpu.memref_slice %arg10[%dma_start3A, %mul3A_16] : memref<16x10240xf32, #tpu.memory_space<vmem_shared>> -> memref<16x640xf32, #tpu.memory_space<vmem_shared>>
      %dma_start3A_25 = arith.constant 0 : i32
      %dma_start3A_26 = tpu.memref_slice %arg10[%dma_start3A_25, %mul3A_16] : memref<16x10240xf32, #tpu.memory_space<vmem_shared>> -> memref<16x640xf32, #tpu.memory_space<vmem_shared>>
      tpu.enqueue_dma source(%dma_start3A_26 : memref<16x640xf32, #tpu.memory_space<vmem_shared>>) target(%arg8 : memref<16x640xf32, #tpu.memory_space<vmem>>) target_semaphore(%run_scoped3A : memref<!tpu.dma_semaphore, #tpu.memory_space<semaphore_mem>>)
      %dma_wait3A = arith.constant 0 : i32
      %dma_wait3A_27 = tpu.memref_slice %arg10[%dma_wait3A, %mul3A_16] : memref<16x10240xf32, #tpu.memory_space<vmem_shared>> -> memref<16x640xf32, #tpu.memory_space<vmem_shared>>
      %dma_wait3A_28 = arith.constant 0 : i32
      %dma_wait3A_29 = tpu.memref_slice %arg10[%dma_wait3A_28, %mul3A_16] : memref<16x10240xf32, #tpu.memory_space<vmem_shared>> -> memref<16x640xf32, #tpu.memory_space<vmem_shared>>
      tpu.wait_dma2 semaphore(%run_scoped3A : memref<!tpu.dma_semaphore, #tpu.memory_space<semaphore_mem>>) src(%dma_wait3A_29 : memref<16x640xf32, #tpu.memory_space<vmem_shared>>) dst(%arg8 : memref<16x640xf32, #tpu.memory_space<vmem>>)
      tpu.yield
    }) : () -> ()
    %scan3A_17 = arith.constant 0 : i32
    %scan3A_18 = arith.constant 0 : i32
    %scan3A_19 = arith.constant 40 : i32
    %scan3A_20 = arith.addi %scan3A_18, %scan3A_19 : i32
    %scan3A_21 = arith.constant 1 : i32
    %scan3A_22 = scf.for %scan3A_24 = %scan3A_18 to %scan3A_20 step %scan3A_21 iter_args(%scan3A_25 = %scan3A_17) -> (i32)  : i32 {
      %mul3A_26 = arith.constant 16 : i32
      %mul3A_27 = arith.muli %scan3A_24, %mul3A_26 : i32
      %get3A = arith.constant 0 : i32
      %get3A_28 = arith.index_cast %get3A : i32 to index
      %get3A_29 = arith.index_cast %mul3A_27 : i32 to index
      %get3A_30 = tpu.vector_load %arg8[%get3A_28, %get3A_29] {strides = array<i32>} : memref<16x640xf32, #tpu.memory_space<vmem>>, vector<16xf32>,
      %mul3A_31 = arith.constant 16 : i32
      %mul3A_32 = arith.muli %scan3A_24, %mul3A_31 : i32
      %get3A_33 = arith.constant 1 : i32
      %get3A_34 = arith.index_cast %get3A_33 : i32 to index
      %get3A_35 = arith.index_cast %mul3A_32 : i32 to index
      %get3A_36 = tpu.vector_load %arg8[%get3A_34, %get3A_35] {strides = array<i32>} : memref<16x640xf32, #tpu.memory_space<vmem>>, vector<16xf32>,
      %add3A_37 = arith.addf %get3A_30, %get3A_36 : vector<16xf32>
      %mul3A_38 = arith.constant 16 : i32
      %mul3A_39 = arith.muli %scan3A_24, %mul3A_38 : i32
      %get3A_40 = arith.constant 2 : i32
      %get3A_41 = arith.index_cast %get3A_40 : i32 to index
      %get3A_42 = arith.index_cast %mul3A_39 : i32 to index
      %get3A_43 = tpu.vector_load %arg8[%get3A_41, %get3A_42] {strides = array<i32>} : memref<16x640xf32, #tpu.memory_space<vmem>>, vector<16xf32>,
      %add3A_44 = arith.addf %add3A_37, %get3A_43 : vector<16xf32>
      %mul3A_45 = arith.constant 16 : i32
      %mul3A_46 = arith.muli %scan3A_24, %mul3A_45 : i32
      %get3A_47 = arith.constant 3 : i32
      %get3A_48 = arith.index_cast %get3A_47 : i32 to index
      %get3A_49 = arith.index_cast %mul3A_46 : i32 to index
      %get3A_50 = tpu.vector_load %arg8[%get3A_48, %get3A_49] {strides = array<i32>} : memref<16x640xf32, #tpu.memory_space<vmem>>, vector<16xf32>,
      %add3A_51 = arith.addf %add3A_44, %get3A_50 : vector<16xf32>
      %mul3A_52 = arith.constant 16 : i32
      %mul3A_53 = arith.muli %scan3A_24, %mul3A_52 : i32
      %get3A_54 = arith.constant 4 : i32
      %get3A_55 = arith.index_cast %get3A_54 : i32 to index
      %get3A_56 = arith.index_cast %mul3A_53 : i32 to index
      %get3A_57 = tpu.vector_load %arg8[%get3A_55, %get3A_56] {strides = array<i32>} : memref<16x640xf32, #tpu.memory_space<vmem>>, vector<16xf32>,
      %add3A_58 = arith.addf %add3A_51, %get3A_57 : vector<16xf32>
      %mul3A_59 = arith.constant 16 : i32
      %mul3A_60 = arith.muli %scan3A_24, %mul3A_59 : i32
      %get3A_61 = arith.constant 5 : i32
      %get3A_62 = arith.index_cast %get3A_61 : i32 to index
      %get3A_63 = arith.index_cast %mul3A_60 : i32 to index
      %get3A_64 = tpu.vector_load %arg8[%get3A_62, %get3A_63] {strides = array<i32>} : memref<16x640xf32, #tpu.memory_space<vmem>>, vector<16xf32>,
      %add3A_65 = arith.addf %add3A_58, %get3A_64 : vector<16xf32>
      %mul3A_66 = arith.constant 16 : i32
      %mul3A_67 = arith.muli %scan3A_24, %mul3A_66 : i32
      %get3A_68 = arith.constant 6 : i32
      %get3A_69 = arith.index_cast %get3A_68 : i32 to index
      %get3A_70 = arith.index_cast %mul3A_67 : i32 to index
      %get3A_71 = tpu.vector_load %arg8[%get3A_69, %get3A_70] {strides = array<i32>} : memref<16x640xf32, #tpu.memory_space<vmem>>, vector<16xf32>,
      %add3A_72 = arith.addf %add3A_65, %get3A_71 : vector<16xf32>
      %mul3A_73 = arith.constant 16 : i32
      %mul3A_74 = arith.muli %scan3A_24, %mul3A_73 : i32
      %get3A_75 = arith.constant 7 : i32
      %get3A_76 = arith.index_cast %get3A_75 : i32 to index
      %get3A_77 = arith.index_cast %mul3A_74 : i32 to index
      %get3A_78 = tpu.vector_load %arg8[%get3A_76, %get3A_77] {strides = array<i32>} : memref<16x640xf32, #tpu.memory_space<vmem>>, vector<16xf32>,
      %add3A_79 = arith.addf %add3A_72, %get3A_78 : vector<16xf32>
      %mul3A_80 = arith.constant 16 : i32
      %mul3A_81 = arith.muli %scan3A_24, %mul3A_80 : i32
      %get3A_82 = arith.constant 8 : i32
      %get3A_83 = arith.index_cast %get3A_82 : i32 to index
      %get3A_84 = arith.index_cast %mul3A_81 : i32 to index
      %get3A_85 = tpu.vector_load %arg8[%get3A_83, %get3A_84] {strides = array<i32>} : memref<16x640xf32, #tpu.memory_space<vmem>>, vector<16xf32>,
      %add3A_86 = arith.addf %add3A_79, %get3A_85 : vector<16xf32>
      %mul3A_87 = arith.constant 16 : i32
      %mul3A_88 = arith.muli %scan3A_24, %mul3A_87 : i32
      %get3A_89 = arith.constant 9 : i32
      %get3A_90 = arith.index_cast %get3A_89 : i32 to index
      %get3A_91 = arith.index_cast %mul3A_88 : i32 to index
      %get3A_92 = tpu.vector_load %arg8[%get3A_90, %get3A_91] {strides = array<i32>} : memref<16x640xf32, #tpu.memory_space<vmem>>, vector<16xf32>,
      %add3A_93 = arith.addf %add3A_86, %get3A_92 : vector<16xf32>
      %mul3A_94 = arith.constant 16 : i32
      %mul3A_95 = arith.muli %scan3A_24, %mul3A_94 : i32
      %get3A_96 = arith.constant 10 : i32
      %get3A_97 = arith.index_cast %get3A_96 : i32 to index
      %get3A_98 = arith.index_cast %mul3A_95 : i32 to index
      %get3A_99 = tpu.vector_load %arg8[%get3A_97, %get3A_98] {strides = array<i32>} : memref<16x640xf32, #tpu.memory_space<vmem>>, vector<16xf32>,
      %add3A_100 = arith.addf %add3A_93, %get3A_99 : vector<16xf32>
      %mul3A_101 = arith.constant 16 : i32
      %mul3A_102 = arith.muli %scan3A_24, %mul3A_101 : i32
      %get3A_103 = arith.constant 11 : i32
      %get3A_104 = arith.index_cast %get3A_103 : i32 to index
      %get3A_105 = arith.index_cast %mul3A_102 : i32 to index
      %get3A_106 = tpu.vector_load %arg8[%get3A_104, %get3A_105] {strides = array<i32>} : memref<16x640xf32, #tpu.memory_space<vmem>>, vector<16xf32>,
      %add3A_107 = arith.addf %add3A_100, %get3A_106 : vector<16xf32>
      %mul3A_108 = arith.constant 16 : i32
      %mul3A_109 = arith.muli %scan3A_24, %mul3A_108 : i32
      %get3A_110 = arith.constant 12 : i32
      %get3A_111 = arith.index_cast %get3A_110 : i32 to index
      %get3A_112 = arith.index_cast %mul3A_109 : i32 to index
      %get3A_113 = tpu.vector_load %arg8[%get3A_111, %get3A_112] {strides = array<i32>} : memref<16x640xf32, #tpu.memory_space<vmem>>, vector<16xf32>,
      %add3A_114 = arith.addf %add3A_107, %get3A_113 : vector<16xf32>
      %mul3A_115 = arith.constant 16 : i32
      %mul3A_116 = arith.muli %scan3A_24, %mul3A_115 : i32
      %get3A_117 = arith.constant 13 : i32
      %get3A_118 = arith.index_cast %get3A_117 : i32 to index
      %get3A_119 = arith.index_cast %mul3A_116 : i32 to index
      %get3A_120 = tpu.vector_load %arg8[%get3A_118, %get3A_119] {strides = array<i32>} : memref<16x640xf32, #tpu.memory_space<vmem>>, vector<16xf32>,
      %add3A_121 = arith.addf %add3A_114, %get3A_120 : vector<16xf32>
      %mul3A_122 = arith.constant 16 : i32
      %mul3A_123 = arith.muli %scan3A_24, %mul3A_122 : i32
      %get3A_124 = arith.constant 14 : i32
      %get3A_125 = arith.index_cast %get3A_124 : i32 to index
      %get3A_126 = arith.index_cast %mul3A_123 : i32 to index
      %get3A_127 = tpu.vector_load %arg8[%get3A_125, %get3A_126] {strides = array<i32>} : memref<16x640xf32, #tpu.memory_space<vmem>>, vector<16xf32>,
      %add3A_128 = arith.addf %add3A_121, %get3A_127 : vector<16xf32>
      %mul3A_129 = arith.constant 16 : i32
      %mul3A_130 = arith.muli %scan3A_24, %mul3A_129 : i32
      %get3A_131 = arith.constant 15 : i32
      %get3A_132 = arith.index_cast %get3A_131 : i32 to index
      %get3A_133 = arith.index_cast %mul3A_130 : i32 to index
      %get3A_134 = tpu.vector_load %arg8[%get3A_132, %get3A_133] {strides = array<i32>} : memref<16x640xf32, #tpu.memory_space<vmem>>, vector<16xf32>,
      %add3A_135 = arith.addf %add3A_128, %get3A_134 : vector<16xf32>
      %mul3A_136 = arith.constant 16 : i32
      %mul3A_137 = arith.muli %scan3A_24, %mul3A_136 : i32
      %swap3A = arith.index_cast %mul3A_137 : i32 to index
      %swap3A_138 = tpu.vector_load %arg9[%swap3A] {strides = array<i32>} : memref<640xf32, #tpu.memory_space<vmem>>, vector<16xf32>,
      tpu.vector_store %arg9[%swap3A], %add3A_135 {strides = array<i32>} : memref<640xf32, #tpu.memory_space<vmem>>, vector<16xf32>,
      %scan3A_139 = arith.constant 0 : i32
      scf.yield %scan3A_139 : i32
    }
    %scan3A_23 = arith.constant 40 : i32
    "tpu.region"() ({
      %run_scoped3A = tpu.sem_alloc : memref<!tpu.dma_semaphore, #tpu.memory_space<semaphore_mem>>
      %dma_start3A = tpu.memref_slice %arg4[%arg0, %mul3A_16] : memref<2x10240xf32, #tpu.memory_space<hbm>> -> memref<1x640xf32, #tpu.memory_space<hbm>>
      %dma_start3A_24 = tpu.memref_squeeze %dma_start3A : memref<1x640xf32, #tpu.memory_space<hbm>> -> memref<640xf32, #tpu.memory_space<hbm>>
      %dma_start3A_25 = tpu.memref_slice %arg4[%arg0, %mul3A_16] : memref<2x10240xf32, #tpu.memory_space<hbm>> -> memref<1x640xf32, #tpu.memory_space<hbm>>
      %dma_start3A_26 = tpu.memref_squeeze %dma_start3A_25 : memref<1x640xf32, #tpu.memory_space<hbm>> -> memref<640xf32, #tpu.memory_space<hbm>>
      tpu.enqueue_dma source(%arg9 : memref<640xf32, #tpu.memory_space<vmem>>) target(%dma_start3A_26 : memref<640xf32, #tpu.memory_space<hbm>>) target_semaphore(%run_scoped3A : memref<!tpu.dma_semaphore, #tpu.memory_space<semaphore_mem>>)
      %dma_wait3A = tpu.memref_slice %arg4[%arg0, %mul3A_16] : memref<2x10240xf32, #tpu.memory_space<hbm>> -> memref<1x640xf32, #tpu.memory_space<hbm>>
      %dma_wait3A_27 = tpu.memref_squeeze %dma_wait3A : memref<1x640xf32, #tpu.memory_space<hbm>> -> memref<640xf32, #tpu.memory_space<hbm>>
      %dma_wait3A_28 = tpu.memref_slice %arg4[%arg0, %mul3A_16] : memref<2x10240xf32, #tpu.memory_space<hbm>> -> memref<1x640xf32, #tpu.memory_space<hbm>>
      %dma_wait3A_29 = tpu.memref_squeeze %dma_wait3A_28 : memref<1x640xf32, #tpu.memory_space<hbm>> -> memref<640xf32, #tpu.memory_space<hbm>>
      tpu.wait_dma2 semaphore(%run_scoped3A : memref<!tpu.dma_semaphore, #tpu.memory_space<semaphore_mem>>) src(%arg9 : memref<640xf32, #tpu.memory_space<vmem>>) dst(%dma_wait3A_29 : memref<640xf32, #tpu.memory_space<hbm>>)
      tpu.yield
    }) : () -> ()
    return
  }
}

#map = affine_map<(d0, d1) -> (0, 0, 0)>
module attributes {stable_mosaic.version = 14 : i64} {
  func.func @sc_acc(%arg0: i32, %arg1: i32, %arg2: memref<2x10240x64xf32, #tpu.memory_space<hbm>>, %arg3: memref<16x160x128xi32, #tpu.memory_space<hbm>>, %arg4: memref<16x160x128xi32, #tpu.memory_space<hbm>>, %arg5: memref<16x160x128xf32, #tpu.memory_space<hbm>>, %arg6: memref<2x10240x64xf32, #tpu.memory_space<hbm>>, %arg7: memref<160x128xi32, #tpu.memory_space<vmem>>, %arg8: memref<160x128xi32, #tpu.memory_space<vmem>>, %arg9: memref<160x128xf32, #tpu.memory_space<vmem>>, %arg10: memref<128x64xf32, #tpu.memory_space<vmem>>, %arg11: memref<128x64xf32, #tpu.memory_space<vmem>>, %arg12: memref<10240x64xf32, #tpu.memory_space<vmem_shared>>, %arg13: memref<!tpu.dma_semaphore, #tpu.memory_space<semaphore_mem>>, %arg14: memref<!tpu.dma_semaphore, #tpu.memory_space<semaphore_mem>>) attributes {dimension_semantics = [#tpu.dimension_semantics<core_parallel>, #tpu.dimension_semantics<subcore_parallel>], iteration_bounds = array<i64: 2, 16>, scalar_prefetch = 0 : i64, scratch_operands = 8 : i64, tpu.core_type = #tpu.core_type<sc_vector_subcore>, window_params = [{transform_indices = #map}, {transform_indices = #map}, {transform_indices = #map}, {transform_indices = #map}, {transform_indices = #map}]} {
    "tpu.region"() ({
      %run_scoped3A = tpu.sem_alloc : memref<!tpu.dma_semaphore, #tpu.memory_space<semaphore_mem>>
      %dma_start3A_45 = arith.constant 0 : i32
      %dma_start3A_46 = arith.constant 0 : i32
      %dma_start3A_47 = tpu.memref_slice %arg3[%arg1, %dma_start3A_45, %dma_start3A_46] : memref<16x160x128xi32, #tpu.memory_space<hbm>> -> memref<1x160x128xi32, #tpu.memory_space<hbm>>
      %dma_start3A_48 = tpu.memref_squeeze %dma_start3A_47 : memref<1x160x128xi32, #tpu.memory_space<hbm>> -> memref<160x128xi32, #tpu.memory_space<hbm>>
      %dma_start3A_49 = arith.constant 0 : i32
      %dma_start3A_50 = arith.constant 0 : i32
      %dma_start3A_51 = tpu.memref_slice %arg3[%arg1, %dma_start3A_49, %dma_start3A_50] : memref<16x160x128xi32, #tpu.memory_space<hbm>> -> memref<1x160x128xi32, #tpu.memory_space<hbm>>
      %dma_start3A_52 = tpu.memref_squeeze %dma_start3A_51 : memref<1x160x128xi32, #tpu.memory_space<hbm>> -> memref<160x128xi32, #tpu.memory_space<hbm>>
      tpu.enqueue_dma source(%dma_start3A_52 : memref<160x128xi32, #tpu.memory_space<hbm>>) target(%arg7 : memref<160x128xi32, #tpu.memory_space<vmem>>) target_semaphore(%run_scoped3A : memref<!tpu.dma_semaphore, #tpu.memory_space<semaphore_mem>>)
      %dma_wait3A_53 = arith.constant 0 : i32
      %dma_wait3A_54 = arith.constant 0 : i32
      %dma_wait3A_55 = tpu.memref_slice %arg3[%arg1, %dma_wait3A_53, %dma_wait3A_54] : memref<16x160x128xi32, #tpu.memory_space<hbm>> -> memref<1x160x128xi32, #tpu.memory_space<hbm>>
      %dma_wait3A_56 = tpu.memref_squeeze %dma_wait3A_55 : memref<1x160x128xi32, #tpu.memory_space<hbm>> -> memref<160x128xi32, #tpu.memory_space<hbm>>
      %dma_wait3A_57 = arith.constant 0 : i32
      %dma_wait3A_58 = arith.constant 0 : i32
      %dma_wait3A_59 = tpu.memref_slice %arg3[%arg1, %dma_wait3A_57, %dma_wait3A_58] : memref<16x160x128xi32, #tpu.memory_space<hbm>> -> memref<1x160x128xi32, #tpu.memory_space<hbm>>
      %dma_wait3A_60 = tpu.memref_squeeze %dma_wait3A_59 : memref<1x160x128xi32, #tpu.memory_space<hbm>> -> memref<160x128xi32, #tpu.memory_space<hbm>>
      tpu.wait_dma2 semaphore(%run_scoped3A : memref<!tpu.dma_semaphore, #tpu.memory_space<semaphore_mem>>) src(%dma_wait3A_60 : memref<160x128xi32, #tpu.memory_space<hbm>>) dst(%arg7 : memref<160x128xi32, #tpu.memory_space<vmem>>)
      tpu.yield
    }) : () -> ()
    "tpu.region"() ({
      %run_scoped3A = tpu.sem_alloc : memref<!tpu.dma_semaphore, #tpu.memory_space<semaphore_mem>>
      %dma_start3A_45 = arith.constant 0 : i32
      %dma_start3A_46 = arith.constant 0 : i32
      %dma_start3A_47 = tpu.memref_slice %arg4[%arg1, %dma_start3A_45, %dma_start3A_46] : memref<16x160x128xi32, #tpu.memory_space<hbm>> -> memref<1x160x128xi32, #tpu.memory_space<hbm>>
      %dma_start3A_48 = tpu.memref_squeeze %dma_start3A_47 : memref<1x160x128xi32, #tpu.memory_space<hbm>> -> memref<160x128xi32, #tpu.memory_space<hbm>>
      %dma_start3A_49 = arith.constant 0 : i32
      %dma_start3A_50 = arith.constant 0 : i32
      %dma_start3A_51 = tpu.memref_slice %arg4[%arg1, %dma_start3A_49, %dma_start3A_50] : memref<16x160x128xi32, #tpu.memory_space<hbm>> -> memref<1x160x128xi32, #tpu.memory_space<hbm>>
      %dma_start3A_52 = tpu.memref_squeeze %dma_start3A_51 : memref<1x160x128xi32, #tpu.memory_space<hbm>> -> memref<160x128xi32, #tpu.memory_space<hbm>>
      tpu.enqueue_dma source(%dma_start3A_52 : memref<160x128xi32, #tpu.memory_space<hbm>>) target(%arg8 : memref<160x128xi32, #tpu.memory_space<vmem>>) target_semaphore(%run_scoped3A : memref<!tpu.dma_semaphore, #tpu.memory_space<semaphore_mem>>)
      %dma_wait3A_53 = arith.constant 0 : i32
      %dma_wait3A_54 = arith.constant 0 : i32
      %dma_wait3A_55 = tpu.memref_slice %arg4[%arg1, %dma_wait3A_53, %dma_wait3A_54] : memref<16x160x128xi32, #tpu.memory_space<hbm>> -> memref<1x160x128xi32, #tpu.memory_space<hbm>>
      %dma_wait3A_56 = tpu.memref_squeeze %dma_wait3A_55 : memref<1x160x128xi32, #tpu.memory_space<hbm>> -> memref<160x128xi32, #tpu.memory_space<hbm>>
      %dma_wait3A_57 = arith.constant 0 : i32
      %dma_wait3A_58 = arith.constant 0 : i32
      %dma_wait3A_59 = tpu.memref_slice %arg4[%arg1, %dma_wait3A_57, %dma_wait3A_58] : memref<16x160x128xi32, #tpu.memory_space<hbm>> -> memref<1x160x128xi32, #tpu.memory_space<hbm>>
      %dma_wait3A_60 = tpu.memref_squeeze %dma_wait3A_59 : memref<1x160x128xi32, #tpu.memory_space<hbm>> -> memref<160x128xi32, #tpu.memory_space<hbm>>
      tpu.wait_dma2 semaphore(%run_scoped3A : memref<!tpu.dma_semaphore, #tpu.memory_space<semaphore_mem>>) src(%dma_wait3A_60 : memref<160x128xi32, #tpu.memory_space<hbm>>) dst(%arg8 : memref<160x128xi32, #tpu.memory_space<vmem>>)
      tpu.yield
    }) : () -> ()
    "tpu.region"() ({
      %run_scoped3A = tpu.sem_alloc : memref<!tpu.dma_semaphore, #tpu.memory_space<semaphore_mem>>
      %dma_start3A_45 = arith.constant 0 : i32
      %dma_start3A_46 = arith.constant 0 : i32
      %dma_start3A_47 = tpu.memref_slice %arg5[%arg1, %dma_start3A_45, %dma_start3A_46] : memref<16x160x128xf32, #tpu.memory_space<hbm>> -> memref<1x160x128xf32, #tpu.memory_space<hbm>>
      %dma_start3A_48 = tpu.memref_squeeze %dma_start3A_47 : memref<1x160x128xf32, #tpu.memory_space<hbm>> -> memref<160x128xf32, #tpu.memory_space<hbm>>
      %dma_start3A_49 = arith.constant 0 : i32
      %dma_start3A_50 = arith.constant 0 : i32
      %dma_start3A_51 = tpu.memref_slice %arg5[%arg1, %dma_start3A_49, %dma_start3A_50] : memref<16x160x128xf32, #tpu.memory_space<hbm>> -> memref<1x160x128xf32, #tpu.memory_space<hbm>>
      %dma_start3A_52 = tpu.memref_squeeze %dma_start3A_51 : memref<1x160x128xf32, #tpu.memory_space<hbm>> -> memref<160x128xf32, #tpu.memory_space<hbm>>
      tpu.enqueue_dma source(%dma_start3A_52 : memref<160x128xf32, #tpu.memory_space<hbm>>) target(%arg9 : memref<160x128xf32, #tpu.memory_space<vmem>>) target_semaphore(%run_scoped3A : memref<!tpu.dma_semaphore, #tpu.memory_space<semaphore_mem>>)
      %dma_wait3A_53 = arith.constant 0 : i32
      %dma_wait3A_54 = arith.constant 0 : i32
      %dma_wait3A_55 = tpu.memref_slice %arg5[%arg1, %dma_wait3A_53, %dma_wait3A_54] : memref<16x160x128xf32, #tpu.memory_space<hbm>> -> memref<1x160x128xf32, #tpu.memory_space<hbm>>
      %dma_wait3A_56 = tpu.memref_squeeze %dma_wait3A_55 : memref<1x160x128xf32, #tpu.memory_space<hbm>> -> memref<160x128xf32, #tpu.memory_space<hbm>>
      %dma_wait3A_57 = arith.constant 0 : i32
      %dma_wait3A_58 = arith.constant 0 : i32
      %dma_wait3A_59 = tpu.memref_slice %arg5[%arg1, %dma_wait3A_57, %dma_wait3A_58] : memref<16x160x128xf32, #tpu.memory_space<hbm>> -> memref<1x160x128xf32, #tpu.memory_space<hbm>>
      %dma_wait3A_60 = tpu.memref_squeeze %dma_wait3A_59 : memref<1x160x128xf32, #tpu.memory_space<hbm>> -> memref<160x128xf32, #tpu.memory_space<hbm>>
      tpu.wait_dma2 semaphore(%run_scoped3A : memref<!tpu.dma_semaphore, #tpu.memory_space<semaphore_mem>>) src(%dma_wait3A_60 : memref<160x128xf32, #tpu.memory_space<hbm>>) dst(%arg9 : memref<160x128xf32, #tpu.memory_space<vmem>>)
      tpu.yield
    }) : () -> ()
    %broadcast_in_dim3A = arith.constant 0.000000e+00 : f32
    %broadcast_in_dim3A_0 = vector.broadcast %broadcast_in_dim3A : f32 to vector<16xf32>
    %scan3A = arith.constant 0 : i32
    %scan3A_1 = arith.constant 0 : i32
    %scan3A_2 = arith.constant 512 : i32
    %scan3A_3 = arith.addi %scan3A_1, %scan3A_2 : i32
    %scan3A_4 = arith.constant 1 : i32
    %scan3A_5 = scf.for %scan3A_45 = %scan3A_1 to %scan3A_3 step %scan3A_4 iter_args(%scan3A_46 = %scan3A) -> (i32)  : i32 {
      %jit3A = arith.constant 4 : i32
      %div3A = arith.divsi %scan3A_45, %jit3A : i32
      %sign3A = arith.constant 0 : i32
      %sign3A_47 = arith.cmpi sgt, %scan3A_45, %sign3A : i32
      %sign3A_48 = arith.extui %sign3A_47 : i1 to i32
      %sign3A_49 = arith.constant 0 : i32
      %sign3A_50 = arith.cmpi slt, %scan3A_45, %sign3A_49 : i32
      %sign3A_51 = arith.extui %sign3A_50 : i1 to i32
      %sign3A_52 = arith.subi %sign3A_48, %sign3A_51 : i32
      %sign3A_53 = arith.constant 0 : i32
      %sign3A_54 = arith.cmpi sgt, %jit3A, %sign3A_53 : i32
      %sign3A_55 = arith.extui %sign3A_54 : i1 to i32
      %sign3A_56 = arith.constant 0 : i32
      %sign3A_57 = arith.cmpi slt, %jit3A, %sign3A_56 : i32
      %sign3A_58 = arith.extui %sign3A_57 : i1 to i32
      %sign3A_59 = arith.subi %sign3A_55, %sign3A_58 : i32
      %ne3A = arith.cmpi ne, %sign3A_52, %sign3A_59 : i32
      %rem3A = arith.remsi %scan3A_45, %jit3A : i32
      %ne3A_60 = arith.constant 0 : i32
      %ne3A_61 = arith.cmpi ne, %rem3A, %ne3A_60 : i32
      %and3A = arith.andi %ne3A, %ne3A_61 : i1
      %sub3A = arith.constant 1 : i32
      %sub3A_62 = arith.subi %div3A, %sub3A : i32
      %select_n3A = arith.select %and3A, %sub3A_62, %div3A : i32
      %jit3A_63 = arith.constant 4 : i32
      %eq3A = arith.constant 0 : i32
      %eq3A_64 = arith.cmpi eq, %jit3A_63, %eq3A : i32
      %jit3A_65 = arith.constant 1 : i32
      %select_n3A_66 = arith.select %eq3A_64, %jit3A_65, %jit3A_63 : i32
      %rem3A_67 = arith.remsi %scan3A_45, %select_n3A_66 : i32
      %ne3A_68 = arith.constant 0 : i32
      %ne3A_69 = arith.cmpi ne, %rem3A_67, %ne3A_68 : i32
      %lt3A = arith.constant 0 : i32
      %lt3A_70 = arith.cmpi slt, %rem3A_67, %lt3A : i32
      %lt3A_71 = arith.constant 0 : i32
      %lt3A_72 = arith.cmpi slt, %select_n3A_66, %lt3A_71 : i32
      %ne3A_73 = arith.xori %lt3A_70, %lt3A_72 : i1
      %and3A_74 = arith.andi %ne3A_73, %ne3A_69 : i1
      %add3A_75 = arith.addi %rem3A_67, %select_n3A_66 : i32
      %select_n3A_76 = arith.select %and3A_74, %add3A_75, %rem3A_67 : i32
      %mul3A_77 = arith.constant 16 : i32
      %mul3A_78 = arith.muli %select_n3A_76, %mul3A_77 : i32
      %swap3A = arith.index_cast %select_n3A : i32 to index
      %swap3A_79 = arith.index_cast %mul3A_78 : i32 to index
      %swap3A_80 = tpu.vector_load %arg10[%swap3A, %swap3A_79] {strides = array<i32>} : memref<128x64xf32, #tpu.memory_space<vmem>>, vector<16xf32>,
      tpu.vector_store %arg10[%swap3A, %swap3A_79], %broadcast_in_dim3A_0 {strides = array<i32>} : memref<128x64xf32, #tpu.memory_space<vmem>>, vector<16xf32>,
      %scan3A_81 = arith.constant 0 : i32
      scf.yield %scan3A_81 : i32
    }
    %scan3A_6 = arith.constant 512 : i32
    %mul3A = arith.constant 640 : i32
    %mul3A_7 = arith.muli %arg1, %mul3A : i32
    %add3A = arith.constant 0 : i32
    %add3A_8 = arith.addi %mul3A_7, %add3A : i32
    "tpu.region"() ({
      %run_scoped3A = tpu.sem_alloc : memref<!tpu.dma_semaphore, #tpu.memory_space<semaphore_mem>>
      %dma_start3A_45 = arith.constant 0 : i32
      %dma_start3A_46 = tpu.memref_slice %arg12[%add3A_8, %dma_start3A_45] : memref<10240x64xf32, #tpu.memory_space<vmem_shared>> -> memref<128x64xf32, #tpu.memory_space<vmem_shared>>
      %dma_start3A_47 = arith.constant 0 : i32
      %dma_start3A_48 = tpu.memref_slice %arg12[%add3A_8, %dma_start3A_47] : memref<10240x64xf32, #tpu.memory_space<vmem_shared>> -> memref<128x64xf32, #tpu.memory_space<vmem_shared>>
      tpu.enqueue_dma source(%arg10 : memref<128x64xf32, #tpu.memory_space<vmem>>) target(%dma_start3A_48 : memref<128x64xf32, #tpu.memory_space<vmem_shared>>) target_semaphore(%run_scoped3A : memref<!tpu.dma_semaphore, #tpu.memory_space<semaphore_mem>>)
      %dma_wait3A_49 = arith.constant 0 : i32
      %dma_wait3A_50 = tpu.memref_slice %arg12[%add3A_8, %dma_wait3A_49] : memref<10240x64xf32, #tpu.memory_space<vmem_shared>> -> memref<128x64xf32, #tpu.memory_space<vmem_shared>>
      %dma_wait3A_51 = arith.constant 0 : i32
      %dma_wait3A_52 = tpu.memref_slice %arg12[%add3A_8, %dma_wait3A_51] : memref<10240x64xf32, #tpu.memory_space<vmem_shared>> -> memref<128x64xf32, #tpu.memory_space<vmem_shared>>
      tpu.wait_dma2 semaphore(%run_scoped3A : memref<!tpu.dma_semaphore, #tpu.memory_space<semaphore_mem>>) src(%arg10 : memref<128x64xf32, #tpu.memory_space<vmem>>) dst(%dma_wait3A_52 : memref<128x64xf32, #tpu.memory_space<vmem_shared>>)
      tpu.yield
    }) : () -> ()
    %add3A_9 = arith.constant 128 : i32
    %add3A_10 = arith.addi %mul3A_7, %add3A_9 : i32
    "tpu.region"() ({
      %run_scoped3A = tpu.sem_alloc : memref<!tpu.dma_semaphore, #tpu.memory_space<semaphore_mem>>
      %dma_start3A_45 = arith.constant 0 : i32
      %dma_start3A_46 = tpu.memref_slice %arg12[%add3A_10, %dma_start3A_45] : memref<10240x64xf32, #tpu.memory_space<vmem_shared>> -> memref<128x64xf32, #tpu.memory_space<vmem_shared>>
      %dma_start3A_47 = arith.constant 0 : i32
      %dma_start3A_48 = tpu.memref_slice %arg12[%add3A_10, %dma_start3A_47] : memref<10240x64xf32, #tpu.memory_space<vmem_shared>> -> memref<128x64xf32, #tpu.memory_space<vmem_shared>>
      tpu.enqueue_dma source(%arg10 : memref<128x64xf32, #tpu.memory_space<vmem>>) target(%dma_start3A_48 : memref<128x64xf32, #tpu.memory_space<vmem_shared>>) target_semaphore(%run_scoped3A : memref<!tpu.dma_semaphore, #tpu.memory_space<semaphore_mem>>)
      %dma_wait3A_49 = arith.constant 0 : i32
      %dma_wait3A_50 = tpu.memref_slice %arg12[%add3A_10, %dma_wait3A_49] : memref<10240x64xf32, #tpu.memory_space<vmem_shared>> -> memref<128x64xf32, #tpu.memory_space<vmem_shared>>
      %dma_wait3A_51 = arith.constant 0 : i32
      %dma_wait3A_52 = tpu.memref_slice %arg12[%add3A_10, %dma_wait3A_51] : memref<10240x64xf32, #tpu.memory_space<vmem_shared>> -> memref<128x64xf32, #tpu.memory_space<vmem_shared>>
      tpu.wait_dma2 semaphore(%run_scoped3A : memref<!tpu.dma_semaphore, #tpu.memory_space<semaphore_mem>>) src(%arg10 : memref<128x64xf32, #tpu.memory_space<vmem>>) dst(%dma_wait3A_52 : memref<128x64xf32, #tpu.memory_space<vmem_shared>>)
      tpu.yield
    }) : () -> ()
    %add3A_11 = arith.constant 256 : i32
    %add3A_12 = arith.addi %mul3A_7, %add3A_11 : i32
    "tpu.region"() ({
      %run_scoped3A = tpu.sem_alloc : memref<!tpu.dma_semaphore, #tpu.memory_space<semaphore_mem>>
      %dma_start3A_45 = arith.constant 0 : i32
      %dma_start3A_46 = tpu.memref_slice %arg12[%add3A_12, %dma_start3A_45] : memref<10240x64xf32, #tpu.memory_space<vmem_shared>> -> memref<128x64xf32, #tpu.memory_space<vmem_shared>>
      %dma_start3A_47 = arith.constant 0 : i32
      %dma_start3A_48 = tpu.memref_slice %arg12[%add3A_12, %dma_start3A_47] : memref<10240x64xf32, #tpu.memory_space<vmem_shared>> -> memref<128x64xf32, #tpu.memory_space<vmem_shared>>
      tpu.enqueue_dma source(%arg10 : memref<128x64xf32, #tpu.memory_space<vmem>>) target(%dma_start3A_48 : memref<128x64xf32, #tpu.memory_space<vmem_shared>>) target_semaphore(%run_scoped3A : memref<!tpu.dma_semaphore, #tpu.memory_space<semaphore_mem>>)
      %dma_wait3A_49 = arith.constant 0 : i32
      %dma_wait3A_50 = tpu.memref_slice %arg12[%add3A_12, %dma_wait3A_49] : memref<10240x64xf32, #tpu.memory_space<vmem_shared>> -> memref<128x64xf32, #tpu.memory_space<vmem_shared>>
      %dma_wait3A_51 = arith.constant 0 : i32
      %dma_wait3A_52 = tpu.memref_slice %arg12[%add3A_12, %dma_wait3A_51] : memref<10240x64xf32, #tpu.memory_space<vmem_shared>> -> memref<128x64xf32, #tpu.memory_space<vmem_shared>>
      tpu.wait_dma2 semaphore(%run_scoped3A : memref<!tpu.dma_semaphore, #tpu.memory_space<semaphore_mem>>) src(%arg10 : memref<128x64xf32, #tpu.memory_space<vmem>>) dst(%dma_wait3A_52 : memref<128x64xf32, #tpu.memory_space<vmem_shared>>)
      tpu.yield
    }) : () -> ()
    %add3A_13 = arith.constant 384 : i32
    %add3A_14 = arith.addi %mul3A_7, %add3A_13 : i32
    "tpu.region"() ({
      %run_scoped3A = tpu.sem_alloc : memref<!tpu.dma_semaphore, #tpu.memory_space<semaphore_mem>>
      %dma_start3A_45 = arith.constant 0 : i32
      %dma_start3A_46 = tpu.memref_slice %arg12[%add3A_14, %dma_start3A_45] : memref<10240x64xf32, #tpu.memory_space<vmem_shared>> -> memref<128x64xf32, #tpu.memory_space<vmem_shared>>
      %dma_start3A_47 = arith.constant 0 : i32
      %dma_start3A_48 = tpu.memref_slice %arg12[%add3A_14, %dma_start3A_47] : memref<10240x64xf32, #tpu.memory_space<vmem_shared>> -> memref<128x64xf32, #tpu.memory_space<vmem_shared>>
      tpu.enqueue_dma source(%arg10 : memref<128x64xf32, #tpu.memory_space<vmem>>) target(%dma_start3A_48 : memref<128x64xf32, #tpu.memory_space<vmem_shared>>) target_semaphore(%run_scoped3A : memref<!tpu.dma_semaphore, #tpu.memory_space<semaphore_mem>>)
      %dma_wait3A_49 = arith.constant 0 : i32
      %dma_wait3A_50 = tpu.memref_slice %arg12[%add3A_14, %dma_wait3A_49] : memref<10240x64xf32, #tpu.memory_space<vmem_shared>> -> memref<128x64xf32, #tpu.memory_space<vmem_shared>>
      %dma_wait3A_51 = arith.constant 0 : i32
      %dma_wait3A_52 = tpu.memref_slice %arg12[%add3A_14, %dma_wait3A_51] : memref<10240x64xf32, #tpu.memory_space<vmem_shared>> -> memref<128x64xf32, #tpu.memory_space<vmem_shared>>
      tpu.wait_dma2 semaphore(%run_scoped3A : memref<!tpu.dma_semaphore, #tpu.memory_space<semaphore_mem>>) src(%arg10 : memref<128x64xf32, #tpu.memory_space<vmem>>) dst(%dma_wait3A_52 : memref<128x64xf32, #tpu.memory_space<vmem_shared>>)
      tpu.yield
    }) : () -> ()
    %add3A_15 = arith.constant 512 : i32
    %add3A_16 = arith.addi %mul3A_7, %add3A_15 : i32
    "tpu.region"() ({
      %run_scoped3A = tpu.sem_alloc : memref<!tpu.dma_semaphore, #tpu.memory_space<semaphore_mem>>
      %dma_start3A_45 = arith.constant 0 : i32
      %dma_start3A_46 = tpu.memref_slice %arg12[%add3A_16, %dma_start3A_45] : memref<10240x64xf32, #tpu.memory_space<vmem_shared>> -> memref<128x64xf32, #tpu.memory_space<vmem_shared>>
      %dma_start3A_47 = arith.constant 0 : i32
      %dma_start3A_48 = tpu.memref_slice %arg12[%add3A_16, %dma_start3A_47] : memref<10240x64xf32, #tpu.memory_space<vmem_shared>> -> memref<128x64xf32, #tpu.memory_space<vmem_shared>>
      tpu.enqueue_dma source(%arg10 : memref<128x64xf32, #tpu.memory_space<vmem>>) target(%dma_start3A_48 : memref<128x64xf32, #tpu.memory_space<vmem_shared>>) target_semaphore(%run_scoped3A : memref<!tpu.dma_semaphore, #tpu.memory_space<semaphore_mem>>)
      %dma_wait3A_49 = arith.constant 0 : i32
      %dma_wait3A_50 = tpu.memref_slice %arg12[%add3A_16, %dma_wait3A_49] : memref<10240x64xf32, #tpu.memory_space<vmem_shared>> -> memref<128x64xf32, #tpu.memory_space<vmem_shared>>
      %dma_wait3A_51 = arith.constant 0 : i32
      %dma_wait3A_52 = tpu.memref_slice %arg12[%add3A_16, %dma_wait3A_51] : memref<10240x64xf32, #tpu.memory_space<vmem_shared>> -> memref<128x64xf32, #tpu.memory_space<vmem_shared>>
      tpu.wait_dma2 semaphore(%run_scoped3A : memref<!tpu.dma_semaphore, #tpu.memory_space<semaphore_mem>>) src(%arg10 : memref<128x64xf32, #tpu.memory_space<vmem>>) dst(%dma_wait3A_52 : memref<128x64xf32, #tpu.memory_space<vmem_shared>>)
      tpu.yield
    }) : () -> ()
    %barrier3A = arith.constant 0 : index
    tpu.barrier barrier_id(%barrier3A)
    %dma_start3A = arith.constant 0 : i32
    %dma_start3A_17 = arith.constant 0 : i32
    %dma_start3A_18 = tpu.memref_slice %arg7[%dma_start3A, %dma_start3A_17] : memref<160x128xi32, #tpu.memory_space<vmem>> -> memref<1x128xi32, #tpu.memory_space<vmem>>
    %dma_start3A_19 = tpu.memref_squeeze %dma_start3A_18 : memref<1x128xi32, #tpu.memory_space<vmem>> -> memref<128xi32, #tpu.memory_space<vmem>>
    %dma_start3A_20 = arith.constant 0 : i32
    %dma_start3A_21 = arith.constant 0 : i32
    %dma_start3A_22 = tpu.memref_slice %arg2[%arg0, %dma_start3A_20, %dma_start3A_21] : memref<2x10240x64xf32, #tpu.memory_space<hbm>> -> memref<1x10240x64xf32, #tpu.memory_space<hbm>>
    %dma_start3A_23 = tpu.memref_squeeze %dma_start3A_22 : memref<1x10240x64xf32, #tpu.memory_space<hbm>> -> memref<10240x64xf32, #tpu.memory_space<hbm>>
    %dma_start3A_24 = arith.constant 0 : i32
    %dma_start3A_25 = arith.constant 0 : i32
    %dma_start3A_26 = tpu.memref_slice %dma_start3A_23[%dma_start3A_24, %dma_start3A_25] : memref<10240x64xf32, #tpu.memory_space<hbm>> -> memref<10240x64xf32, #tpu.memory_space<hbm>>
    tpu.enqueue_indirect_dma source(%dma_start3A_26 : memref<10240x64xf32, #tpu.memory_space<hbm>>) target(%arg10 : memref<128x64xf32, #tpu.memory_space<vmem>>) offsets(%dma_start3A_19 : memref<128xi32, #tpu.memory_space<vmem>>) semaphore(%arg13 : memref<!tpu.dma_semaphore, #tpu.memory_space<semaphore_mem>>)
    %scan3A_27 = arith.constant 0 : i32
    %scan3A_28 = arith.constant 0 : i32
    %scan3A_29 = arith.constant 80 : i32
    %scan3A_30 = arith.addi %scan3A_28, %scan3A_29 : i32
    %scan3A_31 = arith.constant 1 : i32
    %scan3A_32 = scf.for %scan3A_45 = %scan3A_28 to %scan3A_30 step %scan3A_31 iter_args(%scan3A_46 = %scan3A_27) -> (i32)  : i32 {
      %mul3A_47 = arith.constant 2 : i32
      %mul3A_48 = arith.muli %mul3A_47, %scan3A_45 : i32
      %add3A_49 = arith.constant 1 : i32
      %add3A_50 = arith.addi %mul3A_48, %add3A_49 : i32
      %dma_start3A_51 = arith.constant 0 : i32
      %dma_start3A_52 = tpu.memref_slice %arg7[%add3A_50, %dma_start3A_51] : memref<160x128xi32, #tpu.memory_space<vmem>> -> memref<1x128xi32, #tpu.memory_space<vmem>>
      %dma_start3A_53 = tpu.memref_squeeze %dma_start3A_52 : memref<1x128xi32, #tpu.memory_space<vmem>> -> memref<128xi32, #tpu.memory_space<vmem>>
      %dma_start3A_54 = arith.constant 0 : i32
      %dma_start3A_55 = arith.constant 0 : i32
      %dma_start3A_56 = tpu.memref_slice %arg2[%arg0, %dma_start3A_54, %dma_start3A_55] : memref<2x10240x64xf32, #tpu.memory_space<hbm>> -> memref<1x10240x64xf32, #tpu.memory_space<hbm>>
      %dma_start3A_57 = tpu.memref_squeeze %dma_start3A_56 : memref<1x10240x64xf32, #tpu.memory_space<hbm>> -> memref<10240x64xf32, #tpu.memory_space<hbm>>
      %dma_start3A_58 = arith.constant 0 : i32
      %dma_start3A_59 = arith.constant 0 : i32
      %dma_start3A_60 = tpu.memref_slice %dma_start3A_57[%dma_start3A_58, %dma_start3A_59] : memref<10240x64xf32, #tpu.memory_space<hbm>> -> memref<10240x64xf32, #tpu.memory_space<hbm>>
      tpu.enqueue_indirect_dma source(%dma_start3A_60 : memref<10240x64xf32, #tpu.memory_space<hbm>>) target(%arg11 : memref<128x64xf32, #tpu.memory_space<vmem>>) offsets(%dma_start3A_53 : memref<128xi32, #tpu.memory_space<vmem>>) semaphore(%arg14 : memref<!tpu.dma_semaphore, #tpu.memory_space<semaphore_mem>>)
      %dma_wait3A_61 = arith.constant 0 : i32
      %dma_wait3A_62 = tpu.memref_slice %arg7[%mul3A_48, %dma_wait3A_61] : memref<160x128xi32, #tpu.memory_space<vmem>> -> memref<1x128xi32, #tpu.memory_space<vmem>>
      %dma_wait3A_63 = tpu.memref_squeeze %dma_wait3A_62 : memref<1x128xi32, #tpu.memory_space<vmem>> -> memref<128xi32, #tpu.memory_space<vmem>>
      %dma_wait3A_64 = arith.constant 0 : i32
      %dma_wait3A_65 = arith.constant 0 : i32
      %dma_wait3A_66 = tpu.memref_slice %arg2[%arg0, %dma_wait3A_64, %dma_wait3A_65] : memref<2x10240x64xf32, #tpu.memory_space<hbm>> -> memref<1x10240x64xf32, #tpu.memory_space<hbm>>
      %dma_wait3A_67 = tpu.memref_squeeze %dma_wait3A_66 : memref<1x10240x64xf32, #tpu.memory_space<hbm>> -> memref<10240x64xf32, #tpu.memory_space<hbm>>
      %dma_wait3A_68 = arith.constant 0 : i32
      %dma_wait3A_69 = arith.constant 0 : i32
      %dma_wait3A_70 = tpu.memref_slice %dma_wait3A_67[%dma_wait3A_68, %dma_wait3A_69] : memref<10240x64xf32, #tpu.memory_space<hbm>> -> memref<10240x64xf32, #tpu.memory_space<hbm>>
      tpu.wait_indirect_dma semaphore(%arg13 : memref<!tpu.dma_semaphore, #tpu.memory_space<semaphore_mem>>) src(%dma_wait3A_70 : memref<10240x64xf32, #tpu.memory_space<hbm>>) dst(%arg10 : memref<128x64xf32, #tpu.memory_space<vmem>>)
      %parallel_loop3A = arith.constant 0 : i32
      %parallel_loop3A_71 = arith.constant 128 : i32
      %parallel_loop3A_72 = arith.constant 1 : i32
      scf.for %parallel_loop3A_106 = %parallel_loop3A to %parallel_loop3A_71 step %parallel_loop3A_72  : i32 {
        %parallel_loop3A_107 = vector.broadcast %mul3A_48 : i32 to vector<16xi32>
        %parallel_loop3A_108 = vector.broadcast %parallel_loop3A_106 : i32 to vector<16xi32>
        %parallel_loop3A_109 = tpu.vector_load_idx %arg9[%parallel_loop3A_107, %parallel_loop3A_108] : memref<160x128xf32, #tpu.memory_space<vmem>>[vector<16xi32>, vector<16xi32>], vector<16xf32>,
        %parallel_loop3A_110 = arith.index_cast %parallel_loop3A_106 : i32 to index
        %parallel_loop3A_111 = arith.constant 0 : index
        %parallel_loop3A_112 = tpu.vector_load %arg10[%parallel_loop3A_110, %parallel_loop3A_111] {strides = array<i32>} : memref<128x64xf32, #tpu.memory_space<vmem>>, vector<16xf32>,
        %parallel_loop3A_113 = arith.mulf %parallel_loop3A_112, %parallel_loop3A_109 : vector<16xf32>
        %parallel_loop3A_114 = arith.index_cast %parallel_loop3A_106 : i32 to index
        %parallel_loop3A_115 = arith.constant 0 : index
        %parallel_loop3A_116 = tpu.vector_load %arg10[%parallel_loop3A_114, %parallel_loop3A_115] {strides = array<i32>} : memref<128x64xf32, #tpu.memory_space<vmem>>, vector<16xf32>,
        tpu.vector_store %arg10[%parallel_loop3A_114, %parallel_loop3A_115], %parallel_loop3A_113 {strides = array<i32>} : memref<128x64xf32, #tpu.memory_space<vmem>>, vector<16xf32>,
        %parallel_loop3A_117 = arith.index_cast %parallel_loop3A_106 : i32 to index
        %parallel_loop3A_118 = arith.constant 16 : index
        %parallel_loop3A_119 = tpu.vector_load %arg10[%parallel_loop3A_117, %parallel_loop3A_118] {strides = array<i32>} : memref<128x64xf32, #tpu.memory_space<vmem>>, vector<16xf32>,
        %parallel_loop3A_120 = arith.mulf %parallel_loop3A_119, %parallel_loop3A_109 : vector<16xf32>
        %parallel_loop3A_121 = arith.index_cast %parallel_loop3A_106 : i32 to index
        %parallel_loop3A_122 = arith.constant 16 : index
        %parallel_loop3A_123 = tpu.vector_load %arg10[%parallel_loop3A_121, %parallel_loop3A_122] {strides = array<i32>} : memref<128x64xf32, #tpu.memory_space<vmem>>, vector<16xf32>,
        tpu.vector_store %arg10[%parallel_loop3A_121, %parallel_loop3A_122], %parallel_loop3A_120 {strides = array<i32>} : memref<128x64xf32, #tpu.memory_space<vmem>>, vector<16xf32>,
        %parallel_loop3A_124 = arith.index_cast %parallel_loop3A_106 : i32 to index
        %parallel_loop3A_125 = arith.constant 32 : index
        %parallel_loop3A_126 = tpu.vector_load %arg10[%parallel_loop3A_124, %parallel_loop3A_125] {strides = array<i32>} : memref<128x64xf32, #tpu.memory_space<vmem>>, vector<16xf32>,
        %parallel_loop3A_127 = arith.mulf %parallel_loop3A_126, %parallel_loop3A_109 : vector<16xf32>
        %parallel_loop3A_128 = arith.index_cast %parallel_loop3A_106 : i32 to index
        %parallel_loop3A_129 = arith.constant 32 : index
        %parallel_loop3A_130 = tpu.vector_load %arg10[%parallel_loop3A_128, %parallel_loop3A_129] {strides = array<i32>} : memref<128x64xf32, #tpu.memory_space<vmem>>, vector<16xf32>,
        tpu.vector_store %arg10[%parallel_loop3A_128, %parallel_loop3A_129], %parallel_loop3A_127 {strides = array<i32>} : memref<128x64xf32, #tpu.memory_space<vmem>>, vector<16xf32>,
        %parallel_loop3A_131 = arith.index_cast %parallel_loop3A_106 : i32 to index
        %parallel_loop3A_132 = arith.constant 48 : index
        %parallel_loop3A_133 = tpu.vector_load %arg10[%parallel_loop3A_131, %parallel_loop3A_132] {strides = array<i32>} : memref<128x64xf32, #tpu.memory_space<vmem>>, vector<16xf32>,
        %parallel_loop3A_134 = arith.mulf %parallel_loop3A_133, %parallel_loop3A_109 : vector<16xf32>
        %parallel_loop3A_135 = arith.index_cast %parallel_loop3A_106 : i32 to index
        %parallel_loop3A_136 = arith.constant 48 : index
        %parallel_loop3A_137 = tpu.vector_load %arg10[%parallel_loop3A_135, %parallel_loop3A_136] {strides = array<i32>} : memref<128x64xf32, #tpu.memory_space<vmem>>, vector<16xf32>,
        tpu.vector_store %arg10[%parallel_loop3A_135, %parallel_loop3A_136], %parallel_loop3A_134 {strides = array<i32>} : memref<128x64xf32, #tpu.memory_space<vmem>>, vector<16xf32>,
      } {sc.loop_unroll_factor = 8 : i64, sc.parallel_access}
      "tpu.region"() ({
        %run_scoped3A = tpu.sem_alloc : memref<!tpu.dma_semaphore, #tpu.memory_space<semaphore_mem>>
        %dma_start3A_106 = arith.constant 0 : i32
        %dma_start3A_107 = tpu.memref_slice %arg8[%mul3A_48, %dma_start3A_106] : memref<160x128xi32, #tpu.memory_space<vmem>> -> memref<1x128xi32, #tpu.memory_space<vmem>>
        %dma_start3A_108 = tpu.memref_squeeze %dma_start3A_107 : memref<1x128xi32, #tpu.memory_space<vmem>> -> memref<128xi32, #tpu.memory_space<vmem>>
        %dma_start3A_109 = arith.constant 0 : i32
        %dma_start3A_110 = arith.constant 0 : i32
        %dma_start3A_111 = tpu.memref_slice %arg12[%dma_start3A_109, %dma_start3A_110] : memref<10240x64xf32, #tpu.memory_space<vmem_shared>> -> memref<10240x64xf32, #tpu.memory_space<vmem_shared>>
        tpu.enqueue_indirect_dma source(%arg10 : memref<128x64xf32, #tpu.memory_space<vmem>>) target(%dma_start3A_111 : memref<10240x64xf32, #tpu.memory_space<vmem_shared>>) offsets(%dma_start3A_108 : memref<128xi32, #tpu.memory_space<vmem>>) semaphore(%run_scoped3A : memref<!tpu.dma_semaphore, #tpu.memory_space<semaphore_mem>>) {add = true}
        %dma_wait3A_112 = arith.constant 0 : i32
        %dma_wait3A_113 = tpu.memref_slice %arg8[%mul3A_48, %dma_wait3A_112] : memref<160x128xi32, #tpu.memory_space<vmem>> -> memref<1x128xi32, #tpu.memory_space<vmem>>
        %dma_wait3A_114 = tpu.memref_squeeze %dma_wait3A_113 : memref<1x128xi32, #tpu.memory_space<vmem>> -> memref<128xi32, #tpu.memory_space<vmem>>
        %dma_wait3A_115 = arith.constant 0 : i32
        %dma_wait3A_116 = arith.constant 0 : i32
        %dma_wait3A_117 = tpu.memref_slice %arg12[%dma_wait3A_115, %dma_wait3A_116] : memref<10240x64xf32, #tpu.memory_space<vmem_shared>> -> memref<10240x64xf32, #tpu.memory_space<vmem_shared>>
        tpu.wait_indirect_dma semaphore(%run_scoped3A : memref<!tpu.dma_semaphore, #tpu.memory_space<semaphore_mem>>) src(%arg10 : memref<128x64xf32, #tpu.memory_space<vmem>>) dst(%dma_wait3A_117 : memref<10240x64xf32, #tpu.memory_space<vmem_shared>>)
        tpu.yield
      }) : () -> ()
      %add3A_73 = arith.constant 2 : i32
      %add3A_74 = arith.addi %mul3A_48, %add3A_73 : i32
      %min3A = arith.constant 159 : i32
      %min3A_75 = arith.minsi %add3A_74, %min3A : i32
      %dma_start3A_76 = arith.constant 0 : i32
      %dma_start3A_77 = tpu.memref_slice %arg7[%min3A_75, %dma_start3A_76] : memref<160x128xi32, #tpu.memory_space<vmem>> -> memref<1x128xi32, #tpu.memory_space<vmem>>
      %dma_start3A_78 = tpu.memref_squeeze %dma_start3A_77 : memref<1x128xi32, #tpu.memory_space<vmem>> -> memref<128xi32, #tpu.memory_space<vmem>>
      %dma_start3A_79 = arith.constant 0 : i32
      %dma_start3A_80 = arith.constant 0 : i32
      %dma_start3A_81 = tpu.memref_slice %arg2[%arg0, %dma_start3A_79, %dma_start3A_80] : memref<2x10240x64xf32, #tpu.memory_space<hbm>> -> memref<1x10240x64xf32, #tpu.memory_space<hbm>>
      %dma_start3A_82 = tpu.memref_squeeze %dma_start3A_81 : memref<1x10240x64xf32, #tpu.memory_space<hbm>> -> memref<10240x64xf32, #tpu.memory_space<hbm>>
      %dma_start3A_83 = arith.constant 0 : i32
      %dma_start3A_84 = arith.constant 0 : i32
      %dma_start3A_85 = tpu.memref_slice %dma_start3A_82[%dma_start3A_83, %dma_start3A_84] : memref<10240x64xf32, #tpu.memory_space<hbm>> -> memref<10240x64xf32, #tpu.memory_space<hbm>>
      tpu.enqueue_indirect_dma source(%dma_start3A_85 : memref<10240x64xf32, #tpu.memory_space<hbm>>) target(%arg10 : memref<128x64xf32, #tpu.memory_space<vmem>>) offsets(%dma_start3A_78 : memref<128xi32, #tpu.memory_space<vmem>>) semaphore(%arg13 : memref<!tpu.dma_semaphore, #tpu.memory_space<semaphore_mem>>)
      %add3A_86 = arith.constant 1 : i32
      %add3A_87 = arith.addi %mul3A_48, %add3A_86 : i32
      %dma_wait3A_88 = arith.constant 0 : i32
      %dma_wait3A_89 = tpu.memref_slice %arg7[%add3A_87, %dma_wait3A_88] : memref<160x128xi32, #tpu.memory_space<vmem>> -> memref<1x128xi32, #tpu.memory_space<vmem>>
      %dma_wait3A_90 = tpu.memref_squeeze %dma_wait3A_89 : memref<1x128xi32, #tpu.memory_space<vmem>> -> memref<128xi32, #tpu.memory_space<vmem>>
      %dma_wait3A_91 = arith.constant 0 : i32
      %dma_wait3A_92 = arith.constant 0 : i32
      %dma_wait3A_93 = tpu.memref_slice %arg2[%arg0, %dma_wait3A_91, %dma_wait3A_92] : memref<2x10240x64xf32, #tpu.memory_space<hbm>> -> memref<1x10240x64xf32, #tpu.memory_space<hbm>>
      %dma_wait3A_94 = tpu.memref_squeeze %dma_wait3A_93 : memref<1x10240x64xf32, #tpu.memory_space<hbm>> -> memref<10240x64xf32, #tpu.memory_space<hbm>>
      %dma_wait3A_95 = arith.constant 0 : i32
      %dma_wait3A_96 = arith.constant 0 : i32
      %dma_wait3A_97 = tpu.memref_slice %dma_wait3A_94[%dma_wait3A_95, %dma_wait3A_96] : memref<10240x64xf32, #tpu.memory_space<hbm>> -> memref<10240x64xf32, #tpu.memory_space<hbm>>
      tpu.wait_indirect_dma semaphore(%arg14 : memref<!tpu.dma_semaphore, #tpu.memory_space<semaphore_mem>>) src(%dma_wait3A_97 : memref<10240x64xf32, #tpu.memory_space<hbm>>) dst(%arg11 : memref<128x64xf32, #tpu.memory_space<vmem>>)
      %add3A_98 = arith.constant 1 : i32
      %add3A_99 = arith.addi %mul3A_48, %add3A_98 : i32
      %parallel_loop3A_100 = arith.constant 0 : i32
      %parallel_loop3A_101 = arith.constant 128 : i32
      %parallel_loop3A_102 = arith.constant 1 : i32
      scf.for %parallel_loop3A_106 = %parallel_loop3A_100 to %parallel_loop3A_101 step %parallel_loop3A_102  : i32 {
        %parallel_loop3A_107 = vector.broadcast %add3A_99 : i32 to vector<16xi32>
        %parallel_loop3A_108 = vector.broadcast %parallel_loop3A_106 : i32 to vector<16xi32>
        %parallel_loop3A_109 = tpu.vector_load_idx %arg9[%parallel_loop3A_107, %parallel_loop3A_108] : memref<160x128xf32, #tpu.memory_space<vmem>>[vector<16xi32>, vector<16xi32>], vector<16xf32>,
        %parallel_loop3A_110 = arith.index_cast %parallel_loop3A_106 : i32 to index
        %parallel_loop3A_111 = arith.constant 0 : index
        %parallel_loop3A_112 = tpu.vector_load %arg11[%parallel_loop3A_110, %parallel_loop3A_111] {strides = array<i32>} : memref<128x64xf32, #tpu.memory_space<vmem>>, vector<16xf32>,
        %parallel_loop3A_113 = arith.mulf %parallel_loop3A_112, %parallel_loop3A_109 : vector<16xf32>
        %parallel_loop3A_114 = arith.index_cast %parallel_loop3A_106 : i32 to index
        %parallel_loop3A_115 = arith.constant 0 : index
        %parallel_loop3A_116 = tpu.vector_load %arg11[%parallel_loop3A_114, %parallel_loop3A_115] {strides = array<i32>} : memref<128x64xf32, #tpu.memory_space<vmem>>, vector<16xf32>,
        tpu.vector_store %arg11[%parallel_loop3A_114, %parallel_loop3A_115], %parallel_loop3A_113 {strides = array<i32>} : memref<128x64xf32, #tpu.memory_space<vmem>>, vector<16xf32>,
        %parallel_loop3A_117 = arith.index_cast %parallel_loop3A_106 : i32 to index
        %parallel_loop3A_118 = arith.constant 16 : index
        %parallel_loop3A_119 = tpu.vector_load %arg11[%parallel_loop3A_117, %parallel_loop3A_118] {strides = array<i32>} : memref<128x64xf32, #tpu.memory_space<vmem>>, vector<16xf32>,
        %parallel_loop3A_120 = arith.mulf %parallel_loop3A_119, %parallel_loop3A_109 : vector<16xf32>
        %parallel_loop3A_121 = arith.index_cast %parallel_loop3A_106 : i32 to index
        %parallel_loop3A_122 = arith.constant 16 : index
        %parallel_loop3A_123 = tpu.vector_load %arg11[%parallel_loop3A_121, %parallel_loop3A_122] {strides = array<i32>} : memref<128x64xf32, #tpu.memory_space<vmem>>, vector<16xf32>,
        tpu.vector_store %arg11[%parallel_loop3A_121, %parallel_loop3A_122], %parallel_loop3A_120 {strides = array<i32>} : memref<128x64xf32, #tpu.memory_space<vmem>>, vector<16xf32>,
        %parallel_loop3A_124 = arith.index_cast %parallel_loop3A_106 : i32 to index
        %parallel_loop3A_125 = arith.constant 32 : index
        %parallel_loop3A_126 = tpu.vector_load %arg11[%parallel_loop3A_124, %parallel_loop3A_125] {strides = array<i32>} : memref<128x64xf32, #tpu.memory_space<vmem>>, vector<16xf32>,
        %parallel_loop3A_127 = arith.mulf %parallel_loop3A_126, %parallel_loop3A_109 : vector<16xf32>
        %parallel_loop3A_128 = arith.index_cast %parallel_loop3A_106 : i32 to index
        %parallel_loop3A_129 = arith.constant 32 : index
        %parallel_loop3A_130 = tpu.vector_load %arg11[%parallel_loop3A_128, %parallel_loop3A_129] {strides = array<i32>} : memref<128x64xf32, #tpu.memory_space<vmem>>, vector<16xf32>,
        tpu.vector_store %arg11[%parallel_loop3A_128, %parallel_loop3A_129], %parallel_loop3A_127 {strides = array<i32>} : memref<128x64xf32, #tpu.memory_space<vmem>>, vector<16xf32>,
        %parallel_loop3A_131 = arith.index_cast %parallel_loop3A_106 : i32 to index
        %parallel_loop3A_132 = arith.constant 48 : index
        %parallel_loop3A_133 = tpu.vector_load %arg11[%parallel_loop3A_131, %parallel_loop3A_132] {strides = array<i32>} : memref<128x64xf32, #tpu.memory_space<vmem>>, vector<16xf32>,
        %parallel_loop3A_134 = arith.mulf %parallel_loop3A_133, %parallel_loop3A_109 : vector<16xf32>
        %parallel_loop3A_135 = arith.index_cast %parallel_loop3A_106 : i32 to index
        %parallel_loop3A_136 = arith.constant 48 : index
        %parallel_loop3A_137 = tpu.vector_load %arg11[%parallel_loop3A_135, %parallel_loop3A_136] {strides = array<i32>} : memref<128x64xf32, #tpu.memory_space<vmem>>, vector<16xf32>,
        tpu.vector_store %arg11[%parallel_loop3A_135, %parallel_loop3A_136], %parallel_loop3A_134 {strides = array<i32>} : memref<128x64xf32, #tpu.memory_space<vmem>>, vector<16xf32>,
      } {sc.loop_unroll_factor = 8 : i64, sc.parallel_access}
      %add3A_103 = arith.constant 1 : i32
      %add3A_104 = arith.addi %mul3A_48, %add3A_103 : i32
      "tpu.region"() ({
        %run_scoped3A = tpu.sem_alloc : memref<!tpu.dma_semaphore, #tpu.memory_space<semaphore_mem>>
        %dma_start3A_106 = arith.constant 0 : i32
        %dma_start3A_107 = tpu.memref_slice %arg8[%add3A_104, %dma_start3A_106] : memref<160x128xi32, #tpu.memory_space<vmem>> -> memref<1x128xi32, #tpu.memory_space<vmem>>
        %dma_start3A_108 = tpu.memref_squeeze %dma_start3A_107 : memref<1x128xi32, #tpu.memory_space<vmem>> -> memref<128xi32, #tpu.memory_space<vmem>>
        %dma_start3A_109 = arith.constant 0 : i32
        %dma_start3A_110 = arith.constant 0 : i32
        %dma_start3A_111 = tpu.memref_slice %arg12[%dma_start3A_109, %dma_start3A_110] : memref<10240x64xf32, #tpu.memory_space<vmem_shared>> -> memref<10240x64xf32, #tpu.memory_space<vmem_shared>>
        tpu.enqueue_indirect_dma source(%arg11 : memref<128x64xf32, #tpu.memory_space<vmem>>) target(%dma_start3A_111 : memref<10240x64xf32, #tpu.memory_space<vmem_shared>>) offsets(%dma_start3A_108 : memref<128xi32, #tpu.memory_space<vmem>>) semaphore(%run_scoped3A : memref<!tpu.dma_semaphore, #tpu.memory_space<semaphore_mem>>) {add = true}
        %dma_wait3A_112 = arith.constant 0 : i32
        %dma_wait3A_113 = tpu.memref_slice %arg8[%add3A_104, %dma_wait3A_112] : memref<160x128xi32, #tpu.memory_space<vmem>> -> memref<1x128xi32, #tpu.memory_space<vmem>>
        %dma_wait3A_114 = tpu.memref_squeeze %dma_wait3A_113 : memref<1x128xi32, #tpu.memory_space<vmem>> -> memref<128xi32, #tpu.memory_space<vmem>>
        %dma_wait3A_115 = arith.constant 0 : i32
        %dma_wait3A_116 = arith.constant 0 : i32
        %dma_wait3A_117 = tpu.memref_slice %arg12[%dma_wait3A_115, %dma_wait3A_116] : memref<10240x64xf32, #tpu.memory_space<vmem_shared>> -> memref<10240x64xf32, #tpu.memory_space<vmem_shared>>
        tpu.wait_indirect_dma semaphore(%run_scoped3A : memref<!tpu.dma_semaphore, #tpu.memory_space<semaphore_mem>>) src(%arg11 : memref<128x64xf32, #tpu.memory_space<vmem>>) dst(%dma_wait3A_117 : memref<10240x64xf32, #tpu.memory_space<vmem_shared>>)
        tpu.yield
      }) : () -> ()
      %scan3A_105 = arith.constant 0 : i32
      scf.yield %scan3A_105 : i32
    }
    %scan3A_33 = arith.constant 80 : i32
    %dma_wait3A = arith.constant 159 : i32
    %dma_wait3A_34 = arith.constant 0 : i32
    %dma_wait3A_35 = tpu.memref_slice %arg7[%dma_wait3A, %dma_wait3A_34] : memref<160x128xi32, #tpu.memory_space<vmem>> -> memref<1x128xi32, #tpu.memory_space<vmem>>
    %dma_wait3A_36 = tpu.memref_squeeze %dma_wait3A_35 : memref<1x128xi32, #tpu.memory_space<vmem>> -> memref<128xi32, #tpu.memory_space<vmem>>
    %dma_wait3A_37 = arith.constant 0 : i32
    %dma_wait3A_38 = arith.constant 0 : i32
    %dma_wait3A_39 = tpu.memref_slice %arg2[%arg0, %dma_wait3A_37, %dma_wait3A_38] : memref<2x10240x64xf32, #tpu.memory_space<hbm>> -> memref<1x10240x64xf32, #tpu.memory_space<hbm>>
    %dma_wait3A_40 = tpu.memref_squeeze %dma_wait3A_39 : memref<1x10240x64xf32, #tpu.memory_space<hbm>> -> memref<10240x64xf32, #tpu.memory_space<hbm>>
    %dma_wait3A_41 = arith.constant 0 : i32
    %dma_wait3A_42 = arith.constant 0 : i32
    %dma_wait3A_43 = tpu.memref_slice %dma_wait3A_40[%dma_wait3A_41, %dma_wait3A_42] : memref<10240x64xf32, #tpu.memory_space<hbm>> -> memref<10240x64xf32, #tpu.memory_space<hbm>>
    tpu.wait_indirect_dma semaphore(%arg13 : memref<!tpu.dma_semaphore, #tpu.memory_space<semaphore_mem>>) src(%dma_wait3A_43 : memref<10240x64xf32, #tpu.memory_space<hbm>>) dst(%arg10 : memref<128x64xf32, #tpu.memory_space<vmem>>)
    %barrier3A_44 = arith.constant 0 : index
    tpu.barrier barrier_id(%barrier3A_44)
    "tpu.region"() ({
      %run_scoped3A = tpu.sem_alloc : memref<!tpu.dma_semaphore, #tpu.memory_space<semaphore_mem>>
      %dma_start3A_45 = arith.constant 0 : i32
      %dma_start3A_46 = tpu.memref_slice %arg6[%arg0, %mul3A_7, %dma_start3A_45] : memref<2x10240x64xf32, #tpu.memory_space<hbm>> -> memref<1x640x64xf32, #tpu.memory_space<hbm>>
      %dma_start3A_47 = tpu.memref_squeeze %dma_start3A_46 : memref<1x640x64xf32, #tpu.memory_space<hbm>> -> memref<640x64xf32, #tpu.memory_space<hbm>>
      %dma_start3A_48 = arith.constant 0 : i32
      %dma_start3A_49 = tpu.memref_slice %arg12[%mul3A_7, %dma_start3A_48] : memref<10240x64xf32, #tpu.memory_space<vmem_shared>> -> memref<640x64xf32, #tpu.memory_space<vmem_shared>>
      tpu.enqueue_dma source(%dma_start3A_49 : memref<640x64xf32, #tpu.memory_space<vmem_shared>>) target(%dma_start3A_47 : memref<640x64xf32, #tpu.memory_space<hbm>>) target_semaphore(%run_scoped3A : memref<!tpu.dma_semaphore, #tpu.memory_space<semaphore_mem>>)
      %dma_wait3A_50 = arith.constant 0 : i32
      %dma_wait3A_51 = tpu.memref_slice %arg6[%arg0, %mul3A_7, %dma_wait3A_50] : memref<2x10240x64xf32, #tpu.memory_space<hbm>> -> memref<1x640x64xf32, #tpu.memory_space<hbm>>
      %dma_wait3A_52 = tpu.memref_squeeze %dma_wait3A_51 : memref<1x640x64xf32, #tpu.memory_space<hbm>> -> memref<640x64xf32, #tpu.memory_space<hbm>>
      %dma_wait3A_53 = arith.constant 0 : i32
      %dma_wait3A_54 = tpu.memref_slice %arg12[%mul3A_7, %dma_wait3A_53] : memref<10240x64xf32, #tpu.memory_space<vmem_shared>> -> memref<640x64xf32, #tpu.memory_space<vmem_shared>>
      tpu.wait_dma2 semaphore(%run_scoped3A : memref<!tpu.dma_semaphore, #tpu.memory_space<semaphore_mem>>) src(%dma_wait3A_54 : memref<640x64xf32, #tpu.memory_space<vmem_shared>>) dst(%dma_wait3A_52 : memref<640x64xf32, #tpu.memory_space<hbm>>)
      tpu.yield
    }) : () -> ()
    return
  }
}

#map = affine_map<(d0, d1) -> (0, 0, 0)>
module attributes {stable_mosaic.version = 14 : i64} {
  func.func @sc_acc(%arg0: i32, %arg1: i32, %arg2: memref<2x10240x64xf32, #tpu.memory_space<hbm>>, %arg3: memref<16x160x128xi32, #tpu.memory_space<hbm>>, %arg4: memref<16x160x128xi32, #tpu.memory_space<hbm>>, %arg5: memref<16x160x128xf32, #tpu.memory_space<hbm>>, %arg6: memref<2x10240x64xf32, #tpu.memory_space<hbm>>, %arg7: memref<160x128xi32, #tpu.memory_space<vmem>>, %arg8: memref<160x128xi32, #tpu.memory_space<vmem>>, %arg9: memref<160x128xf32, #tpu.memory_space<vmem>>, %arg10: memref<128x64xf32, #tpu.memory_space<vmem>>, %arg11: memref<128x64xf32, #tpu.memory_space<vmem>>, %arg12: memref<10240x64xf32, #tpu.memory_space<vmem_shared>>, %arg13: memref<!tpu.dma_semaphore, #tpu.memory_space<semaphore_mem>>, %arg14: memref<!tpu.dma_semaphore, #tpu.memory_space<semaphore_mem>>) attributes {dimension_semantics = [#tpu.dimension_semantics<core_parallel>, #tpu.dimension_semantics<subcore_parallel>], iteration_bounds = array<i64: 2, 16>, scalar_prefetch = 0 : i64, scratch_operands = 8 : i64, tpu.core_type = #tpu.core_type<sc_vector_subcore>, window_params = [{transform_indices = #map}, {transform_indices = #map}, {transform_indices = #map}, {transform_indices = #map}, {transform_indices = #map}]} {
    "tpu.region"() ({
      %run_scoped3A = tpu.sem_alloc : memref<!tpu.dma_semaphore, #tpu.memory_space<semaphore_mem>>
      %dma_start3A_45 = arith.constant 0 : i32
      %dma_start3A_46 = arith.constant 0 : i32
      %dma_start3A_47 = tpu.memref_slice %arg3[%arg1, %dma_start3A_45, %dma_start3A_46] : memref<16x160x128xi32, #tpu.memory_space<hbm>> -> memref<1x160x128xi32, #tpu.memory_space<hbm>>
      %dma_start3A_48 = tpu.memref_squeeze %dma_start3A_47 : memref<1x160x128xi32, #tpu.memory_space<hbm>> -> memref<160x128xi32, #tpu.memory_space<hbm>>
      %dma_start3A_49 = arith.constant 0 : i32
      %dma_start3A_50 = arith.constant 0 : i32
      %dma_start3A_51 = tpu.memref_slice %arg3[%arg1, %dma_start3A_49, %dma_start3A_50] : memref<16x160x128xi32, #tpu.memory_space<hbm>> -> memref<1x160x128xi32, #tpu.memory_space<hbm>>
      %dma_start3A_52 = tpu.memref_squeeze %dma_start3A_51 : memref<1x160x128xi32, #tpu.memory_space<hbm>> -> memref<160x128xi32, #tpu.memory_space<hbm>>
      tpu.enqueue_dma source(%dma_start3A_52 : memref<160x128xi32, #tpu.memory_space<hbm>>) target(%arg7 : memref<160x128xi32, #tpu.memory_space<vmem>>) target_semaphore(%run_scoped3A : memref<!tpu.dma_semaphore, #tpu.memory_space<semaphore_mem>>)
      %dma_wait3A_53 = arith.constant 0 : i32
      %dma_wait3A_54 = arith.constant 0 : i32
      %dma_wait3A_55 = tpu.memref_slice %arg3[%arg1, %dma_wait3A_53, %dma_wait3A_54] : memref<16x160x128xi32, #tpu.memory_space<hbm>> -> memref<1x160x128xi32, #tpu.memory_space<hbm>>
      %dma_wait3A_56 = tpu.memref_squeeze %dma_wait3A_55 : memref<1x160x128xi32, #tpu.memory_space<hbm>> -> memref<160x128xi32, #tpu.memory_space<hbm>>
      %dma_wait3A_57 = arith.constant 0 : i32
      %dma_wait3A_58 = arith.constant 0 : i32
      %dma_wait3A_59 = tpu.memref_slice %arg3[%arg1, %dma_wait3A_57, %dma_wait3A_58] : memref<16x160x128xi32, #tpu.memory_space<hbm>> -> memref<1x160x128xi32, #tpu.memory_space<hbm>>
      %dma_wait3A_60 = tpu.memref_squeeze %dma_wait3A_59 : memref<1x160x128xi32, #tpu.memory_space<hbm>> -> memref<160x128xi32, #tpu.memory_space<hbm>>
      tpu.wait_dma2 semaphore(%run_scoped3A : memref<!tpu.dma_semaphore, #tpu.memory_space<semaphore_mem>>) src(%dma_wait3A_60 : memref<160x128xi32, #tpu.memory_space<hbm>>) dst(%arg7 : memref<160x128xi32, #tpu.memory_space<vmem>>)
      tpu.yield
    }) : () -> ()
    "tpu.region"() ({
      %run_scoped3A = tpu.sem_alloc : memref<!tpu.dma_semaphore, #tpu.memory_space<semaphore_mem>>
      %dma_start3A_45 = arith.constant 0 : i32
      %dma_start3A_46 = arith.constant 0 : i32
      %dma_start3A_47 = tpu.memref_slice %arg4[%arg1, %dma_start3A_45, %dma_start3A_46] : memref<16x160x128xi32, #tpu.memory_space<hbm>> -> memref<1x160x128xi32, #tpu.memory_space<hbm>>
      %dma_start3A_48 = tpu.memref_squeeze %dma_start3A_47 : memref<1x160x128xi32, #tpu.memory_space<hbm>> -> memref<160x128xi32, #tpu.memory_space<hbm>>
      %dma_start3A_49 = arith.constant 0 : i32
      %dma_start3A_50 = arith.constant 0 : i32
      %dma_start3A_51 = tpu.memref_slice %arg4[%arg1, %dma_start3A_49, %dma_start3A_50] : memref<16x160x128xi32, #tpu.memory_space<hbm>> -> memref<1x160x128xi32, #tpu.memory_space<hbm>>
      %dma_start3A_52 = tpu.memref_squeeze %dma_start3A_51 : memref<1x160x128xi32, #tpu.memory_space<hbm>> -> memref<160x128xi32, #tpu.memory_space<hbm>>
      tpu.enqueue_dma source(%dma_start3A_52 : memref<160x128xi32, #tpu.memory_space<hbm>>) target(%arg8 : memref<160x128xi32, #tpu.memory_space<vmem>>) target_semaphore(%run_scoped3A : memref<!tpu.dma_semaphore, #tpu.memory_space<semaphore_mem>>)
      %dma_wait3A_53 = arith.constant 0 : i32
      %dma_wait3A_54 = arith.constant 0 : i32
      %dma_wait3A_55 = tpu.memref_slice %arg4[%arg1, %dma_wait3A_53, %dma_wait3A_54] : memref<16x160x128xi32, #tpu.memory_space<hbm>> -> memref<1x160x128xi32, #tpu.memory_space<hbm>>
      %dma_wait3A_56 = tpu.memref_squeeze %dma_wait3A_55 : memref<1x160x128xi32, #tpu.memory_space<hbm>> -> memref<160x128xi32, #tpu.memory_space<hbm>>
      %dma_wait3A_57 = arith.constant 0 : i32
      %dma_wait3A_58 = arith.constant 0 : i32
      %dma_wait3A_59 = tpu.memref_slice %arg4[%arg1, %dma_wait3A_57, %dma_wait3A_58] : memref<16x160x128xi32, #tpu.memory_space<hbm>> -> memref<1x160x128xi32, #tpu.memory_space<hbm>>
      %dma_wait3A_60 = tpu.memref_squeeze %dma_wait3A_59 : memref<1x160x128xi32, #tpu.memory_space<hbm>> -> memref<160x128xi32, #tpu.memory_space<hbm>>
      tpu.wait_dma2 semaphore(%run_scoped3A : memref<!tpu.dma_semaphore, #tpu.memory_space<semaphore_mem>>) src(%dma_wait3A_60 : memref<160x128xi32, #tpu.memory_space<hbm>>) dst(%arg8 : memref<160x128xi32, #tpu.memory_space<vmem>>)
      tpu.yield
    }) : () -> ()
    "tpu.region"() ({
      %run_scoped3A = tpu.sem_alloc : memref<!tpu.dma_semaphore, #tpu.memory_space<semaphore_mem>>
      %dma_start3A_45 = arith.constant 0 : i32
      %dma_start3A_46 = arith.constant 0 : i32
      %dma_start3A_47 = tpu.memref_slice %arg5[%arg1, %dma_start3A_45, %dma_start3A_46] : memref<16x160x128xf32, #tpu.memory_space<hbm>> -> memref<1x160x128xf32, #tpu.memory_space<hbm>>
      %dma_start3A_48 = tpu.memref_squeeze %dma_start3A_47 : memref<1x160x128xf32, #tpu.memory_space<hbm>> -> memref<160x128xf32, #tpu.memory_space<hbm>>
      %dma_start3A_49 = arith.constant 0 : i32
      %dma_start3A_50 = arith.constant 0 : i32
      %dma_start3A_51 = tpu.memref_slice %arg5[%arg1, %dma_start3A_49, %dma_start3A_50] : memref<16x160x128xf32, #tpu.memory_space<hbm>> -> memref<1x160x128xf32, #tpu.memory_space<hbm>>
      %dma_start3A_52 = tpu.memref_squeeze %dma_start3A_51 : memref<1x160x128xf32, #tpu.memory_space<hbm>> -> memref<160x128xf32, #tpu.memory_space<hbm>>
      tpu.enqueue_dma source(%dma_start3A_52 : memref<160x128xf32, #tpu.memory_space<hbm>>) target(%arg9 : memref<160x128xf32, #tpu.memory_space<vmem>>) target_semaphore(%run_scoped3A : memref<!tpu.dma_semaphore, #tpu.memory_space<semaphore_mem>>)
      %dma_wait3A_53 = arith.constant 0 : i32
      %dma_wait3A_54 = arith.constant 0 : i32
      %dma_wait3A_55 = tpu.memref_slice %arg5[%arg1, %dma_wait3A_53, %dma_wait3A_54] : memref<16x160x128xf32, #tpu.memory_space<hbm>> -> memref<1x160x128xf32, #tpu.memory_space<hbm>>
      %dma_wait3A_56 = tpu.memref_squeeze %dma_wait3A_55 : memref<1x160x128xf32, #tpu.memory_space<hbm>> -> memref<160x128xf32, #tpu.memory_space<hbm>>
      %dma_wait3A_57 = arith.constant 0 : i32
      %dma_wait3A_58 = arith.constant 0 : i32
      %dma_wait3A_59 = tpu.memref_slice %arg5[%arg1, %dma_wait3A_57, %dma_wait3A_58] : memref<16x160x128xf32, #tpu.memory_space<hbm>> -> memref<1x160x128xf32, #tpu.memory_space<hbm>>
      %dma_wait3A_60 = tpu.memref_squeeze %dma_wait3A_59 : memref<1x160x128xf32, #tpu.memory_space<hbm>> -> memref<160x128xf32, #tpu.memory_space<hbm>>
      tpu.wait_dma2 semaphore(%run_scoped3A : memref<!tpu.dma_semaphore, #tpu.memory_space<semaphore_mem>>) src(%dma_wait3A_60 : memref<160x128xf32, #tpu.memory_space<hbm>>) dst(%arg9 : memref<160x128xf32, #tpu.memory_space<vmem>>)
      tpu.yield
    }) : () -> ()
    %broadcast_in_dim3A = arith.constant 0.000000e+00 : f32
    %broadcast_in_dim3A_0 = vector.broadcast %broadcast_in_dim3A : f32 to vector<16xf32>
    %scan3A = arith.constant 0 : i32
    %scan3A_1 = arith.constant 0 : i32
    %scan3A_2 = arith.constant 512 : i32
    %scan3A_3 = arith.addi %scan3A_1, %scan3A_2 : i32
    %scan3A_4 = arith.constant 1 : i32
    %scan3A_5 = scf.for %scan3A_45 = %scan3A_1 to %scan3A_3 step %scan3A_4 iter_args(%scan3A_46 = %scan3A) -> (i32)  : i32 {
      %jit3A = arith.constant 4 : i32
      %div3A = arith.divsi %scan3A_45, %jit3A : i32
      %sign3A = arith.constant 0 : i32
      %sign3A_47 = arith.cmpi sgt, %scan3A_45, %sign3A : i32
      %sign3A_48 = arith.extui %sign3A_47 : i1 to i32
      %sign3A_49 = arith.constant 0 : i32
      %sign3A_50 = arith.cmpi slt, %scan3A_45, %sign3A_49 : i32
      %sign3A_51 = arith.extui %sign3A_50 : i1 to i32
      %sign3A_52 = arith.subi %sign3A_48, %sign3A_51 : i32
      %sign3A_53 = arith.constant 0 : i32
      %sign3A_54 = arith.cmpi sgt, %jit3A, %sign3A_53 : i32
      %sign3A_55 = arith.extui %sign3A_54 : i1 to i32
      %sign3A_56 = arith.constant 0 : i32
      %sign3A_57 = arith.cmpi slt, %jit3A, %sign3A_56 : i32
      %sign3A_58 = arith.extui %sign3A_57 : i1 to i32
      %sign3A_59 = arith.subi %sign3A_55, %sign3A_58 : i32
      %ne3A = arith.cmpi ne, %sign3A_52, %sign3A_59 : i32
      %rem3A = arith.remsi %scan3A_45, %jit3A : i32
      %ne3A_60 = arith.constant 0 : i32
      %ne3A_61 = arith.cmpi ne, %rem3A, %ne3A_60 : i32
      %and3A = arith.andi %ne3A, %ne3A_61 : i1
      %sub3A = arith.constant 1 : i32
      %sub3A_62 = arith.subi %div3A, %sub3A : i32
      %select_n3A = arith.select %and3A, %sub3A_62, %div3A : i32
      %jit3A_63 = arith.constant 4 : i32
      %eq3A = arith.constant 0 : i32
      %eq3A_64 = arith.cmpi eq, %jit3A_63, %eq3A : i32
      %jit3A_65 = arith.constant 1 : i32
      %select_n3A_66 = arith.select %eq3A_64, %jit3A_65, %jit3A_63 : i32
      %rem3A_67 = arith.remsi %scan3A_45, %select_n3A_66 : i32
      %ne3A_68 = arith.constant 0 : i32
      %ne3A_69 = arith.cmpi ne, %rem3A_67, %ne3A_68 : i32
      %lt3A = arith.constant 0 : i32
      %lt3A_70 = arith.cmpi slt, %rem3A_67, %lt3A : i32
      %lt3A_71 = arith.constant 0 : i32
      %lt3A_72 = arith.cmpi slt, %select_n3A_66, %lt3A_71 : i32
      %ne3A_73 = arith.xori %lt3A_70, %lt3A_72 : i1
      %and3A_74 = arith.andi %ne3A_73, %ne3A_69 : i1
      %add3A_75 = arith.addi %rem3A_67, %select_n3A_66 : i32
      %select_n3A_76 = arith.select %and3A_74, %add3A_75, %rem3A_67 : i32
      %mul3A_77 = arith.constant 16 : i32
      %mul3A_78 = arith.muli %select_n3A_76, %mul3A_77 : i32
      %swap3A = arith.index_cast %select_n3A : i32 to index
      %swap3A_79 = arith.index_cast %mul3A_78 : i32 to index
      %swap3A_80 = tpu.vector_load %arg10[%swap3A, %swap3A_79] {strides = array<i32>} : memref<128x64xf32, #tpu.memory_space<vmem>>, vector<16xf32>,
      tpu.vector_store %arg10[%swap3A, %swap3A_79], %broadcast_in_dim3A_0 {strides = array<i32>} : memref<128x64xf32, #tpu.memory_space<vmem>>, vector<16xf32>,
      %scan3A_81 = arith.constant 0 : i32
      scf.yield %scan3A_81 : i32
    }
    %scan3A_6 = arith.constant 512 : i32
    %mul3A = arith.constant 640 : i32
    %mul3A_7 = arith.muli %arg1, %mul3A : i32
    %add3A = arith.constant 0 : i32
    %add3A_8 = arith.addi %mul3A_7, %add3A : i32
    "tpu.region"() ({
      %run_scoped3A = tpu.sem_alloc : memref<!tpu.dma_semaphore, #tpu.memory_space<semaphore_mem>>
      %dma_start3A_45 = arith.constant 0 : i32
      %dma_start3A_46 = tpu.memref_slice %arg12[%add3A_8, %dma_start3A_45] : memref<10240x64xf32, #tpu.memory_space<vmem_shared>> -> memref<128x64xf32, #tpu.memory_space<vmem_shared>>
      %dma_start3A_47 = arith.constant 0 : i32
      %dma_start3A_48 = tpu.memref_slice %arg12[%add3A_8, %dma_start3A_47] : memref<10240x64xf32, #tpu.memory_space<vmem_shared>> -> memref<128x64xf32, #tpu.memory_space<vmem_shared>>
      tpu.enqueue_dma source(%arg10 : memref<128x64xf32, #tpu.memory_space<vmem>>) target(%dma_start3A_48 : memref<128x64xf32, #tpu.memory_space<vmem_shared>>) target_semaphore(%run_scoped3A : memref<!tpu.dma_semaphore, #tpu.memory_space<semaphore_mem>>)
      %dma_wait3A_49 = arith.constant 0 : i32
      %dma_wait3A_50 = tpu.memref_slice %arg12[%add3A_8, %dma_wait3A_49] : memref<10240x64xf32, #tpu.memory_space<vmem_shared>> -> memref<128x64xf32, #tpu.memory_space<vmem_shared>>
      %dma_wait3A_51 = arith.constant 0 : i32
      %dma_wait3A_52 = tpu.memref_slice %arg12[%add3A_8, %dma_wait3A_51] : memref<10240x64xf32, #tpu.memory_space<vmem_shared>> -> memref<128x64xf32, #tpu.memory_space<vmem_shared>>
      tpu.wait_dma2 semaphore(%run_scoped3A : memref<!tpu.dma_semaphore, #tpu.memory_space<semaphore_mem>>) src(%arg10 : memref<128x64xf32, #tpu.memory_space<vmem>>) dst(%dma_wait3A_52 : memref<128x64xf32, #tpu.memory_space<vmem_shared>>)
      tpu.yield
    }) : () -> ()
    %add3A_9 = arith.constant 128 : i32
    %add3A_10 = arith.addi %mul3A_7, %add3A_9 : i32
    "tpu.region"() ({
      %run_scoped3A = tpu.sem_alloc : memref<!tpu.dma_semaphore, #tpu.memory_space<semaphore_mem>>
      %dma_start3A_45 = arith.constant 0 : i32
      %dma_start3A_46 = tpu.memref_slice %arg12[%add3A_10, %dma_start3A_45] : memref<10240x64xf32, #tpu.memory_space<vmem_shared>> -> memref<128x64xf32, #tpu.memory_space<vmem_shared>>
      %dma_start3A_47 = arith.constant 0 : i32
      %dma_start3A_48 = tpu.memref_slice %arg12[%add3A_10, %dma_start3A_47] : memref<10240x64xf32, #tpu.memory_space<vmem_shared>> -> memref<128x64xf32, #tpu.memory_space<vmem_shared>>
      tpu.enqueue_dma source(%arg10 : memref<128x64xf32, #tpu.memory_space<vmem>>) target(%dma_start3A_48 : memref<128x64xf32, #tpu.memory_space<vmem_shared>>) target_semaphore(%run_scoped3A : memref<!tpu.dma_semaphore, #tpu.memory_space<semaphore_mem>>)
      %dma_wait3A_49 = arith.constant 0 : i32
      %dma_wait3A_50 = tpu.memref_slice %arg12[%add3A_10, %dma_wait3A_49] : memref<10240x64xf32, #tpu.memory_space<vmem_shared>> -> memref<128x64xf32, #tpu.memory_space<vmem_shared>>
      %dma_wait3A_51 = arith.constant 0 : i32
      %dma_wait3A_52 = tpu.memref_slice %arg12[%add3A_10, %dma_wait3A_51] : memref<10240x64xf32, #tpu.memory_space<vmem_shared>> -> memref<128x64xf32, #tpu.memory_space<vmem_shared>>
      tpu.wait_dma2 semaphore(%run_scoped3A : memref<!tpu.dma_semaphore, #tpu.memory_space<semaphore_mem>>) src(%arg10 : memref<128x64xf32, #tpu.memory_space<vmem>>) dst(%dma_wait3A_52 : memref<128x64xf32, #tpu.memory_space<vmem_shared>>)
      tpu.yield
    }) : () -> ()
    %add3A_11 = arith.constant 256 : i32
    %add3A_12 = arith.addi %mul3A_7, %add3A_11 : i32
    "tpu.region"() ({
      %run_scoped3A = tpu.sem_alloc : memref<!tpu.dma_semaphore, #tpu.memory_space<semaphore_mem>>
      %dma_start3A_45 = arith.constant 0 : i32
      %dma_start3A_46 = tpu.memref_slice %arg12[%add3A_12, %dma_start3A_45] : memref<10240x64xf32, #tpu.memory_space<vmem_shared>> -> memref<128x64xf32, #tpu.memory_space<vmem_shared>>
      %dma_start3A_47 = arith.constant 0 : i32
      %dma_start3A_48 = tpu.memref_slice %arg12[%add3A_12, %dma_start3A_47] : memref<10240x64xf32, #tpu.memory_space<vmem_shared>> -> memref<128x64xf32, #tpu.memory_space<vmem_shared>>
      tpu.enqueue_dma source(%arg10 : memref<128x64xf32, #tpu.memory_space<vmem>>) target(%dma_start3A_48 : memref<128x64xf32, #tpu.memory_space<vmem_shared>>) target_semaphore(%run_scoped3A : memref<!tpu.dma_semaphore, #tpu.memory_space<semaphore_mem>>)
      %dma_wait3A_49 = arith.constant 0 : i32
      %dma_wait3A_50 = tpu.memref_slice %arg12[%add3A_12, %dma_wait3A_49] : memref<10240x64xf32, #tpu.memory_space<vmem_shared>> -> memref<128x64xf32, #tpu.memory_space<vmem_shared>>
      %dma_wait3A_51 = arith.constant 0 : i32
      %dma_wait3A_52 = tpu.memref_slice %arg12[%add3A_12, %dma_wait3A_51] : memref<10240x64xf32, #tpu.memory_space<vmem_shared>> -> memref<128x64xf32, #tpu.memory_space<vmem_shared>>
      tpu.wait_dma2 semaphore(%run_scoped3A : memref<!tpu.dma_semaphore, #tpu.memory_space<semaphore_mem>>) src(%arg10 : memref<128x64xf32, #tpu.memory_space<vmem>>) dst(%dma_wait3A_52 : memref<128x64xf32, #tpu.memory_space<vmem_shared>>)
      tpu.yield
    }) : () -> ()
    %add3A_13 = arith.constant 384 : i32
    %add3A_14 = arith.addi %mul3A_7, %add3A_13 : i32
    "tpu.region"() ({
      %run_scoped3A = tpu.sem_alloc : memref<!tpu.dma_semaphore, #tpu.memory_space<semaphore_mem>>
      %dma_start3A_45 = arith.constant 0 : i32
      %dma_start3A_46 = tpu.memref_slice %arg12[%add3A_14, %dma_start3A_45] : memref<10240x64xf32, #tpu.memory_space<vmem_shared>> -> memref<128x64xf32, #tpu.memory_space<vmem_shared>>
      %dma_start3A_47 = arith.constant 0 : i32
      %dma_start3A_48 = tpu.memref_slice %arg12[%add3A_14, %dma_start3A_47] : memref<10240x64xf32, #tpu.memory_space<vmem_shared>> -> memref<128x64xf32, #tpu.memory_space<vmem_shared>>
      tpu.enqueue_dma source(%arg10 : memref<128x64xf32, #tpu.memory_space<vmem>>) target(%dma_start3A_48 : memref<128x64xf32, #tpu.memory_space<vmem_shared>>) target_semaphore(%run_scoped3A : memref<!tpu.dma_semaphore, #tpu.memory_space<semaphore_mem>>)
      %dma_wait3A_49 = arith.constant 0 : i32
      %dma_wait3A_50 = tpu.memref_slice %arg12[%add3A_14, %dma_wait3A_49] : memref<10240x64xf32, #tpu.memory_space<vmem_shared>> -> memref<128x64xf32, #tpu.memory_space<vmem_shared>>
      %dma_wait3A_51 = arith.constant 0 : i32
      %dma_wait3A_52 = tpu.memref_slice %arg12[%add3A_14, %dma_wait3A_51] : memref<10240x64xf32, #tpu.memory_space<vmem_shared>> -> memref<128x64xf32, #tpu.memory_space<vmem_shared>>
      tpu.wait_dma2 semaphore(%run_scoped3A : memref<!tpu.dma_semaphore, #tpu.memory_space<semaphore_mem>>) src(%arg10 : memref<128x64xf32, #tpu.memory_space<vmem>>) dst(%dma_wait3A_52 : memref<128x64xf32, #tpu.memory_space<vmem_shared>>)
      tpu.yield
    }) : () -> ()
    %add3A_15 = arith.constant 512 : i32
    %add3A_16 = arith.addi %mul3A_7, %add3A_15 : i32
    "tpu.region"() ({
      %run_scoped3A = tpu.sem_alloc : memref<!tpu.dma_semaphore, #tpu.memory_space<semaphore_mem>>
      %dma_start3A_45 = arith.constant 0 : i32
      %dma_start3A_46 = tpu.memref_slice %arg12[%add3A_16, %dma_start3A_45] : memref<10240x64xf32, #tpu.memory_space<vmem_shared>> -> memref<128x64xf32, #tpu.memory_space<vmem_shared>>
      %dma_start3A_47 = arith.constant 0 : i32
      %dma_start3A_48 = tpu.memref_slice %arg12[%add3A_16, %dma_start3A_47] : memref<10240x64xf32, #tpu.memory_space<vmem_shared>> -> memref<128x64xf32, #tpu.memory_space<vmem_shared>>
      tpu.enqueue_dma source(%arg10 : memref<128x64xf32, #tpu.memory_space<vmem>>) target(%dma_start3A_48 : memref<128x64xf32, #tpu.memory_space<vmem_shared>>) target_semaphore(%run_scoped3A : memref<!tpu.dma_semaphore, #tpu.memory_space<semaphore_mem>>)
      %dma_wait3A_49 = arith.constant 0 : i32
      %dma_wait3A_50 = tpu.memref_slice %arg12[%add3A_16, %dma_wait3A_49] : memref<10240x64xf32, #tpu.memory_space<vmem_shared>> -> memref<128x64xf32, #tpu.memory_space<vmem_shared>>
      %dma_wait3A_51 = arith.constant 0 : i32
      %dma_wait3A_52 = tpu.memref_slice %arg12[%add3A_16, %dma_wait3A_51] : memref<10240x64xf32, #tpu.memory_space<vmem_shared>> -> memref<128x64xf32, #tpu.memory_space<vmem_shared>>
      tpu.wait_dma2 semaphore(%run_scoped3A : memref<!tpu.dma_semaphore, #tpu.memory_space<semaphore_mem>>) src(%arg10 : memref<128x64xf32, #tpu.memory_space<vmem>>) dst(%dma_wait3A_52 : memref<128x64xf32, #tpu.memory_space<vmem_shared>>)
      tpu.yield
    }) : () -> ()
    %barrier3A = arith.constant 0 : index
    tpu.barrier barrier_id(%barrier3A)
    %dma_start3A = arith.constant 0 : i32
    %dma_start3A_17 = arith.constant 0 : i32
    %dma_start3A_18 = tpu.memref_slice %arg7[%dma_start3A, %dma_start3A_17] : memref<160x128xi32, #tpu.memory_space<vmem>> -> memref<1x128xi32, #tpu.memory_space<vmem>>
    %dma_start3A_19 = tpu.memref_squeeze %dma_start3A_18 : memref<1x128xi32, #tpu.memory_space<vmem>> -> memref<128xi32, #tpu.memory_space<vmem>>
    %dma_start3A_20 = arith.constant 0 : i32
    %dma_start3A_21 = arith.constant 0 : i32
    %dma_start3A_22 = tpu.memref_slice %arg2[%arg0, %dma_start3A_20, %dma_start3A_21] : memref<2x10240x64xf32, #tpu.memory_space<hbm>> -> memref<1x10240x64xf32, #tpu.memory_space<hbm>>
    %dma_start3A_23 = tpu.memref_squeeze %dma_start3A_22 : memref<1x10240x64xf32, #tpu.memory_space<hbm>> -> memref<10240x64xf32, #tpu.memory_space<hbm>>
    %dma_start3A_24 = arith.constant 0 : i32
    %dma_start3A_25 = arith.constant 0 : i32
    %dma_start3A_26 = tpu.memref_slice %dma_start3A_23[%dma_start3A_24, %dma_start3A_25] : memref<10240x64xf32, #tpu.memory_space<hbm>> -> memref<10240x64xf32, #tpu.memory_space<hbm>>
    tpu.enqueue_indirect_dma source(%dma_start3A_26 : memref<10240x64xf32, #tpu.memory_space<hbm>>) target(%arg10 : memref<128x64xf32, #tpu.memory_space<vmem>>) offsets(%dma_start3A_19 : memref<128xi32, #tpu.memory_space<vmem>>) semaphore(%arg13 : memref<!tpu.dma_semaphore, #tpu.memory_space<semaphore_mem>>)
    %scan3A_27 = arith.constant 0 : i32
    %scan3A_28 = arith.constant 0 : i32
    %scan3A_29 = arith.constant 80 : i32
    %scan3A_30 = arith.addi %scan3A_28, %scan3A_29 : i32
    %scan3A_31 = arith.constant 1 : i32
    %scan3A_32 = scf.for %scan3A_45 = %scan3A_28 to %scan3A_30 step %scan3A_31 iter_args(%scan3A_46 = %scan3A_27) -> (i32)  : i32 {
      %mul3A_47 = arith.constant 2 : i32
      %mul3A_48 = arith.muli %mul3A_47, %scan3A_45 : i32
      %add3A_49 = arith.constant 1 : i32
      %add3A_50 = arith.addi %mul3A_48, %add3A_49 : i32
      %dma_start3A_51 = arith.constant 0 : i32
      %dma_start3A_52 = tpu.memref_slice %arg7[%add3A_50, %dma_start3A_51] : memref<160x128xi32, #tpu.memory_space<vmem>> -> memref<1x128xi32, #tpu.memory_space<vmem>>
      %dma_start3A_53 = tpu.memref_squeeze %dma_start3A_52 : memref<1x128xi32, #tpu.memory_space<vmem>> -> memref<128xi32, #tpu.memory_space<vmem>>
      %dma_start3A_54 = arith.constant 0 : i32
      %dma_start3A_55 = arith.constant 0 : i32
      %dma_start3A_56 = tpu.memref_slice %arg2[%arg0, %dma_start3A_54, %dma_start3A_55] : memref<2x10240x64xf32, #tpu.memory_space<hbm>> -> memref<1x10240x64xf32, #tpu.memory_space<hbm>>
      %dma_start3A_57 = tpu.memref_squeeze %dma_start3A_56 : memref<1x10240x64xf32, #tpu.memory_space<hbm>> -> memref<10240x64xf32, #tpu.memory_space<hbm>>
      %dma_start3A_58 = arith.constant 0 : i32
      %dma_start3A_59 = arith.constant 0 : i32
      %dma_start3A_60 = tpu.memref_slice %dma_start3A_57[%dma_start3A_58, %dma_start3A_59] : memref<10240x64xf32, #tpu.memory_space<hbm>> -> memref<10240x64xf32, #tpu.memory_space<hbm>>
      tpu.enqueue_indirect_dma source(%dma_start3A_60 : memref<10240x64xf32, #tpu.memory_space<hbm>>) target(%arg11 : memref<128x64xf32, #tpu.memory_space<vmem>>) offsets(%dma_start3A_53 : memref<128xi32, #tpu.memory_space<vmem>>) semaphore(%arg14 : memref<!tpu.dma_semaphore, #tpu.memory_space<semaphore_mem>>)
      %dma_wait3A_61 = arith.constant 0 : i32
      %dma_wait3A_62 = tpu.memref_slice %arg7[%mul3A_48, %dma_wait3A_61] : memref<160x128xi32, #tpu.memory_space<vmem>> -> memref<1x128xi32, #tpu.memory_space<vmem>>
      %dma_wait3A_63 = tpu.memref_squeeze %dma_wait3A_62 : memref<1x128xi32, #tpu.memory_space<vmem>> -> memref<128xi32, #tpu.memory_space<vmem>>
      %dma_wait3A_64 = arith.constant 0 : i32
      %dma_wait3A_65 = arith.constant 0 : i32
      %dma_wait3A_66 = tpu.memref_slice %arg2[%arg0, %dma_wait3A_64, %dma_wait3A_65] : memref<2x10240x64xf32, #tpu.memory_space<hbm>> -> memref<1x10240x64xf32, #tpu.memory_space<hbm>>
      %dma_wait3A_67 = tpu.memref_squeeze %dma_wait3A_66 : memref<1x10240x64xf32, #tpu.memory_space<hbm>> -> memref<10240x64xf32, #tpu.memory_space<hbm>>
      %dma_wait3A_68 = arith.constant 0 : i32
      %dma_wait3A_69 = arith.constant 0 : i32
      %dma_wait3A_70 = tpu.memref_slice %dma_wait3A_67[%dma_wait3A_68, %dma_wait3A_69] : memref<10240x64xf32, #tpu.memory_space<hbm>> -> memref<10240x64xf32, #tpu.memory_space<hbm>>
      tpu.wait_indirect_dma semaphore(%arg13 : memref<!tpu.dma_semaphore, #tpu.memory_space<semaphore_mem>>) src(%dma_wait3A_70 : memref<10240x64xf32, #tpu.memory_space<hbm>>) dst(%arg10 : memref<128x64xf32, #tpu.memory_space<vmem>>)
      %parallel_loop3A = arith.constant 0 : i32
      %parallel_loop3A_71 = arith.constant 128 : i32
      %parallel_loop3A_72 = arith.constant 1 : i32
      scf.for %parallel_loop3A_106 = %parallel_loop3A to %parallel_loop3A_71 step %parallel_loop3A_72  : i32 {
        %parallel_loop3A_107 = vector.broadcast %mul3A_48 : i32 to vector<16xi32>
        %parallel_loop3A_108 = vector.broadcast %parallel_loop3A_106 : i32 to vector<16xi32>
        %parallel_loop3A_109 = tpu.vector_load_idx %arg9[%parallel_loop3A_107, %parallel_loop3A_108] : memref<160x128xf32, #tpu.memory_space<vmem>>[vector<16xi32>, vector<16xi32>], vector<16xf32>,
        %parallel_loop3A_110 = arith.index_cast %parallel_loop3A_106 : i32 to index
        %parallel_loop3A_111 = arith.constant 0 : index
        %parallel_loop3A_112 = tpu.vector_load %arg10[%parallel_loop3A_110, %parallel_loop3A_111] {strides = array<i32>} : memref<128x64xf32, #tpu.memory_space<vmem>>, vector<16xf32>,
        %parallel_loop3A_113 = arith.mulf %parallel_loop3A_112, %parallel_loop3A_109 : vector<16xf32>
        %parallel_loop3A_114 = arith.index_cast %parallel_loop3A_106 : i32 to index
        %parallel_loop3A_115 = arith.constant 0 : index
        %parallel_loop3A_116 = tpu.vector_load %arg10[%parallel_loop3A_114, %parallel_loop3A_115] {strides = array<i32>} : memref<128x64xf32, #tpu.memory_space<vmem>>, vector<16xf32>,
        tpu.vector_store %arg10[%parallel_loop3A_114, %parallel_loop3A_115], %parallel_loop3A_113 {strides = array<i32>} : memref<128x64xf32, #tpu.memory_space<vmem>>, vector<16xf32>,
        %parallel_loop3A_117 = arith.index_cast %parallel_loop3A_106 : i32 to index
        %parallel_loop3A_118 = arith.constant 16 : index
        %parallel_loop3A_119 = tpu.vector_load %arg10[%parallel_loop3A_117, %parallel_loop3A_118] {strides = array<i32>} : memref<128x64xf32, #tpu.memory_space<vmem>>, vector<16xf32>,
        %parallel_loop3A_120 = arith.mulf %parallel_loop3A_119, %parallel_loop3A_109 : vector<16xf32>
        %parallel_loop3A_121 = arith.index_cast %parallel_loop3A_106 : i32 to index
        %parallel_loop3A_122 = arith.constant 16 : index
        %parallel_loop3A_123 = tpu.vector_load %arg10[%parallel_loop3A_121, %parallel_loop3A_122] {strides = array<i32>} : memref<128x64xf32, #tpu.memory_space<vmem>>, vector<16xf32>,
        tpu.vector_store %arg10[%parallel_loop3A_121, %parallel_loop3A_122], %parallel_loop3A_120 {strides = array<i32>} : memref<128x64xf32, #tpu.memory_space<vmem>>, vector<16xf32>,
        %parallel_loop3A_124 = arith.index_cast %parallel_loop3A_106 : i32 to index
        %parallel_loop3A_125 = arith.constant 32 : index
        %parallel_loop3A_126 = tpu.vector_load %arg10[%parallel_loop3A_124, %parallel_loop3A_125] {strides = array<i32>} : memref<128x64xf32, #tpu.memory_space<vmem>>, vector<16xf32>,
        %parallel_loop3A_127 = arith.mulf %parallel_loop3A_126, %parallel_loop3A_109 : vector<16xf32>
        %parallel_loop3A_128 = arith.index_cast %parallel_loop3A_106 : i32 to index
        %parallel_loop3A_129 = arith.constant 32 : index
        %parallel_loop3A_130 = tpu.vector_load %arg10[%parallel_loop3A_128, %parallel_loop3A_129] {strides = array<i32>} : memref<128x64xf32, #tpu.memory_space<vmem>>, vector<16xf32>,
        tpu.vector_store %arg10[%parallel_loop3A_128, %parallel_loop3A_129], %parallel_loop3A_127 {strides = array<i32>} : memref<128x64xf32, #tpu.memory_space<vmem>>, vector<16xf32>,
        %parallel_loop3A_131 = arith.index_cast %parallel_loop3A_106 : i32 to index
        %parallel_loop3A_132 = arith.constant 48 : index
        %parallel_loop3A_133 = tpu.vector_load %arg10[%parallel_loop3A_131, %parallel_loop3A_132] {strides = array<i32>} : memref<128x64xf32, #tpu.memory_space<vmem>>, vector<16xf32>,
        %parallel_loop3A_134 = arith.mulf %parallel_loop3A_133, %parallel_loop3A_109 : vector<16xf32>
        %parallel_loop3A_135 = arith.index_cast %parallel_loop3A_106 : i32 to index
        %parallel_loop3A_136 = arith.constant 48 : index
        %parallel_loop3A_137 = tpu.vector_load %arg10[%parallel_loop3A_135, %parallel_loop3A_136] {strides = array<i32>} : memref<128x64xf32, #tpu.memory_space<vmem>>, vector<16xf32>,
        tpu.vector_store %arg10[%parallel_loop3A_135, %parallel_loop3A_136], %parallel_loop3A_134 {strides = array<i32>} : memref<128x64xf32, #tpu.memory_space<vmem>>, vector<16xf32>,
      } {sc.loop_unroll_factor = 8 : i64, sc.parallel_access}
      "tpu.region"() ({
        %run_scoped3A = tpu.sem_alloc : memref<!tpu.dma_semaphore, #tpu.memory_space<semaphore_mem>>
        %dma_start3A_106 = arith.constant 0 : i32
        %dma_start3A_107 = tpu.memref_slice %arg8[%mul3A_48, %dma_start3A_106] : memref<160x128xi32, #tpu.memory_space<vmem>> -> memref<1x128xi32, #tpu.memory_space<vmem>>
        %dma_start3A_108 = tpu.memref_squeeze %dma_start3A_107 : memref<1x128xi32, #tpu.memory_space<vmem>> -> memref<128xi32, #tpu.memory_space<vmem>>
        %dma_start3A_109 = arith.constant 0 : i32
        %dma_start3A_110 = arith.constant 0 : i32
        %dma_start3A_111 = tpu.memref_slice %arg12[%dma_start3A_109, %dma_start3A_110] : memref<10240x64xf32, #tpu.memory_space<vmem_shared>> -> memref<10240x64xf32, #tpu.memory_space<vmem_shared>>
        tpu.enqueue_indirect_dma source(%arg10 : memref<128x64xf32, #tpu.memory_space<vmem>>) target(%dma_start3A_111 : memref<10240x64xf32, #tpu.memory_space<vmem_shared>>) offsets(%dma_start3A_108 : memref<128xi32, #tpu.memory_space<vmem>>) semaphore(%run_scoped3A : memref<!tpu.dma_semaphore, #tpu.memory_space<semaphore_mem>>) {add = true}
        %dma_wait3A_112 = arith.constant 0 : i32
        %dma_wait3A_113 = tpu.memref_slice %arg8[%mul3A_48, %dma_wait3A_112] : memref<160x128xi32, #tpu.memory_space<vmem>> -> memref<1x128xi32, #tpu.memory_space<vmem>>
        %dma_wait3A_114 = tpu.memref_squeeze %dma_wait3A_113 : memref<1x128xi32, #tpu.memory_space<vmem>> -> memref<128xi32, #tpu.memory_space<vmem>>
        %dma_wait3A_115 = arith.constant 0 : i32
        %dma_wait3A_116 = arith.constant 0 : i32
        %dma_wait3A_117 = tpu.memref_slice %arg12[%dma_wait3A_115, %dma_wait3A_116] : memref<10240x64xf32, #tpu.memory_space<vmem_shared>> -> memref<10240x64xf32, #tpu.memory_space<vmem_shared>>
        tpu.wait_indirect_dma semaphore(%run_scoped3A : memref<!tpu.dma_semaphore, #tpu.memory_space<semaphore_mem>>) src(%arg10 : memref<128x64xf32, #tpu.memory_space<vmem>>) dst(%dma_wait3A_117 : memref<10240x64xf32, #tpu.memory_space<vmem_shared>>)
        tpu.yield
      }) : () -> ()
      %add3A_73 = arith.constant 2 : i32
      %add3A_74 = arith.addi %mul3A_48, %add3A_73 : i32
      %min3A = arith.constant 159 : i32
      %min3A_75 = arith.minsi %add3A_74, %min3A : i32
      %dma_start3A_76 = arith.constant 0 : i32
      %dma_start3A_77 = tpu.memref_slice %arg7[%min3A_75, %dma_start3A_76] : memref<160x128xi32, #tpu.memory_space<vmem>> -> memref<1x128xi32, #tpu.memory_space<vmem>>
      %dma_start3A_78 = tpu.memref_squeeze %dma_start3A_77 : memref<1x128xi32, #tpu.memory_space<vmem>> -> memref<128xi32, #tpu.memory_space<vmem>>
      %dma_start3A_79 = arith.constant 0 : i32
      %dma_start3A_80 = arith.constant 0 : i32
      %dma_start3A_81 = tpu.memref_slice %arg2[%arg0, %dma_start3A_79, %dma_start3A_80] : memref<2x10240x64xf32, #tpu.memory_space<hbm>> -> memref<1x10240x64xf32, #tpu.memory_space<hbm>>
      %dma_start3A_82 = tpu.memref_squeeze %dma_start3A_81 : memref<1x10240x64xf32, #tpu.memory_space<hbm>> -> memref<10240x64xf32, #tpu.memory_space<hbm>>
      %dma_start3A_83 = arith.constant 0 : i32
      %dma_start3A_84 = arith.constant 0 : i32
      %dma_start3A_85 = tpu.memref_slice %dma_start3A_82[%dma_start3A_83, %dma_start3A_84] : memref<10240x64xf32, #tpu.memory_space<hbm>> -> memref<10240x64xf32, #tpu.memory_space<hbm>>
      tpu.enqueue_indirect_dma source(%dma_start3A_85 : memref<10240x64xf32, #tpu.memory_space<hbm>>) target(%arg10 : memref<128x64xf32, #tpu.memory_space<vmem>>) offsets(%dma_start3A_78 : memref<128xi32, #tpu.memory_space<vmem>>) semaphore(%arg13 : memref<!tpu.dma_semaphore, #tpu.memory_space<semaphore_mem>>)
      %add3A_86 = arith.constant 1 : i32
      %add3A_87 = arith.addi %mul3A_48, %add3A_86 : i32
      %dma_wait3A_88 = arith.constant 0 : i32
      %dma_wait3A_89 = tpu.memref_slice %arg7[%add3A_87, %dma_wait3A_88] : memref<160x128xi32, #tpu.memory_space<vmem>> -> memref<1x128xi32, #tpu.memory_space<vmem>>
      %dma_wait3A_90 = tpu.memref_squeeze %dma_wait3A_89 : memref<1x128xi32, #tpu.memory_space<vmem>> -> memref<128xi32, #tpu.memory_space<vmem>>
      %dma_wait3A_91 = arith.constant 0 : i32
      %dma_wait3A_92 = arith.constant 0 : i32
      %dma_wait3A_93 = tpu.memref_slice %arg2[%arg0, %dma_wait3A_91, %dma_wait3A_92] : memref<2x10240x64xf32, #tpu.memory_space<hbm>> -> memref<1x10240x64xf32, #tpu.memory_space<hbm>>
      %dma_wait3A_94 = tpu.memref_squeeze %dma_wait3A_93 : memref<1x10240x64xf32, #tpu.memory_space<hbm>> -> memref<10240x64xf32, #tpu.memory_space<hbm>>
      %dma_wait3A_95 = arith.constant 0 : i32
      %dma_wait3A_96 = arith.constant 0 : i32
      %dma_wait3A_97 = tpu.memref_slice %dma_wait3A_94[%dma_wait3A_95, %dma_wait3A_96] : memref<10240x64xf32, #tpu.memory_space<hbm>> -> memref<10240x64xf32, #tpu.memory_space<hbm>>
      tpu.wait_indirect_dma semaphore(%arg14 : memref<!tpu.dma_semaphore, #tpu.memory_space<semaphore_mem>>) src(%dma_wait3A_97 : memref<10240x64xf32, #tpu.memory_space<hbm>>) dst(%arg11 : memref<128x64xf32, #tpu.memory_space<vmem>>)
      %add3A_98 = arith.constant 1 : i32
      %add3A_99 = arith.addi %mul3A_48, %add3A_98 : i32
      %parallel_loop3A_100 = arith.constant 0 : i32
      %parallel_loop3A_101 = arith.constant 128 : i32
      %parallel_loop3A_102 = arith.constant 1 : i32
      scf.for %parallel_loop3A_106 = %parallel_loop3A_100 to %parallel_loop3A_101 step %parallel_loop3A_102  : i32 {
        %parallel_loop3A_107 = vector.broadcast %add3A_99 : i32 to vector<16xi32>
        %parallel_loop3A_108 = vector.broadcast %parallel_loop3A_106 : i32 to vector<16xi32>
        %parallel_loop3A_109 = tpu.vector_load_idx %arg9[%parallel_loop3A_107, %parallel_loop3A_108] : memref<160x128xf32, #tpu.memory_space<vmem>>[vector<16xi32>, vector<16xi32>], vector<16xf32>,
        %parallel_loop3A_110 = arith.index_cast %parallel_loop3A_106 : i32 to index
        %parallel_loop3A_111 = arith.constant 0 : index
        %parallel_loop3A_112 = tpu.vector_load %arg11[%parallel_loop3A_110, %parallel_loop3A_111] {strides = array<i32>} : memref<128x64xf32, #tpu.memory_space<vmem>>, vector<16xf32>,
        %parallel_loop3A_113 = arith.mulf %parallel_loop3A_112, %parallel_loop3A_109 : vector<16xf32>
        %parallel_loop3A_114 = arith.index_cast %parallel_loop3A_106 : i32 to index
        %parallel_loop3A_115 = arith.constant 0 : index
        %parallel_loop3A_116 = tpu.vector_load %arg11[%parallel_loop3A_114, %parallel_loop3A_115] {strides = array<i32>} : memref<128x64xf32, #tpu.memory_space<vmem>>, vector<16xf32>,
        tpu.vector_store %arg11[%parallel_loop3A_114, %parallel_loop3A_115], %parallel_loop3A_113 {strides = array<i32>} : memref<128x64xf32, #tpu.memory_space<vmem>>, vector<16xf32>,
        %parallel_loop3A_117 = arith.index_cast %parallel_loop3A_106 : i32 to index
        %parallel_loop3A_118 = arith.constant 16 : index
        %parallel_loop3A_119 = tpu.vector_load %arg11[%parallel_loop3A_117, %parallel_loop3A_118] {strides = array<i32>} : memref<128x64xf32, #tpu.memory_space<vmem>>, vector<16xf32>,
        %parallel_loop3A_120 = arith.mulf %parallel_loop3A_119, %parallel_loop3A_109 : vector<16xf32>
        %parallel_loop3A_121 = arith.index_cast %parallel_loop3A_106 : i32 to index
        %parallel_loop3A_122 = arith.constant 16 : index
        %parallel_loop3A_123 = tpu.vector_load %arg11[%parallel_loop3A_121, %parallel_loop3A_122] {strides = array<i32>} : memref<128x64xf32, #tpu.memory_space<vmem>>, vector<16xf32>,
        tpu.vector_store %arg11[%parallel_loop3A_121, %parallel_loop3A_122], %parallel_loop3A_120 {strides = array<i32>} : memref<128x64xf32, #tpu.memory_space<vmem>>, vector<16xf32>,
        %parallel_loop3A_124 = arith.index_cast %parallel_loop3A_106 : i32 to index
        %parallel_loop3A_125 = arith.constant 32 : index
        %parallel_loop3A_126 = tpu.vector_load %arg11[%parallel_loop3A_124, %parallel_loop3A_125] {strides = array<i32>} : memref<128x64xf32, #tpu.memory_space<vmem>>, vector<16xf32>,
        %parallel_loop3A_127 = arith.mulf %parallel_loop3A_126, %parallel_loop3A_109 : vector<16xf32>
        %parallel_loop3A_128 = arith.index_cast %parallel_loop3A_106 : i32 to index
        %parallel_loop3A_129 = arith.constant 32 : index
        %parallel_loop3A_130 = tpu.vector_load %arg11[%parallel_loop3A_128, %parallel_loop3A_129] {strides = array<i32>} : memref<128x64xf32, #tpu.memory_space<vmem>>, vector<16xf32>,
        tpu.vector_store %arg11[%parallel_loop3A_128, %parallel_loop3A_129], %parallel_loop3A_127 {strides = array<i32>} : memref<128x64xf32, #tpu.memory_space<vmem>>, vector<16xf32>,
        %parallel_loop3A_131 = arith.index_cast %parallel_loop3A_106 : i32 to index
        %parallel_loop3A_132 = arith.constant 48 : index
        %parallel_loop3A_133 = tpu.vector_load %arg11[%parallel_loop3A_131, %parallel_loop3A_132] {strides = array<i32>} : memref<128x64xf32, #tpu.memory_space<vmem>>, vector<16xf32>,
        %parallel_loop3A_134 = arith.mulf %parallel_loop3A_133, %parallel_loop3A_109 : vector<16xf32>
        %parallel_loop3A_135 = arith.index_cast %parallel_loop3A_106 : i32 to index
        %parallel_loop3A_136 = arith.constant 48 : index
        %parallel_loop3A_137 = tpu.vector_load %arg11[%parallel_loop3A_135, %parallel_loop3A_136] {strides = array<i32>} : memref<128x64xf32, #tpu.memory_space<vmem>>, vector<16xf32>,
        tpu.vector_store %arg11[%parallel_loop3A_135, %parallel_loop3A_136], %parallel_loop3A_134 {strides = array<i32>} : memref<128x64xf32, #tpu.memory_space<vmem>>, vector<16xf32>,
      } {sc.loop_unroll_factor = 8 : i64, sc.parallel_access}
      %add3A_103 = arith.constant 1 : i32
      %add3A_104 = arith.addi %mul3A_48, %add3A_103 : i32
      "tpu.region"() ({
        %run_scoped3A = tpu.sem_alloc : memref<!tpu.dma_semaphore, #tpu.memory_space<semaphore_mem>>
        %dma_start3A_106 = arith.constant 0 : i32
        %dma_start3A_107 = tpu.memref_slice %arg8[%add3A_104, %dma_start3A_106] : memref<160x128xi32, #tpu.memory_space<vmem>> -> memref<1x128xi32, #tpu.memory_space<vmem>>
        %dma_start3A_108 = tpu.memref_squeeze %dma_start3A_107 : memref<1x128xi32, #tpu.memory_space<vmem>> -> memref<128xi32, #tpu.memory_space<vmem>>
        %dma_start3A_109 = arith.constant 0 : i32
        %dma_start3A_110 = arith.constant 0 : i32
        %dma_start3A_111 = tpu.memref_slice %arg12[%dma_start3A_109, %dma_start3A_110] : memref<10240x64xf32, #tpu.memory_space<vmem_shared>> -> memref<10240x64xf32, #tpu.memory_space<vmem_shared>>
        tpu.enqueue_indirect_dma source(%arg11 : memref<128x64xf32, #tpu.memory_space<vmem>>) target(%dma_start3A_111 : memref<10240x64xf32, #tpu.memory_space<vmem_shared>>) offsets(%dma_start3A_108 : memref<128xi32, #tpu.memory_space<vmem>>) semaphore(%run_scoped3A : memref<!tpu.dma_semaphore, #tpu.memory_space<semaphore_mem>>) {add = true}
        %dma_wait3A_112 = arith.constant 0 : i32
        %dma_wait3A_113 = tpu.memref_slice %arg8[%add3A_104, %dma_wait3A_112] : memref<160x128xi32, #tpu.memory_space<vmem>> -> memref<1x128xi32, #tpu.memory_space<vmem>>
        %dma_wait3A_114 = tpu.memref_squeeze %dma_wait3A_113 : memref<1x128xi32, #tpu.memory_space<vmem>> -> memref<128xi32, #tpu.memory_space<vmem>>
        %dma_wait3A_115 = arith.constant 0 : i32
        %dma_wait3A_116 = arith.constant 0 : i32
        %dma_wait3A_117 = tpu.memref_slice %arg12[%dma_wait3A_115, %dma_wait3A_116] : memref<10240x64xf32, #tpu.memory_space<vmem_shared>> -> memref<10240x64xf32, #tpu.memory_space<vmem_shared>>
        tpu.wait_indirect_dma semaphore(%run_scoped3A : memref<!tpu.dma_semaphore, #tpu.memory_space<semaphore_mem>>) src(%arg11 : memref<128x64xf32, #tpu.memory_space<vmem>>) dst(%dma_wait3A_117 : memref<10240x64xf32, #tpu.memory_space<vmem_shared>>)
        tpu.yield
      }) : () -> ()
      %scan3A_105 = arith.constant 0 : i32
      scf.yield %scan3A_105 : i32
    }
    %scan3A_33 = arith.constant 80 : i32
    %dma_wait3A = arith.constant 159 : i32
    %dma_wait3A_34 = arith.constant 0 : i32
    %dma_wait3A_35 = tpu.memref_slice %arg7[%dma_wait3A, %dma_wait3A_34] : memref<160x128xi32, #tpu.memory_space<vmem>> -> memref<1x128xi32, #tpu.memory_space<vmem>>
    %dma_wait3A_36 = tpu.memref_squeeze %dma_wait3A_35 : memref<1x128xi32, #tpu.memory_space<vmem>> -> memref<128xi32, #tpu.memory_space<vmem>>
    %dma_wait3A_37 = arith.constant 0 : i32
    %dma_wait3A_38 = arith.constant 0 : i32
    %dma_wait3A_39 = tpu.memref_slice %arg2[%arg0, %dma_wait3A_37, %dma_wait3A_38] : memref<2x10240x64xf32, #tpu.memory_space<hbm>> -> memref<1x10240x64xf32, #tpu.memory_space<hbm>>
    %dma_wait3A_40 = tpu.memref_squeeze %dma_wait3A_39 : memref<1x10240x64xf32, #tpu.memory_space<hbm>> -> memref<10240x64xf32, #tpu.memory_space<hbm>>
    %dma_wait3A_41 = arith.constant 0 : i32
    %dma_wait3A_42 = arith.constant 0 : i32
    %dma_wait3A_43 = tpu.memref_slice %dma_wait3A_40[%dma_wait3A_41, %dma_wait3A_42] : memref<10240x64xf32, #tpu.memory_space<hbm>> -> memref<10240x64xf32, #tpu.memory_space<hbm>>
    tpu.wait_indirect_dma semaphore(%arg13 : memref<!tpu.dma_semaphore, #tpu.memory_space<semaphore_mem>>) src(%dma_wait3A_43 : memref<10240x64xf32, #tpu.memory_space<hbm>>) dst(%arg10 : memref<128x64xf32, #tpu.memory_space<vmem>>)
    %barrier3A_44 = arith.constant 0 : index
    tpu.barrier barrier_id(%barrier3A_44)
    "tpu.region"() ({
      %run_scoped3A = tpu.sem_alloc : memref<!tpu.dma_semaphore, #tpu.memory_space<semaphore_mem>>
      %dma_start3A_45 = arith.constant 0 : i32
      %dma_start3A_46 = tpu.memref_slice %arg6[%arg0, %mul3A_7, %dma_start3A_45] : memref<2x10240x64xf32, #tpu.memory_space<hbm>> -> memref<1x640x64xf32, #tpu.memory_space<hbm>>
      %dma_start3A_47 = tpu.memref_squeeze %dma_start3A_46 : memref<1x640x64xf32, #tpu.memory_space<hbm>> -> memref<640x64xf32, #tpu.memory_space<hbm>>
      %dma_start3A_48 = arith.constant 0 : i32
      %dma_start3A_49 = tpu.memref_slice %arg12[%mul3A_7, %dma_start3A_48] : memref<10240x64xf32, #tpu.memory_space<vmem_shared>> -> memref<640x64xf32, #tpu.memory_space<vmem_shared>>
      tpu.enqueue_dma source(%dma_start3A_49 : memref<640x64xf32, #tpu.memory_space<vmem_shared>>) target(%dma_start3A_47 : memref<640x64xf32, #tpu.memory_space<hbm>>) target_semaphore(%run_scoped3A : memref<!tpu.dma_semaphore, #tpu.memory_space<semaphore_mem>>)
      %dma_wait3A_50 = arith.constant 0 : i32
      %dma_wait3A_51 = tpu.memref_slice %arg6[%arg0, %mul3A_7, %dma_wait3A_50] : memref<2x10240x64xf32, #tpu.memory_space<hbm>> -> memref<1x640x64xf32, #tpu.memory_space<hbm>>
      %dma_wait3A_52 = tpu.memref_squeeze %dma_wait3A_51 : memref<1x640x64xf32, #tpu.memory_space<hbm>> -> memref<640x64xf32, #tpu.memory_space<hbm>>
      %dma_wait3A_53 = arith.constant 0 : i32
      %dma_wait3A_54 = tpu.memref_slice %arg12[%mul3A_7, %dma_wait3A_53] : memref<10240x64xf32, #tpu.memory_space<vmem_shared>> -> memref<640x64xf32, #tpu.memory_space<vmem_shared>>
      tpu.wait_dma2 semaphore(%run_scoped3A : memref<!tpu.dma_semaphore, #tpu.memory_space<semaphore_mem>>) src(%dma_wait3A_54 : memref<640x64xf32, #tpu.memory_space<vmem_shared>>) dst(%dma_wait3A_52 : memref<640x64xf32, #tpu.memory_space<hbm>>)
      tpu.yield
    }) : () -> ()
    return
  }
}

module attributes {stable_mosaic.version = 14 : i64} {
  func.func @_tc_first_body(%arg0: i32, %arg1: memref<256x128xf32, #tpu.memory_space<vmem>>, %arg2: memref<128x128xf32, #tpu.memory_space<vmem>>, %arg3: memref<256xf32, #tpu.memory_space<vmem>>, %arg4: memref<256xf32, #tpu.memory_space<vmem>>, %arg5: memref<2x256x64xf32, #tpu.memory_space<vmem>>, %arg6: memref<256xf32, #tpu.memory_space<vmem>>) attributes {dimension_semantics = [#tpu.dimension_semantics<arbitrary>], iteration_bounds = array<i64: 40>, scalar_prefetch = 0 : i64, scratch_operands = 0 : i64, tpu.core_type = #tpu.core_type<tc>, window_params = [{transform_indices = @transform_0, window_bounds = array<i64: 256, 128>}, {pipeline_mode = #tpu.pipeline_mode<synchronous>, transform_indices = @transform_1, window_bounds = array<i64: 128, 128>}, {transform_indices = @transform_2, window_bounds = array<i64: 256>}, {transform_indices = @transform_3, window_bounds = array<i64: 256>}, {transform_indices = @transform_4, window_bounds = array<i64: 2, 256, 64>}, {transform_indices = @transform_5, window_bounds = array<i64: 256>}]} {
    %get3A = arith.constant 0 : index
    %get3A_0 = vector.load %arg3[%get3A] : memref<256xf32, #tpu.memory_space<vmem>>, vector<256xf32>
    %get3A_1 = arith.constant 0 : index
    %get3A_2 = vector.load %arg4[%get3A_1] : memref<256xf32, #tpu.memory_space<vmem>>, vector<256xf32>
    %add3A = arith.addf %get3A_0, %get3A_2 : vector<256xf32>
    %add3A_3 = arith.constant 1.000000e+00 : f32
    %add3A_4 = vector.broadcast %add3A_3 : f32 to vector<256xf32>
    %add3A_5 = arith.addf %add3A, %add3A_4 : vector<256xf32>
    %rsqrt3A = math.rsqrt %add3A_5 : vector<256xf32>
    %get3A_6 = arith.constant 0 : index
    %get3A_7 = arith.constant 0 : index
    %get3A_8 = vector.load %arg1[%get3A_6, %get3A_7] : memref<256x128xf32, #tpu.memory_space<vmem>>, vector<256x128xf32>
    %get3A_9 = arith.constant 0 : index
    %get3A_10 = arith.constant 0 : index
    %get3A_11 = vector.load %arg2[%get3A_9, %get3A_10] : memref<128x128xf32, #tpu.memory_space<vmem>>, vector<128x128xf32>
    %dot_general3A = arith.constant dense<0.000000e+00> : vector<256x128xf32>
    %dot_general3A_12 = tpu.matmul %get3A_8, %get3A_11, %dot_general3A {dimension_numbers = #tpu.dot_dimension_numbers<[1], [0], [0], [1], [0, 0, 1, 1], [], []>, transpose_lhs_hint = false} : vector<256x128xf32>, vector<128x128xf32>, vector<256x128xf32> -> vector<256x128xf32>
    %broadcast_in_dim3A = vector.shape_cast %rsqrt3A : vector<256xf32> to vector<256x1xf32>
    %mul3A = vector.broadcast %broadcast_in_dim3A : vector<256x1xf32> to vector<256x128xf32>
    %mul3A_13 = arith.mulf %mul3A, %dot_general3A_12 : vector<256x128xf32>
    %slice3A = vector.extract_strided_slice %mul3A_13 {offsets = [0, 0], sizes = [256, 64], strides = [1, 1]} : vector<256x128xf32> to vector<256x64xf32>
    %slice3A_14 = vector.extract_strided_slice %mul3A_13 {offsets = [0, 64], sizes = [256, 64], strides = [1, 1]} : vector<256x128xf32> to vector<256x64xf32>
    %stack3A = vector.shape_cast %slice3A : vector<256x64xf32> to vector<1x256x64xf32>
    %stack3A_15 = vector.shape_cast %slice3A_14 : vector<256x64xf32> to vector<1x256x64xf32>
    %stack3A_16 = tpu.concatenate %stack3A, %stack3A_15 in 0 : vector<1x256x64xf32>, vector<1x256x64xf32> -> vector<2x256x64xf32>
    %swap3A = arith.constant 0 : index
    %swap3A_17 = arith.constant 0 : index
    %swap3A_18 = arith.constant 0 : index
    %swap3A_19 = vector.load %arg5[%swap3A, %swap3A_17, %swap3A_18] : memref<2x256x64xf32, #tpu.memory_space<vmem>>, vector<2x256x64xf32>
    tpu.vector_store %arg5[%swap3A, %swap3A_17, %swap3A_18], %stack3A_16 {strides = array<i32>} : memref<2x256x64xf32, #tpu.memory_space<vmem>>, vector<2x256x64xf32>,
    %swap3A_20 = arith.constant 0 : index
    %swap3A_21 = vector.load %arg6[%swap3A_20] : memref<256xf32, #tpu.memory_space<vmem>>, vector<256xf32>
    tpu.vector_store %arg6[%swap3A_20], %rsqrt3A {strides = array<i32>} : memref<256xf32, #tpu.memory_space<vmem>>, vector<256xf32>,
    return
  }
  func.func @transform_0(%arg0: i32) -> (i32, i32) {
    %c0_i32 = arith.constant 0 : i32
    %c0_i32_0 = arith.constant 0 : i32
    return %arg0, %c0_i32 : i32, i32
  }
  func.func @transform_1(%arg0: i32) -> (i32, i32) {
    %c0_i32 = arith.constant 0 : i32
    %c0_i32_0 = arith.constant 0 : i32
    %c0_i32_1 = arith.constant 0 : i32
    return %c0_i32, %c0_i32_0 : i32, i32
  }
  func.func @transform_2(%arg0: i32) -> i32 {
    %c0_i32 = arith.constant 0 : i32
    return %arg0 : i32
  }
  func.func @transform_3(%arg0: i32) -> i32 {
    %c0_i32 = arith.constant 0 : i32
    return %arg0 : i32
  }
  func.func @transform_4(%arg0: i32) -> (i32, i32, i32) {
    %c0_i32 = arith.constant 0 : i32
    %c0_i32_0 = arith.constant 0 : i32
    %c0_i32_1 = arith.constant 0 : i32
    return %c0_i32, %arg0, %c0_i32_0 : i32, i32, i32
  }
  func.func @transform_5(%arg0: i32) -> i32 {
    %c0_i32 = arith.constant 0 : i32
    return %arg0 : i32
  }
}

module attributes {stable_mosaic.version = 14 : i64} {
  func.func @_tc_layer_body(%arg0: i32, %arg1: memref<2x256x64xf32, #tpu.memory_space<vmem>>, %arg2: memref<2x256x64xf32, #tpu.memory_space<vmem>>, %arg3: memref<256xf32, #tpu.memory_space<vmem>>, %arg4: memref<1x128xf32, #tpu.memory_space<vmem>>, %arg5: memref<128x128xf32, #tpu.memory_space<vmem>>, %arg6: memref<2x256x64xf32, #tpu.memory_space<vmem>>) attributes {dimension_semantics = [#tpu.dimension_semantics<arbitrary>], iteration_bounds = array<i64: 40>, scalar_prefetch = 0 : i64, scratch_operands = 0 : i64, tpu.core_type = #tpu.core_type<tc>, window_params = [{transform_indices = @transform_0, window_bounds = array<i64: 2, 256, 64>}, {transform_indices = @transform_1, window_bounds = array<i64: 2, 256, 64>}, {transform_indices = @transform_2, window_bounds = array<i64: 256>}, {pipeline_mode = #tpu.pipeline_mode<synchronous>, transform_indices = @transform_3, window_bounds = array<i64: 1, 128>}, {pipeline_mode = #tpu.pipeline_mode<synchronous>, transform_indices = @transform_4, window_bounds = array<i64: 128, 128>}, {transform_indices = @transform_5, window_bounds = array<i64: 2, 256, 64>}]} {
    %get3A = arith.constant 0 : index
    %get3A_0 = vector.load %arg3[%get3A] : memref<256xf32, #tpu.memory_space<vmem>>, vector<256xf32>
    %get3A_1 = arith.constant 0 : index
    %get3A_2 = arith.constant 0 : index
    %get3A_3 = arith.constant 0 : index
    %get3A_4 = vector.load %arg1[%get3A_1, %get3A_2, %get3A_3] : memref<2x256x64xf32, #tpu.memory_space<vmem>>, vector<2x256x64xf32>
    %get3A_5 = arith.constant 0 : index
    %get3A_6 = arith.constant 0 : index
    %get3A_7 = arith.constant 0 : index
    %get3A_8 = vector.load %arg2[%get3A_5, %get3A_6, %get3A_7] : memref<2x256x64xf32, #tpu.memory_space<vmem>>, vector<2x256x64xf32>
    %add3A = arith.addf %get3A_4, %get3A_8 : vector<2x256x64xf32>
    %slice3A = vector.extract_strided_slice %add3A {offsets = [0, 0, 0], sizes = [1, 256, 64], strides = [1, 1, 1]} : vector<2x256x64xf32> to vector<1x256x64xf32>
    %squeeze3A = vector.shape_cast %slice3A : vector<1x256x64xf32> to vector<256x64xf32>
    %slice3A_9 = vector.extract_strided_slice %add3A {offsets = [1, 0, 0], sizes = [1, 256, 64], strides = [1, 1, 1]} : vector<2x256x64xf32> to vector<1x256x64xf32>
    %squeeze3A_10 = vector.shape_cast %slice3A_9 : vector<1x256x64xf32> to vector<256x64xf32>
    %concatenate3A = tpu.concatenate %squeeze3A, %squeeze3A_10 in 1 : vector<256x64xf32>, vector<256x64xf32> -> vector<256x128xf32>
    %broadcast_in_dim3A = vector.shape_cast %get3A_0 : vector<256xf32> to vector<256x1xf32>
    %mul3A = vector.broadcast %broadcast_in_dim3A : vector<256x1xf32> to vector<256x128xf32>
    %mul3A_11 = arith.mulf %mul3A, %concatenate3A : vector<256x128xf32>
    %get3A_12 = arith.constant 0 : index
    %get3A_13 = arith.constant 0 : index
    %get3A_14 = vector.load %arg4[%get3A_12, %get3A_13] : memref<1x128xf32, #tpu.memory_space<vmem>>, vector<1x128xf32>
    %add3A_15 = vector.broadcast %get3A_14 : vector<1x128xf32> to vector<256x128xf32>
    %add3A_16 = arith.addf %mul3A_11, %add3A_15 : vector<256x128xf32>
    %max3A = arith.constant 0.000000e+00 : f32
    %max3A_17 = vector.broadcast %max3A : f32 to vector<256x128xf32>
    %max3A_18 = arith.maximumf %add3A_16, %max3A_17 : vector<256x128xf32>
    %get3A_19 = arith.constant 0 : index
    %get3A_20 = arith.constant 0 : index
    %get3A_21 = vector.load %arg5[%get3A_19, %get3A_20] : memref<128x128xf32, #tpu.memory_space<vmem>>, vector<128x128xf32>
    %dot_general3A = arith.constant dense<0.000000e+00> : vector<256x128xf32>
    %dot_general3A_22 = tpu.matmul %max3A_18, %get3A_21, %dot_general3A {dimension_numbers = #tpu.dot_dimension_numbers<[1], [0], [0], [1], [0, 0, 1, 1], [], []>, transpose_lhs_hint = false} : vector<256x128xf32>, vector<128x128xf32>, vector<256x128xf32> -> vector<256x128xf32>
    %broadcast_in_dim3A_23 = vector.shape_cast %get3A_0 : vector<256xf32> to vector<256x1xf32>
    %mul3A_24 = vector.broadcast %broadcast_in_dim3A_23 : vector<256x1xf32> to vector<256x128xf32>
    %mul3A_25 = arith.mulf %mul3A_24, %dot_general3A_22 : vector<256x128xf32>
    %slice3A_26 = vector.extract_strided_slice %mul3A_25 {offsets = [0, 0], sizes = [256, 64], strides = [1, 1]} : vector<256x128xf32> to vector<256x64xf32>
    %slice3A_27 = vector.extract_strided_slice %mul3A_25 {offsets = [0, 64], sizes = [256, 64], strides = [1, 1]} : vector<256x128xf32> to vector<256x64xf32>
    %stack3A = vector.shape_cast %slice3A_26 : vector<256x64xf32> to vector<1x256x64xf32>
    %stack3A_28 = vector.shape_cast %slice3A_27 : vector<256x64xf32> to vector<1x256x64xf32>
    %stack3A_29 = tpu.concatenate %stack3A, %stack3A_28 in 0 : vector<1x256x64xf32>, vector<1x256x64xf32> -> vector<2x256x64xf32>
    %swap3A = arith.constant 0 : index
    %swap3A_30 = arith.constant 0 : index
    %swap3A_31 = arith.constant 0 : index
    %swap3A_32 = vector.load %arg6[%swap3A, %swap3A_30, %swap3A_31] : memref<2x256x64xf32, #tpu.memory_space<vmem>>, vector<2x256x64xf32>
    tpu.vector_store %arg6[%swap3A, %swap3A_30, %swap3A_31], %stack3A_29 {strides = array<i32>} : memref<2x256x64xf32, #tpu.memory_space<vmem>>, vector<2x256x64xf32>,
    return
  }
  func.func @transform_0(%arg0: i32) -> (i32, i32, i32) {
    %c0_i32 = arith.constant 0 : i32
    %c0_i32_0 = arith.constant 0 : i32
    %c0_i32_1 = arith.constant 0 : i32
    return %c0_i32, %arg0, %c0_i32_0 : i32, i32, i32
  }
  func.func @transform_1(%arg0: i32) -> (i32, i32, i32) {
    %c0_i32 = arith.constant 0 : i32
    %c0_i32_0 = arith.constant 0 : i32
    %c0_i32_1 = arith.constant 0 : i32
    return %c0_i32, %arg0, %c0_i32_0 : i32, i32, i32
  }
  func.func @transform_2(%arg0: i32) -> i32 {
    %c0_i32 = arith.constant 0 : i32
    return %arg0 : i32
  }
  func.func @transform_3(%arg0: i32) -> (i32, i32) {
    %c0_i32 = arith.constant 0 : i32
    %c0_i32_0 = arith.constant 0 : i32
    %c0_i32_1 = arith.constant 0 : i32
    return %c0_i32, %c0_i32_0 : i32, i32
  }
  func.func @transform_4(%arg0: i32) -> (i32, i32) {
    %c0_i32 = arith.constant 0 : i32
    %c0_i32_0 = arith.constant 0 : i32
    %c0_i32_1 = arith.constant 0 : i32
    return %c0_i32, %c0_i32_0 : i32, i32
  }
  func.func @transform_5(%arg0: i32) -> (i32, i32, i32) {
    %c0_i32 = arith.constant 0 : i32
    %c0_i32_0 = arith.constant 0 : i32
    %c0_i32_1 = arith.constant 0 : i32
    return %c0_i32, %arg0, %c0_i32_0 : i32, i32, i32
  }
}

module attributes {stable_mosaic.version = 14 : i64} {
  func.func @_tc_head_body(%arg0: i32, %arg1: memref<2x256x64xf32, #tpu.memory_space<vmem>>, %arg2: memref<2x256x64xf32, #tpu.memory_space<vmem>>, %arg3: memref<256xf32, #tpu.memory_space<vmem>>, %arg4: memref<1x128xf32, #tpu.memory_space<vmem>>, %arg5: memref<128x128xf32, #tpu.memory_space<vmem>>, %arg6: memref<1x128xf32, #tpu.memory_space<vmem>>, %arg7: memref<128x1xf32, #tpu.memory_space<vmem>>, %arg8: memref<1x1xf32, #tpu.memory_space<vmem>>, %arg9: memref<256xf32, #tpu.memory_space<vmem>>) attributes {dimension_semantics = [#tpu.dimension_semantics<arbitrary>], iteration_bounds = array<i64: 40>, scalar_prefetch = 0 : i64, scratch_operands = 0 : i64, tpu.core_type = #tpu.core_type<tc>, window_params = [{transform_indices = @transform_0, window_bounds = array<i64: 2, 256, 64>}, {transform_indices = @transform_1, window_bounds = array<i64: 2, 256, 64>}, {transform_indices = @transform_2, window_bounds = array<i64: 256>}, {pipeline_mode = #tpu.pipeline_mode<synchronous>, transform_indices = @transform_3, window_bounds = array<i64: 1, 128>}, {pipeline_mode = #tpu.pipeline_mode<synchronous>, transform_indices = @transform_4, window_bounds = array<i64: 128, 128>}, {pipeline_mode = #tpu.pipeline_mode<synchronous>, transform_indices = @transform_5, window_bounds = array<i64: 1, 128>}, {pipeline_mode = #tpu.pipeline_mode<synchronous>, transform_indices = @transform_6, window_bounds = array<i64: 128, 1>}, {pipeline_mode = #tpu.pipeline_mode<synchronous>, transform_indices = @transform_7, window_bounds = array<i64: 1, 1>}, {transform_indices = @transform_8, window_bounds = array<i64: 256>}]} {
    %get3A = arith.constant 0 : index
    %get3A_0 = vector.load %arg3[%get3A] : memref<256xf32, #tpu.memory_space<vmem>>, vector<256xf32>
    %get3A_1 = arith.constant 0 : index
    %get3A_2 = arith.constant 0 : index
    %get3A_3 = arith.constant 0 : index
    %get3A_4 = vector.load %arg1[%get3A_1, %get3A_2, %get3A_3] : memref<2x256x64xf32, #tpu.memory_space<vmem>>, vector<2x256x64xf32>
    %get3A_5 = arith.constant 0 : index
    %get3A_6 = arith.constant 0 : index
    %get3A_7 = arith.constant 0 : index
    %get3A_8 = vector.load %arg2[%get3A_5, %get3A_6, %get3A_7] : memref<2x256x64xf32, #tpu.memory_space<vmem>>, vector<2x256x64xf32>
    %add3A = arith.addf %get3A_4, %get3A_8 : vector<2x256x64xf32>
    %slice3A = vector.extract_strided_slice %add3A {offsets = [0, 0, 0], sizes = [1, 256, 64], strides = [1, 1, 1]} : vector<2x256x64xf32> to vector<1x256x64xf32>
    %squeeze3A = vector.shape_cast %slice3A : vector<1x256x64xf32> to vector<256x64xf32>
    %slice3A_9 = vector.extract_strided_slice %add3A {offsets = [1, 0, 0], sizes = [1, 256, 64], strides = [1, 1, 1]} : vector<2x256x64xf32> to vector<1x256x64xf32>
    %squeeze3A_10 = vector.shape_cast %slice3A_9 : vector<1x256x64xf32> to vector<256x64xf32>
    %concatenate3A = tpu.concatenate %squeeze3A, %squeeze3A_10 in 1 : vector<256x64xf32>, vector<256x64xf32> -> vector<256x128xf32>
    %broadcast_in_dim3A = vector.shape_cast %get3A_0 : vector<256xf32> to vector<256x1xf32>
    %mul3A = vector.broadcast %broadcast_in_dim3A : vector<256x1xf32> to vector<256x128xf32>
    %mul3A_11 = arith.mulf %mul3A, %concatenate3A : vector<256x128xf32>
    %get3A_12 = arith.constant 0 : index
    %get3A_13 = arith.constant 0 : index
    %get3A_14 = vector.load %arg4[%get3A_12, %get3A_13] : memref<1x128xf32, #tpu.memory_space<vmem>>, vector<1x128xf32>
    %add3A_15 = vector.broadcast %get3A_14 : vector<1x128xf32> to vector<256x128xf32>
    %add3A_16 = arith.addf %mul3A_11, %add3A_15 : vector<256x128xf32>
    %max3A = arith.constant 0.000000e+00 : f32
    %max3A_17 = vector.broadcast %max3A : f32 to vector<256x128xf32>
    %max3A_18 = arith.maximumf %add3A_16, %max3A_17 : vector<256x128xf32>
    %get3A_19 = arith.constant 0 : index
    %get3A_20 = arith.constant 0 : index
    %get3A_21 = vector.load %arg5[%get3A_19, %get3A_20] : memref<128x128xf32, #tpu.memory_space<vmem>>, vector<128x128xf32>
    %dot_general3A = arith.constant dense<0.000000e+00> : vector<256x128xf32>
    %dot_general3A_22 = tpu.matmul %max3A_18, %get3A_21, %dot_general3A {dimension_numbers = #tpu.dot_dimension_numbers<[1], [0], [0], [1], [0, 0, 1, 1], [], []>, transpose_lhs_hint = false} : vector<256x128xf32>, vector<128x128xf32>, vector<256x128xf32> -> vector<256x128xf32>
    %get3A_23 = arith.constant 0 : index
    %get3A_24 = arith.constant 0 : index
    %get3A_25 = vector.load %arg6[%get3A_23, %get3A_24] : memref<1x128xf32, #tpu.memory_space<vmem>>, vector<1x128xf32>
    %add3A_26 = vector.broadcast %get3A_25 : vector<1x128xf32> to vector<256x128xf32>
    %add3A_27 = arith.addf %dot_general3A_22, %add3A_26 : vector<256x128xf32>
    %max3A_28 = arith.constant 0.000000e+00 : f32
    %max3A_29 = vector.broadcast %max3A_28 : f32 to vector<256x128xf32>
    %max3A_30 = arith.maximumf %add3A_27, %max3A_29 : vector<256x128xf32>
    %get3A_31 = arith.constant 0 : index
    %get3A_32 = arith.constant 0 : index
    %get3A_33 = vector.load %arg7[%get3A_31, %get3A_32] : memref<128x1xf32, #tpu.memory_space<vmem>>, vector<128x1xf32>
    %dot_general3A_34 = arith.constant dense<0.000000e+00> : vector<256x1xf32>
    %dot_general3A_35 = tpu.matmul %max3A_30, %get3A_33, %dot_general3A_34 {dimension_numbers = #tpu.dot_dimension_numbers<[1], [0], [0], [1], [0, 0, 1, 1], [], []>, transpose_lhs_hint = false} : vector<256x128xf32>, vector<128x1xf32>, vector<256x1xf32> -> vector<256x1xf32>
    %squeeze3A_36 = vector.shape_cast %dot_general3A_35 : vector<256x1xf32> to vector<256xf32>
    %get3A_37 = arith.constant 0 : index
    %get3A_38 = arith.constant 0 : index
    %get3A_39 = vector.load %arg8[%get3A_37, %get3A_38] : memref<1x1xf32, #tpu.memory_space<vmem>>, vector<1x1xf32>
    %get3A_40 = vector.extract %get3A_39[0, 0] : f32 from vector<1x1xf32>
    %add3A_41 = vector.broadcast %get3A_40 : f32 to vector<256xf32>
    %add3A_42 = arith.addf %squeeze3A_36, %add3A_41 : vector<256xf32>
    %swap3A = arith.constant 0 : index
    %swap3A_43 = vector.load %arg9[%swap3A] : memref<256xf32, #tpu.memory_space<vmem>>, vector<256xf32>
    tpu.vector_store %arg9[%swap3A], %add3A_42 {strides = array<i32>} : memref<256xf32, #tpu.memory_space<vmem>>, vector<256xf32>,
    return
  }
  func.func @transform_0(%arg0: i32) -> (i32, i32, i32) {
    %c0_i32 = arith.constant 0 : i32
    %c0_i32_0 = arith.constant 0 : i32
    %c0_i32_1 = arith.constant 0 : i32
    return %c0_i32, %arg0, %c0_i32_0 : i32, i32, i32
  }
  func.func @transform_1(%arg0: i32) -> (i32, i32, i32) {
    %c0_i32 = arith.constant 0 : i32
    %c0_i32_0 = arith.constant 0 : i32
    %c0_i32_1 = arith.constant 0 : i32
    return %c0_i32, %arg0, %c0_i32_0 : i32, i32, i32
  }
  func.func @transform_2(%arg0: i32) -> i32 {
    %c0_i32 = arith.constant 0 : i32
    return %arg0 : i32
  }
  func.func @transform_3(%arg0: i32) -> (i32, i32) {
    %c0_i32 = arith.constant 0 : i32
    %c0_i32_0 = arith.constant 0 : i32
    %c0_i32_1 = arith.constant 0 : i32
    return %c0_i32, %c0_i32_0 : i32, i32
  }
  func.func @transform_4(%arg0: i32) -> (i32, i32) {
    %c0_i32 = arith.constant 0 : i32
    %c0_i32_0 = arith.constant 0 : i32
    %c0_i32_1 = arith.constant 0 : i32
    return %c0_i32, %c0_i32_0 : i32, i32
  }
  func.func @transform_5(%arg0: i32) -> (i32, i32) {
    %c0_i32 = arith.constant 0 : i32
    %c0_i32_0 = arith.constant 0 : i32
    %c0_i32_1 = arith.constant 0 : i32
    return %c0_i32, %c0_i32_0 : i32, i32
  }
  func.func @transform_6(%arg0: i32) -> (i32, i32) {
    %c0_i32 = arith.constant 0 : i32
    %c0_i32_0 = arith.constant 0 : i32
    %c0_i32_1 = arith.constant 0 : i32
    return %c0_i32, %c0_i32_0 : i32, i32
  }
  func.func @transform_7(%arg0: i32) -> (i32, i32) {
    %c0_i32 = arith.constant 0 : i32
    %c0_i32_0 = arith.constant 0 : i32
    %c0_i32_1 = arith.constant 0 : i32
    return %c0_i32, %c0_i32_0 : i32, i32
  }
  func.func @transform_8(%arg0: i32) -> i32 {
    %c0_i32 = arith.constant 0 : i32
    return %arg0 : i32
  }
}

</mosaic_0001>

<sc_bundles>
// kernel: sc_acc.11.cloned.1.call-start
scs
__scs_entry_jumppad:
0x0: {  	(pc) =	sbr.rel $0x88, $3  }
0x1: {  	(tag) =	ssettag $0x0;
	lr =	simm.s32 $0x1  }
0x2: {  	[smem:$0x3F94] =	sst lr;
	_ =	strace $0xD0000000  }
0x3: {  	_ = 	snop  }
0x4: {  	_ = 	snop  }
0x5: {  	_ = 	snop  }
0x6: {  	_ = 	snop  }
0x7: {  	_ = 	snop  }
__scs_overlays_trampoline_lowered:
0x8: {  	[smem:$0x3FA3] =	sst s0  }
0x9: {  	[smem:$0x3FA4] =	sst s1  }
0xa: {  	[smem:$0x3FA5] =	sst s2  }
0xb: {  	[smem:$0x3FA6] =	sst s3  }
0xc: {  	[smem:$0x3FA7] =	sst s4  }
0xd: {  	[smem:$0x3FA8] =	sst s5  }
0xe: {  	[smem:$0x3FA9] =	sst s6  }
0xf: {  	[smem:$0x3FAA] =	sst s7  }
0x10: {  	[smem:$0x3FAB] =	sst s8  }
0x11: {  	[smem:$0x3FAC] =	sst s9;
	s0 =	simm.s32 @!p0 $0x0  }
0x12: {  	s1 =	sld [smem:$0x3F92];
	s0 =	simm.s32 @p0 $0x1  }
0x13: {  	[smem:$0x3FAD] =	sst s0;
	s0 =	simm.s32 @!p1 $0x0  }
0x14: {  	s2 =	sld [smem:$0x3F91];
	s0 =	simm.s32 @p1 $0x1  }
0x15: {  	[smem:$0x3FAE] =	sst s0;
	s0 =	simm.s32 @!p2 $0x0  }
0x16: {  	s3 =	sld [smem:$0x3FDB];
	s0 =	simm.s32 @p2 $0x1  }
0x17: {  	s4 =	simm.s32 $0x1BF5;
	[smem:$0x3FB0] =	sst s0  }
0x18: {  	s0 =	sld [smem:$0x3F93];
	_ =	swait.ge [sflag:s4], $0x0  }
0x19: {  	s7 =	sld [smem:$0x3F94]  }
0x1a: {  	s8 =	sadd.s32 $0xFFFFE003, lr  }
0x1b: {  	s9 =	sadd.s32 $0xFFFFFEF7, lr;
	s5 =	simm.s32 $0xFFFFFFFF;
	p2 =	slt.u32 s8, $0xFFFFF086  }
0x1c: {  	p1 =	slt.u32 s9, $0xF7A;
	s5 =	simm.s32 @!p2 $0x0  }
0x1d: {  	s5 =	simm.s32 @p1 $0x1;
	p0 =	seq.s32 s7, s2  }
0x1e: {  	s7 =	smul.u32 @!p0 $0xF7A, s2;
	p2 =	seq.s32 @!p0 s5, $0x0  }
0x1f: {  	s9 =	smul.u32 $0xF7A, s1;
	s8 =	simm.s32 @!p0 $0x1BF5;
	p2 =	por !p2, p0  }
0x20: {  	[sflag:s8] =	ssyncset.s32 @!p0 $0xFFFFF086;
	s6 =	sadd.s32 @!p0 s3, s7;
	s7 =	simm.s32 @!p0 $0x108  }
0x21: {  	s3 =	sadd.s32 s3, s9;
	s6 =	sadd.s32 @!p0 $0x88, s6;
	s7 =	simm.s32 @p2 $0x1082  }
0x22: {  	[simem:s7], [sflag:s8] =	dma.local @!p0 [hbm:s6], $0xF7A  }
0x23: {  	s9 =	sor.u32 $0xD0000000, s2;
	s6 =	simm.s32 $0x108;
	_ =	swait.ge @!p0 [sflag:s8], $0x0  }
0x24: {  	s3 =	sadd.s32 $0x88, s3;
	s6 =	simm.s32 @!p1 $0x1082;
	[sflag:s4] =	ssyncset.s32 $0xFFFFF086  }
0x25: {  	[simem:s6], [sflag:s4] =	dma.local [hbm:s3], $0xF7A  }
0x26: {  	[smem:$0x3F94] =	sst s1;
	(tag) =	ssettag s2;
	_ =	strace s9  }
0x27: {  	s1 =	sld [smem:$0x3FA4]  }
0x28: {  	s2 =	sld [smem:$0x3FA5]  }
0x29: {  	s4 =	sld [smem:$0x3FA7]  }
0x2a: {  	p0 =	seq.s32 s5, $0x0;
	s5 =	sld [smem:$0x3FA8]  }
0x2b: {  	s6 =	sld [smem:$0x3FA9]  }
0x2c: {  	s7 =	sld [smem:$0x3FAA]  }
0x2d: {  	s3 =	simm.s32 $0x108;
	s8 =	sld [smem:$0x3FAB]  }
0x2e: {  	s3 =	simm.s32 @!p0 $0x1082;
	s9 =	sld [smem:$0x3FAC]  }
0x2f: {  	lr =	sadd.s32 s0, s3;
	s0 =	sld [smem:$0x3FA3]  }
0x30: {  	s3 =	sld [smem:$0x3FA6]  }
0x31: {  	[smem:$0x3FAF] =	sst s10  }
0x32: {  	s10 =	sld [smem:$0x3FAD];
	_ =	sdelay $0x3  }
0x33: {  	p0 =	seq.s32 s10, $0x1;
	s10 =	sld [smem:$0x3FAF];
	_ =	sdelay $0x3  }
0x34: {  	[smem:$0x3FAF] =	sst s10  }
0x35: {  	s10 =	sld [smem:$0x3FAE];
	_ =	sdelay $0x3  }
0x36: {  	p1 =	seq.s32 s10, $0x1;
	s10 =	sld [smem:$0x3FAF];
	_ =	sdelay $0x3  }
0x37: {  	[smem:$0x3FAF] =	sst s10  }
0x38: {  	s10 =	sld [smem:$0x3FB0]  }
0x39: {  	_ = 	snop;
	(pc) =	sbr.ind lr, $3  }
0x3a: {  	_ = 	snop  }
0x3b: {  	_ = 	snop  }
0x3c: {  	p2 =	seq.s32 s10, $0x1;
	s10 =	sld [smem:$0x3FAF]  }
0x3d: {  	_ =	shalt  }
0x3e: {  	_ =	shalt  }
0x3f: {  	_ =	shalt  }
0x40: {  	_ =	shalt  }
0x41: {  	_ =	shalt  }
0x42: {  	_ =	shalt  }
0x43: {  	_ =	shalt  }
0x44: {  	_ =	shalt  }
0x45: {  	_ =	shalt  }
0x46: {  	_ =	shalt  }
0x47: {  	_ =	shalt  }
0x48: {  	_ =	shalt  }
0x49: {  	_ =	shalt  }
0x4a: {  	_ =	shalt  }
0x4b: {  	_ =	shalt  }
0x4c: {  	_ =	shalt  }
0x4d: {  	_ =	shalt  }
0x4e: {  	_ =	shalt  }
0x4f: {  	_ =	shalt  }
0x50: {  	_ =	shalt  }
0x51: {  	_ =	shalt  }
0x52: {  	_ =	shalt  }
0x53: {  	_ =	shalt  }
0x54: {  	_ =	shalt  }
0x55: {  	_ =	shalt  }
0x56: {  	_ =	shalt  }
0x57: {  	_ =	shalt  }
0x58: {  	_ =	shalt  }
0x59: {  	_ =	shalt  }
0x5a: {  	_ =	shalt  }
0x5b: {  	_ =	shalt  }
0x5c: {  	_ =	shalt  }
0x5d: {  	_ =	shalt  }
0x5e: {  	_ =	shalt  }
0x5f: {  	_ =	shalt  }
0x60: {  	_ =	shalt  }
0x61: {  	_ =	shalt  }
0x62: {  	_ =	shalt  }
0x63: {  	_ =	shalt  }
0x64: {  	_ =	shalt  }
0x65: {  	_ =	shalt  }
0x66: {  	_ =	shalt  }
0x67: {  	_ =	shalt  }
0x68: {  	_ =	shalt  }
0x69: {  	_ =	shalt  }
0x6a: {  	_ =	shalt  }
0x6b: {  	_ =	shalt  }
0x6c: {  	_ =	shalt  }
0x6d: {  	_ =	shalt  }
0x6e: {  	_ =	shalt  }
0x6f: {  	_ =	shalt  }
0x70: {  	_ =	shalt  }
0x71: {  	_ =	shalt  }
0x72: {  	_ =	shalt  }
0x73: {  	_ =	shalt  }
0x74: {  	_ =	shalt  }
0x75: {  	_ =	shalt  }
0x76: {  	_ =	shalt  }
0x77: {  	_ =	shalt  }
0x78: {  	_ =	shalt  }
0x79: {  	_ =	shalt  }
0x7a: {  	_ =	shalt  }
0x7b: {  	_ =	shalt  }
0x7c: {  	_ =	shalt  }
0x7d: {  	_ =	shalt  }
0x7e: {  	_ =	shalt  }
0x7f: {  	_ =	shalt  }
0x80: {  	_ =	shalt  }
0x81: {  	_ =	shalt  }
0x82: {  	_ =	shalt  }
0x83: {  	_ =	shalt  }
0x84: {  	_ =	shalt  }
0x85: {  	_ =	shalt  }
0x86: {  	_ =	shalt  }
0x87: {  	_ =	shalt  }
.Lfunc_end0:
.L_simem_size_0:
called_computation.3_lowered:
.L_overlay_start_0:
0x88: {  	s2 =	sld [smem:$0x3FD9]  }
0x89: {  	s3 =	sld [smem:$0x3FFE];
	_ =	sdelay $0x1  }
0x8a: {  	s1 =	srdreg.scid  }
0x8b: {  	s0 =	sand.u32 $0x1, s1  }
0x8c: {  	s16 =	sshll.u32 s0, $0xA;
	s2 =	sadd.s32 s3, s2  }
0x8d: {  	s2 =	sadd.s32 s2, s16  }
0x8e: {  	[smem:$0x3FBB] =	sst s2  }
0x8f: {  	_ = 	snop  }
0x90: {  	(tm) =	ssettm $0x1  }
0x91: {  	s17 =	sld [smem:$0x3FFB];
	_ =	sdelay $0x3  }
0x92: {  	_ =	strace s17  }
0x93: {  	s2 =	sld [smem:$0x3FFC];
	_ =	sdelay $0x3  }
0x94: {  	_ =	strace s2  }
0x95: {  	s2 =	sld [smem:$0x3FFD];
	_ =	sdelay $0x3  }
0x96: {  	_ =	strace s2  }
0x97: {  	_ =	strace $0x8FFFFFFF  }
0x98: {  	s18 =	sld [smem:$0x3FDB];
	_ =	sdelay $0x1  }
0x99: {  	s19 =	simm.s32 $_scs_section_size  }
0x9a: {  	s4 =	simm.s32 $_size__tile_overlayer_lowered;
	s5 =	simm.s32 $_tile_overlayer_lowered  }
0x9b: {  	s22 =	simm.s32 $0x1BFF;
	s21 =	sshll.u32 s5, $0x1;
	s2 =	sadd.s32 s19, s18  }
0x9c: {  	s6 =	simm.s32 $0x0;
	s20 =	sshll.u32 s4, $0x1;
	s4 =	sadd.s32 s21, s2  }
0x9d: {  	[timem:s6], [sflag:s22] =	dma.local [hbm:s4], s20  }
0x9e: {  	_ =	swait.ge [sflag:s22], s20  }
0x9f: {  	s3 =	ssub.s32 $0x0, s20;
	[sflag:s22] =	ssyncset.done $0x0  }
0xa0: {  	[sflag:s22] =	ssyncadd.s32 s3;
	_ =	sdelay $0x1  }
0xa1: {  	s23 =	simm.s32 $0x1B8B  }
0xa2: {  	_ =	swait.ge [sflag:s23], $0x1  }
0xa3: {  	[sflag:s23] =	ssyncset.done $0x0  }
0xa4: {  	s25 =	simm.s32 $0x1B8E;
	s24 =	sld [smem:$0x3FFE];
	[sflag:s23] =	ssyncadd.s32 $0xFFFFFFFF  }
0xa5: {  	s26 =	simm.s32 $execute0_lowered;
	[smem:$0x3FD2] =	sst s25  }
0xa6: {  	s4 =	sshll.u32 s26, $0x1;
	_ =	strace $0x8000004F;
	[dreg:$0x1] =	wrdreg $0xFFFFFFFF  }
0xa7: {  	s28 =	simm.s32 $_size_execute0_lowered;
	s2 =	sadd.s32 s2, s4;
	[dreg:$0x0] =	wrdreg $0x0  }
0xa8: {  	s4 =	sshll.u32 s28, $0x1;
	[dreg:$0x2] =	wrdreg s2  }
0xa9: {  	[dreg:$0x3] =	wrdreg s4  }
0xaa: {  	[dreg:$0x4] =	wrdreg $0xC0  }
0xab: {  	_ =	task [dreg:s6], $0x5FFFF  }
0xac: {  	[dreg:$0x1] =	wrdreg $0xFFFFFFFF  }
0xad: {  	[dreg:$0x0] =	wrdreg $0x60  }
0xae: {  	[dreg:$0x2] =	wrdreg s24  }
0xaf: {  	[dreg:$0x3] =	wrdreg $0x130000  }
0xb0: {  	[dreg:$0x4] =	wrdreg $0x9  }
0xb1: {  	_ =	task.clear_ibuf [dreg:s6], $0x5FFFF;
	_ =	strace $0x9000004F  }
0xb2: {  	s29 =	simm.s32 $0x9;
	_ =	strace $0x80000051  }
0xb3: {  	_ =	swait.ge [sflag:s29], $0x1  }
0xb4: {  	[sflag:s29] =	ssyncadd.s32 $0xFFFFFFFF  }
0xb5: {  	_ =	strace $0x90000051  }
0xb6: {  	_ =	sfence  }
0xb7: {  	s30 =	sld [smem:$0x0];
	_ =	sdelay $0x2  }
0xb8: {  	s31 =	sshll.u32 s1, $0xD;
	s1 =	sshrl.u32 s1, $0x2  }
0xb9: {  	s3 =	sand.u32 $0x4000, s31;
	s1 =	sadd.s32 s1, s30  }
0xba: {  	s0 =	sor.u32 s3, s0;
	s1 =	sshll.u32 s1, $0x11  }
0xbb: {  	s0 =	sor.u32 s1, s0  }
0xbc: {  	s0 =	sadd.s32 $0x8F2B, s0  }
0xbd: {  	[sflag:s0] =	ssyncadd.remote.s32 $0x1  }
0xbe: {  	_ =	sfence.sel $0xFFFF  }
0xbf: {  	[dreg:$0x0] =	wrdreg $0xFFFFFFFF;
	(pc) =	sbr.abs _section_cstart, $3  }
0xc0: {  	[dreg:$0x1] =	wrdreg $0xFFFFFFFF  }
0xc1: {  	_ =	task.clear_ibuf [dreg:s6], $0x2FFFF;
	_ =	strace $0x9FFFFFFF  }
0xc2: {  	(tm) =	ssettm $0x7FFFFFFF  }
0xc3: {  	_ =	shalt  }
tec
execute0_lowered:
.L_overlay_start_1:
0x0: {  	(tag) =	ssettag $0x1  }
0x1: {  	s4 =	rddreg [dreg:$0x0]  }
0x2: {  	s0 =	srdreg.scid;
	s2 =	rddreg [dreg:$0x1]  }
0x3: {  	s3 =	simm.s32 $0x0;
	s1 =	stileid.u32;
	s15 =	simm.s32 $0x3  }
0x4: {  	s17 =	simm.s32 $0xA000;
	s18 =	simm.s32 $0xF000;
	s19 =	simm.s32 $0x80  }
0x5: {  	s20 =	simm.s32 $0x11000;
	s21 =	simm.s32 $0x1;
	s7 =	smul.u32 $0xA000, s1  }
0x6: {  	s22 =	simm.s32 $0x2;
	s0 =	sand.u32 $0x1, s0;
	s8 =	smul.u32 $0x28000, s1  }
0x7: {  	s23 =	simm.s32 $0x0;
	[smem:$0x7FF] =	sst s3;
	s5 =	smul.u32 $0xA0000, s0  }
0x8: {  	s31 =	smul.u32 $0xA00, s1;
	_ =	strace $0x80000050;
	s0 =	ssub.s32 $0x2, s0  }
0x9: {  	s9 =	sshrl.u32 s0, $0x1;
	s8 =	sshrl.u32 s8, $0x2;
	s6 =	sshrl.u32 s5, $0x3  }
0xa: {  	s5 =	sadd.s32 s7, s5;
	s0 =	ssub.s32 s0, s9;
	s11 =	sadd.s32 s8, s2  }
0xb: {  	s7 =	sadd.s32 s7, s2;
	s12 =	sadd.s32 s6, s4;
	s6 =	sadd.s32 s31, s4  }
0xc: {  	s5 =	sshrl.u32 s5, $0x3;
	s8 =	sadd.s32 $0x2000, s11;
	s9 =	sadd.s32 $0x4000, s11  }
0xd: {  	s10 =	sadd.s32 $0x6000, s11;
	s11 =	sadd.s32 $0x8000, s11;
	s14 =	smax.u32 s0, $0x1  }
0xe: {  	v1 =	vimm.s32 $0x0;
	vm0 =	vcmask $0x300;
	s13 =	sadd.s32 s5, s4;
	s4 =	sadd.s32 $0x17600, s6;
	s5 =	sadd.s32 $0x2C00, s6  }
0xf: {  	v0 =	vimm.f32 $0.0e+00;
	v1 =	vsel vm0, $0x3, v1;
	s6 =	sadd.s32 $0xCC00, s6;
	s12 =	sadd.s32 $0x21600, s12;
	s13 =	sadd.s32 $0x49600, s13  }
.LBB2_1:
0x10: {  	[tilespmem:s3], [sflag:$0x3] =	stream.linear.gather [hbm4b:s4+s3], $0x5000, $0x38;
	[tilespmem:$0x1D000] =	vst v63  }
0x11: {  	_ =	swait.ge [sflag:s15], $0x5000  }
0x12: {  	[sflag:s15] =	ssyncset.done $0x0  }
0x13: {  	s0 =	simm.s32 $0x5000;
	[sflag:s15] =	ssyncadd.s32 $0xFFFFB000  }
0x14: {  	[tilespmem:s0], [sflag:$0x3] =	stream.linear.gather [hbm4b:s5+s3], $0x5000, $0x38;
	[tilespmem:$0x1D000] =	vst v63  }
0x15: {  	_ =	swait.ge [sflag:s15], $0x5000  }
0x16: {  	[sflag:s15] =	ssyncset.done $0x0  }
0x17: {  	[sflag:s15] =	ssyncadd.s32 $0xFFFFB000  }
0x18: {  	[tilespmem:s17], [sflag:$0x3] =	stream.linear.gather [hbm4b:s6+s3], $0x5000, $0x38;
	[tilespmem:$0x1D000] =	vst v63  }
0x19: {  	s31 =	sand.u32 $0x7F00, s3;
	s25 =	sand.u32 $0x30, s3;
	_ =	swait.ge [sflag:s15], $0x5000  }
0x1a: {  	s24 =	simm.s32 $0x40;
	s0 =	sshrl.u32 s31, $0x2;
	[sflag:s15] =	ssyncset.done $0x0  }
0x1b: {  	s0 =	sor.u32 s25, s0;
	s25 =	simm.s32 $0x0;
	[sflag:s15] =	ssyncadd.s32 $0xFFFFB000  }
.LBB2_2:
0x1c: {  	p0 =	sne.s32 s24, $0x7FC0  }
0x1d: {  	[tilespmem:s0+$0xF000] =	vst v0;
	s25 =	sadd.s32 $0x10, s25;
	s0 =	smov.u32 s24;
	s24 =	sadd.s32 $0x40, s24  }
.Ltmp0:
0x1e: {  	(pc) =	sbr.rel @p0 .LBB2_2-.Ltmp0, $4  }
0x1f: {  	_ = 	snop  }
0x20: {  	s0 =	sand.u32 $0x7F00, s0  }
0x21: {  	s26 =	sand.u32 $0x30, s25;
	s0 =	sshrl.u32 s0, $0x2  }
0x22: {  	s0 =	sor.u32 s26, s0  }
0x23: {  	[tilespmem:s0+$0xF000] =	vst v0  }
0x24: {  	[spmem:s7] =	stream.linear.scatter [tilespmem:s18], [sflag:$0x3], $0x2000, $0x38;
	[tilespmem:$0x1D000] =	vst v63  }
0x25: {  	_ =	swait.ge [sflag:s15], $0x2000  }
0x26: {  	[sflag:s15] =	ssyncset.done $0x0  }
0x27: {  	[sflag:s15] =	ssyncadd.s32 $0xFFFFE000  }
0x28: {  	[spmem:s8] =	stream.linear.scatter [tilespmem:s18], [sflag:$0x3], $0x2000, $0x38;
	[tilespmem:$0x1D000] =	vst v63  }
0x29: {  	_ =	swait.ge [sflag:s15], $0x2000  }
0x2a: {  	[sflag:s15] =	ssyncset.done $0x0  }
0x2b: {  	[sflag:s15] =	ssyncadd.s32 $0xFFFFE000  }
0x2c: {  	[spmem:s9] =	stream.linear.scatter [tilespmem:s18], [sflag:$0x3], $0x2000, $0x38;
	[tilespmem:$0x1D000] =	vst v63  }
0x2d: {  	_ =	swait.ge [sflag:s15], $0x2000  }
0x2e: {  	[sflag:s15] =	ssyncset.done $0x0  }
0x2f: {  	[sflag:s15] =	ssyncadd.s32 $0xFFFFE000  }
0x30: {  	[spmem:s10] =	stream.linear.scatter [tilespmem:s18], [sflag:$0x3], $0x2000, $0x38;
	[tilespmem:$0x1D000] =	vst v63  }
0x31: {  	_ =	swait.ge [sflag:s15], $0x2000  }
0x32: {  	[sflag:s15] =	ssyncset.done $0x0  }
0x33: {  	[sflag:s15] =	ssyncadd.s32 $0xFFFFE000  }
0x34: {  	[spmem:s11] =	stream.linear.scatter [tilespmem:s18], [sflag:$0x3], $0x2000, $0x38;
	[tilespmem:$0x1D000] =	vst v63  }
0x35: {  	_ =	swait.ge [sflag:s15], $0x2000  }
0x36: {  	[sflag:s15] =	ssyncset.done $0x0  }
0x37: {  	[sflag:s15] =	ssyncadd.s32 $0xFFFFE000  }
0x38: {  	s24 =	simm.s32 $0x0;
	s25 =	simm.s32 $0x0;
	[bflag:$0x0] =	sbarrier.arrive $0xFFFF  }
0x39: {  	[tilespmem:s18], [sflag:$0x1] =	stream.indirect.gather [hbm4b:s12+s19], $0x40, s24, s19, $0xb8;
	[tilespmem:$0x1D000] =	vst v63  }
.LBB2_4:
0x3a: {  	s28 =	sshll.u32 s25, $0x8;
	v10 =	vmov s24  }
0x3b: {  	s0 =	simm.s32 $0x1;
	s26 =	simm.s32 $0x2;
	s16 =	simm.s32 $0x4;
	v3 =	vmov s28;
	v10 =	vshrl.u32 v10, $0x3  }
0x3c: {  	s29 =	simm.s32 $0x5;
	v11 =	vmov s0;
	v12 =	vmov s26;
	v14 =	vmov s16  }
0x3d: {  	v15 =	vmov s29;
	v4 =	vor.u32 $0x1, v3;
	v5 =	vor.u32 $0x2, v3  }
0x3e: {  	v7 =	vor.u32 $0x4, v3;
	v8 =	vor.u32 $0x5, v3;
	v10 =	vshll.u32 v10, v1  }
0x3f: {  	v11 =	vshrl.u32 v11, $0x3;
	v12 =	vshrl.u32 v12, $0x3;
	v14 =	vshrl.u32 v14, $0x3  }
0x40: {  	s26 =	sshllo.u32 s25, $0x1;
	v15 =	vshrl.u32 v15, $0x3;
	v10 =	vadd.s32 v3, v10;
	v11 =	vshll.u32 v11, v1  }
0x41: {  	s26 =	sshll.u32 s26, $0x7;
	v12 =	vshll.u32 v12, v1;
	v10 =	vbroadcast v10, $0x0;
	v11 =	vadd.s32 v11, v4  }
0x42: {  	v14 =	vshll.u32 v14, v1;
	[tilespmem:s20], [sflag:$0x2] =	stream.indirect.gather [hbm4b:s12+s19], $0x40, s26, s19, $0xb8;
	v12 =	vadd.s32 v12, v5;
	v11 =	vbroadcast v11, $0x0;
	[tilespmem:$0x1D000] =	vst v63  }
0x43: {  	s16 =	simm.s32 $0x6;
	v15 =	vshll.u32 v15, v1;
	_ =	swait.ge [sflag:s21], $0x2000;
	v14 =	vadd.s32 v14, v7;
	v12 =	vbroadcast v12, $0x0  }
0x44: {  	v16 =	vmov s16;
	s16 =	simm.s32 $0x7;
	v15 =	vadd.s32 v15, v8;
	[sflag:s21] =	ssyncset.done $0x0;
	v14 =	vbroadcast v14, $0x0  }
0x45: {  	s30 =	simm.s32 $0xF100;
	v16 =	vshrl.u32 v16, $0x3;
	v17 =	vmov s16;
	v15 =	vbroadcast v15, $0x0;
	[sflag:s21] =	ssyncadd.s32 $0xFFFFE000  }
0x46: {  	v9 =	vor.u32 $0x6, v3;
	v16 =	vshll.u32 v16, v1;
	v17 =	vshrl.u32 v17, $0x3;
	v21 =	vld [tilespmem:s30+$0xFFFFFF20]  }
0x47: {  	v2 =	vor.u32 $0x7, v3;
	v16 =	vadd.s32 v16, v9;
	v17 =	vshll.u32 v17, v1;
	v18 =	vld.idx.msk [tilespmem:v10+s17+$0x0], $0xffff  }
0x48: {  	v10 =	vbroadcast v16, $0x0;
	v16 =	vadd.s32 v17, v2;
	v17 =	vld.idx.msk [tilespmem:v11+s17+$0x0], $0xffff  }
0x49: {  	v16 =	vbroadcast v16, $0x0;
	v19 =	vld.idx.msk [tilespmem:v12+s17+$0x0], $0xffff  }
0x4a: {  	s0 =	simm.s32 $0x3;
	v20 =	vld.idx.msk [tilespmem:v14+s17+$0x0], $0xffff  }
0x4b: {  	v13 =	vmov s0;
	v12 =	vld.idx.msk [tilespmem:v15+s17+$0x0], $0xffff  }
0x4c: {  	v13 =	vshrl.u32 v13, $0x3;
	v14 =	vld [tilespmem:s30+$0xF0]  }
0x4d: {  	v6 =	vor.u32 $0x3, v3;
	v13 =	vshll.u32 v13, v1;
	v15 =	vld [tilespmem:s30+$0xFFFFFF00]  }
0x4e: {  	v13 =	vadd.s32 v13, v6;
	v11 =	vld.idx.msk [tilespmem:v10+s17+$0x0], $0xffff  }
0x4f: {  	v13 =	vbroadcast v13, $0x0;
	v10 =	vld.idx.msk [tilespmem:v16+s17+$0x0], $0xffff  }
0x50: {  	v16 =	vld [tilespmem:s30+$0xFFFFFF10]  }
0x51: {  	v22 =	vld [tilespmem:s30+$0xFFFFFF30]  }
0x52: {  	v23 =	vld [tilespmem:s30+$0xFFFFFF40]  }
0x53: {  	v24 =	vld [tilespmem:s30+$0xFFFFFF50];
	v15 =	vmul.f32 v15, v18  }
0x54: {  	v25 =	vld [tilespmem:s30+$0xFFFFFF60];
	v14 =	vmul.f32 v14, v10  }
0x55: {  	v13 =	vld.idx.msk [tilespmem:v13+s17+$0x0], $0xffff;
	[tilespmem:s30+$0xFFFFFF00] =	vst v15;
	v16 =	vmul.f32 v16, v18  }
0x56: {  	v15 =	vld [tilespmem:s30+$0xFFFFFF70];
	[tilespmem:s30+$0xF0] =	vst v14;
	v14 =	vmul.f32 v21, v18  }
0x57: {  	[tilespmem:s30+$0xFFFFFF10] =	vst v16;
	v16 =	vmul.f32 v22, v18;
	v18 =	vld [tilespmem:s30+$0xFFFFFF80]  }
0x58: {  	v21 =	vld [tilespmem:s30+$0xFFFFFF90];
	[tilespmem:s30+$0xFFFFFF20] =	vst v14;
	v14 =	vmul.f32 v23, v17  }
0x59: {  	v22 =	vld [tilespmem:s30+$0xFFFFFFA0];
	[tilespmem:s30+$0xFFFFFF30] =	vst v16;
	v16 =	vmul.f32 v24, v17  }
0x5a: {  	s29 =	simm.s32 $0xB;
	v23 =	vld [tilespmem:s30+$0xFFFFFFB0];
	[tilespmem:s30+$0xFFFFFF40] =	vst v14;
	v14 =	vmul.f32 v25, v17  }
0x5b: {  	v26 =	vmov s29;
	s29 =	simm.s32 $0xD;
	s16 =	simm.s32 $0x8;
	v15 =	vmul.f32 v15, v17;
	[tilespmem:s30+$0xFFFFFF50] =	vst v16;
	v16 =	vld [tilespmem:s30+$0xFFFFFFC0]  }
0x5c: {  	v28 =	vmov s29;
	v24 =	vmov s16;
	s16 =	simm.s32 $0x9;
	[tilespmem:s30+$0xFFFFFF60] =	vst v14;
	v14 =	vmul.f32 v18, v19;
	v18 =	vld [tilespmem:s30+$0xFFFFFFD0]  }
0x5d: {  	[tilespmem:s30+$0xFFFFFF70] =	vst v15;
	v17 =	vshrl.u32 v24, $0x3;
	v24 =	vmov s16;
	s16 =	simm.s32 $0xA;
	v15 =	vmul.f32 v21, v19;
	v21 =	vld [tilespmem:s30+$0xFFFFFFE0]  }
0x5e: {  	v25 =	vmov s16;
	s16 =	simm.s32 $0xC;
	v17 =	vshll.u32 v17, v1;
	[tilespmem:s30+$0xFFFFFF80] =	vst v14;
	v14 =	vmul.f32 v22, v19;
	v22 =	vld [tilespmem:s30+$0xFFFFFFF0]  }
0x5f: {  	v27 =	vmov s16;
	s16 =	simm.s32 $0xE;
	v17 =	vadd.s32 v3, v17;
	[tilespmem:s30+$0xFFFFFF90] =	vst v15;
	v15 =	vmul.f32 v23, v19;
	v19 =	vld [tilespmem:s30+$0x0]  }
0x60: {  	v29 =	vmov s16;
	v23 =	vshrl.u32 v24, $0x3;
	[tilespmem:s30+$0xFFFFFFA0] =	vst v14;
	v14 =	vmul.f32 v16, v13;
	v16 =	vld [tilespmem:s30+$0x10]  }
0x61: {  	v24 =	vshrl.u32 v25, $0x3;
	v25 =	vshrl.u32 v26, $0x3;
	[tilespmem:s30+$0xFFFFFFB0] =	vst v15;
	v15 =	vmul.f32 v18, v13;
	v18 =	vld [tilespmem:s30+$0x20]  }
0x62: {  	v26 =	vshrl.u32 v27, $0x3;
	v27 =	vshrl.u32 v28, $0x3;
	[tilespmem:s30+$0xFFFFFFC0] =	vst v14;
	v14 =	vmul.f32 v21, v13;
	v21 =	vld [tilespmem:s30+$0x30]  }
0x63: {  	v62 =	vshrl.u32 v29, $0x3;
	v23 =	vshll.u32 v23, v1;
	[tilespmem:s30+$0xFFFFFFD0] =	vst v15;
	v13 =	vmul.f32 v22, v13;
	v22 =	vld [tilespmem:s30+$0x40]  }
0x64: {  	v63 =	vld [tilespmem:s30+$0x50];
	v24 =	vshll.u32 v24, v1;
	v25 =	vshll.u32 v25, v1;
	v15 =	vmul.f32 v19, v20;
	[tilespmem:s30+$0xFFFFFFE0] =	vst v14  }
0x65: {  	v19 =	vshll.u32 v26, v1;
	v26 =	vshll.u32 v27, v1;
	v27 =	vld [tilespmem:s30+$0x60];
	[tilespmem:s30+$0xFFFFFFF0] =	vst v13;
	v13 =	vmul.f32 v16, v20  }
0x66: {  	v28 =	vshll.u32 v62, v1;
	v25 =	vadd.s32 v25, v6;
	[tilespmem:s30+$0x0] =	vst v15;
	v15 =	vld [tilespmem:s30+$0x70];
	v16 =	vmul.f32 v18, v20  }
0x67: {  	v14 =	vbroadcast v17, $0x0;
	v17 =	vadd.s32 v23, v4;
	[tilespmem:s30+$0x10] =	vst v13;
	v20 =	vmul.f32 v21, v20;
	v13 =	vld [tilespmem:s30+$0x80]  }
0x68: {  	v23 =	vadd.s32 v26, v8;
	v18 =	vadd.s32 v24, v5;
	[tilespmem:s30+$0x20] =	vst v16;
	v30 =	vmul.f32 v22, v12;
	v16 =	vld [tilespmem:s30+$0x90]  }
0x69: {  	v21 =	vadd.s32 v19, v7;
	v19 =	vbroadcast v17, $0x0;
	v17 =	vld [tilespmem:s30+$0xA0];
	v22 =	vmul.f32 v63, v12;
	[tilespmem:s30+$0x30] =	vst v20  }
0x6a: {  	s31 =	simm.s32 $0x10;
	s0 =	simm.s32 $0xF;
	s29 =	sshll.u32 s25, $0x1;
	v24 =	vadd.s32 v28, v9;
	v26 =	vmul.f32 v27, v12;
	v20 =	vbroadcast v18, $0x0;
	v18 =	vld [tilespmem:s30+$0xB0];
	[tilespmem:s30+$0x40] =	vst v30  }
.LBB2_5:
0x6b: {  	p0 =	slt.u32 s31, $0x78;
	v25 =	vbroadcast v25, $0x0;
	v27 =	vmov s0;
	[tilespmem:s30+$0x50] =	vst v22;
	v12 =	vmul.f32 v15, v12;
	v15 =	vld [tilespmem:s30+$0xC0]  }
0x6c: {  	v21 =	vbroadcast v21, $0x0;
	v22 =	vshrl.u32 v27, $0x3;
	[tilespmem:s30+$0x60] =	vst v26;
	v13 =	vmul.f32 v13, v11;
	v26 =	vld [tilespmem:s30+$0xD0]  }
0x6d: {  	v23 =	vbroadcast v23, $0x0;
	v22 =	vshll.u32 v22, v1;
	[tilespmem:s30+$0x70] =	vst v12;
	v12 =	vmul.f32 v16, v11;
	v16 =	vld [tilespmem:s30+$0xE0]  }
0x6e: {  	v24 =	vbroadcast v24, $0x0;
	v14 =	vld.idx.msk [tilespmem:v14+s17+$0x0], $0xffff;
	v22 =	vadd.s32 v22, v2;
	[tilespmem:s30+$0x80] =	vst v13;
	v13 =	vmul.f32 v17, v11  }
0x6f: {  	v17 =	vld.idx.msk [tilespmem:v19+s17+$0x0], $0xffff;
	v19 =	vbroadcast v22, $0x0;
	[tilespmem:s30+$0x90] =	vst v12;
	v11 =	vmul.f32 v18, v11  }
0x70: {  	v18 =	vld.idx.msk [tilespmem:v20+s17+$0x0], $0xffff;
	[tilespmem:s30+$0xA0] =	vst v13;
	v12 =	vmul.f32 v15, v10  }
0x71: {  	v15 =	vld.idx.msk [tilespmem:v25+s17+$0x0], $0xffff;
	[tilespmem:s30+$0xB0] =	vst v11;
	v11 =	vmul.f32 v26, v10  }
0x72: {  	v13 =	vld.idx.msk [tilespmem:v21+s17+$0x0], $0xffff;
	[tilespmem:s30+$0xC0] =	vst v12;
	v10 =	vmul.f32 v16, v10  }
0x73: {  	v12 =	vld.idx.msk [tilespmem:v23+s17+$0x0], $0xffff;
	[tilespmem:s30+$0xD0] =	vst v11  }
0x74: {  	v11 =	vld.idx.msk [tilespmem:v24+s17+$0x0], $0xffff;
	[tilespmem:s30+$0xE0] =	vst v10  }
0x75: {  	s30 =	sadd.s32 $0x200, s30;
	v10 =	vld.idx.msk [tilespmem:v19+s17+$0x0], $0xffff  }
0x76: {  	v16 =	vld [tilespmem:s30+$0xF0]  }
0x77: {  	v19 =	vld [tilespmem:s30+$0xFFFFFF00]  }
0x78: {  	v20 =	vld [tilespmem:s30+$0xFFFFFF10]  }
0x79: {  	v21 =	vld [tilespmem:s30+$0xFFFFFF20]  }
0x7a: {  	v22 =	vld [tilespmem:s30+$0xFFFFFF30]  }
0x7b: {  	v23 =	vld [tilespmem:s30+$0xFFFFFF40];
	v16 =	vmul.f32 v16, v10  }
0x7c: {  	v19 =	vmul.f32 v19, v14;
	v24 =	vld [tilespmem:s30+$0xFFFFFF50]  }
0x7d: {  	v20 =	vmul.f32 v20, v14;
	v25 =	vld [tilespmem:s30+$0xFFFFFF60];
	[tilespmem:s30+$0xF0] =	vst v16  }
0x7e: {  	[tilespmem:s30+$0xFFFFFF00] =	vst v19;
	v16 =	vmul.f32 v21, v14;
	v19 =	vld [tilespmem:s30+$0xFFFFFF70]  }
0x7f: {  	[tilespmem:s30+$0xFFFFFF10] =	vst v20;
	v14 =	vmul.f32 v22, v14;
	v20 =	vld [tilespmem:s30+$0xFFFFFF80]  }
0x80: {  	[tilespmem:s30+$0xFFFFFF20] =	vst v16;
	v16 =	vmul.f32 v23, v17;
	v21 =	vld [tilespmem:s30+$0xFFFFFF90]  }
0x81: {  	[tilespmem:s30+$0xFFFFFF30] =	vst v14;
	v14 =	vmul.f32 v24, v17;
	v22 =	vld [tilespmem:s30+$0xFFFFFFA0]  }
0x82: {  	[tilespmem:s30+$0xFFFFFF40] =	vst v16;
	v16 =	vmul.f32 v25, v17;
	v23 =	vld [tilespmem:s30+$0xFFFFFFB0]  }
0x83: {  	s0 =	sadd.s32 $0x1, s31;
	v24 =	vmov s31;
	[tilespmem:s30+$0xFFFFFF50] =	vst v14;
	v14 =	vmul.f32 v19, v17;
	v17 =	vld [tilespmem:s30+$0xFFFFFFC0]  }
0x84: {  	s16 =	sadd.s32 $0x3, s31;
	v19 =	vshrl.u32 v24, $0x3;
	v24 =	vmov s0;
	s0 =	sadd.s32 $0x2, s31;
	[tilespmem:s30+$0xFFFFFF60] =	vst v16;
	v16 =	vmul.f32 v20, v18;
	v20 =	vld [tilespmem:s30+$0xFFFFFFD0]  }
0x85: {  	v26 =	vmov s16;
	s16 =	sadd.s32 $0x5, s31;
	v25 =	vmov s0;
	s0 =	sadd.s32 $0x4, s31;
	[tilespmem:s30+$0xFFFFFF70] =	vst v14;
	v14 =	vmul.f32 v21, v18;
	v21 =	vld [tilespmem:s30+$0xFFFFFFE0]  }
0x86: {  	v28 =	vmov s16;
	v27 =	vmov s0;
	s0 =	sadd.s32 $0x6, s31;
	[tilespmem:s30+$0xFFFFFF80] =	vst v16;
	v16 =	vmul.f32 v22, v18;
	v22 =	vld [tilespmem:s30+$0xFFFFFFF0]  }
0x87: {  	v19 =	vshll.u32 v19, v1;
	v29 =	vmov s0;
	[tilespmem:s30+$0xFFFFFF90] =	vst v14;
	v14 =	vmul.f32 v23, v18;
	v18 =	vld [tilespmem:s30+$0x0]  }
0x88: {  	v23 =	vshrl.u32 v24, $0x3;
	v24 =	vshrl.u32 v25, $0x3;
	[tilespmem:s30+$0xFFFFFFA0] =	vst v16;
	v16 =	vmul.f32 v17, v15;
	v17 =	vld [tilespmem:s30+$0x10]  }
0x89: {  	v25 =	vshrl.u32 v26, $0x3;
	v26 =	vshrl.u32 v27, $0x3;
	[tilespmem:s30+$0xFFFFFFB0] =	vst v14;
	v14 =	vmul.f32 v20, v15;
	v20 =	vld [tilespmem:s30+$0x20]  }
0x8a: {  	v27 =	vshrl.u32 v28, $0x3;
	v28 =	vshrl.u32 v29, $0x3;
	[tilespmem:s30+$0xFFFFFFC0] =	vst v16;
	v16 =	vmul.f32 v21, v15;
	v21 =	vld [tilespmem:s30+$0x30]  }
0x8b: {  	v19 =	vadd.s32 v3, v19;
	v23 =	vshll.u32 v23, v1;
	[tilespmem:s30+$0xFFFFFFD0] =	vst v14;
	v14 =	vmul.f32 v22, v15;
	v22 =	vld [tilespmem:s30+$0x40]  }
0x8c: {  	v24 =	vshll.u32 v24, v1;
	v25 =	vshll.u32 v25, v1;
	[tilespmem:s30+$0xFFFFFFE0] =	vst v16;
	v15 =	vmul.f32 v18, v13;
	v18 =	vld [tilespmem:s30+$0x50]  }
0x8d: {  	v16 =	vshll.u32 v26, v1;
	v26 =	vshll.u32 v27, v1;
	[tilespmem:s30+$0xFFFFFFF0] =	vst v14;
	v17 =	vmul.f32 v17, v13;
	v27 =	vld [tilespmem:s30+$0x60]  }
.Ltmp1:
0x8e: {  	v28 =	vshll.u32 v28, v1;
	v14 =	vbroadcast v19, $0x0;
	[tilespmem:s30+$0x0] =	vst v15;
	v19 =	vmul.f32 v20, v13;
	v15 =	vld [tilespmem:s30+$0x70];
	(pc) =	sbr.rel @p0 .LBB2_5-.Ltmp1, $4  }
0x8f: {  	v24 =	vadd.s32 v24, v5;
	v20 =	vadd.s32 v23, v4;
	[tilespmem:s30+$0x10] =	vst v17;
	v17 =	vmul.f32 v21, v13;
	v13 =	vld [tilespmem:s30+$0x80]  }
0x90: {  	v25 =	vadd.s32 v25, v6;
	v21 =	vadd.s32 v16, v7;
	[tilespmem:s30+$0x20] =	vst v19;
	v29 =	vmul.f32 v22, v12;
	v16 =	vld [tilespmem:s30+$0x90]  }
0x91: {  	v23 =	vadd.s32 v26, v8;
	v19 =	vbroadcast v20, $0x0;
	[tilespmem:s30+$0x30] =	vst v17;
	v22 =	vmul.f32 v18, v12;
	v17 =	vld [tilespmem:s30+$0xA0]  }
0x92: {  	s0 =	sadd.s32 $0x7, s31;
	s31 =	sadd.s32 $0x8, s31;
	v20 =	vbroadcast v24, $0x0;
	v24 =	vadd.s32 v28, v9;
	[tilespmem:s30+$0x40] =	vst v29;
	v26 =	vmul.f32 v27, v12;
	v18 =	vld [tilespmem:s30+$0xB0]  }
0x93: {  	_ = 	snop  }
0x94: {  	v5 =	vld [tilespmem:s30+$0xC0]  }
0x95: {  	v7 =	vld [tilespmem:s30+$0xD0]  }
0x96: {  	v9 =	vld [tilespmem:s30+$0xE0]  }
0x97: {  	v4 =	vmov s0;
	v14 =	vld.idx.msk [tilespmem:v14+s17+$0x0], $0xffff;
	s31 =	sadd.s32 $0x200, s30;
	v12 =	vmul.f32 v15, v12  }
0x98: {  	v3 =	vbroadcast v25, $0x0;
	v4 =	vshrl.u32 v4, $0x3;
	v15 =	vld [tilespmem:s31+$0xF0]  }
0x99: {  	v6 =	vbroadcast v21, $0x0;
	v4 =	vshll.u32 v4, v1;
	[tilespmem:s30+$0x70] =	vst v12;
	v12 =	vmul.f32 v16, v11;
	v16 =	vld [tilespmem:s31+$0xFFFFFF10]  }
0x9a: {  	v21 =	vbroadcast v24, $0x0;
	v13 =	vmul.f32 v13, v11;
	v2 =	vadd.s32 v4, v2;
	v4 =	vld.idx.msk [tilespmem:v19+s17+$0x0], $0xffff  }
0x9b: {  	v19 =	vld.idx.msk [tilespmem:v20+s17+$0x0], $0xffff  }
0x9c: {  	[tilespmem:s30+$0x80] =	vst v13;
	v13 =	vmul.f32 v17, v11;
	v17 =	vld [tilespmem:s31+$0xFFFFFF20]  }
0x9d: {  	v8 =	vbroadcast v23, $0x0;
	[tilespmem:s30+$0x90] =	vst v12;
	v12 =	vld [tilespmem:s31+$0xFFFFFF30]  }
0x9e: {  	v2 =	vbroadcast v2, $0x0;
	[tilespmem:s30+$0xA0] =	vst v13;
	v13 =	vld [tilespmem:s31+$0xFFFFFF40]  }
0x9f: {  	v3 =	vld.idx.msk [tilespmem:v3+s17+$0x0], $0xffff  }
0xa0: {  	v20 =	vld.idx.msk [tilespmem:v21+s17+$0x0], $0xffff  }
0xa1: {  	v21 =	vld [tilespmem:s31+$0xFFFFFF00]  }
0xa2: {  	[tilespmem:s30+$0x50] =	vst v22;
	v5 =	vmul.f32 v5, v10;
	v6 =	vld.idx.msk [tilespmem:v6+s17+$0x0], $0xffff  }
0xa3: {  	[tilespmem:s30+$0x60] =	vst v26;
	v11 =	vmul.f32 v18, v11;
	v8 =	vld.idx.msk [tilespmem:v8+s17+$0x0], $0xffff  }
0xa4: {  	[tilespmem:s30+$0xC0] =	vst v5;
	v5 =	vmul.f32 v9, v10;
	v2 =	vld.idx.msk [tilespmem:v2+s17+$0x0], $0xffff  }
0xa5: {  	[tilespmem:s30+$0xB0] =	vst v11;
	v11 =	vld [tilespmem:s31+$0xFFFFFF50];
	v12 =	vmul.f32 v12, v14  }
0xa6: {  	v9 =	vld [tilespmem:s31+$0xFFFFFF60];
	[tilespmem:s30+$0xE0] =	vst v5;
	v5 =	vmul.f32 v21, v14  }
0xa7: {  	v7 =	vmul.f32 v7, v10;
	v10 =	vld [tilespmem:s31+$0xFFFFFF70];
	[tilespmem:s31+$0xFFFFFF30] =	vst v12  }
0xa8: {  	v12 =	vld [tilespmem:s31+$0xFFFFFFD0];
	[tilespmem:s31+$0xFFFFFF00] =	vst v5;
	v5 =	vmul.f32 v17, v14  }
0xa9: {  	[tilespmem:s30+$0xD0] =	vst v7;
	v17 =	vld [tilespmem:s31+$0xFFFFFFA0];
	v7 =	vmul.f32 v15, v2  }
0xaa: {  	v11 =	vmul.f32 v11, v4;
	v15 =	vld [tilespmem:s31+$0xFFFFFF80];
	[tilespmem:s31+$0xFFFFFF20] =	vst v5  }
0xab: {  	v5 =	vmul.f32 v13, v4;
	[tilespmem:s31+$0xF0] =	vst v7;
	v7 =	vld [tilespmem:s31+$0xFFFFFF90]  }
0xac: {  	v16 =	vmul.f32 v16, v14;
	v14 =	vld [tilespmem:s31+$0xFFFFFFB0];
	[tilespmem:s31+$0xFFFFFF50] =	vst v11  }
0xad: {  	v11 =	vld [tilespmem:s31+$0x0];
	[tilespmem:s31+$0xFFFFFF40] =	vst v5;
	v5 =	vmul.f32 v9, v4  }
0xae: {  	[tilespmem:s31+$0xFFFFFF10] =	vst v16;
	v13 =	vld [tilespmem:s31+$0xFFFFFFC0];
	v4 =	vmul.f32 v10, v4  }
0xaf: {  	v9 =	vld [tilespmem:s31+$0xFFFFFFE0];
	[tilespmem:s31+$0xFFFFFF60] =	vst v5;
	v5 =	vmul.f32 v15, v19  }
0xb0: {  	v10 =	vld [tilespmem:s31+$0xFFFFFFF0];
	[tilespmem:s31+$0xFFFFFF70] =	vst v4;
	v4 =	vmul.f32 v7, v19  }
0xb1: {  	v15 =	vld [tilespmem:s31+$0x20];
	[tilespmem:s31+$0xFFFFFF80] =	vst v5;
	v5 =	vmul.f32 v17, v19  }
0xb2: {  	v7 =	vld [tilespmem:s31+$0x10];
	[tilespmem:s31+$0xFFFFFF90] =	vst v4;
	v4 =	vmul.f32 v14, v19  }
0xb3: {  	v14 =	vld [tilespmem:s31+$0x30];
	[tilespmem:s31+$0xFFFFFFA0] =	vst v5;
	v5 =	vmul.f32 v13, v3  }
0xb4: {  	v13 =	vld [tilespmem:s31+$0x40];
	[tilespmem:s31+$0xFFFFFFB0] =	vst v4;
	v4 =	vmul.f32 v12, v3  }
0xb5: {  	v12 =	vld [tilespmem:s31+$0x50];
	[tilespmem:s31+$0xFFFFFFC0] =	vst v5;
	v5 =	vmul.f32 v9, v3  }
0xb6: {  	v9 =	vld [tilespmem:s31+$0x60];
	v3 =	vmul.f32 v10, v3;
	[tilespmem:s31+$0xFFFFFFD0] =	vst v4  }
0xb7: {  	v10 =	vld [tilespmem:s31+$0x80];
	[tilespmem:s31+$0xFFFFFFE0] =	vst v5;
	v5 =	vmul.f32 v11, v6  }
0xb8: {  	v4 =	vld [tilespmem:s31+$0x70];
	[tilespmem:s31+$0xFFFFFFF0] =	vst v3;
	v3 =	vmul.f32 v7, v6  }
0xb9: {  	v7 =	vld [tilespmem:s31+$0x90];
	[tilespmem:s31+$0x0] =	vst v5;
	v5 =	vmul.f32 v15, v6  }
0xba: {  	[tilespmem:s31+$0x10] =	vst v3;
	v3 =	vmul.f32 v14, v6;
	v6 =	vld [tilespmem:s31+$0xB0]  }
0xbb: {  	v11 =	vld [tilespmem:s31+$0xA0];
	[tilespmem:s31+$0x20] =	vst v5;
	v5 =	vmul.f32 v13, v8  }
0xbc: {  	v13 =	vld [tilespmem:s31+$0xC0];
	[tilespmem:s31+$0x30] =	vst v3;
	v3 =	vmul.f32 v12, v8  }
0xbd: {  	v12 =	vld [tilespmem:s31+$0xD0];
	[tilespmem:s31+$0x40] =	vst v5;
	v5 =	vmul.f32 v9, v8  }
0xbe: {  	[tilespmem:s31+$0x50] =	vst v3;
	v3 =	vmul.f32 v4, v8  }
0xbf: {  	v9 =	vld [tilespmem:s31+$0xE0];
	v4 =	vmul.f32 v10, v20;
	v6 =	vmul.f32 v6, v20;
	[tilespmem:s31+$0x60] =	vst v5  }
0xc0: {  	s16 =	simm.s32 $0x0;
	s30 =	simm.s32 $0x1;
	v5 =	vmul.f32 v7, v20;
	[tilespmem:s31+$0x70] =	vst v3;
	v3 =	vmul.f32 v11, v20  }
0xc1: {  	[tilespmem:s31+$0x80] =	vst v4;
	v11 =	vmov s16;
	s16 =	simm.s32 $0x2;
	v8 =	vmul.f32 v13, v2;
	v13 =	vmov s30;
	s30 =	simm.s32 $0x3  }
0xc2: {  	v10 =	vmul.f32 v12, v2;
	v14 =	vmov s16;
	[tilespmem:s31+$0xB0] =	vst v6;
	s16 =	simm.s32 $0x4;
	v15 =	vmov s30  }
0xc3: {  	[tilespmem:s31+$0x90] =	vst v5;
	v16 =	vmov s16;
	v13 =	vshrl.u32 v13, $0x3;
	v14 =	vshrl.u32 v14, $0x3  }
0xc4: {  	s30 =	simm.s32 $0x5;
	v12 =	vmul.f32 v9, v2;
	v2 =	vmov s26;
	[tilespmem:s31+$0xD0] =	vst v10;
	v10 =	vshrl.u32 v11, $0x3  }
0xc5: {  	[tilespmem:s31+$0xA0] =	vst v3;
	v11 =	vmov s30;
	v15 =	vshrl.u32 v15, $0x3;
	v16 =	vshrl.u32 v16, $0x3  }
0xc6: {  	s16 =	sand.u32 $0x3FFFFF00, s28;
	[tilespmem:s31+$0xC0] =	vst v8;
	v13 =	vshll.u32 v13, v1;
	v14 =	vshll.u32 v14, v1;
	v3 =	vor.u32 $0x1, v2  }
0xc7: {  	s16 =	sadd.s32 $0x5000, s16;
	v4 =	vor.u32 $0x2, v2;
	v5 =	vor.u32 $0x3, v2;
	v7 =	vor.u32 $0x4, v2;
	[tilespmem:s31+$0xE0] =	vst v12  }
0xc8: {  	v8 =	vor.u32 $0x5, v2;
	v9 =	vor.u32 $0x6, v2;
	v10 =	vshll.u32 v10, v1;
	[spmem:s2] =	stream.indirect.scatter.add.f32 [tilespmem:s18], [sflag:$0x3], $0x40, s16, s19, $0xb8;
	[tilespmem:$0x1D000] =	vst v63  }
0xc9: {  	v6 =	vor.u32 $0x7, v2;
	v11 =	vshrl.u32 v11, $0x3;
	v10 =	vadd.s32 v2, v10;
	s16 =	smin.u32 s29, $0x9D;
	_ =	swait.ge [sflag:s15], $0x2000  }
0xca: {  	v15 =	vshll.u32 v15, v1;
	v13 =	vadd.s32 v13, v3;
	v10 =	vbroadcast v10, $0x0;
	s0 =	sshll.u32 s16, $0x7;
	[sflag:s15] =	ssyncset.done $0x0  }
0xcb: {  	s30 =	simm.s32 $0x6;
	v16 =	vshll.u32 v16, v1;
	v14 =	vadd.s32 v14, v4;
	v13 =	vbroadcast v13, $0x0;
	s0 =	sadd.s32 $0x100, s0;
	[sflag:s15] =	ssyncadd.s32 $0xFFFFE000  }
0xcc: {  	v12 =	vmov s30;
	v15 =	vadd.s32 v15, v5;
	v14 =	vbroadcast v14, $0x0;
	[tilespmem:s18], [sflag:$0x1] =	stream.indirect.gather [hbm4b:s12+s19], $0x40, s0, s19, $0xb8;
	[tilespmem:$0x1D000] =	vst v63  }
0xcd: {  	v11 =	vshll.u32 v11, v1;
	s30 =	simm.s32 $0x7;
	v16 =	vadd.s32 v16, v7;
	v15 =	vbroadcast v15, $0x0;
	_ =	swait.ge [sflag:s22], $0x2000  }
0xce: {  	v12 =	vshrl.u32 v12, $0x3;
	v17 =	vmov s30;
	v16 =	vbroadcast v16, $0x0;
	[sflag:s22] =	ssyncset.done $0x0  }
0xcf: {  	v11 =	vadd.s32 v11, v8;
	v12 =	vshll.u32 v12, v1;
	v17 =	vshrl.u32 v17, $0x3;
	[sflag:s22] =	ssyncadd.s32 $0xFFFFE000  }
0xd0: {  	v11 =	vbroadcast v11, $0x0;
	v12 =	vadd.s32 v12, v9;
	v17 =	vshll.u32 v17, v1;
	v18 =	vld.idx.msk [tilespmem:v10+s17+$0x0], $0xffff  }
0xd1: {  	v10 =	vbroadcast v12, $0x0;
	v12 =	vadd.s32 v17, v6;
	v13 =	vld.idx.msk [tilespmem:v13+s17+$0x0], $0xffff  }
0xd2: {  	v14 =	vld.idx.msk [tilespmem:v14+s17+$0x0], $0xffff;
	v17 =	vbroadcast v12, $0x0  }
0xd3: {  	v15 =	vld.idx.msk [tilespmem:v15+s17+$0x0], $0xffff  }
0xd4: {  	s28 =	simm.s32 $0x11100;
	v16 =	vld.idx.msk [tilespmem:v16+s17+$0x0], $0xffff  }
0xd5: {  	v19 =	vld [tilespmem:s28+$0xFFFFFF00]  }
0xd6: {  	v12 =	vld.idx.msk [tilespmem:v11+s17+$0x0], $0xffff  }
0xd7: {  	v11 =	vld.idx.msk [tilespmem:v10+s17+$0x0], $0xffff  }
0xd8: {  	v10 =	vld.idx.msk [tilespmem:v17+s17+$0x0], $0xffff  }
0xd9: {  	v17 =	vld [tilespmem:s28+$0xF0]  }
0xda: {  	v20 =	vld [tilespmem:s28+$0xFFFFFF10]  }
0xdb: {  	v21 =	vld [tilespmem:s28+$0xFFFFFF20]  }
0xdc: {  	v22 =	vld [tilespmem:s28+$0xFFFFFF30]  }
0xdd: {  	v23 =	vld [tilespmem:s28+$0xFFFFFF40];
	v19 =	vmul.f32 v19, v18  }
0xde: {  	v24 =	vld [tilespmem:s28+$0xFFFFFF50];
	v17 =	vmul.f32 v17, v10  }
0xdf: {  	v25 =	vld [tilespmem:s28+$0xFFFFFF60];
	v20 =	vmul.f32 v20, v18;
	[tilespmem:s28+$0xFFFFFF00] =	vst v19  }
0xe0: {  	v19 =	vld [tilespmem:s28+$0xFFFFFF70];
	[tilespmem:s28+$0xF0] =	vst v17;
	v17 =	vmul.f32 v21, v18  }
0xe1: {  	[tilespmem:s28+$0xFFFFFF10] =	vst v20;
	v20 =	vld [tilespmem:s28+$0xFFFFFF80];
	v18 =	vmul.f32 v22, v18  }
0xe2: {  	v21 =	vld [tilespmem:s28+$0xFFFFFF90];
	[tilespmem:s28+$0xFFFFFF20] =	vst v17;
	v17 =	vmul.f32 v23, v13  }
0xe3: {  	v22 =	vld [tilespmem:s28+$0xFFFFFFA0];
	[tilespmem:s28+$0xFFFFFF30] =	vst v18;
	v18 =	vmul.f32 v24, v13  }
0xe4: {  	s31 =	simm.s32 $0x8;
	v23 =	vld [tilespmem:s28+$0xFFFFFFB0];
	[tilespmem:s28+$0xFFFFFF40] =	vst v17;
	v17 =	vmul.f32 v25, v13  }
0xe5: {  	v24 =	vmov s31;
	s31 =	simm.s32 $0xB;
	[tilespmem:s28+$0xFFFFFF50] =	vst v18;
	v13 =	vmul.f32 v19, v13;
	v18 =	vld [tilespmem:s28+$0xFFFFFFC0]  }
0xe6: {  	s30 =	simm.s32 $0xA;
	s16 =	simm.s32 $0x9;
	v26 =	vmov s31;
	v19 =	vshrl.u32 v24, $0x3;
	[tilespmem:s28+$0xFFFFFF60] =	vst v17;
	v17 =	vmul.f32 v20, v14;
	v20 =	vld [tilespmem:s28+$0xFFFFFFD0]  }
0xe7: {  	s31 =	simm.s32 $0xE;
	v24 =	vmov s16;
	v25 =	vmov s30;
	s16 =	simm.s32 $0xC;
	[tilespmem:s28+$0xFFFFFF70] =	vst v13;
	v13 =	vmul.f32 v21, v14;
	v21 =	vld [tilespmem:s28+$0xFFFFFFE0]  }
0xe8: {  	s30 =	simm.s32 $0xD;
	v29 =	vmov s31;
	v27 =	vmov s16;
	[tilespmem:s28+$0xFFFFFF80] =	vst v17;
	v17 =	vmul.f32 v22, v14;
	v22 =	vld [tilespmem:s28+$0xFFFFFFF0]  }
0xe9: {  	v28 =	vmov s30;
	v19 =	vshll.u32 v19, v1;
	[tilespmem:s28+$0xFFFFFF90] =	vst v13;
	v13 =	vmul.f32 v23, v14;
	v14 =	vld [tilespmem:s28+$0x0]  }
0xea: {  	v61 =	vshrl.u32 v29, $0x3;
	v19 =	vadd.s32 v2, v19;
	[tilespmem:s28+$0xFFFFFFA0] =	vst v17;
	v17 =	vmul.f32 v18, v15;
	v18 =	vld [tilespmem:s28+$0x10]  }
0xeb: {  	v23 =	vshrl.u32 v24, $0x3;
	v24 =	vshrl.u32 v25, $0x3;
	[tilespmem:s28+$0xFFFFFFB0] =	vst v13;
	v13 =	vmul.f32 v20, v15;
	v20 =	vld [tilespmem:s28+$0x20]  }
0xec: {  	v25 =	vshrl.u32 v26, $0x3;
	v26 =	vshrl.u32 v27, $0x3;
	[tilespmem:s28+$0xFFFFFFC0] =	vst v17;
	v17 =	vmul.f32 v21, v15;
	v21 =	vld [tilespmem:s28+$0x30]  }
0xed: {  	v27 =	vshrl.u32 v28, $0x3;
	v23 =	vshll.u32 v23, v1;
	[tilespmem:s28+$0xFFFFFFD0] =	vst v13;
	v13 =	vmul.f32 v22, v15;
	v22 =	vld [tilespmem:s28+$0x40]  }
0xee: {  	v24 =	vshll.u32 v24, v1;
	v25 =	vshll.u32 v25, v1;
	v15 =	vmul.f32 v14, v16;
	[tilespmem:s28+$0xFFFFFFE0] =	vst v17;
	v17 =	vld [tilespmem:s28+$0x50]  }
0xef: {  	v62 =	vld [tilespmem:s28+$0x60];
	v26 =	vshll.u32 v26, v1;
	v27 =	vshll.u32 v27, v1;
	[tilespmem:s28+$0xFFFFFFF0] =	vst v13;
	v13 =	vmul.f32 v18, v16  }
0xf0: {  	v63 =	vadd.s32 v24, v4;
	v25 =	vadd.s32 v25, v5;
	[tilespmem:s28+$0x0] =	vst v15;
	v15 =	vld [tilespmem:s28+$0x70];
	v18 =	vmul.f32 v20, v16  }
0xf1: {  	v14 =	vbroadcast v19, $0x0;
	v19 =	vshll.u32 v61, v1;
	[tilespmem:s28+$0x10] =	vst v13;
	v24 =	vmul.f32 v21, v16;
	v13 =	vld [tilespmem:s28+$0x80]  }
0xf2: {  	v20 =	vadd.s32 v23, v3;
	v21 =	vadd.s32 v26, v7;
	v16 =	vld [tilespmem:s28+$0x90];
	[tilespmem:s28+$0x20] =	vst v18;
	v26 =	vmul.f32 v22, v12  }
0xf3: {  	v23 =	vadd.s32 v27, v8;
	v18 =	vbroadcast v20, $0x0;
	[tilespmem:s28+$0x30] =	vst v24;
	v24 =	vmul.f32 v17, v12;
	v17 =	vld [tilespmem:s28+$0xA0]  }
0xf4: {  	s29 =	simm.s32 $0x10;
	s0 =	simm.s32 $0xF;
	v20 =	vbroadcast v63, $0x0;
	v22 =	vadd.s32 v19, v9;
	v19 =	vld [tilespmem:s28+$0xB0];
	[tilespmem:s28+$0x40] =	vst v26;
	v26 =	vmul.f32 v62, v12  }
.LBB2_7:
0xf5: {  	p0 =	slt.u32 s29, $0x78;
	v25 =	vbroadcast v25, $0x0;
	v27 =	vmov s0;
	[tilespmem:s28+$0x50] =	vst v24;
	v12 =	vmul.f32 v15, v12;
	v15 =	vld [tilespmem:s28+$0xC0]  }
0xf6: {  	v21 =	vbroadcast v21, $0x0;
	v24 =	vshrl.u32 v27, $0x3;
	[tilespmem:s28+$0x60] =	vst v26;
	v13 =	vmul.f32 v13, v11;
	v26 =	vld [tilespmem:s28+$0xD0]  }
0xf7: {  	v23 =	vbroadcast v23, $0x0;
	v24 =	vshll.u32 v24, v1;
	[tilespmem:s28+$0x70] =	vst v12;
	v12 =	vmul.f32 v16, v11;
	v16 =	vld [tilespmem:s28+$0xE0]  }
0xf8: {  	v22 =	vbroadcast v22, $0x0;
	v14 =	vld.idx.msk [tilespmem:v14+s17+$0x0], $0xffff;
	v24 =	vadd.s32 v24, v6;
	[tilespmem:s28+$0x80] =	vst v13;
	v13 =	vmul.f32 v17, v11  }
0xf9: {  	v17 =	vld.idx.msk [tilespmem:v18+s17+$0x0], $0xffff;
	v18 =	vbroadcast v24, $0x0;
	[tilespmem:s28+$0x90] =	vst v12;
	v11 =	vmul.f32 v19, v11  }
0xfa: {  	v19 =	vld.idx.msk [tilespmem:v20+s17+$0x0], $0xffff;
	[tilespmem:s28+$0xA0] =	vst v13;
	v12 =	vmul.f32 v15, v10  }
0xfb: {  	v15 =	vld.idx.msk [tilespmem:v25+s17+$0x0], $0xffff;
	[tilespmem:s28+$0xB0] =	vst v11;
	v11 =	vmul.f32 v26, v10  }
0xfc: {  	v13 =	vld.idx.msk [tilespmem:v21+s17+$0x0], $0xffff;
	[tilespmem:s28+$0xC0] =	vst v12;
	v10 =	vmul.f32 v16, v10  }
0xfd: {  	v12 =	vld.idx.msk [tilespmem:v23+s17+$0x0], $0xffff;
	[tilespmem:s28+$0xD0] =	vst v11  }
0xfe: {  	v11 =	vld.idx.msk [tilespmem:v22+s17+$0x0], $0xffff;
	[tilespmem:s28+$0xE0] =	vst v10  }
0xff: {  	s28 =	sadd.s32 $0x200, s28;
	v10 =	vld.idx.msk [tilespmem:v18+s17+$0x0], $0xffff  }
0x100: {  	v16 =	vld [tilespmem:s28+$0xF0]  }
0x101: {  	v18 =	vld [tilespmem:s28+$0xFFFFFF00]  }
0x102: {  	v20 =	vld [tilespmem:s28+$0xFFFFFF10]  }
0x103: {  	v21 =	vld [tilespmem:s28+$0xFFFFFF20]  }
0x104: {  	v22 =	vld [tilespmem:s28+$0xFFFFFF30]  }
0x105: {  	v23 =	vld [tilespmem:s28+$0xFFFFFF40];
	v16 =	vmul.f32 v16, v10  }
0x106: {  	v18 =	vmul.f32 v18, v14;
	v24 =	vld [tilespmem:s28+$0xFFFFFF50]  }
0x107: {  	v20 =	vmul.f32 v20, v14;
	v25 =	vld [tilespmem:s28+$0xFFFFFF60];
	[tilespmem:s28+$0xF0] =	vst v16  }
0x108: {  	[tilespmem:s28+$0xFFFFFF00] =	vst v18;
	v16 =	vmul.f32 v21, v14;
	v18 =	vld [tilespmem:s28+$0xFFFFFF70]  }
0x109: {  	[tilespmem:s28+$0xFFFFFF10] =	vst v20;
	v14 =	vmul.f32 v22, v14;
	v20 =	vld [tilespmem:s28+$0xFFFFFF80]  }
0x10a: {  	[tilespmem:s28+$0xFFFFFF20] =	vst v16;
	v16 =	vmul.f32 v23, v17;
	v21 =	vld [tilespmem:s28+$0xFFFFFF90]  }
0x10b: {  	[tilespmem:s28+$0xFFFFFF30] =	vst v14;
	v14 =	vmul.f32 v24, v17;
	v22 =	vld [tilespmem:s28+$0xFFFFFFA0]  }
0x10c: {  	[tilespmem:s28+$0xFFFFFF40] =	vst v16;
	v16 =	vmul.f32 v25, v17;
	v23 =	vld [tilespmem:s28+$0xFFFFFFB0]  }
0x10d: {  	s0 =	sadd.s32 $0x1, s29;
	v24 =	vmov s29;
	[tilespmem:s28+$0xFFFFFF50] =	vst v14;
	v14 =	vmul.f32 v18, v17;
	v17 =	vld [tilespmem:s28+$0xFFFFFFC0]  }
0x10e: {  	s16 =	sadd.s32 $0x3, s29;
	v18 =	vshrl.u32 v24, $0x3;
	v24 =	vmov s0;
	s0 =	sadd.s32 $0x2, s29;
	[tilespmem:s28+$0xFFFFFF60] =	vst v16;
	v16 =	vmul.f32 v20, v19;
	v20 =	vld [tilespmem:s28+$0xFFFFFFD0]  }
0x10f: {  	v26 =	vmov s16;
	s16 =	sadd.s32 $0x5, s29;
	v25 =	vmov s0;
	s0 =	sadd.s32 $0x4, s29;
	[tilespmem:s28+$0xFFFFFF70] =	vst v14;
	v14 =	vmul.f32 v21, v19;
	v21 =	vld [tilespmem:s28+$0xFFFFFFE0]  }
0x110: {  	v28 =	vmov s16;
	v27 =	vmov s0;
	s0 =	sadd.s32 $0x6, s29;
	[tilespmem:s28+$0xFFFFFF80] =	vst v16;
	v16 =	vmul.f32 v22, v19;
	v22 =	vld [tilespmem:s28+$0xFFFFFFF0]  }
0x111: {  	v18 =	vshll.u32 v18, v1;
	v29 =	vmov s0;
	[tilespmem:s28+$0xFFFFFF90] =	vst v14;
	v14 =	vmul.f32 v23, v19;
	v19 =	vld [tilespmem:s28+$0x0]  }
0x112: {  	v23 =	vshrl.u32 v24, $0x3;
	v24 =	vshrl.u32 v25, $0x3;
	[tilespmem:s28+$0xFFFFFFA0] =	vst v16;
	v16 =	vmul.f32 v17, v15;
	v17 =	vld [tilespmem:s28+$0x10]  }
0x113: {  	v25 =	vshrl.u32 v26, $0x3;
	v26 =	vshrl.u32 v27, $0x3;
	[tilespmem:s28+$0xFFFFFFB0] =	vst v14;
	v14 =	vmul.f32 v20, v15;
	v20 =	vld [tilespmem:s28+$0x20]  }
0x114: {  	v27 =	vshrl.u32 v28, $0x3;
	v28 =	vshrl.u32 v29, $0x3;
	[tilespmem:s28+$0xFFFFFFC0] =	vst v16;
	v16 =	vmul.f32 v21, v15;
	v21 =	vld [tilespmem:s28+$0x30]  }
0x115: {  	v18 =	vadd.s32 v2, v18;
	v23 =	vshll.u32 v23, v1;
	[tilespmem:s28+$0xFFFFFFD0] =	vst v14;
	v14 =	vmul.f32 v22, v15;
	v22 =	vld [tilespmem:s28+$0x40]  }
0x116: {  	v24 =	vshll.u32 v24, v1;
	v25 =	vshll.u32 v25, v1;
	[tilespmem:s28+$0xFFFFFFE0] =	vst v16;
	v15 =	vmul.f32 v19, v13;
	v19 =	vld [tilespmem:s28+$0x50]  }
0x117: {  	v16 =	vshll.u32 v26, v1;
	v26 =	vshll.u32 v27, v1;
	[tilespmem:s28+$0xFFFFFFF0] =	vst v14;
	v17 =	vmul.f32 v17, v13;
	v27 =	vld [tilespmem:s28+$0x60]  }
.Ltmp2:
0x118: {  	v28 =	vshll.u32 v28, v1;
	v14 =	vbroadcast v18, $0x0;
	[tilespmem:s28+$0x0] =	vst v15;
	v18 =	vmul.f32 v20, v13;
	v15 =	vld [tilespmem:s28+$0x70];
	(pc) =	sbr.rel @p0 .LBB2_7-.Ltmp2, $4  }
0x119: {  	v29 =	vadd.s32 v24, v4;
	v20 =	vadd.s32 v23, v3;
	[tilespmem:s28+$0x10] =	vst v17;
	v17 =	vmul.f32 v21, v13;
	v13 =	vld [tilespmem:s28+$0x80]  }
0x11a: {  	v25 =	vadd.s32 v25, v5;
	v21 =	vadd.s32 v16, v7;
	[tilespmem:s28+$0x20] =	vst v18;
	v30 =	vmul.f32 v22, v12;
	v16 =	vld [tilespmem:s28+$0x90]  }
0x11b: {  	v23 =	vadd.s32 v26, v8;
	v18 =	vbroadcast v20, $0x0;
	[tilespmem:s28+$0x30] =	vst v17;
	v24 =	vmul.f32 v19, v12;
	v17 =	vld [tilespmem:s28+$0xA0]  }
0x11c: {  	s0 =	sadd.s32 $0x7, s29;
	s29 =	sadd.s32 $0x8, s29;
	v20 =	vbroadcast v29, $0x0;
	v22 =	vadd.s32 v28, v9;
	[tilespmem:s28+$0x40] =	vst v30;
	v26 =	vmul.f32 v27, v12;
	v19 =	vld [tilespmem:s28+$0xB0]  }
0x11d: {  	_ = 	snop  }
0x11e: {  	v4 =	vld [tilespmem:s28+$0xC0]  }
0x11f: {  	v7 =	vld [tilespmem:s28+$0xD0]  }
0x120: {  	v9 =	vld [tilespmem:s28+$0xE0]  }
0x121: {  	v49 =	vld.idx.msk [tilespmem:v14+s17+$0x0], $0xffff  }
0x122: {  	v18 =	vld.idx.msk [tilespmem:v18+s17+$0x0], $0xffff  }
0x123: {  	s29 =	sadd.s32 $0x200, s28;
	v20 =	vld.idx.msk [tilespmem:v20+s17+$0x0], $0xffff  }
0x124: {  	v53 =	vld [tilespmem:s29+$0xF0]  }
0x125: {  	v55 =	vld [tilespmem:s29+$0xFFFFFF00]  }
0x126: {  	[tilespmem:s28+$0x50] =	vst v24;
	v12 =	vmul.f32 v15, v12;
	v56 =	vld [tilespmem:s29+$0xFFFFFF10]  }
0x127: {  	[tilespmem:s28+$0x60] =	vst v26;
	v13 =	vmul.f32 v13, v11;
	v57 =	vld [tilespmem:s29+$0xFFFFFF20]  }
0x128: {  	v59 =	vld [tilespmem:s29+$0xFFFFFF30];
	[tilespmem:s28+$0x70] =	vst v12;
	v51 =	vmul.f32 v16, v11  }
0x129: {  	v60 =	vld [tilespmem:s29+$0xFFFFFF40];
	[tilespmem:s28+$0x80] =	vst v13;
	v52 =	vmul.f32 v17, v11  }
0x12a: {  	v63 =	vld [tilespmem:s29+$0xFFFFFF50];
	[tilespmem:s28+$0x90] =	vst v51;
	v54 =	vmul.f32 v19, v11  }
0x12b: {  	v50 =	vbroadcast v22, $0x0;
	v22 =	vld [tilespmem:s29+$0xFFFFFF70];
	[tilespmem:s28+$0xA0] =	vst v52;
	v4 =	vmul.f32 v4, v10  }
0x12c: {  	v8 =	vbroadcast v23, $0x0;
	v23 =	vld [tilespmem:s29+$0xFFFFFF80];
	v7 =	vmul.f32 v7, v10;
	[tilespmem:s28+$0xB0] =	vst v54  }
0x12d: {  	v2 =	vbroadcast v25, $0x0;
	v25 =	vld [tilespmem:s29+$0xFFFFFF90];
	v58 =	vmul.f32 v9, v10;
	[tilespmem:s28+$0xC0] =	vst v4  }
0x12e: {  	v3 =	vmov s0;
	v27 =	vld [tilespmem:s29+$0xFFFFFFA0];
	v62 =	vmul.f32 v55, v49;
	[tilespmem:s28+$0xD0] =	vst v7  }
0x12f: {  	v3 =	vshrl.u32 v3, $0x3;
	v29 =	vld [tilespmem:s29+$0xFFFFFFB0];
	v13 =	vmul.f32 v56, v49;
	[tilespmem:s28+$0xE0] =	vst v58  }
0x130: {  	v5 =	vbroadcast v21, $0x0;
	v31 =	vld [tilespmem:s29+$0xFFFFFFC0];
	v3 =	vshll.u32 v3, v1;
	v21 =	vmul.f32 v57, v49;
	[tilespmem:s29+$0xFFFFFF00] =	vst v62  }
0x131: {  	v33 =	vld [tilespmem:s29+$0xFFFFFFD0];
	v3 =	vadd.s32 v3, v6;
	v6 =	vmul.f32 v59, v49;
	[tilespmem:s29+$0xFFFFFF10] =	vst v13  }
0x132: {  	v35 =	vld [tilespmem:s29+$0xFFFFFFE0];
	v24 =	vmul.f32 v60, v18;
	[tilespmem:s29+$0xFFFFFF20] =	vst v21  }
0x133: {  	v37 =	vld [tilespmem:s29+$0xFFFFFFF0];
	v26 =	vmul.f32 v63, v18;
	[tilespmem:s29+$0xFFFFFF30] =	vst v6  }
0x134: {  	v19 =	vld [tilespmem:s29+$0xFFFFFF60];
	v30 =	vmul.f32 v22, v18;
	[tilespmem:s29+$0xFFFFFF40] =	vst v24  }
0x135: {  	v2 =	vld.idx.msk [tilespmem:v2+s17+$0x0], $0xffff;
	v32 =	vmul.f32 v23, v20;
	[tilespmem:s29+$0xFFFFFF50] =	vst v26  }
0x136: {  	v39 =	vld [tilespmem:s29+$0x0];
	v34 =	vmul.f32 v25, v20;
	[tilespmem:s29+$0xFFFFFF70] =	vst v30  }
0x137: {  	v41 =	vld [tilespmem:s29+$0x10];
	v36 =	vmul.f32 v27, v20;
	[tilespmem:s29+$0xFFFFFF80] =	vst v32  }
0x138: {  	v43 =	vld [tilespmem:s29+$0x20];
	v38 =	vmul.f32 v29, v20;
	[tilespmem:s29+$0xFFFFFF90] =	vst v34  }
0x139: {  	v5 =	vld.idx.msk [tilespmem:v5+s17+$0x0], $0xffff;
	[tilespmem:s29+$0xFFFFFFA0] =	vst v36;
	v28 =	vmul.f32 v19, v18  }
0x13a: {  	v45 =	vld [tilespmem:s29+$0x30];
	v3 =	vbroadcast v3, $0x0;
	[tilespmem:s29+$0xFFFFFFB0] =	vst v38;
	v40 =	vmul.f32 v31, v2  }
0x13b: {  	v8 =	vld.idx.msk [tilespmem:v8+s17+$0x0], $0xffff;
	[tilespmem:s29+$0xFFFFFF60] =	vst v28;
	v42 =	vmul.f32 v33, v2  }
0x13c: {  	v49 =	vld [tilespmem:s29+$0x60];
	v44 =	vmul.f32 v35, v2;
	[tilespmem:s29+$0xFFFFFFC0] =	vst v40  }
0x13d: {  	v52 =	vld [tilespmem:s29+$0x80];
	v2 =	vmul.f32 v37, v2;
	[tilespmem:s29+$0xFFFFFFD0] =	vst v42  }
0x13e: {  	v14 =	vld.idx.msk [tilespmem:v50+s17+$0x0], $0xffff;
	v47 =	vmul.f32 v39, v5;
	[tilespmem:s29+$0xFFFFFFE0] =	vst v44  }
0x13f: {  	v48 =	vld [tilespmem:s29+$0x50];
	v50 =	vmul.f32 v43, v5;
	[tilespmem:s29+$0xFFFFFFF0] =	vst v2  }
0x140: {  	v3 =	vld.idx.msk [tilespmem:v3+s17+$0x0], $0xffff;
	v2 =	vmul.f32 v41, v5;
	[tilespmem:s29+$0x0] =	vst v47  }
0x141: {  	v51 =	vld [tilespmem:s29+$0x70];
	v56 =	vmul.f32 v49, v8;
	[tilespmem:s29+$0x20] =	vst v50  }
0x142: {  	v55 =	vld [tilespmem:s29+$0xA0];
	[tilespmem:s29+$0x10] =	vst v2;
	v2 =	vmul.f32 v45, v5  }
0x143: {  	v54 =	vld [tilespmem:s29+$0x90];
	v59 =	vmul.f32 v52, v14;
	[tilespmem:s29+$0x60] =	vst v56  }
0x144: {  	v46 =	vld [tilespmem:s29+$0x40];
	[tilespmem:s29+$0x30] =	vst v2;
	v2 =	vmul.f32 v48, v8  }
0x145: {  	v57 =	vld [tilespmem:s29+$0xB0];
	[tilespmem:s29+$0x80] =	vst v59;
	v61 =	vmul.f32 v53, v3  }
0x146: {  	v58 =	vld [tilespmem:s29+$0xC0];
	[tilespmem:s29+$0x50] =	vst v2;
	v2 =	vmul.f32 v51, v8  }
0x147: {  	v60 =	vld [tilespmem:s29+$0xD0];
	v62 =	vmul.f32 v55, v14;
	[tilespmem:s29+$0xF0] =	vst v61  }
0x148: {  	v61 =	vld [tilespmem:s29+$0xE0];
	[tilespmem:s29+$0x70] =	vst v2;
	v2 =	vmul.f32 v54, v14  }
0x149: {  	[tilespmem:s29+$0xA0] =	vst v62;
	v53 =	vmul.f32 v46, v8  }
0x14a: {  	[tilespmem:s29+$0x90] =	vst v2;
	v2 =	vmul.f32 v57, v14  }
0x14b: {  	v63 =	vmul.f32 v58, v3;
	[tilespmem:s29+$0x40] =	vst v53  }
0x14c: {  	[tilespmem:s29+$0xB0] =	vst v2;
	v2 =	vmul.f32 v60, v3  }
0x14d: {  	s25 =	sadd.s32 $0x1, s25;
	[tilespmem:s29+$0xC0] =	vst v63;
	v3 =	vmul.f32 v61, v3  }
0x14e: {  	p0 =	sne.s32 s25, $0x50;
	[tilespmem:s29+$0xD0] =	vst v2  }
.Ltmp3:
0x14f: {  	s31 =	sadd.s32 $0x5000, s26;
	[tilespmem:s29+$0xE0] =	vst v3;
	(pc) =	sbr.rel @p0 .LBB2_4-.Ltmp3, $4  }
0x150: {  	[spmem:s2] =	stream.indirect.scatter.add.f32 [tilespmem:s20], [sflag:$0x3], $0x40, s31, s19, $0xb8;
	[tilespmem:$0x1D000] =	vst v63  }
0x151: {  	_ =	swait.ge [sflag:s15], $0x2000  }
0x152: {  	[sflag:s15] =	ssyncset.done $0x0  }
0x153: {  	[sflag:s15] =	ssyncadd.s32 $0xFFFFE000  }
0x154: {  	_ =	swait.ge [sflag:s21], $0x2000  }
0x155: {  	s0 =	sshll.u32 s1, $0x6;
	s23 =	sadd.s32 $0x1, s23;
	[sflag:s21] =	ssyncset.done $0x0  }
0x156: {  	s16 =	sshrl.u32 s7, $0x3;
	p0 =	sne.s32 s23, s14;
	[sflag:s21] =	ssyncadd.s32 $0xFFFFE000  }
.Ltmp4:
0x157: {  	s0 =	sor.u32 $0x1C03, s0;
	[bflag:$0x0] =	sbarrier.arrive $0xFFFF;
	(pc) =	sbr.rel @p0 .LBB2_1-.Ltmp4, $4  }
0x158: {  	[hbm:s13], [sflag:s0] =	dma.local [spmem:s16], $0x1400  }
0x159: {  	_ =	swait.ge [sflag:s15], $0x1400  }
0x15a: {  	[sflag:s15] =	ssyncset.done $0x0  }
0x15b: {  	[sflag:s15] =	ssyncadd.s32 $0xFFFFEC00  }
0x15c: {  	_ =	sfence.sel $0x180000  }
0x15d: {  	[bflag:$0x0] =	sbarrier.arrive $0xFFFF  }
0x15e: {  	_ =	strace $0x90000050  }
0x15f: {  	[bflag:$0x2] =	sbarrier.arrive $0xFFFF  }
0x160: {  	p0 =	sne.s32 s1, $0x0;
	s0 =	rddreg [dreg:$0x2]  }
0x161: {  	s0 =	sadd.s32 @!p0 $0x100000, s0  }
0x162: {  	[sflag:s0] =	ssyncadd.tile.s32 @!p0 $0x1;
	_ =	shalt  }
.Lfunc_end2:
_tile_overlayer_lowered:
.L_overlay_start_2:
0x163: {  	(tag) =	ssettag $0x2  }
0x164: {  	s0 =	rddreg [dreg:$0x0];
	s2 =	stileid.u32  }
0x165: {  	s1 =	rddreg [dreg:$0x1];
	p0 =	sne.s32 s2, $0x0  }
0x166: {  	s3 =	rddreg [dreg:$0x2];
	[bflag:$0x3] =	sbarrier.arrive $0xFFFF;
	s2 =	simm.s32 @!p0 $0x1C03  }
0x167: {  	[timem:s3], [sflag:s2] =	dma.local @!p0 [hbm:s0], s1  }
0x168: {  	s0 =	simm.s32 @!p0 $0x3  }
0x169: {  	_ =	swait.ge @!p0 [sflag:s0], s1  }
0x16a: {  	s1 =	ssub.s32 @!p0 $0x0, s1;
	[sflag:s0] =	ssyncset.done @!p0 $0x0  }
0x16b: {  	[sflag:s0] =	ssyncadd.s32 @!p0 s1  }
0x16c: {  	[bflag:$0x3] =	sbarrier.arrive $0xFFFF  }
0x16d: {  	_ =	shalt  }

// kernel: sc_acc.5.cloned.1.call-start
scs
__scs_entry_jumppad:
0x0: {  	(pc) =	sbr.rel $0x88, $3  }
0x1: {  	(tag) =	ssettag $0x0;
	lr =	simm.s32 $0x1  }
0x2: {  	[smem:$0x3F94] =	sst lr;
	_ =	strace $0xD0000000  }
0x3: {  	_ = 	snop  }
0x4: {  	_ = 	snop  }
0x5: {  	_ = 	snop  }
0x6: {  	_ = 	snop  }
0x7: {  	_ = 	snop  }
__scs_overlays_trampoline_lowered:
0x8: {  	[smem:$0x3FA3] =	sst s0  }
0x9: {  	[smem:$0x3FA4] =	sst s1  }
0xa: {  	[smem:$0x3FA5] =	sst s2  }
0xb: {  	[smem:$0x3FA6] =	sst s3  }
0xc: {  	[smem:$0x3FA7] =	sst s4  }
0xd: {  	[smem:$0x3FA8] =	sst s5  }
0xe: {  	[smem:$0x3FA9] =	sst s6  }
0xf: {  	[smem:$0x3FAA] =	sst s7  }
0x10: {  	[smem:$0x3FAB] =	sst s8  }
0x11: {  	[smem:$0x3FAC] =	sst s9;
	s0 =	simm.s32 @!p0 $0x0  }
0x12: {  	s1 =	sld [smem:$0x3F92];
	s0 =	simm.s32 @p0 $0x1  }
0x13: {  	[smem:$0x3FAD] =	sst s0;
	s0 =	simm.s32 @!p1 $0x0  }
0x14: {  	s2 =	sld [smem:$0x3F91];
	s0 =	simm.s32 @p1 $0x1  }
0x15: {  	[smem:$0x3FAE] =	sst s0;
	s0 =	simm.s32 @!p2 $0x0  }
0x16: {  	s3 =	sld [smem:$0x3FDB];
	s0 =	simm.s32 @p2 $0x1  }
0x17: {  	s4 =	simm.s32 $0x1BF5;
	[smem:$0x3FB0] =	sst s0  }
0x18: {  	s0 =	sld [smem:$0x3F93];
	_ =	swait.ge [sflag:s4], $0x0  }
0x19: {  	s7 =	sld [smem:$0x3F94]  }
0x1a: {  	s8 =	sadd.s32 $0xFFFFE003, lr  }
0x1b: {  	s9 =	sadd.s32 $0xFFFFFEF7, lr;
	s5 =	simm.s32 $0xFFFFFFFF;
	p2 =	slt.u32 s8, $0xFFFFF086  }
0x1c: {  	p1 =	slt.u32 s9, $0xF7A;
	s5 =	simm.s32 @!p2 $0x0  }
0x1d: {  	s5 =	simm.s32 @p1 $0x1;
	p0 =	seq.s32 s7, s2  }
0x1e: {  	s7 =	smul.u32 @!p0 $0xF7A, s2;
	p2 =	seq.s32 @!p0 s5, $0x0  }
0x1f: {  	s9 =	smul.u32 $0xF7A, s1;
	s8 =	simm.s32 @!p0 $0x1BF5;
	p2 =	por !p2, p0  }
0x20: {  	[sflag:s8] =	ssyncset.s32 @!p0 $0xFFFFF086;
	s6 =	sadd.s32 @!p0 s3, s7;
	s7 =	simm.s32 @!p0 $0x108  }
0x21: {  	s3 =	sadd.s32 s3, s9;
	s6 =	sadd.s32 @!p0 $0x88, s6;
	s7 =	simm.s32 @p2 $0x1082  }
0x22: {  	[simem:s7], [sflag:s8] =	dma.local @!p0 [hbm:s6], $0xF7A  }
0x23: {  	s9 =	sor.u32 $0xD0000000, s2;
	s6 =	simm.s32 $0x108;
	_ =	swait.ge @!p0 [sflag:s8], $0x0  }
0x24: {  	s3 =	sadd.s32 $0x88, s3;
	s6 =	simm.s32 @!p1 $0x1082;
	[sflag:s4] =	ssyncset.s32 $0xFFFFF086  }
0x25: {  	[simem:s6], [sflag:s4] =	dma.local [hbm:s3], $0xF7A  }
0x26: {  	[smem:$0x3F94] =	sst s1;
	(tag) =	ssettag s2;
	_ =	strace s9  }
0x27: {  	s1 =	sld [smem:$0x3FA4]  }
0x28: {  	s2 =	sld [smem:$0x3FA5]  }
0x29: {  	s4 =	sld [smem:$0x3FA7]  }
0x2a: {  	p0 =	seq.s32 s5, $0x0;
	s5 =	sld [smem:$0x3FA8]  }
0x2b: {  	s6 =	sld [smem:$0x3FA9]  }
0x2c: {  	s7 =	sld [smem:$0x3FAA]  }
0x2d: {  	s3 =	simm.s32 $0x108;
	s8 =	sld [smem:$0x3FAB]  }
0x2e: {  	s3 =	simm.s32 @!p0 $0x1082;
	s9 =	sld [smem:$0x3FAC]  }
0x2f: {  	lr =	sadd.s32 s0, s3;
	s0 =	sld [smem:$0x3FA3]  }
0x30: {  	s3 =	sld [smem:$0x3FA6]  }
0x31: {  	[smem:$0x3FAF] =	sst s10  }
0x32: {  	s10 =	sld [smem:$0x3FAD];
	_ =	sdelay $0x3  }
0x33: {  	p0 =	seq.s32 s10, $0x1;
	s10 =	sld [smem:$0x3FAF];
	_ =	sdelay $0x3  }
0x34: {  	[smem:$0x3FAF] =	sst s10  }
0x35: {  	s10 =	sld [smem:$0x3FAE];
	_ =	sdelay $0x3  }
0x36: {  	p1 =	seq.s32 s10, $0x1;
	s10 =	sld [smem:$0x3FAF];
	_ =	sdelay $0x3  }
0x37: {  	[smem:$0x3FAF] =	sst s10  }
0x38: {  	s10 =	sld [smem:$0x3FB0]  }
0x39: {  	_ = 	snop;
	(pc) =	sbr.ind lr, $3  }
0x3a: {  	_ = 	snop  }
0x3b: {  	_ = 	snop  }
0x3c: {  	p2 =	seq.s32 s10, $0x1;
	s10 =	sld [smem:$0x3FAF]  }
0x3d: {  	_ =	shalt  }
0x3e: {  	_ =	shalt  }
0x3f: {  	_ =	shalt  }
0x40: {  	_ =	shalt  }
0x41: {  	_ =	shalt  }
0x42: {  	_ =	shalt  }
0x43: {  	_ =	shalt  }
0x44: {  	_ =	shalt  }
0x45: {  	_ =	shalt  }
0x46: {  	_ =	shalt  }
0x47: {  	_ =	shalt  }
0x48: {  	_ =	shalt  }
0x49: {  	_ =	shalt  }
0x4a: {  	_ =	shalt  }
0x4b: {  	_ =	shalt  }
0x4c: {  	_ =	shalt  }
0x4d: {  	_ =	shalt  }
0x4e: {  	_ =	shalt  }
0x4f: {  	_ =	shalt  }
0x50: {  	_ =	shalt  }
0x51: {  	_ =	shalt  }
0x52: {  	_ =	shalt  }
0x53: {  	_ =	shalt  }
0x54: {  	_ =	shalt  }
0x55: {  	_ =	shalt  }
0x56: {  	_ =	shalt  }
0x57: {  	_ =	shalt  }
0x58: {  	_ =	shalt  }
0x59: {  	_ =	shalt  }
0x5a: {  	_ =	shalt  }
0x5b: {  	_ =	shalt  }
0x5c: {  	_ =	shalt  }
0x5d: {  	_ =	shalt  }
0x5e: {  	_ =	shalt  }
0x5f: {  	_ =	shalt  }
0x60: {  	_ =	shalt  }
0x61: {  	_ =	shalt  }
0x62: {  	_ =	shalt  }
0x63: {  	_ =	shalt  }
0x64: {  	_ =	shalt  }
0x65: {  	_ =	shalt  }
0x66: {  	_ =	shalt  }
0x67: {  	_ =	shalt  }
0x68: {  	_ =	shalt  }
0x69: {  	_ =	shalt  }
0x6a: {  	_ =	shalt  }
0x6b: {  	_ =	shalt  }
0x6c: {  	_ =	shalt  }
0x6d: {  	_ =	shalt  }
0x6e: {  	_ =	shalt  }
0x6f: {  	_ =	shalt  }
0x70: {  	_ =	shalt  }
0x71: {  	_ =	shalt  }
0x72: {  	_ =	shalt  }
0x73: {  	_ =	shalt  }
0x74: {  	_ =	shalt  }
0x75: {  	_ =	shalt  }
0x76: {  	_ =	shalt  }
0x77: {  	_ =	shalt  }
0x78: {  	_ =	shalt  }
0x79: {  	_ =	shalt  }
0x7a: {  	_ =	shalt  }
0x7b: {  	_ =	shalt  }
0x7c: {  	_ =	shalt  }
0x7d: {  	_ =	shalt  }
0x7e: {  	_ =	shalt  }
0x7f: {  	_ =	shalt  }
0x80: {  	_ =	shalt  }
0x81: {  	_ =	shalt  }
0x82: {  	_ =	shalt  }
0x83: {  	_ =	shalt  }
0x84: {  	_ =	shalt  }
0x85: {  	_ =	shalt  }
0x86: {  	_ =	shalt  }
0x87: {  	_ =	shalt  }
.Lfunc_end0:
.L_simem_size_0:
called_computation.1_lowered:
.L_overlay_start_0:
0x88: {  	s2 =	sld [smem:$0x3FD9]  }
0x89: {  	s3 =	sld [smem:$0x3FFE];
	_ =	sdelay $0x1  }
0x8a: {  	s1 =	srdreg.scid  }
0x8b: {  	s0 =	sand.u32 $0x1, s1  }
0x8c: {  	s16 =	sshll.u32 s0, $0xA;
	s2 =	sadd.s32 s3, s2  }
0x8d: {  	s2 =	sadd.s32 s2, s16  }
0x8e: {  	[smem:$0x3FBB] =	sst s2  }
0x8f: {  	_ = 	snop  }
0x90: {  	(tm) =	ssettm $0x1  }
0x91: {  	s17 =	sld [smem:$0x3FFB];
	_ =	sdelay $0x3  }
0x92: {  	_ =	strace s17  }
0x93: {  	s2 =	sld [smem:$0x3FFC];
	_ =	sdelay $0x3  }
0x94: {  	_ =	strace s2  }
0x95: {  	s2 =	sld [smem:$0x3FFD];
	_ =	sdelay $0x3  }
0x96: {  	_ =	strace s2  }
0x97: {  	_ =	strace $0x8FFFFFFF  }
0x98: {  	s18 =	sld [smem:$0x3FDB];
	_ =	sdelay $0x1  }
0x99: {  	s19 =	simm.s32 $_scs_section_size  }
0x9a: {  	s4 =	simm.s32 $_size__tile_overlayer_lowered;
	s5 =	simm.s32 $_tile_overlayer_lowered  }
0x9b: {  	s22 =	simm.s32 $0x1BFF;
	s21 =	sshll.u32 s5, $0x1;
	s2 =	sadd.s32 s19, s18  }
0x9c: {  	s6 =	simm.s32 $0x0;
	s20 =	sshll.u32 s4, $0x1;
	s4 =	sadd.s32 s21, s2  }
0x9d: {  	[timem:s6], [sflag:s22] =	dma.local [hbm:s4], s20  }
0x9e: {  	_ =	swait.ge [sflag:s22], s20  }
0x9f: {  	s3 =	ssub.s32 $0x0, s20;
	[sflag:s22] =	ssyncset.done $0x0  }
0xa0: {  	[sflag:s22] =	ssyncadd.s32 s3;
	_ =	sdelay $0x1  }
0xa1: {  	s23 =	simm.s32 $0x1B8B  }
0xa2: {  	_ =	swait.ge [sflag:s23], $0x1  }
0xa3: {  	[sflag:s23] =	ssyncset.done $0x0  }
0xa4: {  	s25 =	simm.s32 $0x1B8E;
	s24 =	sld [smem:$0x3FFE];
	[sflag:s23] =	ssyncadd.s32 $0xFFFFFFFF  }
0xa5: {  	s26 =	simm.s32 $execute0_lowered;
	[smem:$0x3FD2] =	sst s25  }
0xa6: {  	s4 =	sshll.u32 s26, $0x1;
	_ =	strace $0x80000049;
	[dreg:$0x1] =	wrdreg $0xFFFFFFFF  }
0xa7: {  	s28 =	simm.s32 $_size_execute0_lowered;
	s2 =	sadd.s32 s2, s4;
	[dreg:$0x0] =	wrdreg $0x0  }
0xa8: {  	s4 =	sshll.u32 s28, $0x1;
	[dreg:$0x2] =	wrdreg s2  }
0xa9: {  	[dreg:$0x3] =	wrdreg s4  }
0xaa: {  	[dreg:$0x4] =	wrdreg $0xC0  }
0xab: {  	_ =	task [dreg:s6], $0x5FFFF  }
0xac: {  	[dreg:$0x1] =	wrdreg $0xFFFFFFFF  }
0xad: {  	[dreg:$0x0] =	wrdreg $0x60  }
0xae: {  	[dreg:$0x2] =	wrdreg s24  }
0xaf: {  	[dreg:$0x3] =	wrdreg $0x130000  }
0xb0: {  	[dreg:$0x4] =	wrdreg $0x9  }
0xb1: {  	_ =	task.clear_ibuf [dreg:s6], $0x5FFFF;
	_ =	strace $0x90000049  }
0xb2: {  	s29 =	simm.s32 $0x9;
	_ =	strace $0x8000004B  }
0xb3: {  	_ =	swait.ge [sflag:s29], $0x1  }
0xb4: {  	[sflag:s29] =	ssyncadd.s32 $0xFFFFFFFF  }
0xb5: {  	_ =	strace $0x9000004B  }
0xb6: {  	_ =	sfence  }
0xb7: {  	s30 =	sld [smem:$0x0];
	_ =	sdelay $0x2  }
0xb8: {  	s31 =	sshll.u32 s1, $0xD;
	s1 =	sshrl.u32 s1, $0x2  }
0xb9: {  	s3 =	sand.u32 $0x4000, s31;
	s1 =	sadd.s32 s1, s30  }
0xba: {  	s0 =	sor.u32 s3, s0;
	s1 =	sshll.u32 s1, $0x11  }
0xbb: {  	s0 =	sor.u32 s1, s0  }
0xbc: {  	s0 =	sadd.s32 $0x8F2B, s0  }
0xbd: {  	[sflag:s0] =	ssyncadd.remote.s32 $0x1  }
0xbe: {  	_ =	sfence.sel $0xFFFF  }
0xbf: {  	[dreg:$0x0] =	wrdreg $0xFFFFFFFF;
	(pc) =	sbr.abs _section_cstart, $3  }
0xc0: {  	[dreg:$0x1] =	wrdreg $0xFFFFFFFF  }
0xc1: {  	_ =	task.clear_ibuf [dreg:s6], $0x2FFFF;
	_ =	strace $0x9FFFFFFF  }
0xc2: {  	(tm) =	ssettm $0x7FFFFFFF  }
0xc3: {  	_ =	shalt  }
tec
execute0_lowered:
.L_overlay_start_1:
0x0: {  	(tag) =	ssettag $0x1  }
0x1: {  	s4 =	rddreg [dreg:$0x0]  }
0x2: {  	s0 =	srdreg.scid;
	s2 =	rddreg [dreg:$0x1]  }
0x3: {  	s3 =	simm.s32 $0x0;
	s1 =	stileid.u32;
	s15 =	simm.s32 $0x3  }
0x4: {  	s17 =	simm.s32 $0xA000;
	s18 =	simm.s32 $0xF000;
	s19 =	simm.s32 $0x80  }
0x5: {  	s20 =	simm.s32 $0x11000;
	s21 =	simm.s32 $0x1;
	s7 =	smul.u32 $0xA000, s1  }
0x6: {  	s22 =	simm.s32 $0x2;
	s0 =	sand.u32 $0x1, s0;
	s8 =	smul.u32 $0x28000, s1  }
0x7: {  	s23 =	simm.s32 $0x0;
	[smem:$0x7FF] =	sst s3;
	s5 =	smul.u32 $0xA0000, s0  }
0x8: {  	s31 =	smul.u32 $0xA00, s1;
	_ =	strace $0x8000004A;
	s0 =	ssub.s32 $0x2, s0  }
0x9: {  	s9 =	sshrl.u32 s0, $0x1;
	s8 =	sshrl.u32 s8, $0x2;
	s6 =	sshrl.u32 s5, $0x3  }
0xa: {  	s5 =	sadd.s32 s7, s5;
	s0 =	ssub.s32 s0, s9;
	s11 =	sadd.s32 s8, s2  }
0xb: {  	s7 =	sadd.s32 s7, s2;
	s12 =	sadd.s32 s6, s4;
	s6 =	sadd.s32 s31, s4  }
0xc: {  	s5 =	sshrl.u32 s5, $0x3;
	s8 =	sadd.s32 $0x2000, s11;
	s9 =	sadd.s32 $0x4000, s11  }
0xd: {  	s10 =	sadd.s32 $0x6000, s11;
	s11 =	sadd.s32 $0x8000, s11;
	s14 =	smax.u32 s0, $0x1  }
0xe: {  	v1 =	vimm.s32 $0x0;
	vm0 =	vcmask $0x300;
	s13 =	sadd.s32 s5, s4;
	s4 =	sadd.s32 $0x17600, s6;
	s5 =	sadd.s32 $0x2C00, s6  }
0xf: {  	v0 =	vimm.f32 $0.0e+00;
	v1 =	vsel vm0, $0x3, v1;
	s6 =	sadd.s32 $0xCC00, s6;
	s12 =	sadd.s32 $0x71600, s12;
	s13 =	sadd.s32 $0x99600, s13  }
.LBB2_1:
0x10: {  	[tilespmem:s3], [sflag:$0x3] =	stream.linear.gather [hbm4b:s4+s3], $0x5000, $0x38;
	[tilespmem:$0x1D000] =	vst v63  }
0x11: {  	_ =	swait.ge [sflag:s15], $0x5000  }
0x12: {  	[sflag:s15] =	ssyncset.done $0x0  }
0x13: {  	s0 =	simm.s32 $0x5000;
	[sflag:s15] =	ssyncadd.s32 $0xFFFFB000  }
0x14: {  	[tilespmem:s0], [sflag:$0x3] =	stream.linear.gather [hbm4b:s5+s3], $0x5000, $0x38;
	[tilespmem:$0x1D000] =	vst v63  }
0x15: {  	_ =	swait.ge [sflag:s15], $0x5000  }
0x16: {  	[sflag:s15] =	ssyncset.done $0x0  }
0x17: {  	[sflag:s15] =	ssyncadd.s32 $0xFFFFB000  }
0x18: {  	[tilespmem:s17], [sflag:$0x3] =	stream.linear.gather [hbm4b:s6+s3], $0x5000, $0x38;
	[tilespmem:$0x1D000] =	vst v63  }
0x19: {  	s31 =	sand.u32 $0x7F00, s3;
	s25 =	sand.u32 $0x30, s3;
	_ =	swait.ge [sflag:s15], $0x5000  }
0x1a: {  	s24 =	simm.s32 $0x40;
	s0 =	sshrl.u32 s31, $0x2;
	[sflag:s15] =	ssyncset.done $0x0  }
0x1b: {  	s0 =	sor.u32 s25, s0;
	s25 =	simm.s32 $0x0;
	[sflag:s15] =	ssyncadd.s32 $0xFFFFB000  }
.LBB2_2:
0x1c: {  	p0 =	sne.s32 s24, $0x7FC0  }
0x1d: {  	[tilespmem:s0+$0xF000] =	vst v0;
	s25 =	sadd.s32 $0x10, s25;
	s0 =	smov.u32 s24;
	s24 =	sadd.s32 $0x40, s24  }
.Ltmp0:
0x1e: {  	(pc) =	sbr.rel @p0 .LBB2_2-.Ltmp0, $4  }
0x1f: {  	_ = 	snop  }
0x20: {  	s0 =	sand.u32 $0x7F00, s0  }
0x21: {  	s26 =	sand.u32 $0x30, s25;
	s0 =	sshrl.u32 s0, $0x2  }
0x22: {  	s0 =	sor.u32 s26, s0  }
0x23: {  	[tilespmem:s0+$0xF000] =	vst v0  }
0x24: {  	[spmem:s7] =	stream.linear.scatter [tilespmem:s18], [sflag:$0x3], $0x2000, $0x38;
	[tilespmem:$0x1D000] =	vst v63  }
0x25: {  	_ =	swait.ge [sflag:s15], $0x2000  }
0x26: {  	[sflag:s15] =	ssyncset.done $0x0  }
0x27: {  	[sflag:s15] =	ssyncadd.s32 $0xFFFFE000  }
0x28: {  	[spmem:s8] =	stream.linear.scatter [tilespmem:s18], [sflag:$0x3], $0x2000, $0x38;
	[tilespmem:$0x1D000] =	vst v63  }
0x29: {  	_ =	swait.ge [sflag:s15], $0x2000  }
0x2a: {  	[sflag:s15] =	ssyncset.done $0x0  }
0x2b: {  	[sflag:s15] =	ssyncadd.s32 $0xFFFFE000  }
0x2c: {  	[spmem:s9] =	stream.linear.scatter [tilespmem:s18], [sflag:$0x3], $0x2000, $0x38;
	[tilespmem:$0x1D000] =	vst v63  }
0x2d: {  	_ =	swait.ge [sflag:s15], $0x2000  }
0x2e: {  	[sflag:s15] =	ssyncset.done $0x0  }
0x2f: {  	[sflag:s15] =	ssyncadd.s32 $0xFFFFE000  }
0x30: {  	[spmem:s10] =	stream.linear.scatter [tilespmem:s18], [sflag:$0x3], $0x2000, $0x38;
	[tilespmem:$0x1D000] =	vst v63  }
0x31: {  	_ =	swait.ge [sflag:s15], $0x2000  }
0x32: {  	[sflag:s15] =	ssyncset.done $0x0  }
0x33: {  	[sflag:s15] =	ssyncadd.s32 $0xFFFFE000  }
0x34: {  	[spmem:s11] =	stream.linear.scatter [tilespmem:s18], [sflag:$0x3], $0x2000, $0x38;
	[tilespmem:$0x1D000] =	vst v63  }
0x35: {  	_ =	swait.ge [sflag:s15], $0x2000  }
0x36: {  	[sflag:s15] =	ssyncset.done $0x0  }
0x37: {  	[sflag:s15] =	ssyncadd.s32 $0xFFFFE000  }
0x38: {  	s24 =	simm.s32 $0x0;
	s25 =	simm.s32 $0x0;
	[bflag:$0x0] =	sbarrier.arrive $0xFFFF  }
0x39: {  	[tilespmem:s18], [sflag:$0x1] =	stream.indirect.gather [hbm4b:s12+s19], $0x40, s24, s19, $0xb8;
	[tilespmem:$0x1D000] =	vst v63  }
.LBB2_4:
0x3a: {  	s28 =	sshll.u32 s25, $0x8;
	v10 =	vmov s24  }
0x3b: {  	s0 =	simm.s32 $0x1;
	s26 =	simm.s32 $0x2;
	s16 =	simm.s32 $0x4;
	v3 =	vmov s28;
	v10 =	vshrl.u32 v10, $0x3  }
0x3c: {  	s29 =	simm.s32 $0x5;
	v11 =	vmov s0;
	v12 =	vmov s26;
	v14 =	vmov s16  }
0x3d: {  	v15 =	vmov s29;
	v4 =	vor.u32 $0x1, v3;
	v5 =	vor.u32 $0x2, v3  }
0x3e: {  	v7 =	vor.u32 $0x4, v3;
	v8 =	vor.u32 $0x5, v3;
	v10 =	vshll.u32 v10, v1  }
0x3f: {  	v11 =	vshrl.u32 v11, $0x3;
	v12 =	vshrl.u32 v12, $0x3;
	v14 =	vshrl.u32 v14, $0x3  }
0x40: {  	s26 =	sshllo.u32 s25, $0x1;
	v15 =	vshrl.u32 v15, $0x3;
	v10 =	vadd.s32 v3, v10;
	v11 =	vshll.u32 v11, v1  }
0x41: {  	s26 =	sshll.u32 s26, $0x7;
	v12 =	vshll.u32 v12, v1;
	v10 =	vbroadcast v10, $0x0;
	v11 =	vadd.s32 v11, v4  }
0x42: {  	v14 =	vshll.u32 v14, v1;
	[tilespmem:s20], [sflag:$0x2] =	stream.indirect.gather [hbm4b:s12+s19], $0x40, s26, s19, $0xb8;
	v12 =	vadd.s32 v12, v5;
	v11 =	vbroadcast v11, $0x0;
	[tilespmem:$0x1D000] =	vst v63  }
0x43: {  	s16 =	simm.s32 $0x6;
	v15 =	vshll.u32 v15, v1;
	_ =	swait.ge [sflag:s21], $0x2000;
	v14 =	vadd.s32 v14, v7;
	v12 =	vbroadcast v12, $0x0  }
0x44: {  	v16 =	vmov s16;
	s16 =	simm.s32 $0x7;
	v15 =	vadd.s32 v15, v8;
	[sflag:s21] =	ssyncset.done $0x0;
	v14 =	vbroadcast v14, $0x0  }
0x45: {  	s30 =	simm.s32 $0xF100;
	v16 =	vshrl.u32 v16, $0x3;
	v17 =	vmov s16;
	v15 =	vbroadcast v15, $0x0;
	[sflag:s21] =	ssyncadd.s32 $0xFFFFE000  }
0x46: {  	v9 =	vor.u32 $0x6, v3;
	v16 =	vshll.u32 v16, v1;
	v17 =	vshrl.u32 v17, $0x3;
	v21 =	vld [tilespmem:s30+$0xFFFFFF20]  }
0x47: {  	v2 =	vor.u32 $0x7, v3;
	v16 =	vadd.s32 v16, v9;
	v17 =	vshll.u32 v17, v1;
	v18 =	vld.idx.msk [tilespmem:v10+s17+$0x0], $0xffff  }
0x48: {  	v10 =	vbroadcast v16, $0x0;
	v16 =	vadd.s32 v17, v2;
	v17 =	vld.idx.msk [tilespmem:v11+s17+$0x0], $0xffff  }
0x49: {  	v16 =	vbroadcast v16, $0x0;
	v19 =	vld.idx.msk [tilespmem:v12+s17+$0x0], $0xffff  }
0x4a: {  	s0 =	simm.s32 $0x3;
	v20 =	vld.idx.msk [tilespmem:v14+s17+$0x0], $0xffff  }
0x4b: {  	v13 =	vmov s0;
	v12 =	vld.idx.msk [tilespmem:v15+s17+$0x0], $0xffff  }
0x4c: {  	v13 =	vshrl.u32 v13, $0x3;
	v14 =	vld [tilespmem:s30+$0xF0]  }
0x4d: {  	v6 =	vor.u32 $0x3, v3;
	v13 =	vshll.u32 v13, v1;
	v15 =	vld [tilespmem:s30+$0xFFFFFF00]  }
0x4e: {  	v13 =	vadd.s32 v13, v6;
	v11 =	vld.idx.msk [tilespmem:v10+s17+$0x0], $0xffff  }
0x4f: {  	v13 =	vbroadcast v13, $0x0;
	v10 =	vld.idx.msk [tilespmem:v16+s17+$0x0], $0xffff  }
0x50: {  	v16 =	vld [tilespmem:s30+$0xFFFFFF10]  }
0x51: {  	v22 =	vld [tilespmem:s30+$0xFFFFFF30]  }
0x52: {  	v23 =	vld [tilespmem:s30+$0xFFFFFF40]  }
0x53: {  	v24 =	vld [tilespmem:s30+$0xFFFFFF50];
	v15 =	vmul.f32 v15, v18  }
0x54: {  	v25 =	vld [tilespmem:s30+$0xFFFFFF60];
	v14 =	vmul.f32 v14, v10  }
0x55: {  	v13 =	vld.idx.msk [tilespmem:v13+s17+$0x0], $0xffff;
	[tilespmem:s30+$0xFFFFFF00] =	vst v15;
	v16 =	vmul.f32 v16, v18  }
0x56: {  	v15 =	vld [tilespmem:s30+$0xFFFFFF70];
	[tilespmem:s30+$0xF0] =	vst v14;
	v14 =	vmul.f32 v21, v18  }
0x57: {  	[tilespmem:s30+$0xFFFFFF10] =	vst v16;
	v16 =	vmul.f32 v22, v18;
	v18 =	vld [tilespmem:s30+$0xFFFFFF80]  }
0x58: {  	v21 =	vld [tilespmem:s30+$0xFFFFFF90];
	[tilespmem:s30+$0xFFFFFF20] =	vst v14;
	v14 =	vmul.f32 v23, v17  }
0x59: {  	v22 =	vld [tilespmem:s30+$0xFFFFFFA0];
	[tilespmem:s30+$0xFFFFFF30] =	vst v16;
	v16 =	vmul.f32 v24, v17  }
0x5a: {  	s29 =	simm.s32 $0xB;
	v23 =	vld [tilespmem:s30+$0xFFFFFFB0];
	[tilespmem:s30+$0xFFFFFF40] =	vst v14;
	v14 =	vmul.f32 v25, v17  }
0x5b: {  	v26 =	vmov s29;
	s29 =	simm.s32 $0xD;
	s16 =	simm.s32 $0x8;
	v15 =	vmul.f32 v15, v17;
	[tilespmem:s30+$0xFFFFFF50] =	vst v16;
	v16 =	vld [tilespmem:s30+$0xFFFFFFC0]  }
0x5c: {  	v28 =	vmov s29;
	v24 =	vmov s16;
	s16 =	simm.s32 $0x9;
	[tilespmem:s30+$0xFFFFFF60] =	vst v14;
	v14 =	vmul.f32 v18, v19;
	v18 =	vld [tilespmem:s30+$0xFFFFFFD0]  }
0x5d: {  	[tilespmem:s30+$0xFFFFFF70] =	vst v15;
	v17 =	vshrl.u32 v24, $0x3;
	v24 =	vmov s16;
	s16 =	simm.s32 $0xA;
	v15 =	vmul.f32 v21, v19;
	v21 =	vld [tilespmem:s30+$0xFFFFFFE0]  }
0x5e: {  	v25 =	vmov s16;
	s16 =	simm.s32 $0xC;
	v17 =	vshll.u32 v17, v1;
	[tilespmem:s30+$0xFFFFFF80] =	vst v14;
	v14 =	vmul.f32 v22, v19;
	v22 =	vld [tilespmem:s30+$0xFFFFFFF0]  }
0x5f: {  	v27 =	vmov s16;
	s16 =	simm.s32 $0xE;
	v17 =	vadd.s32 v3, v17;
	[tilespmem:s30+$0xFFFFFF90] =	vst v15;
	v15 =	vmul.f32 v23, v19;
	v19 =	vld [tilespmem:s30+$0x0]  }
0x60: {  	v29 =	vmov s16;
	v23 =	vshrl.u32 v24, $0x3;
	[tilespmem:s30+$0xFFFFFFA0] =	vst v14;
	v14 =	vmul.f32 v16, v13;
	v16 =	vld [tilespmem:s30+$0x10]  }
0x61: {  	v24 =	vshrl.u32 v25, $0x3;
	v25 =	vshrl.u32 v26, $0x3;
	[tilespmem:s30+$0xFFFFFFB0] =	vst v15;
	v15 =	vmul.f32 v18, v13;
	v18 =	vld [tilespmem:s30+$0x20]  }
0x62: {  	v26 =	vshrl.u32 v27, $0x3;
	v27 =	vshrl.u32 v28, $0x3;
	[tilespmem:s30+$0xFFFFFFC0] =	vst v14;
	v14 =	vmul.f32 v21, v13;
	v21 =	vld [tilespmem:s30+$0x30]  }
0x63: {  	v62 =	vshrl.u32 v29, $0x3;
	v23 =	vshll.u32 v23, v1;
	[tilespmem:s30+$0xFFFFFFD0] =	vst v15;
	v13 =	vmul.f32 v22, v13;
	v22 =	vld [tilespmem:s30+$0x40]  }
0x64: {  	v63 =	vld [tilespmem:s30+$0x50];
	v24 =	vshll.u32 v24, v1;
	v25 =	vshll.u32 v25, v1;
	v15 =	vmul.f32 v19, v20;
	[tilespmem:s30+$0xFFFFFFE0] =	vst v14  }
0x65: {  	v19 =	vshll.u32 v26, v1;
	v26 =	vshll.u32 v27, v1;
	v27 =	vld [tilespmem:s30+$0x60];
	[tilespmem:s30+$0xFFFFFFF0] =	vst v13;
	v13 =	vmul.f32 v16, v20  }
0x66: {  	v28 =	vshll.u32 v62, v1;
	v25 =	vadd.s32 v25, v6;
	[tilespmem:s30+$0x0] =	vst v15;
	v15 =	vld [tilespmem:s30+$0x70];
	v16 =	vmul.f32 v18, v20  }
0x67: {  	v14 =	vbroadcast v17, $0x0;
	v17 =	vadd.s32 v23, v4;
	[tilespmem:s30+$0x10] =	vst v13;
	v20 =	vmul.f32 v21, v20;
	v13 =	vld [tilespmem:s30+$0x80]  }
0x68: {  	v23 =	vadd.s32 v26, v8;
	v18 =	vadd.s32 v24, v5;
	[tilespmem:s30+$0x20] =	vst v16;
	v30 =	vmul.f32 v22, v12;
	v16 =	vld [tilespmem:s30+$0x90]  }
0x69: {  	v21 =	vadd.s32 v19, v7;
	v19 =	vbroadcast v17, $0x0;
	v17 =	vld [tilespmem:s30+$0xA0];
	v22 =	vmul.f32 v63, v12;
	[tilespmem:s30+$0x30] =	vst v20  }
0x6a: {  	s31 =	simm.s32 $0x10;
	s0 =	simm.s32 $0xF;
	s29 =	sshll.u32 s25, $0x1;
	v24 =	vadd.s32 v28, v9;
	v26 =	vmul.f32 v27, v12;
	v20 =	vbroadcast v18, $0x0;
	v18 =	vld [tilespmem:s30+$0xB0];
	[tilespmem:s30+$0x40] =	vst v30  }
.LBB2_5:
0x6b: {  	p0 =	slt.u32 s31, $0x78;
	v25 =	vbroadcast v25, $0x0;
	v27 =	vmov s0;
	[tilespmem:s30+$0x50] =	vst v22;
	v12 =	vmul.f32 v15, v12;
	v15 =	vld [tilespmem:s30+$0xC0]  }
0x6c: {  	v21 =	vbroadcast v21, $0x0;
	v22 =	vshrl.u32 v27, $0x3;
	[tilespmem:s30+$0x60] =	vst v26;
	v13 =	vmul.f32 v13, v11;
	v26 =	vld [tilespmem:s30+$0xD0]  }
0x6d: {  	v23 =	vbroadcast v23, $0x0;
	v22 =	vshll.u32 v22, v1;
	[tilespmem:s30+$0x70] =	vst v12;
	v12 =	vmul.f32 v16, v11;
	v16 =	vld [tilespmem:s30+$0xE0]  }
0x6e: {  	v24 =	vbroadcast v24, $0x0;
	v14 =	vld.idx.msk [tilespmem:v14+s17+$0x0], $0xffff;
	v22 =	vadd.s32 v22, v2;
	[tilespmem:s30+$0x80] =	vst v13;
	v13 =	vmul.f32 v17, v11  }
0x6f: {  	v17 =	vld.idx.msk [tilespmem:v19+s17+$0x0], $0xffff;
	v19 =	vbroadcast v22, $0x0;
	[tilespmem:s30+$0x90] =	vst v12;
	v11 =	vmul.f32 v18, v11  }
0x70: {  	v18 =	vld.idx.msk [tilespmem:v20+s17+$0x0], $0xffff;
	[tilespmem:s30+$0xA0] =	vst v13;
	v12 =	vmul.f32 v15, v10  }
0x71: {  	v15 =	vld.idx.msk [tilespmem:v25+s17+$0x0], $0xffff;
	[tilespmem:s30+$0xB0] =	vst v11;
	v11 =	vmul.f32 v26, v10  }
0x72: {  	v13 =	vld.idx.msk [tilespmem:v21+s17+$0x0], $0xffff;
	[tilespmem:s30+$0xC0] =	vst v12;
	v10 =	vmul.f32 v16, v10  }
0x73: {  	v12 =	vld.idx.msk [tilespmem:v23+s17+$0x0], $0xffff;
	[tilespmem:s30+$0xD0] =	vst v11  }
0x74: {  	v11 =	vld.idx.msk [tilespmem:v24+s17+$0x0], $0xffff;
	[tilespmem:s30+$0xE0] =	vst v10  }
0x75: {  	s30 =	sadd.s32 $0x200, s30;
	v10 =	vld.idx.msk [tilespmem:v19+s17+$0x0], $0xffff  }
0x76: {  	v16 =	vld [tilespmem:s30+$0xF0]  }
0x77: {  	v19 =	vld [tilespmem:s30+$0xFFFFFF00]  }
0x78: {  	v20 =	vld [tilespmem:s30+$0xFFFFFF10]  }
0x79: {  	v21 =	vld [tilespmem:s30+$0xFFFFFF20]  }
0x7a: {  	v22 =	vld [tilespmem:s30+$0xFFFFFF30]  }
0x7b: {  	v23 =	vld [tilespmem:s30+$0xFFFFFF40];
	v16 =	vmul.f32 v16, v10  }
0x7c: {  	v19 =	vmul.f32 v19, v14;
	v24 =	vld [tilespmem:s30+$0xFFFFFF50]  }
0x7d: {  	v20 =	vmul.f32 v20, v14;
	v25 =	vld [tilespmem:s30+$0xFFFFFF60];
	[tilespmem:s30+$0xF0] =	vst v16  }
0x7e: {  	[tilespmem:s30+$0xFFFFFF00] =	vst v19;
	v16 =	vmul.f32 v21, v14;
	v19 =	vld [tilespmem:s30+$0xFFFFFF70]  }
0x7f: {  	[tilespmem:s30+$0xFFFFFF10] =	vst v20;
	v14 =	vmul.f32 v22, v14;
	v20 =	vld [tilespmem:s30+$0xFFFFFF80]  }
0x80: {  	[tilespmem:s30+$0xFFFFFF20] =	vst v16;
	v16 =	vmul.f32 v23, v17;
	v21 =	vld [tilespmem:s30+$0xFFFFFF90]  }
0x81: {  	[tilespmem:s30+$0xFFFFFF30] =	vst v14;
	v14 =	vmul.f32 v24, v17;
	v22 =	vld [tilespmem:s30+$0xFFFFFFA0]  }
0x82: {  	[tilespmem:s30+$0xFFFFFF40] =	vst v16;
	v16 =	vmul.f32 v25, v17;
	v23 =	vld [tilespmem:s30+$0xFFFFFFB0]  }
0x83: {  	s0 =	sadd.s32 $0x1, s31;
	v24 =	vmov s31;
	[tilespmem:s30+$0xFFFFFF50] =	vst v14;
	v14 =	vmul.f32 v19, v17;
	v17 =	vld [tilespmem:s30+$0xFFFFFFC0]  }
0x84: {  	s16 =	sadd.s32 $0x3, s31;
	v19 =	vshrl.u32 v24, $0x3;
	v24 =	vmov s0;
	s0 =	sadd.s32 $0x2, s31;
	[tilespmem:s30+$0xFFFFFF60] =	vst v16;
	v16 =	vmul.f32 v20, v18;
	v20 =	vld [tilespmem:s30+$0xFFFFFFD0]  }
0x85: {  	v26 =	vmov s16;
	s16 =	sadd.s32 $0x5, s31;
	v25 =	vmov s0;
	s0 =	sadd.s32 $0x4, s31;
	[tilespmem:s30+$0xFFFFFF70] =	vst v14;
	v14 =	vmul.f32 v21, v18;
	v21 =	vld [tilespmem:s30+$0xFFFFFFE0]  }
0x86: {  	v28 =	vmov s16;
	v27 =	vmov s0;
	s0 =	sadd.s32 $0x6, s31;
	[tilespmem:s30+$0xFFFFFF80] =	vst v16;
	v16 =	vmul.f32 v22, v18;
	v22 =	vld [tilespmem:s30+$0xFFFFFFF0]  }
0x87: {  	v19 =	vshll.u32 v19, v1;
	v29 =	vmov s0;
	[tilespmem:s30+$0xFFFFFF90] =	vst v14;
	v14 =	vmul.f32 v23, v18;
	v18 =	vld [tilespmem:s30+$0x0]  }
0x88: {  	v23 =	vshrl.u32 v24, $0x3;
	v24 =	vshrl.u32 v25, $0x3;
	[tilespmem:s30+$0xFFFFFFA0] =	vst v16;
	v16 =	vmul.f32 v17, v15;
	v17 =	vld [tilespmem:s30+$0x10]  }
0x89: {  	v25 =	vshrl.u32 v26, $0x3;
	v26 =	vshrl.u32 v27, $0x3;
	[tilespmem:s30+$0xFFFFFFB0] =	vst v14;
	v14 =	vmul.f32 v20, v15;
	v20 =	vld [tilespmem:s30+$0x20]  }
0x8a: {  	v27 =	vshrl.u32 v28, $0x3;
	v28 =	vshrl.u32 v29, $0x3;
	[tilespmem:s30+$0xFFFFFFC0] =	vst v16;
	v16 =	vmul.f32 v21, v15;
	v21 =	vld [tilespmem:s30+$0x30]  }
0x8b: {  	v19 =	vadd.s32 v3, v19;
	v23 =	vshll.u32 v23, v1;
	[tilespmem:s30+$0xFFFFFFD0] =	vst v14;
	v14 =	vmul.f32 v22, v15;
	v22 =	vld [tilespmem:s30+$0x40]  }
0x8c: {  	v24 =	vshll.u32 v24, v1;
	v25 =	vshll.u32 v25, v1;
	[tilespmem:s30+$0xFFFFFFE0] =	vst v16;
	v15 =	vmul.f32 v18, v13;
	v18 =	vld [tilespmem:s30+$0x50]  }
0x8d: {  	v16 =	vshll.u32 v26, v1;
	v26 =	vshll.u32 v27, v1;
	[tilespmem:s30+$0xFFFFFFF0] =	vst v14;
	v17 =	vmul.f32 v17, v13;
	v27 =	vld [tilespmem:s30+$0x60]  }
.Ltmp1:
0x8e: {  	v28 =	vshll.u32 v28, v1;
	v14 =	vbroadcast v19, $0x0;
	[tilespmem:s30+$0x0] =	vst v15;
	v19 =	vmul.f32 v20, v13;
	v15 =	vld [tilespmem:s30+$0x70];
	(pc) =	sbr.rel @p0 .LBB2_5-.Ltmp1, $4  }
0x8f: {  	v24 =	vadd.s32 v24, v5;
	v20 =	vadd.s32 v23, v4;
	[tilespmem:s30+$0x10] =	vst v17;
	v17 =	vmul.f32 v21, v13;
	v13 =	vld [tilespmem:s30+$0x80]  }
0x90: {  	v25 =	vadd.s32 v25, v6;
	v21 =	vadd.s32 v16, v7;
	[tilespmem:s30+$0x20] =	vst v19;
	v29 =	vmul.f32 v22, v12;
	v16 =	vld [tilespmem:s30+$0x90]  }
0x91: {  	v23 =	vadd.s32 v26, v8;
	v19 =	vbroadcast v20, $0x0;
	[tilespmem:s30+$0x30] =	vst v17;
	v22 =	vmul.f32 v18, v12;
	v17 =	vld [tilespmem:s30+$0xA0]  }
0x92: {  	s0 =	sadd.s32 $0x7, s31;
	s31 =	sadd.s32 $0x8, s31;
	v20 =	vbroadcast v24, $0x0;
	v24 =	vadd.s32 v28, v9;
	[tilespmem:s30+$0x40] =	vst v29;
	v26 =	vmul.f32 v27, v12;
	v18 =	vld [tilespmem:s30+$0xB0]  }
0x93: {  	_ = 	snop  }
0x94: {  	v5 =	vld [tilespmem:s30+$0xC0]  }
0x95: {  	v7 =	vld [tilespmem:s30+$0xD0]  }
0x96: {  	v9 =	vld [tilespmem:s30+$0xE0]  }
0x97: {  	v4 =	vmov s0;
	v14 =	vld.idx.msk [tilespmem:v14+s17+$0x0], $0xffff;
	s31 =	sadd.s32 $0x200, s30;
	v12 =	vmul.f32 v15, v12  }
0x98: {  	v3 =	vbroadcast v25, $0x0;
	v4 =	vshrl.u32 v4, $0x3;
	v15 =	vld [tilespmem:s31+$0xF0]  }
0x99: {  	v6 =	vbroadcast v21, $0x0;
	v4 =	vshll.u32 v4, v1;
	[tilespmem:s30+$0x70] =	vst v12;
	v12 =	vmul.f32 v16, v11;
	v16 =	vld [tilespmem:s31+$0xFFFFFF10]  }
0x9a: {  	v21 =	vbroadcast v24, $0x0;
	v13 =	vmul.f32 v13, v11;
	v2 =	vadd.s32 v4, v2;
	v4 =	vld.idx.msk [tilespmem:v19+s17+$0x0], $0xffff  }
0x9b: {  	v19 =	vld.idx.msk [tilespmem:v20+s17+$0x0], $0xffff  }
0x9c: {  	[tilespmem:s30+$0x80] =	vst v13;
	v13 =	vmul.f32 v17, v11;
	v17 =	vld [tilespmem:s31+$0xFFFFFF20]  }
0x9d: {  	v8 =	vbroadcast v23, $0x0;
	[tilespmem:s30+$0x90] =	vst v12;
	v12 =	vld [tilespmem:s31+$0xFFFFFF30]  }
0x9e: {  	v2 =	vbroadcast v2, $0x0;
	[tilespmem:s30+$0xA0] =	vst v13;
	v13 =	vld [tilespmem:s31+$0xFFFFFF40]  }
0x9f: {  	v3 =	vld.idx.msk [tilespmem:v3+s17+$0x0], $0xffff  }
0xa0: {  	v20 =	vld.idx.msk [tilespmem:v21+s17+$0x0], $0xffff  }
0xa1: {  	v21 =	vld [tilespmem:s31+$0xFFFFFF00]  }
0xa2: {  	[tilespmem:s30+$0x50] =	vst v22;
	v5 =	vmul.f32 v5, v10;
	v6 =	vld.idx.msk [tilespmem:v6+s17+$0x0], $0xffff  }
0xa3: {  	[tilespmem:s30+$0x60] =	vst v26;
	v11 =	vmul.f32 v18, v11;
	v8 =	vld.idx.msk [tilespmem:v8+s17+$0x0], $0xffff  }
0xa4: {  	[tilespmem:s30+$0xC0] =	vst v5;
	v5 =	vmul.f32 v9, v10;
	v2 =	vld.idx.msk [tilespmem:v2+s17+$0x0], $0xffff  }
0xa5: {  	[tilespmem:s30+$0xB0] =	vst v11;
	v11 =	vld [tilespmem:s31+$0xFFFFFF50];
	v12 =	vmul.f32 v12, v14  }
0xa6: {  	v9 =	vld [tilespmem:s31+$0xFFFFFF60];
	[tilespmem:s30+$0xE0] =	vst v5;
	v5 =	vmul.f32 v21, v14  }
0xa7: {  	v7 =	vmul.f32 v7, v10;
	v10 =	vld [tilespmem:s31+$0xFFFFFF70];
	[tilespmem:s31+$0xFFFFFF30] =	vst v12  }
0xa8: {  	v12 =	vld [tilespmem:s31+$0xFFFFFFD0];
	[tilespmem:s31+$0xFFFFFF00] =	vst v5;
	v5 =	vmul.f32 v17, v14  }
0xa9: {  	[tilespmem:s30+$0xD0] =	vst v7;
	v17 =	vld [tilespmem:s31+$0xFFFFFFA0];
	v7 =	vmul.f32 v15, v2  }
0xaa: {  	v11 =	vmul.f32 v11, v4;
	v15 =	vld [tilespmem:s31+$0xFFFFFF80];
	[tilespmem:s31+$0xFFFFFF20] =	vst v5  }
0xab: {  	v5 =	vmul.f32 v13, v4;
	[tilespmem:s31+$0xF0] =	vst v7;
	v7 =	vld [tilespmem:s31+$0xFFFFFF90]  }
0xac: {  	v16 =	vmul.f32 v16, v14;
	v14 =	vld [tilespmem:s31+$0xFFFFFFB0];
	[tilespmem:s31+$0xFFFFFF50] =	vst v11  }
0xad: {  	v11 =	vld [tilespmem:s31+$0x0];
	[tilespmem:s31+$0xFFFFFF40] =	vst v5;
	v5 =	vmul.f32 v9, v4  }
0xae: {  	[tilespmem:s31+$0xFFFFFF10] =	vst v16;
	v13 =	vld [tilespmem:s31+$0xFFFFFFC0];
	v4 =	vmul.f32 v10, v4  }
0xaf: {  	v9 =	vld [tilespmem:s31+$0xFFFFFFE0];
	[tilespmem:s31+$0xFFFFFF60] =	vst v5;
	v5 =	vmul.f32 v15, v19  }
0xb0: {  	v10 =	vld [tilespmem:s31+$0xFFFFFFF0];
	[tilespmem:s31+$0xFFFFFF70] =	vst v4;
	v4 =	vmul.f32 v7, v19  }
0xb1: {  	v15 =	vld [tilespmem:s31+$0x20];
	[tilespmem:s31+$0xFFFFFF80] =	vst v5;
	v5 =	vmul.f32 v17, v19  }
0xb2: {  	v7 =	vld [tilespmem:s31+$0x10];
	[tilespmem:s31+$0xFFFFFF90] =	vst v4;
	v4 =	vmul.f32 v14, v19  }
0xb3: {  	v14 =	vld [tilespmem:s31+$0x30];
	[tilespmem:s31+$0xFFFFFFA0] =	vst v5;
	v5 =	vmul.f32 v13, v3  }
0xb4: {  	v13 =	vld [tilespmem:s31+$0x40];
	[tilespmem:s31+$0xFFFFFFB0] =	vst v4;
	v4 =	vmul.f32 v12, v3  }
0xb5: {  	v12 =	vld [tilespmem:s31+$0x50];
	[tilespmem:s31+$0xFFFFFFC0] =	vst v5;
	v5 =	vmul.f32 v9, v3  }
0xb6: {  	v9 =	vld [tilespmem:s31+$0x60];
	v3 =	vmul.f32 v10, v3;
	[tilespmem:s31+$0xFFFFFFD0] =	vst v4  }
0xb7: {  	v10 =	vld [tilespmem:s31+$0x80];
	[tilespmem:s31+$0xFFFFFFE0] =	vst v5;
	v5 =	vmul.f32 v11, v6  }
0xb8: {  	v4 =	vld [tilespmem:s31+$0x70];
	[tilespmem:s31+$0xFFFFFFF0] =	vst v3;
	v3 =	vmul.f32 v7, v6  }
0xb9: {  	v7 =	vld [tilespmem:s31+$0x90];
	[tilespmem:s31+$0x0] =	vst v5;
	v5 =	vmul.f32 v15, v6  }
0xba: {  	[tilespmem:s31+$0x10] =	vst v3;
	v3 =	vmul.f32 v14, v6;
	v6 =	vld [tilespmem:s31+$0xB0]  }
0xbb: {  	v11 =	vld [tilespmem:s31+$0xA0];
	[tilespmem:s31+$0x20] =	vst v5;
	v5 =	vmul.f32 v13, v8  }
0xbc: {  	v13 =	vld [tilespmem:s31+$0xC0];
	[tilespmem:s31+$0x30] =	vst v3;
	v3 =	vmul.f32 v12, v8  }
0xbd: {  	v12 =	vld [tilespmem:s31+$0xD0];
	[tilespmem:s31+$0x40] =	vst v5;
	v5 =	vmul.f32 v9, v8  }
0xbe: {  	[tilespmem:s31+$0x50] =	vst v3;
	v3 =	vmul.f32 v4, v8  }
0xbf: {  	v9 =	vld [tilespmem:s31+$0xE0];
	v4 =	vmul.f32 v10, v20;
	v6 =	vmul.f32 v6, v20;
	[tilespmem:s31+$0x60] =	vst v5  }
0xc0: {  	s16 =	simm.s32 $0x0;
	s30 =	simm.s32 $0x1;
	v5 =	vmul.f32 v7, v20;
	[tilespmem:s31+$0x70] =	vst v3;
	v3 =	vmul.f32 v11, v20  }
0xc1: {  	[tilespmem:s31+$0x80] =	vst v4;
	v11 =	vmov s16;
	s16 =	simm.s32 $0x2;
	v8 =	vmul.f32 v13, v2;
	v13 =	vmov s30;
	s30 =	simm.s32 $0x3  }
0xc2: {  	v10 =	vmul.f32 v12, v2;
	v14 =	vmov s16;
	[tilespmem:s31+$0xB0] =	vst v6;
	s16 =	simm.s32 $0x4;
	v15 =	vmov s30  }
0xc3: {  	[tilespmem:s31+$0x90] =	vst v5;
	v16 =	vmov s16;
	v13 =	vshrl.u32 v13, $0x3;
	v14 =	vshrl.u32 v14, $0x3  }
0xc4: {  	s30 =	simm.s32 $0x5;
	v12 =	vmul.f32 v9, v2;
	v2 =	vmov s26;
	[tilespmem:s31+$0xD0] =	vst v10;
	v10 =	vshrl.u32 v11, $0x3  }
0xc5: {  	[tilespmem:s31+$0xA0] =	vst v3;
	v11 =	vmov s30;
	v15 =	vshrl.u32 v15, $0x3;
	v16 =	vshrl.u32 v16, $0x3  }
0xc6: {  	s16 =	sand.u32 $0x3FFFFF00, s28;
	[tilespmem:s31+$0xC0] =	vst v8;
	v13 =	vshll.u32 v13, v1;
	v14 =	vshll.u32 v14, v1;
	v3 =	vor.u32 $0x1, v2  }
0xc7: {  	s16 =	sadd.s32 $0x5000, s16;
	v4 =	vor.u32 $0x2, v2;
	v5 =	vor.u32 $0x3, v2;
	v7 =	vor.u32 $0x4, v2;
	[tilespmem:s31+$0xE0] =	vst v12  }
0xc8: {  	v8 =	vor.u32 $0x5, v2;
	v9 =	vor.u32 $0x6, v2;
	v10 =	vshll.u32 v10, v1;
	[spmem:s2] =	stream.indirect.scatter.add.f32 [tilespmem:s18], [sflag:$0x3], $0x40, s16, s19, $0xb8;
	[tilespmem:$0x1D000] =	vst v63  }
0xc9: {  	v6 =	vor.u32 $0x7, v2;
	v11 =	vshrl.u32 v11, $0x3;
	v10 =	vadd.s32 v2, v10;
	s16 =	smin.u32 s29, $0x9D;
	_ =	swait.ge [sflag:s15], $0x2000  }
0xca: {  	v15 =	vshll.u32 v15, v1;
	v13 =	vadd.s32 v13, v3;
	v10 =	vbroadcast v10, $0x0;
	s0 =	sshll.u32 s16, $0x7;
	[sflag:s15] =	ssyncset.done $0x0  }
0xcb: {  	s30 =	simm.s32 $0x6;
	v16 =	vshll.u32 v16, v1;
	v14 =	vadd.s32 v14, v4;
	v13 =	vbroadcast v13, $0x0;
	s0 =	sadd.s32 $0x100, s0;
	[sflag:s15] =	ssyncadd.s32 $0xFFFFE000  }
0xcc: {  	v12 =	vmov s30;
	v15 =	vadd.s32 v15, v5;
	v14 =	vbroadcast v14, $0x0;
	[tilespmem:s18], [sflag:$0x1] =	stream.indirect.gather [hbm4b:s12+s19], $0x40, s0, s19, $0xb8;
	[tilespmem:$0x1D000] =	vst v63  }
0xcd: {  	v11 =	vshll.u32 v11, v1;
	s30 =	simm.s32 $0x7;
	v16 =	vadd.s32 v16, v7;
	v15 =	vbroadcast v15, $0x0;
	_ =	swait.ge [sflag:s22], $0x2000  }
0xce: {  	v12 =	vshrl.u32 v12, $0x3;
	v17 =	vmov s30;
	v16 =	vbroadcast v16, $0x0;
	[sflag:s22] =	ssyncset.done $0x0  }
0xcf: {  	v11 =	vadd.s32 v11, v8;
	v12 =	vshll.u32 v12, v1;
	v17 =	vshrl.u32 v17, $0x3;
	[sflag:s22] =	ssyncadd.s32 $0xFFFFE000  }
0xd0: {  	v11 =	vbroadcast v11, $0x0;
	v12 =	vadd.s32 v12, v9;
	v17 =	vshll.u32 v17, v1;
	v18 =	vld.idx.msk [tilespmem:v10+s17+$0x0], $0xffff  }
0xd1: {  	v10 =	vbroadcast v12, $0x0;
	v12 =	vadd.s32 v17, v6;
	v13 =	vld.idx.msk [tilespmem:v13+s17+$0x0], $0xffff  }
0xd2: {  	v14 =	vld.idx.msk [tilespmem:v14+s17+$0x0], $0xffff;
	v17 =	vbroadcast v12, $0x0  }
0xd3: {  	v15 =	vld.idx.msk [tilespmem:v15+s17+$0x0], $0xffff  }
0xd4: {  	s28 =	simm.s32 $0x11100;
	v16 =	vld.idx.msk [tilespmem:v16+s17+$0x0], $0xffff  }
0xd5: {  	v19 =	vld [tilespmem:s28+$0xFFFFFF00]  }
0xd6: {  	v12 =	vld.idx.msk [tilespmem:v11+s17+$0x0], $0xffff  }
0xd7: {  	v11 =	vld.idx.msk [tilespmem:v10+s17+$0x0], $0xffff  }
0xd8: {  	v10 =	vld.idx.msk [tilespmem:v17+s17+$0x0], $0xffff  }
0xd9: {  	v17 =	vld [tilespmem:s28+$0xF0]  }
0xda: {  	v20 =	vld [tilespmem:s28+$0xFFFFFF10]  }
0xdb: {  	v21 =	vld [tilespmem:s28+$0xFFFFFF20]  }
0xdc: {  	v22 =	vld [tilespmem:s28+$0xFFFFFF30]  }
0xdd: {  	v23 =	vld [tilespmem:s28+$0xFFFFFF40];
	v19 =	vmul.f32 v19, v18  }
0xde: {  	v24 =	vld [tilespmem:s28+$0xFFFFFF50];
	v17 =	vmul.f32 v17, v10  }
0xdf: {  	v25 =	vld [tilespmem:s28+$0xFFFFFF60];
	v20 =	vmul.f32 v20, v18;
	[tilespmem:s28+$0xFFFFFF00] =	vst v19  }
0xe0: {  	v19 =	vld [tilespmem:s28+$0xFFFFFF70];
	[tilespmem:s28+$0xF0] =	vst v17;
	v17 =	vmul.f32 v21, v18  }
0xe1: {  	[tilespmem:s28+$0xFFFFFF10] =	vst v20;
	v20 =	vld [tilespmem:s28+$0xFFFFFF80];
	v18 =	vmul.f32 v22, v18  }
0xe2: {  	v21 =	vld [tilespmem:s28+$0xFFFFFF90];
	[tilespmem:s28+$0xFFFFFF20] =	vst v17;
	v17 =	vmul.f32 v23, v13  }
0xe3: {  	v22 =	vld [tilespmem:s28+$0xFFFFFFA0];
	[tilespmem:s28+$0xFFFFFF30] =	vst v18;
	v18 =	vmul.f32 v24, v13  }
0xe4: {  	s31 =	simm.s32 $0x8;
	v23 =	vld [tilespmem:s28+$0xFFFFFFB0];
	[tilespmem:s28+$0xFFFFFF40] =	vst v17;
	v17 =	vmul.f32 v25, v13  }
0xe5: {  	v24 =	vmov s31;
	s31 =	simm.s32 $0xB;
	[tilespmem:s28+$0xFFFFFF50] =	vst v18;
	v13 =	vmul.f32 v19, v13;
	v18 =	vld [tilespmem:s28+$0xFFFFFFC0]  }
0xe6: {  	s30 =	simm.s32 $0xA;
	s16 =	simm.s32 $0x9;
	v26 =	vmov s31;
	v19 =	vshrl.u32 v24, $0x3;
	[tilespmem:s28+$0xFFFFFF60] =	vst v17;
	v17 =	vmul.f32 v20, v14;
	v20 =	vld [tilespmem:s28+$0xFFFFFFD0]  }
0xe7: {  	s31 =	simm.s32 $0xE;
	v24 =	vmov s16;
	v25 =	vmov s30;
	s16 =	simm.s32 $0xC;
	[tilespmem:s28+$0xFFFFFF70] =	vst v13;
	v13 =	vmul.f32 v21, v14;
	v21 =	vld [tilespmem:s28+$0xFFFFFFE0]  }
0xe8: {  	s30 =	simm.s32 $0xD;
	v29 =	vmov s31;
	v27 =	vmov s16;
	[tilespmem:s28+$0xFFFFFF80] =	vst v17;
	v17 =	vmul.f32 v22, v14;
	v22 =	vld [tilespmem:s28+$0xFFFFFFF0]  }
0xe9: {  	v28 =	vmov s30;
	v19 =	vshll.u32 v19, v1;
	[tilespmem:s28+$0xFFFFFF90] =	vst v13;
	v13 =	vmul.f32 v23, v14;
	v14 =	vld [tilespmem:s28+$0x0]  }
0xea: {  	v61 =	vshrl.u32 v29, $0x3;
	v19 =	vadd.s32 v2, v19;
	[tilespmem:s28+$0xFFFFFFA0] =	vst v17;
	v17 =	vmul.f32 v18, v15;
	v18 =	vld [tilespmem:s28+$0x10]  }
0xeb: {  	v23 =	vshrl.u32 v24, $0x3;
	v24 =	vshrl.u32 v25, $0x3;
	[tilespmem:s28+$0xFFFFFFB0] =	vst v13;
	v13 =	vmul.f32 v20, v15;
	v20 =	vld [tilespmem:s28+$0x20]  }
0xec: {  	v25 =	vshrl.u32 v26, $0x3;
	v26 =	vshrl.u32 v27, $0x3;
	[tilespmem:s28+$0xFFFFFFC0] =	vst v17;
	v17 =	vmul.f32 v21, v15;
	v21 =	vld [tilespmem:s28+$0x30]  }
0xed: {  	v27 =	vshrl.u32 v28, $0x3;
	v23 =	vshll.u32 v23, v1;
	[tilespmem:s28+$0xFFFFFFD0] =	vst v13;
	v13 =	vmul.f32 v22, v15;
	v22 =	vld [tilespmem:s28+$0x40]  }
0xee: {  	v24 =	vshll.u32 v24, v1;
	v25 =	vshll.u32 v25, v1;
	v15 =	vmul.f32 v14, v16;
	[tilespmem:s28+$0xFFFFFFE0] =	vst v17;
	v17 =	vld [tilespmem:s28+$0x50]  }
0xef: {  	v62 =	vld [tilespmem:s28+$0x60];
	v26 =	vshll.u32 v26, v1;
	v27 =	vshll.u32 v27, v1;
	[tilespmem:s28+$0xFFFFFFF0] =	vst v13;
	v13 =	vmul.f32 v18, v16  }
0xf0: {  	v63 =	vadd.s32 v24, v4;
	v25 =	vadd.s32 v25, v5;
	[tilespmem:s28+$0x0] =	vst v15;
	v15 =	vld [tilespmem:s28+$0x70];
	v18 =	vmul.f32 v20, v16  }
0xf1: {  	v14 =	vbroadcast v19, $0x0;
	v19 =	vshll.u32 v61, v1;
	[tilespmem:s28+$0x10] =	vst v13;
	v24 =	vmul.f32 v21, v16;
	v13 =	vld [tilespmem:s28+$0x80]  }
0xf2: {  	v20 =	vadd.s32 v23, v3;
	v21 =	vadd.s32 v26, v7;
	v16 =	vld [tilespmem:s28+$0x90];
	[tilespmem:s28+$0x20] =	vst v18;
	v26 =	vmul.f32 v22, v12  }
0xf3: {  	v23 =	vadd.s32 v27, v8;
	v18 =	vbroadcast v20, $0x0;
	[tilespmem:s28+$0x30] =	vst v24;
	v24 =	vmul.f32 v17, v12;
	v17 =	vld [tilespmem:s28+$0xA0]  }
0xf4: {  	s29 =	simm.s32 $0x10;
	s0 =	simm.s32 $0xF;
	v20 =	vbroadcast v63, $0x0;
	v22 =	vadd.s32 v19, v9;
	v19 =	vld [tilespmem:s28+$0xB0];
	[tilespmem:s28+$0x40] =	vst v26;
	v26 =	vmul.f32 v62, v12  }
.LBB2_7:
0xf5: {  	p0 =	slt.u32 s29, $0x78;
	v25 =	vbroadcast v25, $0x0;
	v27 =	vmov s0;
	[tilespmem:s28+$0x50] =	vst v24;
	v12 =	vmul.f32 v15, v12;
	v15 =	vld [tilespmem:s28+$0xC0]  }
0xf6: {  	v21 =	vbroadcast v21, $0x0;
	v24 =	vshrl.u32 v27, $0x3;
	[tilespmem:s28+$0x60] =	vst v26;
	v13 =	vmul.f32 v13, v11;
	v26 =	vld [tilespmem:s28+$0xD0]  }
0xf7: {  	v23 =	vbroadcast v23, $0x0;
	v24 =	vshll.u32 v24, v1;
	[tilespmem:s28+$0x70] =	vst v12;
	v12 =	vmul.f32 v16, v11;
	v16 =	vld [tilespmem:s28+$0xE0]  }
0xf8: {  	v22 =	vbroadcast v22, $0x0;
	v14 =	vld.idx.msk [tilespmem:v14+s17+$0x0], $0xffff;
	v24 =	vadd.s32 v24, v6;
	[tilespmem:s28+$0x80] =	vst v13;
	v13 =	vmul.f32 v17, v11  }
0xf9: {  	v17 =	vld.idx.msk [tilespmem:v18+s17+$0x0], $0xffff;
	v18 =	vbroadcast v24, $0x0;
	[tilespmem:s28+$0x90] =	vst v12;
	v11 =	vmul.f32 v19, v11  }
0xfa: {  	v19 =	vld.idx.msk [tilespmem:v20+s17+$0x0], $0xffff;
	[tilespmem:s28+$0xA0] =	vst v13;
	v12 =	vmul.f32 v15, v10  }
0xfb: {  	v15 =	vld.idx.msk [tilespmem:v25+s17+$0x0], $0xffff;
	[tilespmem:s28+$0xB0] =	vst v11;
	v11 =	vmul.f32 v26, v10  }
0xfc: {  	v13 =	vld.idx.msk [tilespmem:v21+s17+$0x0], $0xffff;
	[tilespmem:s28+$0xC0] =	vst v12;
	v10 =	vmul.f32 v16, v10  }
0xfd: {  	v12 =	vld.idx.msk [tilespmem:v23+s17+$0x0], $0xffff;
	[tilespmem:s28+$0xD0] =	vst v11  }
0xfe: {  	v11 =	vld.idx.msk [tilespmem:v22+s17+$0x0], $0xffff;
	[tilespmem:s28+$0xE0] =	vst v10  }
0xff: {  	s28 =	sadd.s32 $0x200, s28;
	v10 =	vld.idx.msk [tilespmem:v18+s17+$0x0], $0xffff  }
0x100: {  	v16 =	vld [tilespmem:s28+$0xF0]  }
0x101: {  	v18 =	vld [tilespmem:s28+$0xFFFFFF00]  }
0x102: {  	v20 =	vld [tilespmem:s28+$0xFFFFFF10]  }
0x103: {  	v21 =	vld [tilespmem:s28+$0xFFFFFF20]  }
0x104: {  	v22 =	vld [tilespmem:s28+$0xFFFFFF30]  }
0x105: {  	v23 =	vld [tilespmem:s28+$0xFFFFFF40];
	v16 =	vmul.f32 v16, v10  }
0x106: {  	v18 =	vmul.f32 v18, v14;
	v24 =	vld [tilespmem:s28+$0xFFFFFF50]  }
0x107: {  	v20 =	vmul.f32 v20, v14;
	v25 =	vld [tilespmem:s28+$0xFFFFFF60];
	[tilespmem:s28+$0xF0] =	vst v16  }
0x108: {  	[tilespmem:s28+$0xFFFFFF00] =	vst v18;
	v16 =	vmul.f32 v21, v14;
	v18 =	vld [tilespmem:s28+$0xFFFFFF70]  }
0x109: {  	[tilespmem:s28+$0xFFFFFF10] =	vst v20;
	v14 =	vmul.f32 v22, v14;
	v20 =	vld [tilespmem:s28+$0xFFFFFF80]  }
0x10a: {  	[tilespmem:s28+$0xFFFFFF20] =	vst v16;
	v16 =	vmul.f32 v23, v17;
	v21 =	vld [tilespmem:s28+$0xFFFFFF90]  }
0x10b: {  	[tilespmem:s28+$0xFFFFFF30] =	vst v14;
	v14 =	vmul.f32 v24, v17;
	v22 =	vld [tilespmem:s28+$0xFFFFFFA0]  }
0x10c: {  	[tilespmem:s28+$0xFFFFFF40] =	vst v16;
	v16 =	vmul.f32 v25, v17;
	v23 =	vld [tilespmem:s28+$0xFFFFFFB0]  }
0x10d: {  	s0 =	sadd.s32 $0x1, s29;
	v24 =	vmov s29;
	[tilespmem:s28+$0xFFFFFF50] =	vst v14;
	v14 =	vmul.f32 v18, v17;
	v17 =	vld [tilespmem:s28+$0xFFFFFFC0]  }
0x10e: {  	s16 =	sadd.s32 $0x3, s29;
	v18 =	vshrl.u32 v24, $0x3;
	v24 =	vmov s0;
	s0 =	sadd.s32 $0x2, s29;
	[tilespmem:s28+$0xFFFFFF60] =	vst v16;
	v16 =	vmul.f32 v20, v19;
	v20 =	vld [tilespmem:s28+$0xFFFFFFD0]  }
0x10f: {  	v26 =	vmov s16;
	s16 =	sadd.s32 $0x5, s29;
	v25 =	vmov s0;
	s0 =	sadd.s32 $0x4, s29;
	[tilespmem:s28+$0xFFFFFF70] =	vst v14;
	v14 =	vmul.f32 v21, v19;
	v21 =	vld [tilespmem:s28+$0xFFFFFFE0]  }
0x110: {  	v28 =	vmov s16;
	v27 =	vmov s0;
	s0 =	sadd.s32 $0x6, s29;
	[tilespmem:s28+$0xFFFFFF80] =	vst v16;
	v16 =	vmul.f32 v22, v19;
	v22 =	vld [tilespmem:s28+$0xFFFFFFF0]  }
0x111: {  	v18 =	vshll.u32 v18, v1;
	v29 =	vmov s0;
	[tilespmem:s28+$0xFFFFFF90] =	vst v14;
	v14 =	vmul.f32 v23, v19;
	v19 =	vld [tilespmem:s28+$0x0]  }
0x112: {  	v23 =	vshrl.u32 v24, $0x3;
	v24 =	vshrl.u32 v25, $0x3;
	[tilespmem:s28+$0xFFFFFFA0] =	vst v16;
	v16 =	vmul.f32 v17, v15;
	v17 =	vld [tilespmem:s28+$0x10]  }
0x113: {  	v25 =	vshrl.u32 v26, $0x3;
	v26 =	vshrl.u32 v27, $0x3;
	[tilespmem:s28+$0xFFFFFFB0] =	vst v14;
	v14 =	vmul.f32 v20, v15;
	v20 =	vld [tilespmem:s28+$0x20]  }
0x114: {  	v27 =	vshrl.u32 v28, $0x3;
	v28 =	vshrl.u32 v29, $0x3;
	[tilespmem:s28+$0xFFFFFFC0] =	vst v16;
	v16 =	vmul.f32 v21, v15;
	v21 =	vld [tilespmem:s28+$0x30]  }
0x115: {  	v18 =	vadd.s32 v2, v18;
	v23 =	vshll.u32 v23, v1;
	[tilespmem:s28+$0xFFFFFFD0] =	vst v14;
	v14 =	vmul.f32 v22, v15;
	v22 =	vld [tilespmem:s28+$0x40]  }
0x116: {  	v24 =	vshll.u32 v24, v1;
	v25 =	vshll.u32 v25, v1;
	[tilespmem:s28+$0xFFFFFFE0] =	vst v16;
	v15 =	vmul.f32 v19, v13;
	v19 =	vld [tilespmem:s28+$0x50]  }
0x117: {  	v16 =	vshll.u32 v26, v1;
	v26 =	vshll.u32 v27, v1;
	[tilespmem:s28+$0xFFFFFFF0] =	vst v14;
	v17 =	vmul.f32 v17, v13;
	v27 =	vld [tilespmem:s28+$0x60]  }
.Ltmp2:
0x118: {  	v28 =	vshll.u32 v28, v1;
	v14 =	vbroadcast v18, $0x0;
	[tilespmem:s28+$0x0] =	vst v15;
	v18 =	vmul.f32 v20, v13;
	v15 =	vld [tilespmem:s28+$0x70];
	(pc) =	sbr.rel @p0 .LBB2_7-.Ltmp2, $4  }
0x119: {  	v29 =	vadd.s32 v24, v4;
	v20 =	vadd.s32 v23, v3;
	[tilespmem:s28+$0x10] =	vst v17;
	v17 =	vmul.f32 v21, v13;
	v13 =	vld [tilespmem:s28+$0x80]  }
0x11a: {  	v25 =	vadd.s32 v25, v5;
	v21 =	vadd.s32 v16, v7;
	[tilespmem:s28+$0x20] =	vst v18;
	v30 =	vmul.f32 v22, v12;
	v16 =	vld [tilespmem:s28+$0x90]  }
0x11b: {  	v23 =	vadd.s32 v26, v8;
	v18 =	vbroadcast v20, $0x0;
	[tilespmem:s28+$0x30] =	vst v17;
	v24 =	vmul.f32 v19, v12;
	v17 =	vld [tilespmem:s28+$0xA0]  }
0x11c: {  	s0 =	sadd.s32 $0x7, s29;
	s29 =	sadd.s32 $0x8, s29;
	v20 =	vbroadcast v29, $0x0;
	v22 =	vadd.s32 v28, v9;
	[tilespmem:s28+$0x40] =	vst v30;
	v26 =	vmul.f32 v27, v12;
	v19 =	vld [tilespmem:s28+$0xB0]  }
0x11d: {  	_ = 	snop  }
0x11e: {  	v4 =	vld [tilespmem:s28+$0xC0]  }
0x11f: {  	v7 =	vld [tilespmem:s28+$0xD0]  }
0x120: {  	v9 =	vld [tilespmem:s28+$0xE0]  }
0x121: {  	v49 =	vld.idx.msk [tilespmem:v14+s17+$0x0], $0xffff  }
0x122: {  	v18 =	vld.idx.msk [tilespmem:v18+s17+$0x0], $0xffff  }
0x123: {  	s29 =	sadd.s32 $0x200, s28;
	v20 =	vld.idx.msk [tilespmem:v20+s17+$0x0], $0xffff  }
0x124: {  	v53 =	vld [tilespmem:s29+$0xF0]  }
0x125: {  	v55 =	vld [tilespmem:s29+$0xFFFFFF00]  }
0x126: {  	[tilespmem:s28+$0x50] =	vst v24;
	v12 =	vmul.f32 v15, v12;
	v56 =	vld [tilespmem:s29+$0xFFFFFF10]  }
0x127: {  	[tilespmem:s28+$0x60] =	vst v26;
	v13 =	vmul.f32 v13, v11;
	v57 =	vld [tilespmem:s29+$0xFFFFFF20]  }
0x128: {  	v59 =	vld [tilespmem:s29+$0xFFFFFF30];
	[tilespmem:s28+$0x70] =	vst v12;
	v51 =	vmul.f32 v16, v11  }
0x129: {  	v60 =	vld [tilespmem:s29+$0xFFFFFF40];
	[tilespmem:s28+$0x80] =	vst v13;
	v52 =	vmul.f32 v17, v11  }
0x12a: {  	v63 =	vld [tilespmem:s29+$0xFFFFFF50];
	[tilespmem:s28+$0x90] =	vst v51;
	v54 =	vmul.f32 v19, v11  }
0x12b: {  	v50 =	vbroadcast v22, $0x0;
	v22 =	vld [tilespmem:s29+$0xFFFFFF70];
	[tilespmem:s28+$0xA0] =	vst v52;
	v4 =	vmul.f32 v4, v10  }
0x12c: {  	v8 =	vbroadcast v23, $0x0;
	v23 =	vld [tilespmem:s29+$0xFFFFFF80];
	v7 =	vmul.f32 v7, v10;
	[tilespmem:s28+$0xB0] =	vst v54  }
0x12d: {  	v2 =	vbroadcast v25, $0x0;
	v25 =	vld [tilespmem:s29+$0xFFFFFF90];
	v58 =	vmul.f32 v9, v10;
	[tilespmem:s28+$0xC0] =	vst v4  }
0x12e: {  	v3 =	vmov s0;
	v27 =	vld [tilespmem:s29+$0xFFFFFFA0];
	v62 =	vmul.f32 v55, v49;
	[tilespmem:s28+$0xD0] =	vst v7  }
0x12f: {  	v3 =	vshrl.u32 v3, $0x3;
	v29 =	vld [tilespmem:s29+$0xFFFFFFB0];
	v13 =	vmul.f32 v56, v49;
	[tilespmem:s28+$0xE0] =	vst v58  }
0x130: {  	v5 =	vbroadcast v21, $0x0;
	v31 =	vld [tilespmem:s29+$0xFFFFFFC0];
	v3 =	vshll.u32 v3, v1;
	v21 =	vmul.f32 v57, v49;
	[tilespmem:s29+$0xFFFFFF00] =	vst v62  }
0x131: {  	v33 =	vld [tilespmem:s29+$0xFFFFFFD0];
	v3 =	vadd.s32 v3, v6;
	v6 =	vmul.f32 v59, v49;
	[tilespmem:s29+$0xFFFFFF10] =	vst v13  }
0x132: {  	v35 =	vld [tilespmem:s29+$0xFFFFFFE0];
	v24 =	vmul.f32 v60, v18;
	[tilespmem:s29+$0xFFFFFF20] =	vst v21  }
0x133: {  	v37 =	vld [tilespmem:s29+$0xFFFFFFF0];
	v26 =	vmul.f32 v63, v18;
	[tilespmem:s29+$0xFFFFFF30] =	vst v6  }
0x134: {  	v19 =	vld [tilespmem:s29+$0xFFFFFF60];
	v30 =	vmul.f32 v22, v18;
	[tilespmem:s29+$0xFFFFFF40] =	vst v24  }
0x135: {  	v2 =	vld.idx.msk [tilespmem:v2+s17+$0x0], $0xffff;
	v32 =	vmul.f32 v23, v20;
	[tilespmem:s29+$0xFFFFFF50] =	vst v26  }
0x136: {  	v39 =	vld [tilespmem:s29+$0x0];
	v34 =	vmul.f32 v25, v20;
	[tilespmem:s29+$0xFFFFFF70] =	vst v30  }
0x137: {  	v41 =	vld [tilespmem:s29+$0x10];
	v36 =	vmul.f32 v27, v20;
	[tilespmem:s29+$0xFFFFFF80] =	vst v32  }
0x138: {  	v43 =	vld [tilespmem:s29+$0x20];
	v38 =	vmul.f32 v29, v20;
	[tilespmem:s29+$0xFFFFFF90] =	vst v34  }
0x139: {  	v5 =	vld.idx.msk [tilespmem:v5+s17+$0x0], $0xffff;
	[tilespmem:s29+$0xFFFFFFA0] =	vst v36;
	v28 =	vmul.f32 v19, v18  }
0x13a: {  	v45 =	vld [tilespmem:s29+$0x30];
	v3 =	vbroadcast v3, $0x0;
	[tilespmem:s29+$0xFFFFFFB0] =	vst v38;
	v40 =	vmul.f32 v31, v2  }
0x13b: {  	v8 =	vld.idx.msk [tilespmem:v8+s17+$0x0], $0xffff;
	[tilespmem:s29+$0xFFFFFF60] =	vst v28;
	v42 =	vmul.f32 v33, v2  }
0x13c: {  	v49 =	vld [tilespmem:s29+$0x60];
	v44 =	vmul.f32 v35, v2;
	[tilespmem:s29+$0xFFFFFFC0] =	vst v40  }
0x13d: {  	v52 =	vld [tilespmem:s29+$0x80];
	v2 =	vmul.f32 v37, v2;
	[tilespmem:s29+$0xFFFFFFD0] =	vst v42  }
0x13e: {  	v14 =	vld.idx.msk [tilespmem:v50+s17+$0x0], $0xffff;
	v47 =	vmul.f32 v39, v5;
	[tilespmem:s29+$0xFFFFFFE0] =	vst v44  }
0x13f: {  	v48 =	vld [tilespmem:s29+$0x50];
	v50 =	vmul.f32 v43, v5;
	[tilespmem:s29+$0xFFFFFFF0] =	vst v2  }
0x140: {  	v3 =	vld.idx.msk [tilespmem:v3+s17+$0x0], $0xffff;
	v2 =	vmul.f32 v41, v5;
	[tilespmem:s29+$0x0] =	vst v47  }
0x141: {  	v51 =	vld [tilespmem:s29+$0x70];
	v56 =	vmul.f32 v49, v8;
	[tilespmem:s29+$0x20] =	vst v50  }
0x142: {  	v55 =	vld [tilespmem:s29+$0xA0];
	[tilespmem:s29+$0x10] =	vst v2;
	v2 =	vmul.f32 v45, v5  }
0x143: {  	v54 =	vld [tilespmem:s29+$0x90];
	v59 =	vmul.f32 v52, v14;
	[tilespmem:s29+$0x60] =	vst v56  }
0x144: {  	v46 =	vld [tilespmem:s29+$0x40];
	[tilespmem:s29+$0x30] =	vst v2;
	v2 =	vmul.f32 v48, v8  }
0x145: {  	v57 =	vld [tilespmem:s29+$0xB0];
	[tilespmem:s29+$0x80] =	vst v59;
	v61 =	vmul.f32 v53, v3  }
0x146: {  	v58 =	vld [tilespmem:s29+$0xC0];
	[tilespmem:s29+$0x50] =	vst v2;
	v2 =	vmul.f32 v51, v8  }
0x147: {  	v60 =	vld [tilespmem:s29+$0xD0];
	v62 =	vmul.f32 v55, v14;
	[tilespmem:s29+$0xF0] =	vst v61  }
0x148: {  	v61 =	vld [tilespmem:s29+$0xE0];
	[tilespmem:s29+$0x70] =	vst v2;
	v2 =	vmul.f32 v54, v14  }
0x149: {  	[tilespmem:s29+$0xA0] =	vst v62;
	v53 =	vmul.f32 v46, v8  }
0x14a: {  	[tilespmem:s29+$0x90] =	vst v2;
	v2 =	vmul.f32 v57, v14  }
0x14b: {  	v63 =	vmul.f32 v58, v3;
	[tilespmem:s29+$0x40] =	vst v53  }
0x14c: {  	[tilespmem:s29+$0xB0] =	vst v2;
	v2 =	vmul.f32 v60, v3  }
0x14d: {  	s25 =	sadd.s32 $0x1, s25;
	[tilespmem:s29+$0xC0] =	vst v63;
	v3 =	vmul.f32 v61, v3  }
0x14e: {  	p0 =	sne.s32 s25, $0x50;
	[tilespmem:s29+$0xD0] =	vst v2  }
.Ltmp3:
0x14f: {  	s31 =	sadd.s32 $0x5000, s26;
	[tilespmem:s29+$0xE0] =	vst v3;
	(pc) =	sbr.rel @p0 .LBB2_4-.Ltmp3, $4  }
0x150: {  	[spmem:s2] =	stream.indirect.scatter.add.f32 [tilespmem:s20], [sflag:$0x3], $0x40, s31, s19, $0xb8;
	[tilespmem:$0x1D000] =	vst v63  }
0x151: {  	_ =	swait.ge [sflag:s15], $0x2000  }
0x152: {  	[sflag:s15] =	ssyncset.done $0x0  }
0x153: {  	[sflag:s15] =	ssyncadd.s32 $0xFFFFE000  }
0x154: {  	_ =	swait.ge [sflag:s21], $0x2000  }
0x155: {  	s0 =	sshll.u32 s1, $0x6;
	s23 =	sadd.s32 $0x1, s23;
	[sflag:s21] =	ssyncset.done $0x0  }
0x156: {  	s16 =	sshrl.u32 s7, $0x3;
	p0 =	sne.s32 s23, s14;
	[sflag:s21] =	ssyncadd.s32 $0xFFFFE000  }
.Ltmp4:
0x157: {  	s0 =	sor.u32 $0x1C03, s0;
	[bflag:$0x0] =	sbarrier.arrive $0xFFFF;
	(pc) =	sbr.rel @p0 .LBB2_1-.Ltmp4, $4  }
0x158: {  	[hbm:s13], [sflag:s0] =	dma.local [spmem:s16], $0x1400  }
0x159: {  	_ =	swait.ge [sflag:s15], $0x1400  }
0x15a: {  	[sflag:s15] =	ssyncset.done $0x0  }
0x15b: {  	[sflag:s15] =	ssyncadd.s32 $0xFFFFEC00  }
0x15c: {  	_ =	sfence.sel $0x180000  }
0x15d: {  	[bflag:$0x0] =	sbarrier.arrive $0xFFFF  }
0x15e: {  	_ =	strace $0x9000004A  }
0x15f: {  	[bflag:$0x2] =	sbarrier.arrive $0xFFFF  }
0x160: {  	p0 =	sne.s32 s1, $0x0;
	s0 =	rddreg [dreg:$0x2]  }
0x161: {  	s0 =	sadd.s32 @!p0 $0x100000, s0  }
0x162: {  	[sflag:s0] =	ssyncadd.tile.s32 @!p0 $0x1;
	_ =	shalt  }
.Lfunc_end2:
_tile_overlayer_lowered:
.L_overlay_start_2:
0x163: {  	(tag) =	ssettag $0x2  }
0x164: {  	s0 =	rddreg [dreg:$0x0];
	s2 =	stileid.u32  }
0x165: {  	s1 =	rddreg [dreg:$0x1];
	p0 =	sne.s32 s2, $0x0  }
0x166: {  	s3 =	rddreg [dreg:$0x2];
	[bflag:$0x3] =	sbarrier.arrive $0xFFFF;
	s2 =	simm.s32 @!p0 $0x1C03  }
0x167: {  	[timem:s3], [sflag:s2] =	dma.local @!p0 [hbm:s0], s1  }
0x168: {  	s0 =	simm.s32 @!p0 $0x3  }
0x169: {  	_ =	swait.ge @!p0 [sflag:s0], s1  }
0x16a: {  	s1 =	ssub.s32 @!p0 $0x0, s1;
	[sflag:s0] =	ssyncset.done @!p0 $0x0  }
0x16b: {  	[sflag:s0] =	ssyncadd.s32 @!p0 s1  }
0x16c: {  	[bflag:$0x3] =	sbarrier.arrive $0xFFFF  }
0x16d: {  	_ =	shalt  }

// kernel: sc_acc.8.cloned.1.call-start
scs
__scs_entry_jumppad:
0x0: {  	(pc) =	sbr.rel $0x88, $3  }
0x1: {  	(tag) =	ssettag $0x0;
	lr =	simm.s32 $0x1  }
0x2: {  	[smem:$0x3F94] =	sst lr;
	_ =	strace $0xD0000000  }
0x3: {  	_ = 	snop  }
0x4: {  	_ = 	snop  }
0x5: {  	_ = 	snop  }
0x6: {  	_ = 	snop  }
0x7: {  	_ = 	snop  }
__scs_overlays_trampoline_lowered:
0x8: {  	[smem:$0x3FA3] =	sst s0  }
0x9: {  	[smem:$0x3FA4] =	sst s1  }
0xa: {  	[smem:$0x3FA5] =	sst s2  }
0xb: {  	[smem:$0x3FA6] =	sst s3  }
0xc: {  	[smem:$0x3FA7] =	sst s4  }
0xd: {  	[smem:$0x3FA8] =	sst s5  }
0xe: {  	[smem:$0x3FA9] =	sst s6  }
0xf: {  	[smem:$0x3FAA] =	sst s7  }
0x10: {  	[smem:$0x3FAB] =	sst s8  }
0x11: {  	[smem:$0x3FAC] =	sst s9;
	s0 =	simm.s32 @!p0 $0x0  }
0x12: {  	s1 =	sld [smem:$0x3F92];
	s0 =	simm.s32 @p0 $0x1  }
0x13: {  	[smem:$0x3FAD] =	sst s0;
	s0 =	simm.s32 @!p1 $0x0  }
0x14: {  	s2 =	sld [smem:$0x3F91];
	s0 =	simm.s32 @p1 $0x1  }
0x15: {  	[smem:$0x3FAE] =	sst s0;
	s0 =	simm.s32 @!p2 $0x0  }
0x16: {  	s3 =	sld [smem:$0x3FDB];
	s0 =	simm.s32 @p2 $0x1  }
0x17: {  	s4 =	simm.s32 $0x1BF5;
	[smem:$0x3FB0] =	sst s0  }
0x18: {  	s0 =	sld [smem:$0x3F93];
	_ =	swait.ge [sflag:s4], $0x0  }
0x19: {  	s7 =	sld [smem:$0x3F94]  }
0x1a: {  	s8 =	sadd.s32 $0xFFFFE003, lr  }
0x1b: {  	s9 =	sadd.s32 $0xFFFFFEF7, lr;
	s5 =	simm.s32 $0xFFFFFFFF;
	p2 =	slt.u32 s8, $0xFFFFF086  }
0x1c: {  	p1 =	slt.u32 s9, $0xF7A;
	s5 =	simm.s32 @!p2 $0x0  }
0x1d: {  	s5 =	simm.s32 @p1 $0x1;
	p0 =	seq.s32 s7, s2  }
0x1e: {  	s7 =	smul.u32 @!p0 $0xF7A, s2;
	p2 =	seq.s32 @!p0 s5, $0x0  }
0x1f: {  	s9 =	smul.u32 $0xF7A, s1;
	s8 =	simm.s32 @!p0 $0x1BF5;
	p2 =	por !p2, p0  }
0x20: {  	[sflag:s8] =	ssyncset.s32 @!p0 $0xFFFFF086;
	s6 =	sadd.s32 @!p0 s3, s7;
	s7 =	simm.s32 @!p0 $0x108  }
0x21: {  	s3 =	sadd.s32 s3, s9;
	s6 =	sadd.s32 @!p0 $0x88, s6;
	s7 =	simm.s32 @p2 $0x1082  }
0x22: {  	[simem:s7], [sflag:s8] =	dma.local @!p0 [hbm:s6], $0xF7A  }
0x23: {  	s9 =	sor.u32 $0xD0000000, s2;
	s6 =	simm.s32 $0x108;
	_ =	swait.ge @!p0 [sflag:s8], $0x0  }
0x24: {  	s3 =	sadd.s32 $0x88, s3;
	s6 =	simm.s32 @!p1 $0x1082;
	[sflag:s4] =	ssyncset.s32 $0xFFFFF086  }
0x25: {  	[simem:s6], [sflag:s4] =	dma.local [hbm:s3], $0xF7A  }
0x26: {  	[smem:$0x3F94] =	sst s1;
	(tag) =	ssettag s2;
	_ =	strace s9  }
0x27: {  	s1 =	sld [smem:$0x3FA4]  }
0x28: {  	s2 =	sld [smem:$0x3FA5]  }
0x29: {  	s4 =	sld [smem:$0x3FA7]  }
0x2a: {  	p0 =	seq.s32 s5, $0x0;
	s5 =	sld [smem:$0x3FA8]  }
0x2b: {  	s6 =	sld [smem:$0x3FA9]  }
0x2c: {  	s7 =	sld [smem:$0x3FAA]  }
0x2d: {  	s3 =	simm.s32 $0x108;
	s8 =	sld [smem:$0x3FAB]  }
0x2e: {  	s3 =	simm.s32 @!p0 $0x1082;
	s9 =	sld [smem:$0x3FAC]  }
0x2f: {  	lr =	sadd.s32 s0, s3;
	s0 =	sld [smem:$0x3FA3]  }
0x30: {  	s3 =	sld [smem:$0x3FA6]  }
0x31: {  	[smem:$0x3FAF] =	sst s10  }
0x32: {  	s10 =	sld [smem:$0x3FAD];
	_ =	sdelay $0x3  }
0x33: {  	p0 =	seq.s32 s10, $0x1;
	s10 =	sld [smem:$0x3FAF];
	_ =	sdelay $0x3  }
0x34: {  	[smem:$0x3FAF] =	sst s10  }
0x35: {  	s10 =	sld [smem:$0x3FAE];
	_ =	sdelay $0x3  }
0x36: {  	p1 =	seq.s32 s10, $0x1;
	s10 =	sld [smem:$0x3FAF];
	_ =	sdelay $0x3  }
0x37: {  	[smem:$0x3FAF] =	sst s10  }
0x38: {  	s10 =	sld [smem:$0x3FB0]  }
0x39: {  	_ = 	snop;
	(pc) =	sbr.ind lr, $3  }
0x3a: {  	_ = 	snop  }
0x3b: {  	_ = 	snop  }
0x3c: {  	p2 =	seq.s32 s10, $0x1;
	s10 =	sld [smem:$0x3FAF]  }
0x3d: {  	_ =	shalt  }
0x3e: {  	_ =	shalt  }
0x3f: {  	_ =	shalt  }
0x40: {  	_ =	shalt  }
0x41: {  	_ =	shalt  }
0x42: {  	_ =	shalt  }
0x43: {  	_ =	shalt  }
0x44: {  	_ =	shalt  }
0x45: {  	_ =	shalt  }
0x46: {  	_ =	shalt  }
0x47: {  	_ =	shalt  }
0x48: {  	_ =	shalt  }
0x49: {  	_ =	shalt  }
0x4a: {  	_ =	shalt  }
0x4b: {  	_ =	shalt  }
0x4c: {  	_ =	shalt  }
0x4d: {  	_ =	shalt  }
0x4e: {  	_ =	shalt  }
0x4f: {  	_ =	shalt  }
0x50: {  	_ =	shalt  }
0x51: {  	_ =	shalt  }
0x52: {  	_ =	shalt  }
0x53: {  	_ =	shalt  }
0x54: {  	_ =	shalt  }
0x55: {  	_ =	shalt  }
0x56: {  	_ =	shalt  }
0x57: {  	_ =	shalt  }
0x58: {  	_ =	shalt  }
0x59: {  	_ =	shalt  }
0x5a: {  	_ =	shalt  }
0x5b: {  	_ =	shalt  }
0x5c: {  	_ =	shalt  }
0x5d: {  	_ =	shalt  }
0x5e: {  	_ =	shalt  }
0x5f: {  	_ =	shalt  }
0x60: {  	_ =	shalt  }
0x61: {  	_ =	shalt  }
0x62: {  	_ =	shalt  }
0x63: {  	_ =	shalt  }
0x64: {  	_ =	shalt  }
0x65: {  	_ =	shalt  }
0x66: {  	_ =	shalt  }
0x67: {  	_ =	shalt  }
0x68: {  	_ =	shalt  }
0x69: {  	_ =	shalt  }
0x6a: {  	_ =	shalt  }
0x6b: {  	_ =	shalt  }
0x6c: {  	_ =	shalt  }
0x6d: {  	_ =	shalt  }
0x6e: {  	_ =	shalt  }
0x6f: {  	_ =	shalt  }
0x70: {  	_ =	shalt  }
0x71: {  	_ =	shalt  }
0x72: {  	_ =	shalt  }
0x73: {  	_ =	shalt  }
0x74: {  	_ =	shalt  }
0x75: {  	_ =	shalt  }
0x76: {  	_ =	shalt  }
0x77: {  	_ =	shalt  }
0x78: {  	_ =	shalt  }
0x79: {  	_ =	shalt  }
0x7a: {  	_ =	shalt  }
0x7b: {  	_ =	shalt  }
0x7c: {  	_ =	shalt  }
0x7d: {  	_ =	shalt  }
0x7e: {  	_ =	shalt  }
0x7f: {  	_ =	shalt  }
0x80: {  	_ =	shalt  }
0x81: {  	_ =	shalt  }
0x82: {  	_ =	shalt  }
0x83: {  	_ =	shalt  }
0x84: {  	_ =	shalt  }
0x85: {  	_ =	shalt  }
0x86: {  	_ =	shalt  }
0x87: {  	_ =	shalt  }
.Lfunc_end0:
.L_simem_size_0:
called_computation.2_lowered:
.L_overlay_start_0:
0x88: {  	s2 =	sld [smem:$0x3FD9]  }
0x89: {  	s3 =	sld [smem:$0x3FFE];
	_ =	sdelay $0x1  }
0x8a: {  	s1 =	srdreg.scid  }
0x8b: {  	s0 =	sand.u32 $0x1, s1  }
0x8c: {  	s16 =	sshll.u32 s0, $0xA;
	s2 =	sadd.s32 s3, s2  }
0x8d: {  	s2 =	sadd.s32 s2, s16  }
0x8e: {  	[smem:$0x3FBB] =	sst s2  }
0x8f: {  	_ = 	snop  }
0x90: {  	(tm) =	ssettm $0x1  }
0x91: {  	s17 =	sld [smem:$0x3FFB];
	_ =	sdelay $0x3  }
0x92: {  	_ =	strace s17  }
0x93: {  	s2 =	sld [smem:$0x3FFC];
	_ =	sdelay $0x3  }
0x94: {  	_ =	strace s2  }
0x95: {  	s2 =	sld [smem:$0x3FFD];
	_ =	sdelay $0x3  }
0x96: {  	_ =	strace s2  }
0x97: {  	_ =	strace $0x8FFFFFFF  }
0x98: {  	s18 =	sld [smem:$0x3FDB];
	_ =	sdelay $0x1  }
0x99: {  	s19 =	simm.s32 $_scs_section_size  }
0x9a: {  	s4 =	simm.s32 $_size__tile_overlayer_lowered;
	s5 =	simm.s32 $_tile_overlayer_lowered  }
0x9b: {  	s22 =	simm.s32 $0x1BFF;
	s21 =	sshll.u32 s5, $0x1;
	s2 =	sadd.s32 s19, s18  }
0x9c: {  	s6 =	simm.s32 $0x0;
	s20 =	sshll.u32 s4, $0x1;
	s4 =	sadd.s32 s21, s2  }
0x9d: {  	[timem:s6], [sflag:s22] =	dma.local [hbm:s4], s20  }
0x9e: {  	_ =	swait.ge [sflag:s22], s20  }
0x9f: {  	s3 =	ssub.s32 $0x0, s20;
	[sflag:s22] =	ssyncset.done $0x0  }
0xa0: {  	[sflag:s22] =	ssyncadd.s32 s3;
	_ =	sdelay $0x1  }
0xa1: {  	s23 =	simm.s32 $0x1B8B  }
0xa2: {  	_ =	swait.ge [sflag:s23], $0x1  }
0xa3: {  	[sflag:s23] =	ssyncset.done $0x0  }
0xa4: {  	s25 =	simm.s32 $0x1B8E;
	s24 =	sld [smem:$0x3FFE];
	[sflag:s23] =	ssyncadd.s32 $0xFFFFFFFF  }
0xa5: {  	s26 =	simm.s32 $execute0_lowered;
	[smem:$0x3FD2] =	sst s25  }
0xa6: {  	s4 =	sshll.u32 s26, $0x1;
	_ =	strace $0x8000004C;
	[dreg:$0x1] =	wrdreg $0xFFFFFFFF  }
0xa7: {  	s28 =	simm.s32 $_size_execute0_lowered;
	s2 =	sadd.s32 s2, s4;
	[dreg:$0x0] =	wrdreg $0x0  }
0xa8: {  	s4 =	sshll.u32 s28, $0x1;
	[dreg:$0x2] =	wrdreg s2  }
0xa9: {  	[dreg:$0x3] =	wrdreg s4  }
0xaa: {  	[dreg:$0x4] =	wrdreg $0xC0  }
0xab: {  	_ =	task [dreg:s6], $0x5FFFF  }
0xac: {  	[dreg:$0x1] =	wrdreg $0xFFFFFFFF  }
0xad: {  	[dreg:$0x0] =	wrdreg $0x60  }
0xae: {  	[dreg:$0x2] =	wrdreg s24  }
0xaf: {  	[dreg:$0x3] =	wrdreg $0x130000  }
0xb0: {  	[dreg:$0x4] =	wrdreg $0x9  }
0xb1: {  	_ =	task.clear_ibuf [dreg:s6], $0x5FFFF;
	_ =	strace $0x9000004C  }
0xb2: {  	s29 =	simm.s32 $0x9;
	_ =	strace $0x8000004E  }
0xb3: {  	_ =	swait.ge [sflag:s29], $0x1  }
0xb4: {  	[sflag:s29] =	ssyncadd.s32 $0xFFFFFFFF  }
0xb5: {  	_ =	strace $0x9000004E  }
0xb6: {  	_ =	sfence  }
0xb7: {  	s30 =	sld [smem:$0x0];
	_ =	sdelay $0x2  }
0xb8: {  	s31 =	sshll.u32 s1, $0xD;
	s1 =	sshrl.u32 s1, $0x2  }
0xb9: {  	s3 =	sand.u32 $0x4000, s31;
	s1 =	sadd.s32 s1, s30  }
0xba: {  	s0 =	sor.u32 s3, s0;
	s1 =	sshll.u32 s1, $0x11  }
0xbb: {  	s0 =	sor.u32 s1, s0  }
0xbc: {  	s0 =	sadd.s32 $0x8F2B, s0  }
0xbd: {  	[sflag:s0] =	ssyncadd.remote.s32 $0x1  }
0xbe: {  	_ =	sfence.sel $0xFFFF  }
0xbf: {  	[dreg:$0x0] =	wrdreg $0xFFFFFFFF;
	(pc) =	sbr.abs _section_cstart, $3  }
0xc0: {  	[dreg:$0x1] =	wrdreg $0xFFFFFFFF  }
0xc1: {  	_ =	task.clear_ibuf [dreg:s6], $0x2FFFF;
	_ =	strace $0x9FFFFFFF  }
0xc2: {  	(tm) =	ssettm $0x7FFFFFFF  }
0xc3: {  	_ =	shalt  }
tec
execute0_lowered:
.L_overlay_start_1:
0x0: {  	(tag) =	ssettag $0x1  }
0x1: {  	s4 =	rddreg [dreg:$0x0]  }
0x2: {  	s0 =	srdreg.scid;
	s2 =	rddreg [dreg:$0x1]  }
0x3: {  	s3 =	simm.s32 $0x0;
	s1 =	stileid.u32;
	s15 =	simm.s32 $0x3  }
0x4: {  	s17 =	simm.s32 $0xA000;
	s18 =	simm.s32 $0xF000;
	s19 =	simm.s32 $0x80  }
0x5: {  	s20 =	simm.s32 $0x11000;
	s21 =	simm.s32 $0x1;
	s7 =	smul.u32 $0xA000, s1  }
0x6: {  	s22 =	simm.s32 $0x2;
	s0 =	sand.u32 $0x1, s0;
	s8 =	smul.u32 $0x28000, s1  }
0x7: {  	s23 =	simm.s32 $0x0;
	[smem:$0x7FF] =	sst s3;
	s5 =	smul.u32 $0xA0000, s0  }
0x8: {  	s31 =	smul.u32 $0xA00, s1;
	_ =	strace $0x8000004D;
	s0 =	ssub.s32 $0x2, s0  }
0x9: {  	s9 =	sshrl.u32 s0, $0x1;
	s8 =	sshrl.u32 s8, $0x2;
	s6 =	sshrl.u32 s5, $0x3  }
0xa: {  	s5 =	sadd.s32 s7, s5;
	s0 =	ssub.s32 s0, s9;
	s11 =	sadd.s32 s8, s2  }
0xb: {  	s7 =	sadd.s32 s7, s2;
	s12 =	sadd.s32 s6, s4;
	s6 =	sadd.s32 s31, s4  }
0xc: {  	s5 =	sshrl.u32 s5, $0x3;
	s8 =	sadd.s32 $0x2000, s11;
	s9 =	sadd.s32 $0x4000, s11  }
0xd: {  	s10 =	sadd.s32 $0x6000, s11;
	s11 =	sadd.s32 $0x8000, s11;
	s14 =	smax.u32 s0, $0x1  }
0xe: {  	v1 =	vimm.s32 $0x0;
	vm0 =	vcmask $0x300;
	s13 =	sadd.s32 s5, s4;
	s4 =	sadd.s32 $0x17600, s6;
	s5 =	sadd.s32 $0x2C00, s6  }
0xf: {  	v0 =	vimm.f32 $0.0e+00;
	v1 =	vsel vm0, $0x3, v1;
	s6 =	sadd.s32 $0xCC00, s6;
	s12 =	sadd.s32 $0x71600, s12;
	s13 =	sadd.s32 $0x99600, s13  }
.LBB2_1:
0x10: {  	[tilespmem:s3], [sflag:$0x3] =	stream.linear.gather [hbm4b:s4+s3], $0x5000, $0x38;
	[tilespmem:$0x1D000] =	vst v63  }
0x11: {  	_ =	swait.ge [sflag:s15], $0x5000  }
0x12: {  	[sflag:s15] =	ssyncset.done $0x0  }
0x13: {  	s0 =	simm.s32 $0x5000;
	[sflag:s15] =	ssyncadd.s32 $0xFFFFB000  }
0x14: {  	[tilespmem:s0], [sflag:$0x3] =	stream.linear.gather [hbm4b:s5+s3], $0x5000, $0x38;
	[tilespmem:$0x1D000] =	vst v63  }
0x15: {  	_ =	swait.ge [sflag:s15], $0x5000  }
0x16: {  	[sflag:s15] =	ssyncset.done $0x0  }
0x17: {  	[sflag:s15] =	ssyncadd.s32 $0xFFFFB000  }
0x18: {  	[tilespmem:s17], [sflag:$0x3] =	stream.linear.gather [hbm4b:s6+s3], $0x5000, $0x38;
	[tilespmem:$0x1D000] =	vst v63  }
0x19: {  	s31 =	sand.u32 $0x7F00, s3;
	s25 =	sand.u32 $0x30, s3;
	_ =	swait.ge [sflag:s15], $0x5000  }
0x1a: {  	s24 =	simm.s32 $0x40;
	s0 =	sshrl.u32 s31, $0x2;
	[sflag:s15] =	ssyncset.done $0x0  }
0x1b: {  	s0 =	sor.u32 s25, s0;
	s25 =	simm.s32 $0x0;
	[sflag:s15] =	ssyncadd.s32 $0xFFFFB000  }
.LBB2_2:
0x1c: {  	p0 =	sne.s32 s24, $0x7FC0  }
0x1d: {  	[tilespmem:s0+$0xF000] =	vst v0;
	s25 =	sadd.s32 $0x10, s25;
	s0 =	smov.u32 s24;
	s24 =	sadd.s32 $0x40, s24  }
.Ltmp0:
0x1e: {  	(pc) =	sbr.rel @p0 .LBB2_2-.Ltmp0, $4  }
0x1f: {  	_ = 	snop  }
0x20: {  	s0 =	sand.u32 $0x7F00, s0  }
0x21: {  	s26 =	sand.u32 $0x30, s25;
	s0 =	sshrl.u32 s0, $0x2  }
0x22: {  	s0 =	sor.u32 s26, s0  }
0x23: {  	[tilespmem:s0+$0xF000] =	vst v0  }
0x24: {  	[spmem:s7] =	stream.linear.scatter [tilespmem:s18], [sflag:$0x3], $0x2000, $0x38;
	[tilespmem:$0x1D000] =	vst v63  }
0x25: {  	_ =	swait.ge [sflag:s15], $0x2000  }
0x26: {  	[sflag:s15] =	ssyncset.done $0x0  }
0x27: {  	[sflag:s15] =	ssyncadd.s32 $0xFFFFE000  }
0x28: {  	[spmem:s8] =	stream.linear.scatter [tilespmem:s18], [sflag:$0x3], $0x2000, $0x38;
	[tilespmem:$0x1D000] =	vst v63  }
0x29: {  	_ =	swait.ge [sflag:s15], $0x2000  }
0x2a: {  	[sflag:s15] =	ssyncset.done $0x0  }
0x2b: {  	[sflag:s15] =	ssyncadd.s32 $0xFFFFE000  }
0x2c: {  	[spmem:s9] =	stream.linear.scatter [tilespmem:s18], [sflag:$0x3], $0x2000, $0x38;
	[tilespmem:$0x1D000] =	vst v63  }
0x2d: {  	_ =	swait.ge [sflag:s15], $0x2000  }
0x2e: {  	[sflag:s15] =	ssyncset.done $0x0  }
0x2f: {  	[sflag:s15] =	ssyncadd.s32 $0xFFFFE000  }
0x30: {  	[spmem:s10] =	stream.linear.scatter [tilespmem:s18], [sflag:$0x3], $0x2000, $0x38;
	[tilespmem:$0x1D000] =	vst v63  }
0x31: {  	_ =	swait.ge [sflag:s15], $0x2000  }
0x32: {  	[sflag:s15] =	ssyncset.done $0x0  }
0x33: {  	[sflag:s15] =	ssyncadd.s32 $0xFFFFE000  }
0x34: {  	[spmem:s11] =	stream.linear.scatter [tilespmem:s18], [sflag:$0x3], $0x2000, $0x38;
	[tilespmem:$0x1D000] =	vst v63  }
0x35: {  	_ =	swait.ge [sflag:s15], $0x2000  }
0x36: {  	[sflag:s15] =	ssyncset.done $0x0  }
0x37: {  	[sflag:s15] =	ssyncadd.s32 $0xFFFFE000  }
0x38: {  	s24 =	simm.s32 $0x0;
	s25 =	simm.s32 $0x0;
	[bflag:$0x0] =	sbarrier.arrive $0xFFFF  }
0x39: {  	[tilespmem:s18], [sflag:$0x1] =	stream.indirect.gather [hbm4b:s12+s19], $0x40, s24, s19, $0xb8;
	[tilespmem:$0x1D000] =	vst v63  }
.LBB2_4:
0x3a: {  	s28 =	sshll.u32 s25, $0x8;
	v10 =	vmov s24  }
0x3b: {  	s0 =	simm.s32 $0x1;
	s26 =	simm.s32 $0x2;
	s16 =	simm.s32 $0x4;
	v3 =	vmov s28;
	v10 =	vshrl.u32 v10, $0x3  }
0x3c: {  	s29 =	simm.s32 $0x5;
	v11 =	vmov s0;
	v12 =	vmov s26;
	v14 =	vmov s16  }
0x3d: {  	v15 =	vmov s29;
	v4 =	vor.u32 $0x1, v3;
	v5 =	vor.u32 $0x2, v3  }
0x3e: {  	v7 =	vor.u32 $0x4, v3;
	v8 =	vor.u32 $0x5, v3;
	v10 =	vshll.u32 v10, v1  }
0x3f: {  	v11 =	vshrl.u32 v11, $0x3;
	v12 =	vshrl.u32 v12, $0x3;
	v14 =	vshrl.u32 v14, $0x3  }
0x40: {  	s26 =	sshllo.u32 s25, $0x1;
	v15 =	vshrl.u32 v15, $0x3;
	v10 =	vadd.s32 v3, v10;
	v11 =	vshll.u32 v11, v1  }
0x41: {  	s26 =	sshll.u32 s26, $0x7;
	v12 =	vshll.u32 v12, v1;
	v10 =	vbroadcast v10, $0x0;
	v11 =	vadd.s32 v11, v4  }
0x42: {  	v14 =	vshll.u32 v14, v1;
	[tilespmem:s20], [sflag:$0x2] =	stream.indirect.gather [hbm4b:s12+s19], $0x40, s26, s19, $0xb8;
	v12 =	vadd.s32 v12, v5;
	v11 =	vbroadcast v11, $0x0;
	[tilespmem:$0x1D000] =	vst v63  }
0x43: {  	s16 =	simm.s32 $0x6;
	v15 =	vshll.u32 v15, v1;
	_ =	swait.ge [sflag:s21], $0x2000;
	v14 =	vadd.s32 v14, v7;
	v12 =	vbroadcast v12, $0x0  }
0x44: {  	v16 =	vmov s16;
	s16 =	simm.s32 $0x7;
	v15 =	vadd.s32 v15, v8;
	[sflag:s21] =	ssyncset.done $0x0;
	v14 =	vbroadcast v14, $0x0  }
0x45: {  	s30 =	simm.s32 $0xF100;
	v16 =	vshrl.u32 v16, $0x3;
	v17 =	vmov s16;
	v15 =	vbroadcast v15, $0x0;
	[sflag:s21] =	ssyncadd.s32 $0xFFFFE000  }
0x46: {  	v9 =	vor.u32 $0x6, v3;
	v16 =	vshll.u32 v16, v1;
	v17 =	vshrl.u32 v17, $0x3;
	v21 =	vld [tilespmem:s30+$0xFFFFFF20]  }
0x47: {  	v2 =	vor.u32 $0x7, v3;
	v16 =	vadd.s32 v16, v9;
	v17 =	vshll.u32 v17, v1;
	v18 =	vld.idx.msk [tilespmem:v10+s17+$0x0], $0xffff  }
0x48: {  	v10 =	vbroadcast v16, $0x0;
	v16 =	vadd.s32 v17, v2;
	v17 =	vld.idx.msk [tilespmem:v11+s17+$0x0], $0xffff  }
0x49: {  	v16 =	vbroadcast v16, $0x0;
	v19 =	vld.idx.msk [tilespmem:v12+s17+$0x0], $0xffff  }
0x4a: {  	s0 =	simm.s32 $0x3;
	v20 =	vld.idx.msk [tilespmem:v14+s17+$0x0], $0xffff  }
0x4b: {  	v13 =	vmov s0;
	v12 =	vld.idx.msk [tilespmem:v15+s17+$0x0], $0xffff  }
0x4c: {  	v13 =	vshrl.u32 v13, $0x3;
	v14 =	vld [tilespmem:s30+$0xF0]  }
0x4d: {  	v6 =	vor.u32 $0x3, v3;
	v13 =	vshll.u32 v13, v1;
	v15 =	vld [tilespmem:s30+$0xFFFFFF00]  }
0x4e: {  	v13 =	vadd.s32 v13, v6;
	v11 =	vld.idx.msk [tilespmem:v10+s17+$0x0], $0xffff  }
0x4f: {  	v13 =	vbroadcast v13, $0x0;
	v10 =	vld.idx.msk [tilespmem:v16+s17+$0x0], $0xffff  }
0x50: {  	v16 =	vld [tilespmem:s30+$0xFFFFFF10]  }
0x51: {  	v22 =	vld [tilespmem:s30+$0xFFFFFF30]  }
0x52: {  	v23 =	vld [tilespmem:s30+$0xFFFFFF40]  }
0x53: {  	v24 =	vld [tilespmem:s30+$0xFFFFFF50];
	v15 =	vmul.f32 v15, v18  }
0x54: {  	v25 =	vld [tilespmem:s30+$0xFFFFFF60];
	v14 =	vmul.f32 v14, v10  }
0x55: {  	v13 =	vld.idx.msk [tilespmem:v13+s17+$0x0], $0xffff;
	[tilespmem:s30+$0xFFFFFF00] =	vst v15;
	v16 =	vmul.f32 v16, v18  }
0x56: {  	v15 =	vld [tilespmem:s30+$0xFFFFFF70];
	[tilespmem:s30+$0xF0] =	vst v14;
	v14 =	vmul.f32 v21, v18  }
0x57: {  	[tilespmem:s30+$0xFFFFFF10] =	vst v16;
	v16 =	vmul.f32 v22, v18;
	v18 =	vld [tilespmem:s30+$0xFFFFFF80]  }
0x58: {  	v21 =	vld [tilespmem:s30+$0xFFFFFF90];
	[tilespmem:s30+$0xFFFFFF20] =	vst v14;
	v14 =	vmul.f32 v23, v17  }
0x59: {  	v22 =	vld [tilespmem:s30+$0xFFFFFFA0];
	[tilespmem:s30+$0xFFFFFF30] =	vst v16;
	v16 =	vmul.f32 v24, v17  }
0x5a: {  	s29 =	simm.s32 $0xB;
	v23 =	vld [tilespmem:s30+$0xFFFFFFB0];
	[tilespmem:s30+$0xFFFFFF40] =	vst v14;
	v14 =	vmul.f32 v25, v17  }
0x5b: {  	v26 =	vmov s29;
	s29 =	simm.s32 $0xD;
	s16 =	simm.s32 $0x8;
	v15 =	vmul.f32 v15, v17;
	[tilespmem:s30+$0xFFFFFF50] =	vst v16;
	v16 =	vld [tilespmem:s30+$0xFFFFFFC0]  }
0x5c: {  	v28 =	vmov s29;
	v24 =	vmov s16;
	s16 =	simm.s32 $0x9;
	[tilespmem:s30+$0xFFFFFF60] =	vst v14;
	v14 =	vmul.f32 v18, v19;
	v18 =	vld [tilespmem:s30+$0xFFFFFFD0]  }
0x5d: {  	[tilespmem:s30+$0xFFFFFF70] =	vst v15;
	v17 =	vshrl.u32 v24, $0x3;
	v24 =	vmov s16;
	s16 =	simm.s32 $0xA;
	v15 =	vmul.f32 v21, v19;
	v21 =	vld [tilespmem:s30+$0xFFFFFFE0]  }
0x5e: {  	v25 =	vmov s16;
	s16 =	simm.s32 $0xC;
	v17 =	vshll.u32 v17, v1;
	[tilespmem:s30+$0xFFFFFF80] =	vst v14;
	v14 =	vmul.f32 v22, v19;
	v22 =	vld [tilespmem:s30+$0xFFFFFFF0]  }
0x5f: {  	v27 =	vmov s16;
	s16 =	simm.s32 $0xE;
	v17 =	vadd.s32 v3, v17;
	[tilespmem:s30+$0xFFFFFF90] =	vst v15;
	v15 =	vmul.f32 v23, v19;
	v19 =	vld [tilespmem:s30+$0x0]  }
0x60: {  	v29 =	vmov s16;
	v23 =	vshrl.u32 v24, $0x3;
	[tilespmem:s30+$0xFFFFFFA0] =	vst v14;
	v14 =	vmul.f32 v16, v13;
	v16 =	vld [tilespmem:s30+$0x10]  }
0x61: {  	v24 =	vshrl.u32 v25, $0x3;
	v25 =	vshrl.u32 v26, $0x3;
	[tilespmem:s30+$0xFFFFFFB0] =	vst v15;
	v15 =	vmul.f32 v18, v13;
	v18 =	vld [tilespmem:s30+$0x20]  }
0x62: {  	v26 =	vshrl.u32 v27, $0x3;
	v27 =	vshrl.u32 v28, $0x3;
	[tilespmem:s30+$0xFFFFFFC0] =	vst v14;
	v14 =	vmul.f32 v21, v13;
	v21 =	vld [tilespmem:s30+$0x30]  }
0x63: {  	v62 =	vshrl.u32 v29, $0x3;
	v23 =	vshll.u32 v23, v1;
	[tilespmem:s30+$0xFFFFFFD0] =	vst v15;
	v13 =	vmul.f32 v22, v13;
	v22 =	vld [tilespmem:s30+$0x40]  }
0x64: {  	v63 =	vld [tilespmem:s30+$0x50];
	v24 =	vshll.u32 v24, v1;
	v25 =	vshll.u32 v25, v1;
	v15 =	vmul.f32 v19, v20;
	[tilespmem:s30+$0xFFFFFFE0] =	vst v14  }
0x65: {  	v19 =	vshll.u32 v26, v1;
	v26 =	vshll.u32 v27, v1;
	v27 =	vld [tilespmem:s30+$0x60];
	[tilespmem:s30+$0xFFFFFFF0] =	vst v13;
	v13 =	vmul.f32 v16, v20  }
0x66: {  	v28 =	vshll.u32 v62, v1;
	v25 =	vadd.s32 v25, v6;
	[tilespmem:s30+$0x0] =	vst v15;
	v15 =	vld [tilespmem:s30+$0x70];
	v16 =	vmul.f32 v18, v20  }
0x67: {  	v14 =	vbroadcast v17, $0x0;
	v17 =	vadd.s32 v23, v4;
	[tilespmem:s30+$0x10] =	vst v13;
	v20 =	vmul.f32 v21, v20;
	v13 =	vld [tilespmem:s30+$0x80]  }
0x68: {  	v23 =	vadd.s32 v26, v8;
	v18 =	vadd.s32 v24, v5;
	[tilespmem:s30+$0x20] =	vst v16;
	v30 =	vmul.f32 v22, v12;
	v16 =	vld [tilespmem:s30+$0x90]  }
0x69: {  	v21 =	vadd.s32 v19, v7;
	v19 =	vbroadcast v17, $0x0;
	v17 =	vld [tilespmem:s30+$0xA0];
	v22 =	vmul.f32 v63, v12;
	[tilespmem:s30+$0x30] =	vst v20  }
0x6a: {  	s31 =	simm.s32 $0x10;
	s0 =	simm.s32 $0xF;
	s29 =	sshll.u32 s25, $0x1;
	v24 =	vadd.s32 v28, v9;
	v26 =	vmul.f32 v27, v12;
	v20 =	vbroadcast v18, $0x0;
	v18 =	vld [tilespmem:s30+$0xB0];
	[tilespmem:s30+$0x40] =	vst v30  }
.LBB2_5:
0x6b: {  	p0 =	slt.u32 s31, $0x78;
	v25 =	vbroadcast v25, $0x0;
	v27 =	vmov s0;
	[tilespmem:s30+$0x50] =	vst v22;
	v12 =	vmul.f32 v15, v12;
	v15 =	vld [tilespmem:s30+$0xC0]  }
0x6c: {  	v21 =	vbroadcast v21, $0x0;
	v22 =	vshrl.u32 v27, $0x3;
	[tilespmem:s30+$0x60] =	vst v26;
	v13 =	vmul.f32 v13, v11;
	v26 =	vld [tilespmem:s30+$0xD0]  }
0x6d: {  	v23 =	vbroadcast v23, $0x0;
	v22 =	vshll.u32 v22, v1;
	[tilespmem:s30+$0x70] =	vst v12;
	v12 =	vmul.f32 v16, v11;
	v16 =	vld [tilespmem:s30+$0xE0]  }
0x6e: {  	v24 =	vbroadcast v24, $0x0;
	v14 =	vld.idx.msk [tilespmem:v14+s17+$0x0], $0xffff;
	v22 =	vadd.s32 v22, v2;
	[tilespmem:s30+$0x80] =	vst v13;
	v13 =	vmul.f32 v17, v11  }
0x6f: {  	v17 =	vld.idx.msk [tilespmem:v19+s17+$0x0], $0xffff;
	v19 =	vbroadcast v22, $0x0;
	[tilespmem:s30+$0x90] =	vst v12;
	v11 =	vmul.f32 v18, v11  }
0x70: {  	v18 =	vld.idx.msk [tilespmem:v20+s17+$0x0], $0xffff;
	[tilespmem:s30+$0xA0] =	vst v13;
	v12 =	vmul.f32 v15, v10  }
0x71: {  	v15 =	vld.idx.msk [tilespmem:v25+s17+$0x0], $0xffff;
	[tilespmem:s30+$0xB0] =	vst v11;
	v11 =	vmul.f32 v26, v10  }
0x72: {  	v13 =	vld.idx.msk [tilespmem:v21+s17+$0x0], $0xffff;
	[tilespmem:s30+$0xC0] =	vst v12;
	v10 =	vmul.f32 v16, v10  }
0x73: {  	v12 =	vld.idx.msk [tilespmem:v23+s17+$0x0], $0xffff;
	[tilespmem:s30+$0xD0] =	vst v11  }
0x74: {  	v11 =	vld.idx.msk [tilespmem:v24+s17+$0x0], $0xffff;
	[tilespmem:s30+$0xE0] =	vst v10  }
0x75: {  	s30 =	sadd.s32 $0x200, s30;
	v10 =	vld.idx.msk [tilespmem:v19+s17+$0x0], $0xffff  }
0x76: {  	v16 =	vld [tilespmem:s30+$0xF0]  }
0x77: {  	v19 =	vld [tilespmem:s30+$0xFFFFFF00]  }
0x78: {  	v20 =	vld [tilespmem:s30+$0xFFFFFF10]  }
0x79: {  	v21 =	vld [tilespmem:s30+$0xFFFFFF20]  }
0x7a: {  	v22 =	vld [tilespmem:s30+$0xFFFFFF30]  }
0x7b: {  	v23 =	vld [tilespmem:s30+$0xFFFFFF40];
	v16 =	vmul.f32 v16, v10  }
0x7c: {  	v19 =	vmul.f32 v19, v14;
	v24 =	vld [tilespmem:s30+$0xFFFFFF50]  }
0x7d: {  	v20 =	vmul.f32 v20, v14;
	v25 =	vld [tilespmem:s30+$0xFFFFFF60];
	[tilespmem:s30+$0xF0] =	vst v16  }
0x7e: {  	[tilespmem:s30+$0xFFFFFF00] =	vst v19;
	v16 =	vmul.f32 v21, v14;
	v19 =	vld [tilespmem:s30+$0xFFFFFF70]  }
0x7f: {  	[tilespmem:s30+$0xFFFFFF10] =	vst v20;
	v14 =	vmul.f32 v22, v14;
	v20 =	vld [tilespmem:s30+$0xFFFFFF80]  }
0x80: {  	[tilespmem:s30+$0xFFFFFF20] =	vst v16;
	v16 =	vmul.f32 v23, v17;
	v21 =	vld [tilespmem:s30+$0xFFFFFF90]  }
0x81: {  	[tilespmem:s30+$0xFFFFFF30] =	vst v14;
	v14 =	vmul.f32 v24, v17;
	v22 =	vld [tilespmem:s30+$0xFFFFFFA0]  }
0x82: {  	[tilespmem:s30+$0xFFFFFF40] =	vst v16;
	v16 =	vmul.f32 v25, v17;
	v23 =	vld [tilespmem:s30+$0xFFFFFFB0]  }
0x83: {  	s0 =	sadd.s32 $0x1, s31;
	v24 =	vmov s31;
	[tilespmem:s30+$0xFFFFFF50] =	vst v14;
	v14 =	vmul.f32 v19, v17;
	v17 =	vld [tilespmem:s30+$0xFFFFFFC0]  }
0x84: {  	s16 =	sadd.s32 $0x3, s31;
	v19 =	vshrl.u32 v24, $0x3;
	v24 =	vmov s0;
	s0 =	sadd.s32 $0x2, s31;
	[tilespmem:s30+$0xFFFFFF60] =	vst v16;
	v16 =	vmul.f32 v20, v18;
	v20 =	vld [tilespmem:s30+$0xFFFFFFD0]  }
0x85: {  	v26 =	vmov s16;
	s16 =	sadd.s32 $0x5, s31;
	v25 =	vmov s0;
	s0 =	sadd.s32 $0x4, s31;
	[tilespmem:s30+$0xFFFFFF70] =	vst v14;
	v14 =	vmul.f32 v21, v18;
	v21 =	vld [tilespmem:s30+$0xFFFFFFE0]  }
0x86: {  	v28 =	vmov s16;
	v27 =	vmov s0;
	s0 =	sadd.s32 $0x6, s31;
	[tilespmem:s30+$0xFFFFFF80] =	vst v16;
	v16 =	vmul.f32 v22, v18;
	v22 =	vld [tilespmem:s30+$0xFFFFFFF0]  }
0x87: {  	v19 =	vshll.u32 v19, v1;
	v29 =	vmov s0;
	[tilespmem:s30+$0xFFFFFF90] =	vst v14;
	v14 =	vmul.f32 v23, v18;
	v18 =	vld [tilespmem:s30+$0x0]  }
0x88: {  	v23 =	vshrl.u32 v24, $0x3;
	v24 =	vshrl.u32 v25, $0x3;
	[tilespmem:s30+$0xFFFFFFA0] =	vst v16;
	v16 =	vmul.f32 v17, v15;
	v17 =	vld [tilespmem:s30+$0x10]  }
0x89: {  	v25 =	vshrl.u32 v26, $0x3;
	v26 =	vshrl.u32 v27, $0x3;
	[tilespmem:s30+$0xFFFFFFB0] =	vst v14;
	v14 =	vmul.f32 v20, v15;
	v20 =	vld [tilespmem:s30+$0x20]  }
0x8a: {  	v27 =	vshrl.u32 v28, $0x3;
	v28 =	vshrl.u32 v29, $0x3;
	[tilespmem:s30+$0xFFFFFFC0] =	vst v16;
	v16 =	vmul.f32 v21, v15;
	v21 =	vld [tilespmem:s30+$0x30]  }
0x8b: {  	v19 =	vadd.s32 v3, v19;
	v23 =	vshll.u32 v23, v1;
	[tilespmem:s30+$0xFFFFFFD0] =	vst v14;
	v14 =	vmul.f32 v22, v15;
	v22 =	vld [tilespmem:s30+$0x40]  }
0x8c: {  	v24 =	vshll.u32 v24, v1;
	v25 =	vshll.u32 v25, v1;
	[tilespmem:s30+$0xFFFFFFE0] =	vst v16;
	v15 =	vmul.f32 v18, v13;
	v18 =	vld [tilespmem:s30+$0x50]  }
0x8d: {  	v16 =	vshll.u32 v26, v1;
	v26 =	vshll.u32 v27, v1;
	[tilespmem:s30+$0xFFFFFFF0] =	vst v14;
	v17 =	vmul.f32 v17, v13;
	v27 =	vld [tilespmem:s30+$0x60]  }
.Ltmp1:
0x8e: {  	v28 =	vshll.u32 v28, v1;
	v14 =	vbroadcast v19, $0x0;
	[tilespmem:s30+$0x0] =	vst v15;
	v19 =	vmul.f32 v20, v13;
	v15 =	vld [tilespmem:s30+$0x70];
	(pc) =	sbr.rel @p0 .LBB2_5-.Ltmp1, $4  }
0x8f: {  	v24 =	vadd.s32 v24, v5;
	v20 =	vadd.s32 v23, v4;
	[tilespmem:s30+$0x10] =	vst v17;
	v17 =	vmul.f32 v21, v13;
	v13 =	vld [tilespmem:s30+$0x80]  }
0x90: {  	v25 =	vadd.s32 v25, v6;
	v21 =	vadd.s32 v16, v7;
	[tilespmem:s30+$0x20] =	vst v19;
	v29 =	vmul.f32 v22, v12;
	v16 =	vld [tilespmem:s30+$0x90]  }
0x91: {  	v23 =	vadd.s32 v26, v8;
	v19 =	vbroadcast v20, $0x0;
	[tilespmem:s30+$0x30] =	vst v17;
	v22 =	vmul.f32 v18, v12;
	v17 =	vld [tilespmem:s30+$0xA0]  }
0x92: {  	s0 =	sadd.s32 $0x7, s31;
	s31 =	sadd.s32 $0x8, s31;
	v20 =	vbroadcast v24, $0x0;
	v24 =	vadd.s32 v28, v9;
	[tilespmem:s30+$0x40] =	vst v29;
	v26 =	vmul.f32 v27, v12;
	v18 =	vld [tilespmem:s30+$0xB0]  }
0x93: {  	_ = 	snop  }
0x94: {  	v5 =	vld [tilespmem:s30+$0xC0]  }
0x95: {  	v7 =	vld [tilespmem:s30+$0xD0]  }
0x96: {  	v9 =	vld [tilespmem:s30+$0xE0]  }
0x97: {  	v4 =	vmov s0;
	v14 =	vld.idx.msk [tilespmem:v14+s17+$0x0], $0xffff;
	s31 =	sadd.s32 $0x200, s30;
	v12 =	vmul.f32 v15, v12  }
0x98: {  	v3 =	vbroadcast v25, $0x0;
	v4 =	vshrl.u32 v4, $0x3;
	v15 =	vld [tilespmem:s31+$0xF0]  }
0x99: {  	v6 =	vbroadcast v21, $0x0;
	v4 =	vshll.u32 v4, v1;
	[tilespmem:s30+$0x70] =	vst v12;
	v12 =	vmul.f32 v16, v11;
	v16 =	vld [tilespmem:s31+$0xFFFFFF10]  }
0x9a: {  	v21 =	vbroadcast v24, $0x0;
	v13 =	vmul.f32 v13, v11;
	v2 =	vadd.s32 v4, v2;
	v4 =	vld.idx.msk [tilespmem:v19+s17+$0x0], $0xffff  }
0x9b: {  	v19 =	vld.idx.msk [tilespmem:v20+s17+$0x0], $0xffff  }
0x9c: {  	[tilespmem:s30+$0x80] =	vst v13;
	v13 =	vmul.f32 v17, v11;
	v17 =	vld [tilespmem:s31+$0xFFFFFF20]  }
0x9d: {  	v8 =	vbroadcast v23, $0x0;
	[tilespmem:s30+$0x90] =	vst v12;
	v12 =	vld [tilespmem:s31+$0xFFFFFF30]  }
0x9e: {  	v2 =	vbroadcast v2, $0x0;
	[tilespmem:s30+$0xA0] =	vst v13;
	v13 =	vld [tilespmem:s31+$0xFFFFFF40]  }
0x9f: {  	v3 =	vld.idx.msk [tilespmem:v3+s17+$0x0], $0xffff  }
0xa0: {  	v20 =	vld.idx.msk [tilespmem:v21+s17+$0x0], $0xffff  }
0xa1: {  	v21 =	vld [tilespmem:s31+$0xFFFFFF00]  }
0xa2: {  	[tilespmem:s30+$0x50] =	vst v22;
	v5 =	vmul.f32 v5, v10;
	v6 =	vld.idx.msk [tilespmem:v6+s17+$0x0], $0xffff  }
0xa3: {  	[tilespmem:s30+$0x60] =	vst v26;
	v11 =	vmul.f32 v18, v11;
	v8 =	vld.idx.msk [tilespmem:v8+s17+$0x0], $0xffff  }
0xa4: {  	[tilespmem:s30+$0xC0] =	vst v5;
	v5 =	vmul.f32 v9, v10;
	v2 =	vld.idx.msk [tilespmem:v2+s17+$0x0], $0xffff  }
0xa5: {  	[tilespmem:s30+$0xB0] =	vst v11;
	v11 =	vld [tilespmem:s31+$0xFFFFFF50];
	v12 =	vmul.f32 v12, v14  }
0xa6: {  	v9 =	vld [tilespmem:s31+$0xFFFFFF60];
	[tilespmem:s30+$0xE0] =	vst v5;
	v5 =	vmul.f32 v21, v14  }
0xa7: {  	v7 =	vmul.f32 v7, v10;
	v10 =	vld [tilespmem:s31+$0xFFFFFF70];
	[tilespmem:s31+$0xFFFFFF30] =	vst v12  }
0xa8: {  	v12 =	vld [tilespmem:s31+$0xFFFFFFD0];
	[tilespmem:s31+$0xFFFFFF00] =	vst v5;
	v5 =	vmul.f32 v17, v14  }
0xa9: {  	[tilespmem:s30+$0xD0] =	vst v7;
	v17 =	vld [tilespmem:s31+$0xFFFFFFA0];
	v7 =	vmul.f32 v15, v2  }
0xaa: {  	v11 =	vmul.f32 v11, v4;
	v15 =	vld [tilespmem:s31+$0xFFFFFF80];
	[tilespmem:s31+$0xFFFFFF20] =	vst v5  }
0xab: {  	v5 =	vmul.f32 v13, v4;
	[tilespmem:s31+$0xF0] =	vst v7;
	v7 =	vld [tilespmem:s31+$0xFFFFFF90]  }
0xac: {  	v16 =	vmul.f32 v16, v14;
	v14 =	vld [tilespmem:s31+$0xFFFFFFB0];
	[tilespmem:s31+$0xFFFFFF50] =	vst v11  }
0xad: {  	v11 =	vld [tilespmem:s31+$0x0];
	[tilespmem:s31+$0xFFFFFF40] =	vst v5;
	v5 =	vmul.f32 v9, v4  }
0xae: {  	[tilespmem:s31+$0xFFFFFF10] =	vst v16;
	v13 =	vld [tilespmem:s31+$0xFFFFFFC0];
	v4 =	vmul.f32 v10, v4  }
0xaf: {  	v9 =	vld [tilespmem:s31+$0xFFFFFFE0];
	[tilespmem:s31+$0xFFFFFF60] =	vst v5;
	v5 =	vmul.f32 v15, v19  }
0xb0: {  	v10 =	vld [tilespmem:s31+$0xFFFFFFF0];
	[tilespmem:s31+$0xFFFFFF70] =	vst v4;
	v4 =	vmul.f32 v7, v19  }
0xb1: {  	v15 =	vld [tilespmem:s31+$0x20];
	[tilespmem:s31+$0xFFFFFF80] =	vst v5;
	v5 =	vmul.f32 v17, v19  }
0xb2: {  	v7 =	vld [tilespmem:s31+$0x10];
	[tilespmem:s31+$0xFFFFFF90] =	vst v4;
	v4 =	vmul.f32 v14, v19  }
0xb3: {  	v14 =	vld [tilespmem:s31+$0x30];
	[tilespmem:s31+$0xFFFFFFA0] =	vst v5;
	v5 =	vmul.f32 v13, v3  }
0xb4: {  	v13 =	vld [tilespmem:s31+$0x40];
	[tilespmem:s31+$0xFFFFFFB0] =	vst v4;
	v4 =	vmul.f32 v12, v3  }
0xb5: {  	v12 =	vld [tilespmem:s31+$0x50];
	[tilespmem:s31+$0xFFFFFFC0] =	vst v5;
	v5 =	vmul.f32 v9, v3  }
0xb6: {  	v9 =	vld [tilespmem:s31+$0x60];
	v3 =	vmul.f32 v10, v3;
	[tilespmem:s31+$0xFFFFFFD0] =	vst v4  }
0xb7: {  	v10 =	vld [tilespmem:s31+$0x80];
	[tilespmem:s31+$0xFFFFFFE0] =	vst v5;
	v5 =	vmul.f32 v11, v6  }
0xb8: {  	v4 =	vld [tilespmem:s31+$0x70];
	[tilespmem:s31+$0xFFFFFFF0] =	vst v3;
	v3 =	vmul.f32 v7, v6  }
0xb9: {  	v7 =	vld [tilespmem:s31+$0x90];
	[tilespmem:s31+$0x0] =	vst v5;
	v5 =	vmul.f32 v15, v6  }
0xba: {  	[tilespmem:s31+$0x10] =	vst v3;
	v3 =	vmul.f32 v14, v6;
	v6 =	vld [tilespmem:s31+$0xB0]  }
0xbb: {  	v11 =	vld [tilespmem:s31+$0xA0];
	[tilespmem:s31+$0x20] =	vst v5;
	v5 =	vmul.f32 v13, v8  }
0xbc: {  	v13 =	vld [tilespmem:s31+$0xC0];
	[tilespmem:s31+$0x30] =	vst v3;
	v3 =	vmul.f32 v12, v8  }
0xbd: {  	v12 =	vld [tilespmem:s31+$0xD0];
	[tilespmem:s31+$0x40] =	vst v5;
	v5 =	vmul.f32 v9, v8  }
0xbe: {  	[tilespmem:s31+$0x50] =	vst v3;
	v3 =	vmul.f32 v4, v8  }
0xbf: {  	v9 =	vld [tilespmem:s31+$0xE0];
	v4 =	vmul.f32 v10, v20;
	v6 =	vmul.f32 v6, v20;
	[tilespmem:s31+$0x60] =	vst v5  }
0xc0: {  	s16 =	simm.s32 $0x0;
	s30 =	simm.s32 $0x1;
	v5 =	vmul.f32 v7, v20;
	[tilespmem:s31+$0x70] =	vst v3;
	v3 =	vmul.f32 v11, v20  }
0xc1: {  	[tilespmem:s31+$0x80] =	vst v4;
	v11 =	vmov s16;
	s16 =	simm.s32 $0x2;
	v8 =	vmul.f32 v13, v2;
	v13 =	vmov s30;
	s30 =	simm.s32 $0x3  }
0xc2: {  	v10 =	vmul.f32 v12, v2;
	v14 =	vmov s16;
	[tilespmem:s31+$0xB0] =	vst v6;
	s16 =	simm.s32 $0x4;
	v15 =	vmov s30  }
0xc3: {  	[tilespmem:s31+$0x90] =	vst v5;
	v16 =	vmov s16;
	v13 =	vshrl.u32 v13, $0x3;
	v14 =	vshrl.u32 v14, $0x3  }
0xc4: {  	s30 =	simm.s32 $0x5;
	v12 =	vmul.f32 v9, v2;
	v2 =	vmov s26;
	[tilespmem:s31+$0xD0] =	vst v10;
	v10 =	vshrl.u32 v11, $0x3  }
0xc5: {  	[tilespmem:s31+$0xA0] =	vst v3;
	v11 =	vmov s30;
	v15 =	vshrl.u32 v15, $0x3;
	v16 =	vshrl.u32 v16, $0x3  }
0xc6: {  	s16 =	sand.u32 $0x3FFFFF00, s28;
	[tilespmem:s31+$0xC0] =	vst v8;
	v13 =	vshll.u32 v13, v1;
	v14 =	vshll.u32 v14, v1;
	v3 =	vor.u32 $0x1, v2  }
0xc7: {  	s16 =	sadd.s32 $0x5000, s16;
	v4 =	vor.u32 $0x2, v2;
	v5 =	vor.u32 $0x3, v2;
	v7 =	vor.u32 $0x4, v2;
	[tilespmem:s31+$0xE0] =	vst v12  }
0xc8: {  	v8 =	vor.u32 $0x5, v2;
	v9 =	vor.u32 $0x6, v2;
	v10 =	vshll.u32 v10, v1;
	[spmem:s2] =	stream.indirect.scatter.add.f32 [tilespmem:s18], [sflag:$0x3], $0x40, s16, s19, $0xb8;
	[tilespmem:$0x1D000] =	vst v63  }
0xc9: {  	v6 =	vor.u32 $0x7, v2;
	v11 =	vshrl.u32 v11, $0x3;
	v10 =	vadd.s32 v2, v10;
	s16 =	smin.u32 s29, $0x9D;
	_ =	swait.ge [sflag:s15], $0x2000  }
0xca: {  	v15 =	vshll.u32 v15, v1;
	v13 =	vadd.s32 v13, v3;
	v10 =	vbroadcast v10, $0x0;
	s0 =	sshll.u32 s16, $0x7;
	[sflag:s15] =	ssyncset.done $0x0  }
0xcb: {  	s30 =	simm.s32 $0x6;
	v16 =	vshll.u32 v16, v1;
	v14 =	vadd.s32 v14, v4;
	v13 =	vbroadcast v13, $0x0;
	s0 =	sadd.s32 $0x100, s0;
	[sflag:s15] =	ssyncadd.s32 $0xFFFFE000  }
0xcc: {  	v12 =	vmov s30;
	v15 =	vadd.s32 v15, v5;
	v14 =	vbroadcast v14, $0x0;
	[tilespmem:s18], [sflag:$0x1] =	stream.indirect.gather [hbm4b:s12+s19], $0x40, s0, s19, $0xb8;
	[tilespmem:$0x1D000] =	vst v63  }
0xcd: {  	v11 =	vshll.u32 v11, v1;
	s30 =	simm.s32 $0x7;
	v16 =	vadd.s32 v16, v7;
	v15 =	vbroadcast v15, $0x0;
	_ =	swait.ge [sflag:s22], $0x2000  }
0xce: {  	v12 =	vshrl.u32 v12, $0x3;
	v17 =	vmov s30;
	v16 =	vbroadcast v16, $0x0;
	[sflag:s22] =	ssyncset.done $0x0  }
0xcf: {  	v11 =	vadd.s32 v11, v8;
	v12 =	vshll.u32 v12, v1;
	v17 =	vshrl.u32 v17, $0x3;
	[sflag:s22] =	ssyncadd.s32 $0xFFFFE000  }
0xd0: {  	v11 =	vbroadcast v11, $0x0;
	v12 =	vadd.s32 v12, v9;
	v17 =	vshll.u32 v17, v1;
	v18 =	vld.idx.msk [tilespmem:v10+s17+$0x0], $0xffff  }
0xd1: {  	v10 =	vbroadcast v12, $0x0;
	v12 =	vadd.s32 v17, v6;
	v13 =	vld.idx.msk [tilespmem:v13+s17+$0x0], $0xffff  }
0xd2: {  	v14 =	vld.idx.msk [tilespmem:v14+s17+$0x0], $0xffff;
	v17 =	vbroadcast v12, $0x0  }
0xd3: {  	v15 =	vld.idx.msk [tilespmem:v15+s17+$0x0], $0xffff  }
0xd4: {  	s28 =	simm.s32 $0x11100;
	v16 =	vld.idx.msk [tilespmem:v16+s17+$0x0], $0xffff  }
0xd5: {  	v19 =	vld [tilespmem:s28+$0xFFFFFF00]  }
0xd6: {  	v12 =	vld.idx.msk [tilespmem:v11+s17+$0x0], $0xffff  }
0xd7: {  	v11 =	vld.idx.msk [tilespmem:v10+s17+$0x0], $0xffff  }
0xd8: {  	v10 =	vld.idx.msk [tilespmem:v17+s17+$0x0], $0xffff  }
0xd9: {  	v17 =	vld [tilespmem:s28+$0xF0]  }
0xda: {  	v20 =	vld [tilespmem:s28+$0xFFFFFF10]  }
0xdb: {  	v21 =	vld [tilespmem:s28+$0xFFFFFF20]  }
0xdc: {  	v22 =	vld [tilespmem:s28+$0xFFFFFF30]  }
0xdd: {  	v23 =	vld [tilespmem:s28+$0xFFFFFF40];
	v19 =	vmul.f32 v19, v18  }
0xde: {  	v24 =	vld [tilespmem:s28+$0xFFFFFF50];
	v17 =	vmul.f32 v17, v10  }
0xdf: {  	v25 =	vld [tilespmem:s28+$0xFFFFFF60];
	v20 =	vmul.f32 v20, v18;
	[tilespmem:s28+$0xFFFFFF00] =	vst v19  }
0xe0: {  	v19 =	vld [tilespmem:s28+$0xFFFFFF70];
	[tilespmem:s28+$0xF0] =	vst v17;
	v17 =	vmul.f32 v21, v18  }
0xe1: {  	[tilespmem:s28+$0xFFFFFF10] =	vst v20;
	v20 =	vld [tilespmem:s28+$0xFFFFFF80];
	v18 =	vmul.f32 v22, v18  }
0xe2: {  	v21 =	vld [tilespmem:s28+$0xFFFFFF90];
	[tilespmem:s28+$0xFFFFFF20] =	vst v17;
	v17 =	vmul.f32 v23, v13  }
0xe3: {  	v22 =	vld [tilespmem:s28+$0xFFFFFFA0];
	[tilespmem:s28+$0xFFFFFF30] =	vst v18;
	v18 =	vmul.f32 v24, v13  }
0xe4: {  	s31 =	simm.s32 $0x8;
	v23 =	vld [tilespmem:s28+$0xFFFFFFB0];
	[tilespmem:s28+$0xFFFFFF40] =	vst v17;
	v17 =	vmul.f32 v25, v13  }
0xe5: {  	v24 =	vmov s31;
	s31 =	simm.s32 $0xB;
	[tilespmem:s28+$0xFFFFFF50] =	vst v18;
	v13 =	vmul.f32 v19, v13;
	v18 =	vld [tilespmem:s28+$0xFFFFFFC0]  }
0xe6: {  	s30 =	simm.s32 $0xA;
	s16 =	simm.s32 $0x9;
	v26 =	vmov s31;
	v19 =	vshrl.u32 v24, $0x3;
	[tilespmem:s28+$0xFFFFFF60] =	vst v17;
	v17 =	vmul.f32 v20, v14;
	v20 =	vld [tilespmem:s28+$0xFFFFFFD0]  }
0xe7: {  	s31 =	simm.s32 $0xE;
	v24 =	vmov s16;
	v25 =	vmov s30;
	s16 =	simm.s32 $0xC;
	[tilespmem:s28+$0xFFFFFF70] =	vst v13;
	v13 =	vmul.f32 v21, v14;
	v21 =	vld [tilespmem:s28+$0xFFFFFFE0]  }
0xe8: {  	s30 =	simm.s32 $0xD;
	v29 =	vmov s31;
	v27 =	vmov s16;
	[tilespmem:s28+$0xFFFFFF80] =	vst v17;
	v17 =	vmul.f32 v22, v14;
	v22 =	vld [tilespmem:s28+$0xFFFFFFF0]  }
0xe9: {  	v28 =	vmov s30;
	v19 =	vshll.u32 v19, v1;
	[tilespmem:s28+$0xFFFFFF90] =	vst v13;
	v13 =	vmul.f32 v23, v14;
	v14 =	vld [tilespmem:s28+$0x0]  }
0xea: {  	v61 =	vshrl.u32 v29, $0x3;
	v19 =	vadd.s32 v2, v19;
	[tilespmem:s28+$0xFFFFFFA0] =	vst v17;
	v17 =	vmul.f32 v18, v15;
	v18 =	vld [tilespmem:s28+$0x10]  }
0xeb: {  	v23 =	vshrl.u32 v24, $0x3;
	v24 =	vshrl.u32 v25, $0x3;
	[tilespmem:s28+$0xFFFFFFB0] =	vst v13;
	v13 =	vmul.f32 v20, v15;
	v20 =	vld [tilespmem:s28+$0x20]  }
0xec: {  	v25 =	vshrl.u32 v26, $0x3;
	v26 =	vshrl.u32 v27, $0x3;
	[tilespmem:s28+$0xFFFFFFC0] =	vst v17;
	v17 =	vmul.f32 v21, v15;
	v21 =	vld [tilespmem:s28+$0x30]  }
0xed: {  	v27 =	vshrl.u32 v28, $0x3;
	v23 =	vshll.u32 v23, v1;
	[tilespmem:s28+$0xFFFFFFD0] =	vst v13;
	v13 =	vmul.f32 v22, v15;
	v22 =	vld [tilespmem:s28+$0x40]  }
0xee: {  	v24 =	vshll.u32 v24, v1;
	v25 =	vshll.u32 v25, v1;
	v15 =	vmul.f32 v14, v16;
	[tilespmem:s28+$0xFFFFFFE0] =	vst v17;
	v17 =	vld [tilespmem:s28+$0x50]  }
0xef: {  	v62 =	vld [tilespmem:s28+$0x60];
	v26 =	vshll.u32 v26, v1;
	v27 =	vshll.u32 v27, v1;
	[tilespmem:s28+$0xFFFFFFF0] =	vst v13;
	v13 =	vmul.f32 v18, v16  }
0xf0: {  	v63 =	vadd.s32 v24, v4;
	v25 =	vadd.s32 v25, v5;
	[tilespmem:s28+$0x0] =	vst v15;
	v15 =	vld [tilespmem:s28+$0x70];
	v18 =	vmul.f32 v20, v16  }
0xf1: {  	v14 =	vbroadcast v19, $0x0;
	v19 =	vshll.u32 v61, v1;
	[tilespmem:s28+$0x10] =	vst v13;
	v24 =	vmul.f32 v21, v16;
	v13 =	vld [tilespmem:s28+$0x80]  }
0xf2: {  	v20 =	vadd.s32 v23, v3;
	v21 =	vadd.s32 v26, v7;
	v16 =	vld [tilespmem:s28+$0x90];
	[tilespmem:s28+$0x20] =	vst v18;
	v26 =	vmul.f32 v22, v12  }
0xf3: {  	v23 =	vadd.s32 v27, v8;
	v18 =	vbroadcast v20, $0x0;
	[tilespmem:s28+$0x30] =	vst v24;
	v24 =	vmul.f32 v17, v12;
	v17 =	vld [tilespmem:s28+$0xA0]  }
0xf4: {  	s29 =	simm.s32 $0x10;
	s0 =	simm.s32 $0xF;
	v20 =	vbroadcast v63, $0x0;
	v22 =	vadd.s32 v19, v9;
	v19 =	vld [tilespmem:s28+$0xB0];
	[tilespmem:s28+$0x40] =	vst v26;
	v26 =	vmul.f32 v62, v12  }
.LBB2_7:
0xf5: {  	p0 =	slt.u32 s29, $0x78;
	v25 =	vbroadcast v25, $0x0;
	v27 =	vmov s0;
	[tilespmem:s28+$0x50] =	vst v24;
	v12 =	vmul.f32 v15, v12;
	v15 =	vld [tilespmem:s28+$0xC0]  }
0xf6: {  	v21 =	vbroadcast v21, $0x0;
	v24 =	vshrl.u32 v27, $0x3;
	[tilespmem:s28+$0x60] =	vst v26;
	v13 =	vmul.f32 v13, v11;
	v26 =	vld [tilespmem:s28+$0xD0]  }
0xf7: {  	v23 =	vbroadcast v23, $0x0;
	v24 =	vshll.u32 v24, v1;
	[tilespmem:s28+$0x70] =	vst v12;
	v12 =	vmul.f32 v16, v11;
	v16 =	vld [tilespmem:s28+$0xE0]  }
0xf8: {  	v22 =	vbroadcast v22, $0x0;
	v14 =	vld.idx.msk [tilespmem:v14+s17+$0x0], $0xffff;
	v24 =	vadd.s32 v24, v6;
	[tilespmem:s28+$0x80] =	vst v13;
	v13 =	vmul.f32 v17, v11  }
0xf9: {  	v17 =	vld.idx.msk [tilespmem:v18+s17+$0x0], $0xffff;
	v18 =	vbroadcast v24, $0x0;
	[tilespmem:s28+$0x90] =	vst v12;
	v11 =	vmul.f32 v19, v11  }
0xfa: {  	v19 =	vld.idx.msk [tilespmem:v20+s17+$0x0], $0xffff;
	[tilespmem:s28+$0xA0] =	vst v13;
	v12 =	vmul.f32 v15, v10  }
0xfb: {  	v15 =	vld.idx.msk [tilespmem:v25+s17+$0x0], $0xffff;
	[tilespmem:s28+$0xB0] =	vst v11;
	v11 =	vmul.f32 v26, v10  }
0xfc: {  	v13 =	vld.idx.msk [tilespmem:v21+s17+$0x0], $0xffff;
	[tilespmem:s28+$0xC0] =	vst v12;
	v10 =	vmul.f32 v16, v10  }
0xfd: {  	v12 =	vld.idx.msk [tilespmem:v23+s17+$0x0], $0xffff;
	[tilespmem:s28+$0xD0] =	vst v11  }
0xfe: {  	v11 =	vld.idx.msk [tilespmem:v22+s17+$0x0], $0xffff;
	[tilespmem:s28+$0xE0] =	vst v10  }
0xff: {  	s28 =	sadd.s32 $0x200, s28;
	v10 =	vld.idx.msk [tilespmem:v18+s17+$0x0], $0xffff  }
0x100: {  	v16 =	vld [tilespmem:s28+$0xF0]  }
0x101: {  	v18 =	vld [tilespmem:s28+$0xFFFFFF00]  }
0x102: {  	v20 =	vld [tilespmem:s28+$0xFFFFFF10]  }
0x103: {  	v21 =	vld [tilespmem:s28+$0xFFFFFF20]  }
0x104: {  	v22 =	vld [tilespmem:s28+$0xFFFFFF30]  }
0x105: {  	v23 =	vld [tilespmem:s28+$0xFFFFFF40];
	v16 =	vmul.f32 v16, v10  }
0x106: {  	v18 =	vmul.f32 v18, v14;
	v24 =	vld [tilespmem:s28+$0xFFFFFF50]  }
0x107: {  	v20 =	vmul.f32 v20, v14;
	v25 =	vld [tilespmem:s28+$0xFFFFFF60];
	[tilespmem:s28+$0xF0] =	vst v16  }
0x108: {  	[tilespmem:s28+$0xFFFFFF00] =	vst v18;
	v16 =	vmul.f32 v21, v14;
	v18 =	vld [tilespmem:s28+$0xFFFFFF70]  }
0x109: {  	[tilespmem:s28+$0xFFFFFF10] =	vst v20;
	v14 =	vmul.f32 v22, v14;
	v20 =	vld [tilespmem:s28+$0xFFFFFF80]  }
0x10a: {  	[tilespmem:s28+$0xFFFFFF20] =	vst v16;
	v16 =	vmul.f32 v23, v17;
	v21 =	vld [tilespmem:s28+$0xFFFFFF90]  }
0x10b: {  	[tilespmem:s28+$0xFFFFFF30] =	vst v14;
	v14 =	vmul.f32 v24, v17;
	v22 =	vld [tilespmem:s28+$0xFFFFFFA0]  }
0x10c: {  	[tilespmem:s28+$0xFFFFFF40] =	vst v16;
	v16 =	vmul.f32 v25, v17;
	v23 =	vld [tilespmem:s28+$0xFFFFFFB0]  }
0x10d: {  	s0 =	sadd.s32 $0x1, s29;
	v24 =	vmov s29;
	[tilespmem:s28+$0xFFFFFF50] =	vst v14;
	v14 =	vmul.f32 v18, v17;
	v17 =	vld [tilespmem:s28+$0xFFFFFFC0]  }
0x10e: {  	s16 =	sadd.s32 $0x3, s29;
	v18 =	vshrl.u32 v24, $0x3;
	v24 =	vmov s0;
	s0 =	sadd.s32 $0x2, s29;
	[tilespmem:s28+$0xFFFFFF60] =	vst v16;
	v16 =	vmul.f32 v20, v19;
	v20 =	vld [tilespmem:s28+$0xFFFFFFD0]  }
0x10f: {  	v26 =	vmov s16;
	s16 =	sadd.s32 $0x5, s29;
	v25 =	vmov s0;
	s0 =	sadd.s32 $0x4, s29;
	[tilespmem:s28+$0xFFFFFF70] =	vst v14;
	v14 =	vmul.f32 v21, v19;
	v21 =	vld [tilespmem:s28+$0xFFFFFFE0]  }
0x110: {  	v28 =	vmov s16;
	v27 =	vmov s0;
	s0 =	sadd.s32 $0x6, s29;
	[tilespmem:s28+$0xFFFFFF80] =	vst v16;
	v16 =	vmul.f32 v22, v19;
	v22 =	vld [tilespmem:s28+$0xFFFFFFF0]  }
0x111: {  	v18 =	vshll.u32 v18, v1;
	v29 =	vmov s0;
	[tilespmem:s28+$0xFFFFFF90] =	vst v14;
	v14 =	vmul.f32 v23, v19;
	v19 =	vld [tilespmem:s28+$0x0]  }
0x112: {  	v23 =	vshrl.u32 v24, $0x3;
	v24 =	vshrl.u32 v25, $0x3;
	[tilespmem:s28+$0xFFFFFFA0] =	vst v16;
	v16 =	vmul.f32 v17, v15;
	v17 =	vld [tilespmem:s28+$0x10]  }
0x113: {  	v25 =	vshrl.u32 v26, $0x3;
	v26 =	vshrl.u32 v27, $0x3;
	[tilespmem:s28+$0xFFFFFFB0] =	vst v14;
	v14 =	vmul.f32 v20, v15;
	v20 =	vld [tilespmem:s28+$0x20]  }
0x114: {  	v27 =	vshrl.u32 v28, $0x3;
	v28 =	vshrl.u32 v29, $0x3;
	[tilespmem:s28+$0xFFFFFFC0] =	vst v16;
	v16 =	vmul.f32 v21, v15;
	v21 =	vld [tilespmem:s28+$0x30]  }
0x115: {  	v18 =	vadd.s32 v2, v18;
	v23 =	vshll.u32 v23, v1;
	[tilespmem:s28+$0xFFFFFFD0] =	vst v14;
	v14 =	vmul.f32 v22, v15;
	v22 =	vld [tilespmem:s28+$0x40]  }
0x116: {  	v24 =	vshll.u32 v24, v1;
	v25 =	vshll.u32 v25, v1;
	[tilespmem:s28+$0xFFFFFFE0] =	vst v16;
	v15 =	vmul.f32 v19, v13;
	v19 =	vld [tilespmem:s28+$0x50]  }
0x117: {  	v16 =	vshll.u32 v26, v1;
	v26 =	vshll.u32 v27, v1;
	[tilespmem:s28+$0xFFFFFFF0] =	vst v14;
	v17 =	vmul.f32 v17, v13;
	v27 =	vld [tilespmem:s28+$0x60]  }
.Ltmp2:
0x118: {  	v28 =	vshll.u32 v28, v1;
	v14 =	vbroadcast v18, $0x0;
	[tilespmem:s28+$0x0] =	vst v15;
	v18 =	vmul.f32 v20, v13;
	v15 =	vld [tilespmem:s28+$0x70];
	(pc) =	sbr.rel @p0 .LBB2_7-.Ltmp2, $4  }
0x119: {  	v29 =	vadd.s32 v24, v4;
	v20 =	vadd.s32 v23, v3;
	[tilespmem:s28+$0x10] =	vst v17;
	v17 =	vmul.f32 v21, v13;
	v13 =	vld [tilespmem:s28+$0x80]  }
0x11a: {  	v25 =	vadd.s32 v25, v5;
	v21 =	vadd.s32 v16, v7;
	[tilespmem:s28+$0x20] =	vst v18;
	v30 =	vmul.f32 v22, v12;
	v16 =	vld [tilespmem:s28+$0x90]  }
0x11b: {  	v23 =	vadd.s32 v26, v8;
	v18 =	vbroadcast v20, $0x0;
	[tilespmem:s28+$0x30] =	vst v17;
	v24 =	vmul.f32 v19, v12;
	v17 =	vld [tilespmem:s28+$0xA0]  }
0x11c: {  	s0 =	sadd.s32 $0x7, s29;
	s29 =	sadd.s32 $0x8, s29;
	v20 =	vbroadcast v29, $0x0;
	v22 =	vadd.s32 v28, v9;
	[tilespmem:s28+$0x40] =	vst v30;
	v26 =	vmul.f32 v27, v12;
	v19 =	vld [tilespmem:s28+$0xB0]  }
0x11d: {  	_ = 	snop  }
0x11e: {  	v4 =	vld [tilespmem:s28+$0xC0]  }
0x11f: {  	v7 =	vld [tilespmem:s28+$0xD0]  }
0x120: {  	v9 =	vld [tilespmem:s28+$0xE0]  }
0x121: {  	v49 =	vld.idx.msk [tilespmem:v14+s17+$0x0], $0xffff  }
0x122: {  	v18 =	vld.idx.msk [tilespmem:v18+s17+$0x0], $0xffff  }
0x123: {  	s29 =	sadd.s32 $0x200, s28;
	v20 =	vld.idx.msk [tilespmem:v20+s17+$0x0], $0xffff  }
0x124: {  	v53 =	vld [tilespmem:s29+$0xF0]  }
0x125: {  	v55 =	vld [tilespmem:s29+$0xFFFFFF00]  }
0x126: {  	[tilespmem:s28+$0x50] =	vst v24;
	v12 =	vmul.f32 v15, v12;
	v56 =	vld [tilespmem:s29+$0xFFFFFF10]  }
0x127: {  	[tilespmem:s28+$0x60] =	vst v26;
	v13 =	vmul.f32 v13, v11;
	v57 =	vld [tilespmem:s29+$0xFFFFFF20]  }
0x128: {  	v59 =	vld [tilespmem:s29+$0xFFFFFF30];
	[tilespmem:s28+$0x70] =	vst v12;
	v51 =	vmul.f32 v16, v11  }
0x129: {  	v60 =	vld [tilespmem:s29+$0xFFFFFF40];
	[tilespmem:s28+$0x80] =	vst v13;
	v52 =	vmul.f32 v17, v11  }
0x12a: {  	v63 =	vld [tilespmem:s29+$0xFFFFFF50];
	[tilespmem:s28+$0x90] =	vst v51;
	v54 =	vmul.f32 v19, v11  }
0x12b: {  	v50 =	vbroadcast v22, $0x0;
	v22 =	vld [tilespmem:s29+$0xFFFFFF70];
	[tilespmem:s28+$0xA0] =	vst v52;
	v4 =	vmul.f32 v4, v10  }
0x12c: {  	v8 =	vbroadcast v23, $0x0;
	v23 =	vld [tilespmem:s29+$0xFFFFFF80];
	v7 =	vmul.f32 v7, v10;
	[tilespmem:s28+$0xB0] =	vst v54  }
0x12d: {  	v2 =	vbroadcast v25, $0x0;
	v25 =	vld [tilespmem:s29+$0xFFFFFF90];
	v58 =	vmul.f32 v9, v10;
	[tilespmem:s28+$0xC0] =	vst v4  }
0x12e: {  	v3 =	vmov s0;
	v27 =	vld [tilespmem:s29+$0xFFFFFFA0];
	v62 =	vmul.f32 v55, v49;
	[tilespmem:s28+$0xD0] =	vst v7  }
0x12f: {  	v3 =	vshrl.u32 v3, $0x3;
	v29 =	vld [tilespmem:s29+$0xFFFFFFB0];
	v13 =	vmul.f32 v56, v49;
	[tilespmem:s28+$0xE0] =	vst v58  }
0x130: {  	v5 =	vbroadcast v21, $0x0;
	v31 =	vld [tilespmem:s29+$0xFFFFFFC0];
	v3 =	vshll.u32 v3, v1;
	v21 =	vmul.f32 v57, v49;
	[tilespmem:s29+$0xFFFFFF00] =	vst v62  }
0x131: {  	v33 =	vld [tilespmem:s29+$0xFFFFFFD0];
	v3 =	vadd.s32 v3, v6;
	v6 =	vmul.f32 v59, v49;
	[tilespmem:s29+$0xFFFFFF10] =	vst v13  }
0x132: {  	v35 =	vld [tilespmem:s29+$0xFFFFFFE0];
	v24 =	vmul.f32 v60, v18;
	[tilespmem:s29+$0xFFFFFF20] =	vst v21  }
0x133: {  	v37 =	vld [tilespmem:s29+$0xFFFFFFF0];
	v26 =	vmul.f32 v63, v18;
	[tilespmem:s29+$0xFFFFFF30] =	vst v6  }
0x134: {  	v19 =	vld [tilespmem:s29+$0xFFFFFF60];
	v30 =	vmul.f32 v22, v18;
	[tilespmem:s29+$0xFFFFFF40] =	vst v24  }
0x135: {  	v2 =	vld.idx.msk [tilespmem:v2+s17+$0x0], $0xffff;
	v32 =	vmul.f32 v23, v20;
	[tilespmem:s29+$0xFFFFFF50] =	vst v26  }
0x136: {  	v39 =	vld [tilespmem:s29+$0x0];
	v34 =	vmul.f32 v25, v20;
	[tilespmem:s29+$0xFFFFFF70] =	vst v30  }
0x137: {  	v41 =	vld [tilespmem:s29+$0x10];
	v36 =	vmul.f32 v27, v20;
	[tilespmem:s29+$0xFFFFFF80] =	vst v32  }
0x138: {  	v43 =	vld [tilespmem:s29+$0x20];
	v38 =	vmul.f32 v29, v20;
	[tilespmem:s29+$0xFFFFFF90] =	vst v34  }
0x139: {  	v5 =	vld.idx.msk [tilespmem:v5+s17+$0x0], $0xffff;
	[tilespmem:s29+$0xFFFFFFA0] =	vst v36;
	v28 =	vmul.f32 v19, v18  }
0x13a: {  	v45 =	vld [tilespmem:s29+$0x30];
	v3 =	vbroadcast v3, $0x0;
	[tilespmem:s29+$0xFFFFFFB0] =	vst v38;
	v40 =	vmul.f32 v31, v2  }
0x13b: {  	v8 =	vld.idx.msk [tilespmem:v8+s17+$0x0], $0xffff;
	[tilespmem:s29+$0xFFFFFF60] =	vst v28;
	v42 =	vmul.f32 v33, v2  }
0x13c: {  	v49 =	vld [tilespmem:s29+$0x60];
	v44 =	vmul.f32 v35, v2;
	[tilespmem:s29+$0xFFFFFFC0] =	vst v40  }
0x13d: {  	v52 =	vld [tilespmem:s29+$0x80];
	v2 =	vmul.f32 v37, v2;
	[tilespmem:s29+$0xFFFFFFD0] =	vst v42  }
0x13e: {  	v14 =	vld.idx.msk [tilespmem:v50+s17+$0x0], $0xffff;
	v47 =	vmul.f32 v39, v5;
	[tilespmem:s29+$0xFFFFFFE0] =	vst v44  }
0x13f: {  	v48 =	vld [tilespmem:s29+$0x50];
	v50 =	vmul.f32 v43, v5;
	[tilespmem:s29+$0xFFFFFFF0] =	vst v2  }
0x140: {  	v3 =	vld.idx.msk [tilespmem:v3+s17+$0x0], $0xffff;
	v2 =	vmul.f32 v41, v5;
	[tilespmem:s29+$0x0] =	vst v47  }
0x141: {  	v51 =	vld [tilespmem:s29+$0x70];
	v56 =	vmul.f32 v49, v8;
	[tilespmem:s29+$0x20] =	vst v50  }
0x142: {  	v55 =	vld [tilespmem:s29+$0xA0];
	[tilespmem:s29+$0x10] =	vst v2;
	v2 =	vmul.f32 v45, v5  }
0x143: {  	v54 =	vld [tilespmem:s29+$0x90];
	v59 =	vmul.f32 v52, v14;
	[tilespmem:s29+$0x60] =	vst v56  }
0x144: {  	v46 =	vld [tilespmem:s29+$0x40];
	[tilespmem:s29+$0x30] =	vst v2;
	v2 =	vmul.f32 v48, v8  }
0x145: {  	v57 =	vld [tilespmem:s29+$0xB0];
	[tilespmem:s29+$0x80] =	vst v59;
	v61 =	vmul.f32 v53, v3  }
0x146: {  	v58 =	vld [tilespmem:s29+$0xC0];
	[tilespmem:s29+$0x50] =	vst v2;
	v2 =	vmul.f32 v51, v8  }
0x147: {  	v60 =	vld [tilespmem:s29+$0xD0];
	v62 =	vmul.f32 v55, v14;
	[tilespmem:s29+$0xF0] =	vst v61  }
0x148: {  	v61 =	vld [tilespmem:s29+$0xE0];
	[tilespmem:s29+$0x70] =	vst v2;
	v2 =	vmul.f32 v54, v14  }
0x149: {  	[tilespmem:s29+$0xA0] =	vst v62;
	v53 =	vmul.f32 v46, v8  }
0x14a: {  	[tilespmem:s29+$0x90] =	vst v2;
	v2 =	vmul.f32 v57, v14  }
0x14b: {  	v63 =	vmul.f32 v58, v3;
	[tilespmem:s29+$0x40] =	vst v53  }
0x14c: {  	[tilespmem:s29+$0xB0] =	vst v2;
	v2 =	vmul.f32 v60, v3  }
0x14d: {  	s25 =	sadd.s32 $0x1, s25;
	[tilespmem:s29+$0xC0] =	vst v63;
	v3 =	vmul.f32 v61, v3  }
0x14e: {  	p0 =	sne.s32 s25, $0x50;
	[tilespmem:s29+$0xD0] =	vst v2  }
.Ltmp3:
0x14f: {  	s31 =	sadd.s32 $0x5000, s26;
	[tilespmem:s29+$0xE0] =	vst v3;
	(pc) =	sbr.rel @p0 .LBB2_4-.Ltmp3, $4  }
0x150: {  	[spmem:s2] =	stream.indirect.scatter.add.f32 [tilespmem:s20], [sflag:$0x3], $0x40, s31, s19, $0xb8;
	[tilespmem:$0x1D000] =	vst v63  }
0x151: {  	_ =	swait.ge [sflag:s15], $0x2000  }
0x152: {  	[sflag:s15] =	ssyncset.done $0x0  }
0x153: {  	[sflag:s15] =	ssyncadd.s32 $0xFFFFE000  }
0x154: {  	_ =	swait.ge [sflag:s21], $0x2000  }
0x155: {  	s0 =	sshll.u32 s1, $0x6;
	s23 =	sadd.s32 $0x1, s23;
	[sflag:s21] =	ssyncset.done $0x0  }
0x156: {  	s16 =	sshrl.u32 s7, $0x3;
	p0 =	sne.s32 s23, s14;
	[sflag:s21] =	ssyncadd.s32 $0xFFFFE000  }
.Ltmp4:
0x157: {  	s0 =	sor.u32 $0x1C03, s0;
	[bflag:$0x0] =	sbarrier.arrive $0xFFFF;
	(pc) =	sbr.rel @p0 .LBB2_1-.Ltmp4, $4  }
0x158: {  	[hbm:s13], [sflag:s0] =	dma.local [spmem:s16], $0x1400  }
0x159: {  	_ =	swait.ge [sflag:s15], $0x1400  }
0x15a: {  	[sflag:s15] =	ssyncset.done $0x0  }
0x15b: {  	[sflag:s15] =	ssyncadd.s32 $0xFFFFEC00  }
0x15c: {  	_ =	sfence.sel $0x180000  }
0x15d: {  	[bflag:$0x0] =	sbarrier.arrive $0xFFFF  }
0x15e: {  	_ =	strace $0x9000004D  }
0x15f: {  	[bflag:$0x2] =	sbarrier.arrive $0xFFFF  }
0x160: {  	p0 =	sne.s32 s1, $0x0;
	s0 =	rddreg [dreg:$0x2]  }
0x161: {  	s0 =	sadd.s32 @!p0 $0x100000, s0  }
0x162: {  	[sflag:s0] =	ssyncadd.tile.s32 @!p0 $0x1;
	_ =	shalt  }
.Lfunc_end2:
_tile_overlayer_lowered:
.L_overlay_start_2:
0x163: {  	(tag) =	ssettag $0x2  }
0x164: {  	s0 =	rddreg [dreg:$0x0];
	s2 =	stileid.u32  }
0x165: {  	s1 =	rddreg [dreg:$0x1];
	p0 =	sne.s32 s2, $0x0  }
0x166: {  	s3 =	rddreg [dreg:$0x2];
	[bflag:$0x3] =	sbarrier.arrive $0xFFFF;
	s2 =	simm.s32 @!p0 $0x1C03  }
0x167: {  	[timem:s3], [sflag:s2] =	dma.local @!p0 [hbm:s0], s1  }
0x168: {  	s0 =	simm.s32 @!p0 $0x3  }
0x169: {  	_ =	swait.ge @!p0 [sflag:s0], s1  }
0x16a: {  	s1 =	ssub.s32 @!p0 $0x0, s1;
	[sflag:s0] =	ssyncset.done @!p0 $0x0  }
0x16b: {  	[sflag:s0] =	ssyncadd.s32 @!p0 s1  }
0x16c: {  	[bflag:$0x3] =	sbarrier.arrive $0xFFFF  }
0x16d: {  	_ =	shalt  }

// kernel: sc_deg.3.cloned.1.call-start
scs
__scs_entry_jumppad:
0x0: {  	(pc) =	sbr.rel $0x88, $3  }
0x1: {  	(tag) =	ssettag $0x0;
	lr =	simm.s32 $0x1  }
0x2: {  	[smem:$0x3F94] =	sst lr;
	_ =	strace $0xD0000000  }
0x3: {  	_ = 	snop  }
0x4: {  	_ = 	snop  }
0x5: {  	_ = 	snop  }
0x6: {  	_ = 	snop  }
0x7: {  	_ = 	snop  }
__scs_overlays_trampoline_lowered:
0x8: {  	[smem:$0x3FA3] =	sst s0  }
0x9: {  	[smem:$0x3FA4] =	sst s1  }
0xa: {  	[smem:$0x3FA5] =	sst s2  }
0xb: {  	[smem:$0x3FA6] =	sst s3  }
0xc: {  	[smem:$0x3FA7] =	sst s4  }
0xd: {  	[smem:$0x3FA8] =	sst s5  }
0xe: {  	[smem:$0x3FA9] =	sst s6  }
0xf: {  	[smem:$0x3FAA] =	sst s7  }
0x10: {  	[smem:$0x3FAB] =	sst s8  }
0x11: {  	[smem:$0x3FAC] =	sst s9;
	s0 =	simm.s32 @!p0 $0x0  }
0x12: {  	s1 =	sld [smem:$0x3F92];
	s0 =	simm.s32 @p0 $0x1  }
0x13: {  	[smem:$0x3FAD] =	sst s0;
	s0 =	simm.s32 @!p1 $0x0  }
0x14: {  	s2 =	sld [smem:$0x3F91];
	s0 =	simm.s32 @p1 $0x1  }
0x15: {  	[smem:$0x3FAE] =	sst s0;
	s0 =	simm.s32 @!p2 $0x0  }
0x16: {  	s3 =	sld [smem:$0x3FDB];
	s0 =	simm.s32 @p2 $0x1  }
0x17: {  	s4 =	simm.s32 $0x1BF5;
	[smem:$0x3FB0] =	sst s0  }
0x18: {  	s0 =	sld [smem:$0x3F93];
	_ =	swait.ge [sflag:s4], $0x0  }
0x19: {  	s7 =	sld [smem:$0x3F94]  }
0x1a: {  	s8 =	sadd.s32 $0xFFFFE003, lr  }
0x1b: {  	s9 =	sadd.s32 $0xFFFFFEF7, lr;
	s5 =	simm.s32 $0xFFFFFFFF;
	p2 =	slt.u32 s8, $0xFFFFF086  }
0x1c: {  	p1 =	slt.u32 s9, $0xF7A;
	s5 =	simm.s32 @!p2 $0x0  }
0x1d: {  	s5 =	simm.s32 @p1 $0x1;
	p0 =	seq.s32 s7, s2  }
0x1e: {  	s7 =	smul.u32 @!p0 $0xF7A, s2;
	p2 =	seq.s32 @!p0 s5, $0x0  }
0x1f: {  	s9 =	smul.u32 $0xF7A, s1;
	s8 =	simm.s32 @!p0 $0x1BF5;
	p2 =	por !p2, p0  }
0x20: {  	[sflag:s8] =	ssyncset.s32 @!p0 $0xFFFFF086;
	s6 =	sadd.s32 @!p0 s3, s7;
	s7 =	simm.s32 @!p0 $0x108  }
0x21: {  	s3 =	sadd.s32 s3, s9;
	s6 =	sadd.s32 @!p0 $0x88, s6;
	s7 =	simm.s32 @p2 $0x1082  }
0x22: {  	[simem:s7], [sflag:s8] =	dma.local @!p0 [hbm:s6], $0xF7A  }
0x23: {  	s9 =	sor.u32 $0xD0000000, s2;
	s6 =	simm.s32 $0x108;
	_ =	swait.ge @!p0 [sflag:s8], $0x0  }
0x24: {  	s3 =	sadd.s32 $0x88, s3;
	s6 =	simm.s32 @!p1 $0x1082;
	[sflag:s4] =	ssyncset.s32 $0xFFFFF086  }
0x25: {  	[simem:s6], [sflag:s4] =	dma.local [hbm:s3], $0xF7A  }
0x26: {  	[smem:$0x3F94] =	sst s1;
	(tag) =	ssettag s2;
	_ =	strace s9  }
0x27: {  	s1 =	sld [smem:$0x3FA4]  }
0x28: {  	s2 =	sld [smem:$0x3FA5]  }
0x29: {  	s4 =	sld [smem:$0x3FA7]  }
0x2a: {  	p0 =	seq.s32 s5, $0x0;
	s5 =	sld [smem:$0x3FA8]  }
0x2b: {  	s6 =	sld [smem:$0x3FA9]  }
0x2c: {  	s7 =	sld [smem:$0x3FAA]  }
0x2d: {  	s3 =	simm.s32 $0x108;
	s8 =	sld [smem:$0x3FAB]  }
0x2e: {  	s3 =	simm.s32 @!p0 $0x1082;
	s9 =	sld [smem:$0x3FAC]  }
0x2f: {  	lr =	sadd.s32 s0, s3;
	s0 =	sld [smem:$0x3FA3]  }
0x30: {  	s3 =	sld [smem:$0x3FA6]  }
0x31: {  	[smem:$0x3FAF] =	sst s10  }
0x32: {  	s10 =	sld [smem:$0x3FAD];
	_ =	sdelay $0x3  }
0x33: {  	p0 =	seq.s32 s10, $0x1;
	s10 =	sld [smem:$0x3FAF];
	_ =	sdelay $0x3  }
0x34: {  	[smem:$0x3FAF] =	sst s10  }
0x35: {  	s10 =	sld [smem:$0x3FAE];
	_ =	sdelay $0x3  }
0x36: {  	p1 =	seq.s32 s10, $0x1;
	s10 =	sld [smem:$0x3FAF];
	_ =	sdelay $0x3  }
0x37: {  	[smem:$0x3FAF] =	sst s10  }
0x38: {  	s10 =	sld [smem:$0x3FB0]  }
0x39: {  	_ = 	snop;
	(pc) =	sbr.ind lr, $3  }
0x3a: {  	_ = 	snop  }
0x3b: {  	_ = 	snop  }
0x3c: {  	p2 =	seq.s32 s10, $0x1;
	s10 =	sld [smem:$0x3FAF]  }
0x3d: {  	_ =	shalt  }
0x3e: {  	_ =	shalt  }
0x3f: {  	_ =	shalt  }
0x40: {  	_ =	shalt  }
0x41: {  	_ =	shalt  }
0x42: {  	_ =	shalt  }
0x43: {  	_ =	shalt  }
0x44: {  	_ =	shalt  }
0x45: {  	_ =	shalt  }
0x46: {  	_ =	shalt  }
0x47: {  	_ =	shalt  }
0x48: {  	_ =	shalt  }
0x49: {  	_ =	shalt  }
0x4a: {  	_ =	shalt  }
0x4b: {  	_ =	shalt  }
0x4c: {  	_ =	shalt  }
0x4d: {  	_ =	shalt  }
0x4e: {  	_ =	shalt  }
0x4f: {  	_ =	shalt  }
0x50: {  	_ =	shalt  }
0x51: {  	_ =	shalt  }
0x52: {  	_ =	shalt  }
0x53: {  	_ =	shalt  }
0x54: {  	_ =	shalt  }
0x55: {  	_ =	shalt  }
0x56: {  	_ =	shalt  }
0x57: {  	_ =	shalt  }
0x58: {  	_ =	shalt  }
0x59: {  	_ =	shalt  }
0x5a: {  	_ =	shalt  }
0x5b: {  	_ =	shalt  }
0x5c: {  	_ =	shalt  }
0x5d: {  	_ =	shalt  }
0x5e: {  	_ =	shalt  }
0x5f: {  	_ =	shalt  }
0x60: {  	_ =	shalt  }
0x61: {  	_ =	shalt  }
0x62: {  	_ =	shalt  }
0x63: {  	_ =	shalt  }
0x64: {  	_ =	shalt  }
0x65: {  	_ =	shalt  }
0x66: {  	_ =	shalt  }
0x67: {  	_ =	shalt  }
0x68: {  	_ =	shalt  }
0x69: {  	_ =	shalt  }
0x6a: {  	_ =	shalt  }
0x6b: {  	_ =	shalt  }
0x6c: {  	_ =	shalt  }
0x6d: {  	_ =	shalt  }
0x6e: {  	_ =	shalt  }
0x6f: {  	_ =	shalt  }
0x70: {  	_ =	shalt  }
0x71: {  	_ =	shalt  }
0x72: {  	_ =	shalt  }
0x73: {  	_ =	shalt  }
0x74: {  	_ =	shalt  }
0x75: {  	_ =	shalt  }
0x76: {  	_ =	shalt  }
0x77: {  	_ =	shalt  }
0x78: {  	_ =	shalt  }
0x79: {  	_ =	shalt  }
0x7a: {  	_ =	shalt  }
0x7b: {  	_ =	shalt  }
0x7c: {  	_ =	shalt  }
0x7d: {  	_ =	shalt  }
0x7e: {  	_ =	shalt  }
0x7f: {  	_ =	shalt  }
0x80: {  	_ =	shalt  }
0x81: {  	_ =	shalt  }
0x82: {  	_ =	shalt  }
0x83: {  	_ =	shalt  }
0x84: {  	_ =	shalt  }
0x85: {  	_ =	shalt  }
0x86: {  	_ =	shalt  }
0x87: {  	_ =	shalt  }
.Lfunc_end0:
.L_simem_size_0:
called_computation_lowered:
.L_overlay_start_0:
0x88: {  	s2 =	sld [smem:$0x3FD9]  }
0x89: {  	s3 =	sld [smem:$0x3FFE];
	_ =	sdelay $0x1  }
0x8a: {  	s1 =	srdreg.scid  }
0x8b: {  	s0 =	sand.u32 $0x1, s1  }
0x8c: {  	s16 =	sshll.u32 s0, $0xA;
	s2 =	sadd.s32 s3, s2  }
0x8d: {  	s2 =	sadd.s32 s2, s16  }
0x8e: {  	[smem:$0x3FBB] =	sst s2  }
0x8f: {  	_ = 	snop  }
0x90: {  	(tm) =	ssettm $0x1  }
0x91: {  	s17 =	sld [smem:$0x3FFB];
	_ =	sdelay $0x3  }
0x92: {  	_ =	strace s17  }
0x93: {  	s2 =	sld [smem:$0x3FFC];
	_ =	sdelay $0x3  }
0x94: {  	_ =	strace s2  }
0x95: {  	s2 =	sld [smem:$0x3FFD];
	_ =	sdelay $0x3  }
0x96: {  	_ =	strace s2  }
0x97: {  	_ =	strace $0x8FFFFFFF  }
0x98: {  	s18 =	sld [smem:$0x3FDB];
	_ =	sdelay $0x1  }
0x99: {  	s19 =	simm.s32 $_scs_section_size  }
0x9a: {  	s4 =	simm.s32 $_size__tile_overlayer_lowered;
	s5 =	simm.s32 $_tile_overlayer_lowered  }
0x9b: {  	s22 =	simm.s32 $0x1BFF;
	s21 =	sshll.u32 s5, $0x1;
	s2 =	sadd.s32 s19, s18  }
0x9c: {  	s6 =	simm.s32 $0x0;
	s20 =	sshll.u32 s4, $0x1;
	s4 =	sadd.s32 s21, s2  }
0x9d: {  	[timem:s6], [sflag:s22] =	dma.local [hbm:s4], s20  }
0x9e: {  	_ =	swait.ge [sflag:s22], s20  }
0x9f: {  	s3 =	ssub.s32 $0x0, s20;
	[sflag:s22] =	ssyncset.done $0x0  }
0xa0: {  	[sflag:s22] =	ssyncadd.s32 s3;
	_ =	sdelay $0x1  }
0xa1: {  	s23 =	simm.s32 $0x1B8B  }
0xa2: {  	_ =	swait.ge [sflag:s23], $0x1  }
0xa3: {  	[sflag:s23] =	ssyncset.done $0x0  }
0xa4: {  	s25 =	simm.s32 $0x1B8E;
	s24 =	sld [smem:$0x3FFE];
	[sflag:s23] =	ssyncadd.s32 $0xFFFFFFFF  }
0xa5: {  	s26 =	simm.s32 $execute0_lowered;
	[smem:$0x3FD2] =	sst s25  }
0xa6: {  	s4 =	sshll.u32 s26, $0x1;
	_ =	strace $0x80000046;
	[dreg:$0x1] =	wrdreg $0xFFFFFFFF  }
0xa7: {  	s28 =	simm.s32 $_size_execute0_lowered;
	s2 =	sadd.s32 s2, s4;
	[dreg:$0x0] =	wrdreg $0x0  }
0xa8: {  	s4 =	sshll.u32 s28, $0x1;
	[dreg:$0x2] =	wrdreg s2  }
0xa9: {  	[dreg:$0x3] =	wrdreg s4  }
0xaa: {  	[dreg:$0x4] =	wrdreg $0xC0  }
0xab: {  	_ =	task [dreg:s6], $0x5FFFF  }
0xac: {  	[dreg:$0x1] =	wrdreg $0xFFFFFFFF  }
0xad: {  	[dreg:$0x0] =	wrdreg $0x60  }
0xae: {  	[dreg:$0x2] =	wrdreg s24  }
0xaf: {  	[dreg:$0x3] =	wrdreg $0xA2800  }
0xb0: {  	[dreg:$0x4] =	wrdreg $0x9  }
0xb1: {  	_ =	task.clear_ibuf [dreg:s6], $0x5FFFF;
	_ =	strace $0x90000046  }
0xb2: {  	s29 =	simm.s32 $0x9;
	_ =	strace $0x80000048  }
0xb3: {  	_ =	swait.ge [sflag:s29], $0x1  }
0xb4: {  	[sflag:s29] =	ssyncadd.s32 $0xFFFFFFFF  }
0xb5: {  	_ =	strace $0x90000048  }
0xb6: {  	_ =	sfence  }
0xb7: {  	s30 =	sld [smem:$0x0];
	_ =	sdelay $0x2  }
0xb8: {  	s31 =	sshll.u32 s1, $0xD;
	s1 =	sshrl.u32 s1, $0x2  }
0xb9: {  	s3 =	sand.u32 $0x4000, s31;
	s1 =	sadd.s32 s1, s30  }
0xba: {  	s0 =	sor.u32 s3, s0;
	s1 =	sshll.u32 s1, $0x11  }
0xbb: {  	s0 =	sor.u32 s1, s0  }
0xbc: {  	s0 =	sadd.s32 $0x8F2B, s0  }
0xbd: {  	[sflag:s0] =	ssyncadd.remote.s32 $0x1  }
0xbe: {  	_ =	sfence.sel $0xFFFF  }
0xbf: {  	[dreg:$0x0] =	wrdreg $0xFFFFFFFF;
	(pc) =	sbr.abs _section_cstart, $3  }
0xc0: {  	[dreg:$0x1] =	wrdreg $0xFFFFFFFF  }
0xc1: {  	_ =	task.clear_ibuf [dreg:s6], $0x2FFFF;
	_ =	strace $0x9FFFFFFF  }
0xc2: {  	(tm) =	ssettm $0x7FFFFFFF  }
0xc3: {  	_ =	shalt  }
tec
execute0_lowered:
.L_overlay_start_1:
0x0: {  	(tag) =	ssettag $0x1  }
0x1: {  	s3 =	rddreg [dreg:$0x0]  }
0x2: {  	s6 =	rddreg [dreg:$0x1];
	s2 =	srdreg.scid  }
0x3: {  	s1 =	stileid.u32;
	s0 =	rddreg [dreg:$0x2];
	s11 =	simm.s32 $0x5000  }
0x4: {  	s12 =	simm.s32 $0x280;
	s13 =	simm.s32 $0x7800;
	s14 =	simm.s32 $0xA000  }
0x5: {  	s15 =	simm.s32 $0x0;
	s4 =	sand.u32 $0x1, s2;
	s7 =	smul.u32 $0x280, s1  }
0x6: {  	s2 =	simm.s32 $0x0;
	s9 =	smul.u32 $0xA000, s1;
	s5 =	sshll.u32 s4, $0x4  }
0x7: {  	s8 =	smul.u32 $0x2800, s4;
	[smem:$0x7FF] =	sst s2;
	s5 =	sor.u32 s1, s5  }
0x8: {  	s4 =	ssub.s32 $0x2, s4;
	_ =	strace $0x80000047;
	s5 =	smul.u32 $0x500, s5  }
0x9: {  	s31 =	sshrl.u32 s4, $0x1;
	s9 =	sshrl.u32 s9, $0x2;
	s8 =	sadd.s32 s7, s8  }
0xa: {  	s10 =	ssub.s32 s4, s31;
	s8 =	sshrl.u32 s8, $0x3;
	s5 =	sadd.s32 s5, s3  }
0xb: {  	s8 =	sadd.s32 s8, s3;
	s3 =	sadd.s32 $0x2C00, s5;
	s4 =	sadd.s32 $0xCC00, s5  }
0xc: {  	s5 =	sadd.s32 s9, s6;
	s6 =	sadd.s32 s7, s6;
	s7 =	sadd.s32 $0x16C00, s8  }
0xd: {  	v0 =	vimm.f32 $0.0e+00;
	s8 =	smax.u32 s10, $0x1;
	s9 =	simm.s32 $0x1;
	s10 =	simm.s32 $0x2800  }
.LBB2_1:
0xe: {  	[tilespmem:s2], [sflag:$0x1] =	stream.linear.gather [hbm4b:s3+s2], $0x2800, $0x38;
	[tilespmem:$0xCA80] =	vst v63  }
0xf: {  	_ =	swait.ge [sflag:s9], $0x2800  }
0x10: {  	[sflag:s9] =	ssyncset.done $0x0  }
0x11: {  	[sflag:s9] =	ssyncadd.s32 $0xFFFFD800  }
0x12: {  	[tilespmem:s10], [sflag:$0x1] =	stream.linear.gather [hbm4b:s4+s2], $0x2800, $0x38;
	[tilespmem:$0xCA80] =	vst v63  }
0x13: {  	_ =	swait.ge [sflag:s9], $0x2800  }
0x14: {  	[sflag:s9] =	ssyncset.done $0x0  }
0x15: {  	s16 =	simm.s32 $0x0;
	[sflag:s9] =	ssyncadd.s32 $0xFFFFD800  }
.LBB2_2:
0x16: {  	p0 =	sne.s32 s16, $0x9FC0  }
.Ltmp0:
0x17: {  	_ = 	snop;
	(pc) =	sbr.rel @p0 .LBB2_2-.Ltmp0, $3  }
0x18: {  	_ =	sdelay $0x1  }
0x19: {  	s17 =	sshra.s32 s16, $0x2  }
0x1a: {  	s16 =	sadd.s32 $0x40, s16;
	[tilespmem:s17+$0x5000] =	vst v0  }
0x1b: {  	s16 =	simm.s32 $0x0  }
.LBB2_4:
0x1c: {  	s17 =	sshra.s32 s16, $0x2  }
0x1d: {  	v1 =	vld [tilespmem:s17+$0x0];
	_ =	sdelay $0x2  }
0x1e: {  	v2 =	vld [tilespmem:s17+$0x2800];
	_ =	sdelay $0x4  }
0x1f: {  	[tilespmem:v1+s11+$0x0] =	vst.idx.add.f32.msk $0xffff, v2  }
0x20: {  	v1 =	vld [tilespmem:s17+$0x10];
	_ =	sdelay $0x2  }
0x21: {  	v2 =	vld [tilespmem:s17+$0x2810];
	_ =	sdelay $0x4  }
0x22: {  	[tilespmem:v1+s11+$0x0] =	vst.idx.add.f32.msk $0xffff, v2  }
0x23: {  	v1 =	vld [tilespmem:s17+$0x20];
	_ =	sdelay $0x2  }
0x24: {  	v2 =	vld [tilespmem:s17+$0x2820];
	_ =	sdelay $0x4  }
0x25: {  	[tilespmem:v1+s11+$0x0] =	vst.idx.add.f32.msk $0xffff, v2  }
0x26: {  	v1 =	vld [tilespmem:s17+$0x30];
	_ =	sdelay $0x2  }
0x27: {  	v2 =	vld [tilespmem:s17+$0x2830];
	_ =	sdelay $0x4  }
0x28: {  	[tilespmem:v1+s11+$0x0] =	vst.idx.add.f32.msk $0xffff, v2  }
0x29: {  	v1 =	vld [tilespmem:s17+$0x40];
	_ =	sdelay $0x2  }
0x2a: {  	v2 =	vld [tilespmem:s17+$0x2840];
	_ =	sdelay $0x4  }
0x2b: {  	[tilespmem:v1+s11+$0x0] =	vst.idx.add.f32.msk $0xffff, v2  }
0x2c: {  	v1 =	vld [tilespmem:s17+$0x50];
	_ =	sdelay $0x2  }
0x2d: {  	v2 =	vld [tilespmem:s17+$0x2850];
	_ =	sdelay $0x4  }
0x2e: {  	[tilespmem:v1+s11+$0x0] =	vst.idx.add.f32.msk $0xffff, v2  }
0x2f: {  	v1 =	vld [tilespmem:s17+$0x60];
	_ =	sdelay $0x2  }
0x30: {  	v2 =	vld [tilespmem:s17+$0x2860];
	_ =	sdelay $0x4  }
0x31: {  	[tilespmem:v1+s11+$0x0] =	vst.idx.add.f32.msk $0xffff, v2  }
0x32: {  	v1 =	vld [tilespmem:s17+$0x70];
	_ =	sdelay $0x2  }
0x33: {  	p0 =	sne.s32 s16, $0x9E00;
	v2 =	vld [tilespmem:s17+$0x2870]  }
.Ltmp1:
0x34: {  	_ = 	snop;
	(pc) =	sbr.rel @p0 .LBB2_4-.Ltmp1, $2  }
0x35: {  	_ =	sdelay $0x2  }
0x36: {  	s16 =	sadd.s32 $0x200, s16;
	[tilespmem:v1+s11+$0x0] =	vst.idx.add.f32.msk $0xffff, v2  }
0x37: {  	[spmem:s5] =	stream.linear.scatter [tilespmem:s11], [sflag:$0x1], $0x2800, $0x38;
	[tilespmem:$0xCA80] =	vst v63  }
0x38: {  	_ =	swait.ge [sflag:s9], $0x2800  }
0x39: {  	[sflag:s9] =	ssyncset.done $0x0  }
0x3a: {  	[sflag:s9] =	ssyncadd.s32 $0xFFFFD800  }
0x3b: {  	[bflag:$0x0] =	sbarrier.arrive $0xFFFF  }
0x3c: {  	[tilespmem:s13], [sflag:$0x1] =	stream.strided.gather [spmem:s6], $0x2800, s10, s12, $0x38;
	[tilespmem:$0xCA80] =	vst v63  }
0x3d: {  	_ =	swait.ge [sflag:s9], $0x2800  }
0x3e: {  	[sflag:s9] =	ssyncset.done $0x0  }
0x3f: {  	s17 =	simm.s32 $0x0;
	[sflag:s9] =	ssyncadd.s32 $0xFFFFD800  }
0x40: {  	v1 =	vld [tilespmem:s17+$0x7800]  }
0x41: {  	v2 =	vld [tilespmem:s17+$0x7A80];
	_ =	sdelay $0x1  }
0x42: {  	v3 =	vld [tilespmem:s17+$0x7D00];
	_ =	sdelay $0x1  }
0x43: {  	v4 =	vld [tilespmem:s17+$0x7F80]  }
0x44: {  	v1 =	vadd.f32 v2, v1  }
0x45: {  	v2 =	vld [tilespmem:s17+$0x8200]  }
0x46: {  	v1 =	vadd.f32 v3, v1  }
0x47: {  	v3 =	vld [tilespmem:s17+$0x8480]  }
0x48: {  	v1 =	vadd.f32 v4, v1  }
0x49: {  	v4 =	vld [tilespmem:s17+$0x8700]  }
0x4a: {  	v1 =	vadd.f32 v2, v1  }
0x4b: {  	v2 =	vld [tilespmem:s17+$0x8980]  }
0x4c: {  	s16 =	simm.s32 $0x10;
	v5 =	vld [tilespmem:s17+$0x8C00];
	v1 =	vadd.f32 v3, v1  }
0x4d: {  	v6 =	vld [tilespmem:s16+$0x7800]  }
0x4e: {  	v3 =	vld [tilespmem:s17+$0x8E80];
	v1 =	vadd.f32 v4, v1  }
0x4f: {  	v4 =	vld [tilespmem:s16+$0x7A80]  }
0x50: {  	v7 =	vld [tilespmem:s16+$0x7D00];
	v1 =	vadd.f32 v2, v1  }
0x51: {  	v2 =	vld [tilespmem:s17+$0x9100]  }
0x52: {  	v8 =	vld [tilespmem:s16+$0x7F80];
	v1 =	vadd.f32 v5, v1  }
0x53: {  	v5 =	vld [tilespmem:s17+$0x9380]  }
0x54: {  	v4 =	vadd.f32 v4, v6;
	v6 =	vld [tilespmem:s16+$0x8200];
	v1 =	vadd.f32 v3, v1  }
0x55: {  	v3 =	vld [tilespmem:s17+$0x9600]  }
0x56: {  	v4 =	vadd.f32 v7, v4;
	v7 =	vld [tilespmem:s16+$0x8480];
	v1 =	vadd.f32 v2, v1  }
0x57: {  	v2 =	vld [tilespmem:s17+$0x9880]  }
0x58: {  	v9 =	vld [tilespmem:s16+$0x8700];
	v4 =	vadd.f32 v8, v4;
	v1 =	vadd.f32 v5, v1  }
0x59: {  	v8 =	vld [tilespmem:s17+$0x9B00]  }
0x5a: {  	v5 =	vadd.f32 v6, v4;
	v4 =	vld [tilespmem:s16+$0x8980];
	v6 =	vadd.f32 v3, v1  }
0x5b: {  	v3 =	vld [tilespmem:s17+$0x9D80]  }
0x5c: {  	v1 =	vld [tilespmem:s16+$0x8E80];
	v7 =	vadd.f32 v7, v5;
	v10 =	vadd.f32 v2, v6  }
0x5d: {  	s18 =	simm.s32 $0x20;
	v5 =	vld [tilespmem:s16+$0x8C00]  }
0x5e: {  	s19 =	simm.s32 $0xC0;
	v2 =	vld [tilespmem:s18+$0x7800];
	v6 =	vadd.f32 v9, v7;
	v7 =	vadd.f32 v8, v10  }
.LBB2_6:
0x5f: {  	p0 =	sne.s32 s19, $0x9C0;
	v8 =	vld [tilespmem:s18+$0x7A80]  }
0x60: {  	v4 =	vadd.f32 v4, v6;
	v6 =	vld [tilespmem:s16+$0x9100];
	v3 =	vadd.f32 v3, v7  }
0x61: {  	v7 =	vld [tilespmem:s18+$0x7D00]  }
0x62: {  	v4 =	vadd.f32 v5, v4;
	v5 =	vld [tilespmem:s16+$0x9380];
	[tilespmem:s17+$0xA000] =	vst v3;
	s17 =	smov.u32 s16;
	s16 =	smov.u32 s18  }
0x63: {  	v3 =	vld [tilespmem:s16+$0x7F80]  }
0x64: {  	v2 =	vadd.f32 v8, v2;
	v1 =	vadd.f32 v1, v4;
	v4 =	vld [tilespmem:s17+$0x9600]  }
0x65: {  	v8 =	vld [tilespmem:s16+$0x8200]  }
0x66: {  	v2 =	vadd.f32 v7, v2;
	v1 =	vadd.f32 v6, v1;
	v6 =	vld [tilespmem:s17+$0x9880]  }
0x67: {  	v7 =	vld [tilespmem:s16+$0x8480]  }
0x68: {  	v2 =	vadd.f32 v3, v2;
	v1 =	vadd.f32 v5, v1;
	v9 =	vld [tilespmem:s17+$0x9B00]  }
0x69: {  	v10 =	vld [tilespmem:s16+$0x8700]  }
.Ltmp2:
0x6a: {  	v2 =	vadd.f32 v8, v2;
	v5 =	vadd.f32 v4, v1;
	v3 =	vld [tilespmem:s17+$0x9D80];
	(pc) =	sbr.rel @p0 .LBB2_6-.Ltmp2, $4  }
0x6b: {  	v4 =	vld [tilespmem:s16+$0x8980]  }
0x6c: {  	v7 =	vadd.f32 v7, v2;
	v1 =	vld [tilespmem:s16+$0x8E80];
	v8 =	vadd.f32 v6, v5  }
0x6d: {  	s18 =	sshra.s32 s19, $0x2;
	v5 =	vld [tilespmem:s16+$0x8C00]  }
0x6e: {  	s19 =	sadd.s32 $0x40, s19;
	v2 =	vld [tilespmem:s18+$0x7800];
	v6 =	vadd.f32 v10, v7;
	v7 =	vadd.f32 v9, v8  }
0x6f: {  	v8 =	vld [tilespmem:s18+$0x7A80]  }
0x70: {  	v9 =	vld [tilespmem:s16+$0x9100];
	v3 =	vadd.f32 v3, v7  }
0x71: {  	v52 =	vld [tilespmem:s18+$0x7D00]  }
0x72: {  	v10 =	vld [tilespmem:s16+$0x9380];
	v4 =	vadd.f32 v4, v6;
	[tilespmem:s17+$0xA000] =	vst v3  }
0x73: {  	v3 =	vld [tilespmem:s18+$0x7F80]  }
0x74: {  	v4 =	vadd.f32 v5, v4;
	v2 =	vadd.f32 v8, v2  }
0x75: {  	v53 =	vld [tilespmem:s18+$0x8200]  }
0x76: {  	v54 =	vld [tilespmem:s16+$0x9600];
	v1 =	vadd.f32 v1, v4;
	v2 =	vadd.f32 v52, v2  }
0x77: {  	v55 =	vld [tilespmem:s18+$0x8480]  }
0x78: {  	v56 =	vld [tilespmem:s16+$0x9880];
	v1 =	vadd.f32 v9, v1;
	v2 =	vadd.f32 v3, v2  }
0x79: {  	v3 =	vld [tilespmem:s18+$0x8700]  }
0x7a: {  	v57 =	vld [tilespmem:s16+$0x9B00];
	v1 =	vadd.f32 v10, v1;
	v2 =	vadd.f32 v53, v2  }
0x7b: {  	v58 =	vld [tilespmem:s18+$0x8980]  }
0x7c: {  	v59 =	vld [tilespmem:s16+$0x9D80];
	v1 =	vadd.f32 v54, v1;
	v2 =	vadd.f32 v55, v2  }
0x7d: {  	v60 =	vld [tilespmem:s18+$0x8C00]  }
0x7e: {  	v1 =	vadd.f32 v56, v1;
	v2 =	vadd.f32 v3, v2  }
0x7f: {  	v3 =	vld [tilespmem:s18+$0x8E80]  }
0x80: {  	v1 =	vadd.f32 v57, v1;
	v2 =	vadd.f32 v58, v2  }
0x81: {  	v61 =	vld [tilespmem:s18+$0x9100]  }
0x82: {  	v1 =	vadd.f32 v59, v1;
	v2 =	vadd.f32 v60, v2  }
0x83: {  	v62 =	vld [tilespmem:s18+$0x9380]  }
0x84: {  	[tilespmem:s16+$0xA000] =	vst v1;
	v1 =	vadd.f32 v3, v2  }
0x85: {  	v2 =	vld [tilespmem:s18+$0x9600]  }
0x86: {  	v1 =	vadd.f32 v61, v1  }
0x87: {  	v3 =	vld [tilespmem:s18+$0x9880]  }
0x88: {  	v1 =	vadd.f32 v62, v1  }
0x89: {  	v63 =	vld [tilespmem:s18+$0x9B00]  }
0x8a: {  	v1 =	vadd.f32 v2, v1  }
0x8b: {  	v2 =	vld [tilespmem:s18+$0x9D80]  }
0x8c: {  	v1 =	vadd.f32 v3, v1;
	_ =	sdelay $0x1  }
0x8d: {  	v1 =	vadd.f32 v63, v1;
	_ =	sdelay $0x1  }
0x8e: {  	s15 =	sadd.s32 $0x1, s15;
	v1 =	vadd.f32 v2, v1  }
0x8f: {  	p0 =	sne.s32 s15, s8  }
.Ltmp3:
0x90: {  	[tilespmem:s18+$0xA000] =	vst v1;
	(pc) =	sbr.rel @p0 .LBB2_1-.Ltmp3, $4  }
0x91: {  	[hbm4b:s7+s2] =	stream.linear.scatter [tilespmem:s14], [sflag:$0x1], $0x280, $0x38;
	[tilespmem:$0xCA80] =	vst v63  }
0x92: {  	_ =	swait.ge [sflag:s9], $0x280  }
0x93: {  	[sflag:s9] =	ssyncset.done $0x0  }
0x94: {  	[sflag:s9] =	ssyncadd.s32 $0xFFFFFD80  }
0x95: {  	_ =	sfence.sel $0x180000  }
0x96: {  	[bflag:$0x0] =	sbarrier.arrive $0xFFFF  }
0x97: {  	p0 =	sne.s32 s1, $0x0;
	_ =	strace $0x90000047  }
0x98: {  	s0 =	sadd.s32 @!p0 $0x100000, s0;
	[bflag:$0x2] =	sbarrier.arrive $0xFFFF  }
0x99: {  	[sflag:s0] =	ssyncadd.tile.s32 @!p0 $0x1;
	_ =	shalt  }
.Lfunc_end2:
_tile_overlayer_lowered:
.L_overlay_start_2:
0x9a: {  	(tag) =	ssettag $0x2  }
0x9b: {  	s0 =	rddreg [dreg:$0x0];
	s2 =	stileid.u32  }
0x9c: {  	s1 =	rddreg [dreg:$0x1];
	p0 =	sne.s32 s2, $0x0  }
0x9d: {  	s3 =	rddreg [dreg:$0x2];
	[bflag:$0x3] =	sbarrier.arrive $0xFFFF;
	s2 =	simm.s32 @!p0 $0x1C01  }
0x9e: {  	[timem:s3], [sflag:s2] =	dma.local @!p0 [hbm:s0], s1  }
0x9f: {  	s0 =	simm.s32 @!p0 $0x1  }
0xa0: {  	_ =	swait.ge @!p0 [sflag:s0], s1  }
0xa1: {  	s1 =	ssub.s32 @!p0 $0x0, s1;
	[sflag:s0] =	ssyncset.done @!p0 $0x0  }
0xa2: {  	[sflag:s0] =	ssyncadd.s32 @!p0 s1  }
0xa3: {  	[bflag:$0x3] =	sbarrier.arrive $0xFFFF  }
0xa4: {  	_ =	shalt  }

</sc_bundles>
